<compile_context>
chip_gen: v7x
topology: tpu7x:2x2x1
jax: 0.10.2.dev20260603
libtpu: 0.0.44.dev20260713+nightly
codegen_flags: <defaults>
</compile_context>

<pallas_src>
import jax
import jax.numpy as jnp
from jax import lax
from jax.experimental import pallas as pl
from jax.experimental.pallas import tpu as pltpu
from jax.experimental.pallas import tpu_sc as plsc

N = 50000
TILES = 16
ROWS_PER_TILE = 3136
NP = TILES * ROWS_PER_TILE
E = 500000
BLK = 256
JS = BLK // 128
NBLK = 124
EDGES_PER_TILE = NBLK * BLK
EP = TILES * EDGES_PER_TILE
EROWS_PER_TILE = EDGES_PER_TILE // 128
D = 128
HW = 64
DUMP_ROW = N

_f32 = jnp.float32
_bf16 = jnp.bfloat16
_i32 = jnp.int32


def _segsum_body(x2, edges, out, eb0, eb1, gi0, gi1, db0, db1,
                 rw0, rw1, zbuf, acc, es0, es1, gs0, gs1, ss0, ss1):
    c = lax.axis_index("c")
    s = lax.axis_index("s")
    ebuf = (eb0, eb1)
    gidx = (gi0, gi1)
    dstb = (db0, db1)
    rows = (rw0, rw1)
    esem = (es0, es1)
    gsem = (gs0, gs1)
    ssem = (ss0, ss1)

    zv = jnp.zeros((32,), _bf16)

    def _zb(i, carry):
        zbuf[i, pl.ds(0, 32)] = zv
        zbuf[i, pl.ds(32, 32)] = zv
        return carry

    lax.fori_loop(0, 64, _zb, 0)

    row0 = s * ROWS_PER_TILE
    erow0 = s * EROWS_PER_TILE

    base = c

    def _fire_idx(b, par):
        return pltpu.async_copy(
            edges.at[pl.ds(2 * (erow0 + b * JS), 2 * JS)],
            ebuf[par], esem[par])

    def _fire_gather(par):
        for j in range(JS):
            for v in range(8):
                sl = pl.ds(v * 16, 16)
                gidx[par][j, sl] = ebuf[par][2 * j, sl] * 2 + base
                dstb[par][j, sl] = ebuf[par][2 * j + 1, sl]
        return [pltpu.async_copy(x2.at[gidx[par].at[j]],
                                 rows[par].at[j], gsem[par])
                for j in range(JS)]

    def _scatter_wait(par):
        for j in range(JS):
            pltpu.make_async_copy(x2.at[gidx[par].at[j]],
                                  rows[par].at[j], gsem[par]).wait()
        hs = [pltpu.async_copy(rows[par].at[j], acc.at[dstb[par].at[j]],
                               ssem[par], add=True)
              for j in range(JS)]
        for h in hs:
            h.wait()

    h_idx0 = _fire_idx(0, 0)
    for k in range(ROWS_PER_TILE // 64):
        pltpu.sync_copy(zbuf, acc.at[pl.ds(row0 + k * 64, 64)])
    plsc.subcore_barrier()

    h_idx0.wait()
    _fire_gather(0)
    _fire_idx(1, 1).wait()

    def _pair(p, carry):
        b = p * 2
        _fire_gather(1)

        @pl.when(b + 3 < NBLK)
        def _():
            _fire_idx(b + 3, 1)

        h2 = _fire_idx(b + 2, 0)
        _scatter_wait(0)
        h2.wait()
        _fire_gather(0)
        _scatter_wait(1)

        @pl.when(b + 3 < NBLK)
        def _():
            pltpu.make_async_copy(edges.at[pl.ds(2 * erow0, 2 * JS)],
                                  ebuf[1], esem[1]).wait()
        return carry

    lax.fori_loop(0, NBLK // 2 - 1, _pair, 0)
    _fire_gather(1)
    _scatter_wait(0)
    _scatter_wait(1)
    plsc.subcore_barrier()

    pltpu.sync_copy(acc.at[pl.ds(row0, ROWS_PER_TILE)],
                    out.at[pl.ds(row0, ROWS_PER_TILE),
                           pl.ds(c * HW, HW)])
    plsc.subcore_barrier()


@jax.jit
def _segsum(h_src, edges):
    x2 = h_src.reshape(NP * 2, HW)
    mesh = plsc.VectorSubcoreMesh(core_axis_name="c", subcore_axis_name="s")
    f = pl.kernel(
        _segsum_body,
        out_type=jax.ShapeDtypeStruct((NP, D), _bf16),
        mesh=mesh,
        scratch_types=(
            [pltpu.VMEM((2 * JS, 128), _i32)] * 2
            + [pltpu.VMEM((JS, 128), _i32)] * 2
            + [pltpu.VMEM((JS, 128), _i32)] * 2
            + [pltpu.VMEM((JS, 128, HW), _bf16)] * 2
            + [pltpu.VMEM((64, HW), _bf16)]
            + [pltpu.VMEM_SHARED((NP, HW), _bf16)]
            + [pltpu.SemaphoreType.DMA] * 6
        ),
        compiler_params=pltpu.CompilerParams(use_tc_tiling_on_sc=False),
    )
    return f(x2, edges)


_GRID = NP // ROWS_PER_TILE
_CT = (((1,), (1,)), ((), ()))


def _init_body(xu_ref, xi_ref, w_ref, b_ref, hu_ref, hi_ref):
    for t in range(2):
        x = (xu_ref, xi_ref)[t][...]
        y = lax.dot_general(x, w_ref[t], _CT, preferred_element_type=_f32)
        (hu_ref, hi_ref)[t][...] = jnp.maximum(y + b_ref[t], 0.0).astype(_bf16)


def _init(x_user, x_item, w_st, b_st):
    return pl.pallas_call(
        _init_body,
        grid=(_GRID,),
        in_specs=[
            pl.BlockSpec((ROWS_PER_TILE, D), lambda i: (i, 0)),
            pl.BlockSpec((ROWS_PER_TILE, D), lambda i: (i, 0)),
            pl.BlockSpec((2, D, D), lambda i: (0, 0, 0)),
            pl.BlockSpec((2, 1, D), lambda i: (0, 0, 0)),
        ],
        out_specs=[
            pl.BlockSpec((ROWS_PER_TILE, D), lambda i: (i, 0)),
            pl.BlockSpec((ROWS_PER_TILE, D), lambda i: (i, 0)),
        ],
        out_shape=[
            jax.ShapeDtypeStruct((NP, D), _bf16),
            jax.ShapeDtypeStruct((NP, D), _bf16),
        ],
    )(x_user, x_item, w_st, b_st)


def _combine_body(a_ref, h_ref, wrel_ref, b_ref, wroot_ref, o_ref):
    y = lax.dot_general(h_ref[...], wroot_ref[...], _CT,
                        preferred_element_type=_f32)
    y = y + lax.dot_general(a_ref[...], wrel_ref[...], _CT,
                            preferred_element_type=_f32)
    o_ref[...] = jnp.maximum(y + b_ref[...], 0.0).astype(_bf16)


def _combine(a, h, wrel, b2, wroot):
    return pl.pallas_call(
        _combine_body,
        grid=(_GRID,),
        in_specs=[
            pl.BlockSpec((ROWS_PER_TILE, D), lambda i: (i, 0)),
            pl.BlockSpec((ROWS_PER_TILE, D), lambda i: (i, 0)),
            pl.BlockSpec((D, D), lambda i: (0, 0)),
            pl.BlockSpec((1, D), lambda i: (0, 0)),
            pl.BlockSpec((D, D), lambda i: (0, 0)),
        ],
        out_specs=pl.BlockSpec((ROWS_PER_TILE, D), lambda i: (i, 0)),
        out_shape=jax.ShapeDtypeStruct((NP, D), _bf16),
    )(a, h, wrel, b2, wroot)


def _final_body(hu_ref, hi_ref, w_ref, b_ref, ou_ref, oi_ref):
    for t in range(2):
        y = lax.dot_general((hu_ref, hi_ref)[t][...], w_ref[...], _CT,
                            preferred_element_type=_f32)
        (ou_ref, oi_ref)[t][...] = y + b_ref[...]


def _final(hu, hi, w, b2):
    return pl.pallas_call(
        _final_body,
        grid=(_GRID,),
        in_specs=[
            pl.BlockSpec((ROWS_PER_TILE, D), lambda i: (i, 0)),
            pl.BlockSpec((ROWS_PER_TILE, D), lambda i: (i, 0)),
            pl.BlockSpec((D, D), lambda i: (0, 0)),
            pl.BlockSpec((1, D), lambda i: (0, 0)),
        ],
        out_specs=[
            pl.BlockSpec((ROWS_PER_TILE, D), lambda i: (i, 0)),
            pl.BlockSpec((ROWS_PER_TILE, D), lambda i: (i, 0)),
        ],
        out_shape=[
            jax.ShapeDtypeStruct((N, D), _f32),
            jax.ShapeDtypeStruct((N, D), _f32),
        ],
    )(hu, hi, w, b2)


def _prep_edges(ei):
    src = jnp.concatenate([ei[0], jnp.zeros((EP - E,), _i32)])
    dst = jnp.concatenate([ei[1], jnp.full((EP - E,), DUMP_ROW, _i32)])
    return jnp.stack([src.reshape(EP // 128, 128),
                      dst.reshape(EP // 128, 128)],
                     axis=1).reshape(2 * EP // 128, 128)


def kernel(x_user, x_item, ei_user_to_item, ei_item_to_user, W_lin_user,
           b_lin_user, W_lin_item, b_lin_item, W_rel_u2i_0, b_rel_u2i_0,
           W_root_u2i_0, W_rel_i2u_0, b_rel_i2u_0, W_root_i2u_0, W_rel_u2i_1,
           b_rel_u2i_1, W_root_u2i_1, W_rel_i2u_1, b_rel_i2u_1, W_root_i2u_1,
           W_rel_u2i_2, b_rel_u2i_2, W_root_u2i_2, W_rel_i2u_2, b_rel_i2u_2,
           W_root_i2u_2, W_out, b_out):
    ed_iu = _prep_edges(ei_item_to_user)
    ed_ui = _prep_edges(ei_user_to_item)

    h_u, h_i = _init(x_user, x_item,
                     jnp.stack([W_lin_user, W_lin_item]),
                     jnp.stack([b_lin_user.reshape(1, D),
                                b_lin_item.reshape(1, D)]))

    rel_u2i = (W_rel_u2i_0, W_rel_u2i_1, W_rel_u2i_2)
    brel_u2i = (b_rel_u2i_0, b_rel_u2i_1, b_rel_u2i_2)
    root_u2i = (W_root_u2i_0, W_root_u2i_1, W_root_u2i_2)
    rel_i2u = (W_rel_i2u_0, W_rel_i2u_1, W_rel_i2u_2)
    brel_i2u = (b_rel_i2u_0, b_rel_i2u_1, b_rel_i2u_2)
    root_i2u = (W_root_i2u_0, W_root_i2u_1, W_root_i2u_2)

    for l in range(3):
        agg_i = _segsum(h_u, ed_ui)
        agg_u = _segsum(h_i, ed_iu)
        new_i = _combine(agg_i, h_i, rel_u2i[l],
                         brel_u2i[l].reshape(1, D), root_u2i[l])
        new_u = _combine(agg_u, h_u, rel_i2u[l],
                         brel_i2u[l].reshape(1, D), root_i2u[l])
        h_u, h_i = new_u, new_i

    y_u, y_i = _final(h_u, h_i, W_out, b_out.reshape(1, D))
    return (y_u, y_i)

# --- scband reference (transcript-rebuilt; emitter-appended) ---
"""Pipeline reference for scband-hetero-gnn-6691559047207 (READ-ONLY COPY).

The authoritative reference and input builder live on the scoring server;
editing this copy changes nothing except your own understanding.
"""

import jax, jax.numpy as jnp
import numpy as np

N_USER = 50000
N_ITEM = 50000
E = 500000
D = 128
H = 128
O = 128
L = 3


def setup_inputs(seed: int = 0) -> dict:
    key = jax.random.key(seed)
    ks = iter(jax.random.split(key, 64))
    s = 0.05
    inp = {}
    inp["x_user"] = jax.random.normal(next(ks), (N_USER, D), jnp.float32)
    inp["x_item"] = jax.random.normal(next(ks), (N_ITEM, D), jnp.float32)
    inp["ei_user_to_item"] = jax.random.randint(next(ks), (2, E), 0, N_ITEM, dtype=jnp.int32)
    inp["ei_item_to_user"] = jax.random.randint(next(ks), (2, E), 0, N_USER, dtype=jnp.int32)
    for nt, din in (("user", D), ("item", D)):
        inp[f"W_lin_{nt}"] = jax.random.normal(next(ks), (H, din), jnp.float32) * s
        inp[f"b_lin_{nt}"] = jnp.zeros((H,), jnp.float32)
    for l in range(L):
        for et in ("u2i", "i2u"):
            inp[f"W_rel_{et}_{l}"] = jax.random.normal(next(ks), (H, H), jnp.float32) * s
            inp[f"b_rel_{et}_{l}"] = jnp.zeros((H,), jnp.float32)
            inp[f"W_root_{et}_{l}"] = jax.random.normal(next(ks), (H, H), jnp.float32) * s
    inp["W_out"] = jax.random.normal(next(ks), (O, H), jnp.float32) * s
    inp["b_out"] = jnp.zeros((O,), jnp.float32)
    return inp


def reference(
    x_user,
    x_item,
    ei_user_to_item,
    ei_item_to_user,
    W_lin_user,
    b_lin_user,
    W_lin_item,
    b_lin_item,
    W_rel_u2i_0,
    b_rel_u2i_0,
    W_root_u2i_0,
    W_rel_i2u_0,
    b_rel_i2u_0,
    W_root_i2u_0,
    W_rel_u2i_1,
    b_rel_u2i_1,
    W_root_u2i_1,
    W_rel_i2u_1,
    b_rel_i2u_1,
    W_root_i2u_1,
    W_rel_u2i_2,
    b_rel_u2i_2,
    W_root_u2i_2,
    W_rel_i2u_2,
    b_rel_i2u_2,
    W_root_i2u_2,
    W_out,
    b_out,
):
    inp = dict(locals())
    # HeteroGNN forward (eval mode: dropout = identity).
    # GraphConv((-1,-1), H): out = lin_rel(segment_sum(x_src[src])) + lin_root(x_dst)
    # HeteroConv(aggr='sum'): sum over edge types sharing the same dst node type
    # (here each dst node type receives exactly one edge type).
    relu = jax.nn.relu
    lin = lambda x, W, b: x @ W.T + b
    x_u = relu(lin(inp["x_user"], inp["W_lin_user"], inp["b_lin_user"]))
    x_i = relu(lin(inp["x_item"], inp["W_lin_item"], inp["b_lin_item"]))
    ei_ui = inp["ei_user_to_item"]
    ei_iu = inp["ei_item_to_user"]
    for l in range(L):
        agg_i = jax.ops.segment_sum(x_u[ei_ui[0]], ei_ui[1], num_segments=N_ITEM)
        out_i = lin(agg_i, inp[f"W_rel_u2i_{l}"], inp[f"b_rel_u2i_{l}"]) + x_i @ inp[f"W_root_u2i_{l}"].T
        agg_u = jax.ops.segment_sum(x_i[ei_iu[0]], ei_iu[1], num_segments=N_USER)
        out_u = lin(agg_u, inp[f"W_rel_i2u_{l}"], inp[f"b_rel_i2u_{l}"]) + x_u @ inp[f"W_root_i2u_{l}"].T
        x_u, x_i = relu(out_u), relu(out_i)
    return (lin(x_u, inp["W_out"], inp["b_out"]), lin(x_i, inp["W_out"], inp["b_out"]))

if __name__ == "__main__":
    import jax
    _d = setup_inputs()
    print(jax.jit(kernel)(*tuple(_d.values())))

</pallas_src>

<mosaic_0001>
#map = affine_map<(d0, d1) -> (0, 0)>
module attributes {stable_mosaic.version = 14 : i64} {
  func.func @_segsum_body(%arg0: i32, %arg1: i32, %arg2: memref<100352x64xbf16, #tpu.memory_space<hbm>>, %arg3: memref<7936x128xi32, #tpu.memory_space<hbm>>, %arg4: memref<50176x128xbf16, #tpu.memory_space<hbm>>, %arg5: memref<4x128xi32, #tpu.memory_space<vmem>>, %arg6: memref<4x128xi32, #tpu.memory_space<vmem>>, %arg7: memref<2x128xi32, #tpu.memory_space<vmem>>, %arg8: memref<2x128xi32, #tpu.memory_space<vmem>>, %arg9: memref<2x128xi32, #tpu.memory_space<vmem>>, %arg10: memref<2x128xi32, #tpu.memory_space<vmem>>, %arg11: memref<2x128x64xbf16, #tpu.memory_space<vmem>>, %arg12: memref<2x128x64xbf16, #tpu.memory_space<vmem>>, %arg13: memref<64x64xbf16, #tpu.memory_space<vmem>>, %arg14: memref<50176x64xbf16, #tpu.memory_space<vmem_shared>>, %arg15: memref<!tpu.dma_semaphore, #tpu.memory_space<semaphore_mem>>, %arg16: memref<!tpu.dma_semaphore, #tpu.memory_space<semaphore_mem>>, %arg17: memref<!tpu.dma_semaphore, #tpu.memory_space<semaphore_mem>>, %arg18: memref<!tpu.dma_semaphore, #tpu.memory_space<semaphore_mem>>, %arg19: memref<!tpu.dma_semaphore, #tpu.memory_space<semaphore_mem>>, %arg20: memref<!tpu.dma_semaphore, #tpu.memory_space<semaphore_mem>>) attributes {dimension_semantics = [#tpu.dimension_semantics<core_parallel>, #tpu.dimension_semantics<subcore_parallel>], iteration_bounds = array<i64: 2, 16>, scalar_prefetch = 0 : i64, scratch_operands = 16 : i64, tpu.core_type = #tpu.core_type<sc_vector_subcore>, window_params = [{transform_indices = #map}, {transform_indices = #map}, {transform_indices = #map}]} {
    %broadcast_in_dim3A = arith.constant 0.000000e+00 : bf16
    %broadcast_in_dim3A_0 = vector.broadcast %broadcast_in_dim3A : bf16 to vector<32xbf16>
    %scan3A = arith.constant 0 : i32
    %scan3A_1 = arith.constant 0 : i32
    %scan3A_2 = arith.constant 64 : i32
    %scan3A_3 = arith.addi %scan3A_1, %scan3A_2 : i32
    %scan3A_4 = arith.constant 1 : i32
    scf.for %scan3A_1192 = %scan3A_1 to %scan3A_3 step %scan3A_4  : i32 {
      %swap3A_1193 = arith.index_cast %scan3A_1192 : i32 to index
      %swap3A_1194 = arith.constant 0 : index
      %swap3A_1195 = tpu.vector_load %arg13[%swap3A_1193, %swap3A_1194] {strides = array<i32>} : memref<64x64xbf16, #tpu.memory_space<vmem>>, vector<1x32xbf16>,
      %swap3A_1196 = vector.shape_cast %swap3A_1195 : vector<1x32xbf16> to vector<32xbf16>
      %swap3A_1197 = vector.shape_cast %broadcast_in_dim3A_0 : vector<32xbf16> to vector<1x32xbf16>
      tpu.vector_store %arg13[%swap3A_1193, %swap3A_1194], %swap3A_1197 {strides = array<i32>} : memref<64x64xbf16, #tpu.memory_space<vmem>>, vector<1x32xbf16>,
      %swap3A_1198 = arith.index_cast %scan3A_1192 : i32 to index
      %swap3A_1199 = arith.constant 32 : index
      %swap3A_1200 = tpu.vector_load %arg13[%swap3A_1198, %swap3A_1199] {strides = array<i32>} : memref<64x64xbf16, #tpu.memory_space<vmem>>, vector<1x32xbf16>,
      %swap3A_1201 = vector.shape_cast %swap3A_1200 : vector<1x32xbf16> to vector<32xbf16>
      %swap3A_1202 = vector.shape_cast %broadcast_in_dim3A_0 : vector<32xbf16> to vector<1x32xbf16>
      tpu.vector_store %arg13[%swap3A_1198, %swap3A_1199], %swap3A_1202 {strides = array<i32>} : memref<64x64xbf16, #tpu.memory_space<vmem>>, vector<1x32xbf16>,
    }
    %scan3A_5 = arith.constant 64 : i32
    %mul3A = arith.constant 3136 : i32
    %mul3A_6 = arith.muli %arg1, %mul3A : i32
    %mul3A_7 = arith.constant 248 : i32
    %mul3A_8 = arith.muli %arg1, %mul3A_7 : i32
    %add3A = arith.constant 0 : i32
    %add3A_9 = arith.addi %mul3A_8, %add3A : i32
    %mul3A_10 = arith.constant 2 : i32
    %mul3A_11 = arith.muli %mul3A_10, %add3A_9 : i32
    %dma_start3A = arith.constant 0 : i32
    %dma_start3A_12 = tpu.memref_slice %arg3[%mul3A_11, %dma_start3A] : memref<7936x128xi32, #tpu.memory_space<hbm>> -> memref<4x128xi32, #tpu.memory_space<hbm>>
    %dma_start3A_13 = arith.constant 0 : i32
    %dma_start3A_14 = tpu.memref_slice %arg3[%mul3A_11, %dma_start3A_13] : memref<7936x128xi32, #tpu.memory_space<hbm>> -> memref<4x128xi32, #tpu.memory_space<hbm>>
    tpu.enqueue_dma source(%dma_start3A_14 : memref<4x128xi32, #tpu.memory_space<hbm>>) target(%arg5 : memref<4x128xi32, #tpu.memory_space<vmem>>) target_semaphore(%arg15 : memref<!tpu.dma_semaphore, #tpu.memory_space<semaphore_mem>>)
    %add3A_15 = arith.constant 0 : i32
    %add3A_16 = arith.addi %mul3A_6, %add3A_15 : i32
    "tpu.region"() ({
      %run_scoped3A = tpu.sem_alloc : memref<!tpu.dma_semaphore, #tpu.memory_space<semaphore_mem>>
      %dma_start3A_1192 = arith.constant 0 : i32
      %dma_start3A_1193 = tpu.memref_slice %arg14[%add3A_16, %dma_start3A_1192] : memref<50176x64xbf16, #tpu.memory_space<vmem_shared>> -> memref<64x64xbf16, #tpu.memory_space<vmem_shared>>
      %dma_start3A_1194 = arith.constant 0 : i32
      %dma_start3A_1195 = tpu.memref_slice %arg14[%add3A_16, %dma_start3A_1194] : memref<50176x64xbf16, #tpu.memory_space<vmem_shared>> -> memref<64x64xbf16, #tpu.memory_space<vmem_shared>>
      tpu.enqueue_dma source(%arg13 : memref<64x64xbf16, #tpu.memory_space<vmem>>) target(%dma_start3A_1195 : memref<64x64xbf16, #tpu.memory_space<vmem_shared>>) target_semaphore(%run_scoped3A : memref<!tpu.dma_semaphore, #tpu.memory_space<semaphore_mem>>)
      %dma_wait3A_1196 = arith.constant 0 : i32
      %dma_wait3A_1197 = tpu.memref_slice %arg14[%add3A_16, %dma_wait3A_1196] : memref<50176x64xbf16, #tpu.memory_space<vmem_shared>> -> memref<64x64xbf16, #tpu.memory_space<vmem_shared>>
      %dma_wait3A_1198 = arith.constant 0 : i32
      %dma_wait3A_1199 = tpu.memref_slice %arg14[%add3A_16, %dma_wait3A_1198] : memref<50176x64xbf16, #tpu.memory_space<vmem_shared>> -> memref<64x64xbf16, #tpu.memory_space<vmem_shared>>
      tpu.wait_dma2 semaphore(%run_scoped3A : memref<!tpu.dma_semaphore, #tpu.memory_space<semaphore_mem>>) src(%arg13 : memref<64x64xbf16, #tpu.memory_space<vmem>>) dst(%dma_wait3A_1199 : memref<64x64xbf16, #tpu.memory_space<vmem_shared>>)
      tpu.yield
    }) : () -> ()
    %add3A_17 = arith.constant 64 : i32
    %add3A_18 = arith.addi %mul3A_6, %add3A_17 : i32
    "tpu.region"() ({
      %run_scoped3A = tpu.sem_alloc : memref<!tpu.dma_semaphore, #tpu.memory_space<semaphore_mem>>
      %dma_start3A_1192 = arith.constant 0 : i32
      %dma_start3A_1193 = tpu.memref_slice %arg14[%add3A_18, %dma_start3A_1192] : memref<50176x64xbf16, #tpu.memory_space<vmem_shared>> -> memref<64x64xbf16, #tpu.memory_space<vmem_shared>>
      %dma_start3A_1194 = arith.constant 0 : i32
      %dma_start3A_1195 = tpu.memref_slice %arg14[%add3A_18, %dma_start3A_1194] : memref<50176x64xbf16, #tpu.memory_space<vmem_shared>> -> memref<64x64xbf16, #tpu.memory_space<vmem_shared>>
      tpu.enqueue_dma source(%arg13 : memref<64x64xbf16, #tpu.memory_space<vmem>>) target(%dma_start3A_1195 : memref<64x64xbf16, #tpu.memory_space<vmem_shared>>) target_semaphore(%run_scoped3A : memref<!tpu.dma_semaphore, #tpu.memory_space<semaphore_mem>>)
      %dma_wait3A_1196 = arith.constant 0 : i32
      %dma_wait3A_1197 = tpu.memref_slice %arg14[%add3A_18, %dma_wait3A_1196] : memref<50176x64xbf16, #tpu.memory_space<vmem_shared>> -> memref<64x64xbf16, #tpu.memory_space<vmem_shared>>
      %dma_wait3A_1198 = arith.constant 0 : i32
      %dma_wait3A_1199 = tpu.memref_slice %arg14[%add3A_18, %dma_wait3A_1198] : memref<50176x64xbf16, #tpu.memory_space<vmem_shared>> -> memref<64x64xbf16, #tpu.memory_space<vmem_shared>>
      tpu.wait_dma2 semaphore(%run_scoped3A : memref<!tpu.dma_semaphore, #tpu.memory_space<semaphore_mem>>) src(%arg13 : memref<64x64xbf16, #tpu.memory_space<vmem>>) dst(%dma_wait3A_1199 : memref<64x64xbf16, #tpu.memory_space<vmem_shared>>)
      tpu.yield
    }) : () -> ()
    %add3A_19 = arith.constant 128 : i32
    %add3A_20 = arith.addi %mul3A_6, %add3A_19 : i32
    "tpu.region"() ({
      %run_scoped3A = tpu.sem_alloc : memref<!tpu.dma_semaphore, #tpu.memory_space<semaphore_mem>>
      %dma_start3A_1192 = arith.constant 0 : i32
      %dma_start3A_1193 = tpu.memref_slice %arg14[%add3A_20, %dma_start3A_1192] : memref<50176x64xbf16, #tpu.memory_space<vmem_shared>> -> memref<64x64xbf16, #tpu.memory_space<vmem_shared>>
      %dma_start3A_1194 = arith.constant 0 : i32
      %dma_start3A_1195 = tpu.memref_slice %arg14[%add3A_20, %dma_start3A_1194] : memref<50176x64xbf16, #tpu.memory_space<vmem_shared>> -> memref<64x64xbf16, #tpu.memory_space<vmem_shared>>
      tpu.enqueue_dma source(%arg13 : memref<64x64xbf16, #tpu.memory_space<vmem>>) target(%dma_start3A_1195 : memref<64x64xbf16, #tpu.memory_space<vmem_shared>>) target_semaphore(%run_scoped3A : memref<!tpu.dma_semaphore, #tpu.memory_space<semaphore_mem>>)
      %dma_wait3A_1196 = arith.constant 0 : i32
      %dma_wait3A_1197 = tpu.memref_slice %arg14[%add3A_20, %dma_wait3A_1196] : memref<50176x64xbf16, #tpu.memory_space<vmem_shared>> -> memref<64x64xbf16, #tpu.memory_space<vmem_shared>>
      %dma_wait3A_1198 = arith.constant 0 : i32
      %dma_wait3A_1199 = tpu.memref_slice %arg14[%add3A_20, %dma_wait3A_1198] : memref<50176x64xbf16, #tpu.memory_space<vmem_shared>> -> memref<64x64xbf16, #tpu.memory_space<vmem_shared>>
      tpu.wait_dma2 semaphore(%run_scoped3A : memref<!tpu.dma_semaphore, #tpu.memory_space<semaphore_mem>>) src(%arg13 : memref<64x64xbf16, #tpu.memory_space<vmem>>) dst(%dma_wait3A_1199 : memref<64x64xbf16, #tpu.memory_space<vmem_shared>>)
      tpu.yield
    }) : () -> ()
    %add3A_21 = arith.constant 192 : i32
    %add3A_22 = arith.addi %mul3A_6, %add3A_21 : i32
    "tpu.region"() ({
      %run_scoped3A = tpu.sem_alloc : memref<!tpu.dma_semaphore, #tpu.memory_space<semaphore_mem>>
      %dma_start3A_1192 = arith.constant 0 : i32
      %dma_start3A_1193 = tpu.memref_slice %arg14[%add3A_22, %dma_start3A_1192] : memref<50176x64xbf16, #tpu.memory_space<vmem_shared>> -> memref<64x64xbf16, #tpu.memory_space<vmem_shared>>
      %dma_start3A_1194 = arith.constant 0 : i32
      %dma_start3A_1195 = tpu.memref_slice %arg14[%add3A_22, %dma_start3A_1194] : memref<50176x64xbf16, #tpu.memory_space<vmem_shared>> -> memref<64x64xbf16, #tpu.memory_space<vmem_shared>>
      tpu.enqueue_dma source(%arg13 : memref<64x64xbf16, #tpu.memory_space<vmem>>) target(%dma_start3A_1195 : memref<64x64xbf16, #tpu.memory_space<vmem_shared>>) target_semaphore(%run_scoped3A : memref<!tpu.dma_semaphore, #tpu.memory_space<semaphore_mem>>)
      %dma_wait3A_1196 = arith.constant 0 : i32
      %dma_wait3A_1197 = tpu.memref_slice %arg14[%add3A_22, %dma_wait3A_1196] : memref<50176x64xbf16, #tpu.memory_space<vmem_shared>> -> memref<64x64xbf16, #tpu.memory_space<vmem_shared>>
      %dma_wait3A_1198 = arith.constant 0 : i32
      %dma_wait3A_1199 = tpu.memref_slice %arg14[%add3A_22, %dma_wait3A_1198] : memref<50176x64xbf16, #tpu.memory_space<vmem_shared>> -> memref<64x64xbf16, #tpu.memory_space<vmem_shared>>
      tpu.wait_dma2 semaphore(%run_scoped3A : memref<!tpu.dma_semaphore, #tpu.memory_space<semaphore_mem>>) src(%arg13 : memref<64x64xbf16, #tpu.memory_space<vmem>>) dst(%dma_wait3A_1199 : memref<64x64xbf16, #tpu.memory_space<vmem_shared>>)
      tpu.yield
    }) : () -> ()
    %add3A_23 = arith.constant 256 : i32
    %add3A_24 = arith.addi %mul3A_6, %add3A_23 : i32
    "tpu.region"() ({
      %run_scoped3A = tpu.sem_alloc : memref<!tpu.dma_semaphore, #tpu.memory_space<semaphore_mem>>
      %dma_start3A_1192 = arith.constant 0 : i32
      %dma_start3A_1193 = tpu.memref_slice %arg14[%add3A_24, %dma_start3A_1192] : memref<50176x64xbf16, #tpu.memory_space<vmem_shared>> -> memref<64x64xbf16, #tpu.memory_space<vmem_shared>>
      %dma_start3A_1194 = arith.constant 0 : i32
      %dma_start3A_1195 = tpu.memref_slice %arg14[%add3A_24, %dma_start3A_1194] : memref<50176x64xbf16, #tpu.memory_space<vmem_shared>> -> memref<64x64xbf16, #tpu.memory_space<vmem_shared>>
      tpu.enqueue_dma source(%arg13 : memref<64x64xbf16, #tpu.memory_space<vmem>>) target(%dma_start3A_1195 : memref<64x64xbf16, #tpu.memory_space<vmem_shared>>) target_semaphore(%run_scoped3A : memref<!tpu.dma_semaphore, #tpu.memory_space<semaphore_mem>>)
      %dma_wait3A_1196 = arith.constant 0 : i32
      %dma_wait3A_1197 = tpu.memref_slice %arg14[%add3A_24, %dma_wait3A_1196] : memref<50176x64xbf16, #tpu.memory_space<vmem_shared>> -> memref<64x64xbf16, #tpu.memory_space<vmem_shared>>
      %dma_wait3A_1198 = arith.constant 0 : i32
      %dma_wait3A_1199 = tpu.memref_slice %arg14[%add3A_24, %dma_wait3A_1198] : memref<50176x64xbf16, #tpu.memory_space<vmem_shared>> -> memref<64x64xbf16, #tpu.memory_space<vmem_shared>>
      tpu.wait_dma2 semaphore(%run_scoped3A : memref<!tpu.dma_semaphore, #tpu.memory_space<semaphore_mem>>) src(%arg13 : memref<64x64xbf16, #tpu.memory_space<vmem>>) dst(%dma_wait3A_1199 : memref<64x64xbf16, #tpu.memory_space<vmem_shared>>)
      tpu.yield
    }) : () -> ()
    %add3A_25 = arith.constant 320 : i32
    %add3A_26 = arith.addi %mul3A_6, %add3A_25 : i32
    "tpu.region"() ({
      %run_scoped3A = tpu.sem_alloc : memref<!tpu.dma_semaphore, #tpu.memory_space<semaphore_mem>>
      %dma_start3A_1192 = arith.constant 0 : i32
      %dma_start3A_1193 = tpu.memref_slice %arg14[%add3A_26, %dma_start3A_1192] : memref<50176x64xbf16, #tpu.memory_space<vmem_shared>> -> memref<64x64xbf16, #tpu.memory_space<vmem_shared>>
      %dma_start3A_1194 = arith.constant 0 : i32
      %dma_start3A_1195 = tpu.memref_slice %arg14[%add3A_26, %dma_start3A_1194] : memref<50176x64xbf16, #tpu.memory_space<vmem_shared>> -> memref<64x64xbf16, #tpu.memory_space<vmem_shared>>
      tpu.enqueue_dma source(%arg13 : memref<64x64xbf16, #tpu.memory_space<vmem>>) target(%dma_start3A_1195 : memref<64x64xbf16, #tpu.memory_space<vmem_shared>>) target_semaphore(%run_scoped3A : memref<!tpu.dma_semaphore, #tpu.memory_space<semaphore_mem>>)
      %dma_wait3A_1196 = arith.constant 0 : i32
      %dma_wait3A_1197 = tpu.memref_slice %arg14[%add3A_26, %dma_wait3A_1196] : memref<50176x64xbf16, #tpu.memory_space<vmem_shared>> -> memref<64x64xbf16, #tpu.memory_space<vmem_shared>>
      %dma_wait3A_1198 = arith.constant 0 : i32
      %dma_wait3A_1199 = tpu.memref_slice %arg14[%add3A_26, %dma_wait3A_1198] : memref<50176x64xbf16, #tpu.memory_space<vmem_shared>> -> memref<64x64xbf16, #tpu.memory_space<vmem_shared>>
      tpu.wait_dma2 semaphore(%run_scoped3A : memref<!tpu.dma_semaphore, #tpu.memory_space<semaphore_mem>>) src(%arg13 : memref<64x64xbf16, #tpu.memory_space<vmem>>) dst(%dma_wait3A_1199 : memref<64x64xbf16, #tpu.memory_space<vmem_shared>>)
      tpu.yield
    }) : () -> ()
    %add3A_27 = arith.constant 384 : i32
    %add3A_28 = arith.addi %mul3A_6, %add3A_27 : i32
    "tpu.region"() ({
      %run_scoped3A = tpu.sem_alloc : memref<!tpu.dma_semaphore, #tpu.memory_space<semaphore_mem>>
      %dma_start3A_1192 = arith.constant 0 : i32
      %dma_start3A_1193 = tpu.memref_slice %arg14[%add3A_28, %dma_start3A_1192] : memref<50176x64xbf16, #tpu.memory_space<vmem_shared>> -> memref<64x64xbf16, #tpu.memory_space<vmem_shared>>
      %dma_start3A_1194 = arith.constant 0 : i32
      %dma_start3A_1195 = tpu.memref_slice %arg14[%add3A_28, %dma_start3A_1194] : memref<50176x64xbf16, #tpu.memory_space<vmem_shared>> -> memref<64x64xbf16, #tpu.memory_space<vmem_shared>>
      tpu.enqueue_dma source(%arg13 : memref<64x64xbf16, #tpu.memory_space<vmem>>) target(%dma_start3A_1195 : memref<64x64xbf16, #tpu.memory_space<vmem_shared>>) target_semaphore(%run_scoped3A : memref<!tpu.dma_semaphore, #tpu.memory_space<semaphore_mem>>)
      %dma_wait3A_1196 = arith.constant 0 : i32
      %dma_wait3A_1197 = tpu.memref_slice %arg14[%add3A_28, %dma_wait3A_1196] : memref<50176x64xbf16, #tpu.memory_space<vmem_shared>> -> memref<64x64xbf16, #tpu.memory_space<vmem_shared>>
      %dma_wait3A_1198 = arith.constant 0 : i32
      %dma_wait3A_1199 = tpu.memref_slice %arg14[%add3A_28, %dma_wait3A_1198] : memref<50176x64xbf16, #tpu.memory_space<vmem_shared>> -> memref<64x64xbf16, #tpu.memory_space<vmem_shared>>
      tpu.wait_dma2 semaphore(%run_scoped3A : memref<!tpu.dma_semaphore, #tpu.memory_space<semaphore_mem>>) src(%arg13 : memref<64x64xbf16, #tpu.memory_space<vmem>>) dst(%dma_wait3A_1199 : memref<64x64xbf16, #tpu.memory_space<vmem_shared>>)
      tpu.yield
    }) : () -> ()
    %add3A_29 = arith.constant 448 : i32
    %add3A_30 = arith.addi %mul3A_6, %add3A_29 : i32
    "tpu.region"() ({
      %run_scoped3A = tpu.sem_alloc : memref<!tpu.dma_semaphore, #tpu.memory_space<semaphore_mem>>
      %dma_start3A_1192 = arith.constant 0 : i32
      %dma_start3A_1193 = tpu.memref_slice %arg14[%add3A_30, %dma_start3A_1192] : memref<50176x64xbf16, #tpu.memory_space<vmem_shared>> -> memref<64x64xbf16, #tpu.memory_space<vmem_shared>>
      %dma_start3A_1194 = arith.constant 0 : i32
      %dma_start3A_1195 = tpu.memref_slice %arg14[%add3A_30, %dma_start3A_1194] : memref<50176x64xbf16, #tpu.memory_space<vmem_shared>> -> memref<64x64xbf16, #tpu.memory_space<vmem_shared>>
      tpu.enqueue_dma source(%arg13 : memref<64x64xbf16, #tpu.memory_space<vmem>>) target(%dma_start3A_1195 : memref<64x64xbf16, #tpu.memory_space<vmem_shared>>) target_semaphore(%run_scoped3A : memref<!tpu.dma_semaphore, #tpu.memory_space<semaphore_mem>>)
      %dma_wait3A_1196 = arith.constant 0 : i32
      %dma_wait3A_1197 = tpu.memref_slice %arg14[%add3A_30, %dma_wait3A_1196] : memref<50176x64xbf16, #tpu.memory_space<vmem_shared>> -> memref<64x64xbf16, #tpu.memory_space<vmem_shared>>
      %dma_wait3A_1198 = arith.constant 0 : i32
      %dma_wait3A_1199 = tpu.memref_slice %arg14[%add3A_30, %dma_wait3A_1198] : memref<50176x64xbf16, #tpu.memory_space<vmem_shared>> -> memref<64x64xbf16, #tpu.memory_space<vmem_shared>>
      tpu.wait_dma2 semaphore(%run_scoped3A : memref<!tpu.dma_semaphore, #tpu.memory_space<semaphore_mem>>) src(%arg13 : memref<64x64xbf16, #tpu.memory_space<vmem>>) dst(%dma_wait3A_1199 : memref<64x64xbf16, #tpu.memory_space<vmem_shared>>)
      tpu.yield
    }) : () -> ()
    %add3A_31 = arith.constant 512 : i32
    %add3A_32 = arith.addi %mul3A_6, %add3A_31 : i32
    "tpu.region"() ({
      %run_scoped3A = tpu.sem_alloc : memref<!tpu.dma_semaphore, #tpu.memory_space<semaphore_mem>>
      %dma_start3A_1192 = arith.constant 0 : i32
      %dma_start3A_1193 = tpu.memref_slice %arg14[%add3A_32, %dma_start3A_1192] : memref<50176x64xbf16, #tpu.memory_space<vmem_shared>> -> memref<64x64xbf16, #tpu.memory_space<vmem_shared>>
      %dma_start3A_1194 = arith.constant 0 : i32
      %dma_start3A_1195 = tpu.memref_slice %arg14[%add3A_32, %dma_start3A_1194] : memref<50176x64xbf16, #tpu.memory_space<vmem_shared>> -> memref<64x64xbf16, #tpu.memory_space<vmem_shared>>
      tpu.enqueue_dma source(%arg13 : memref<64x64xbf16, #tpu.memory_space<vmem>>) target(%dma_start3A_1195 : memref<64x64xbf16, #tpu.memory_space<vmem_shared>>) target_semaphore(%run_scoped3A : memref<!tpu.dma_semaphore, #tpu.memory_space<semaphore_mem>>)
      %dma_wait3A_1196 = arith.constant 0 : i32
      %dma_wait3A_1197 = tpu.memref_slice %arg14[%add3A_32, %dma_wait3A_1196] : memref<50176x64xbf16, #tpu.memory_space<vmem_shared>> -> memref<64x64xbf16, #tpu.memory_space<vmem_shared>>
      %dma_wait3A_1198 = arith.constant 0 : i32
      %dma_wait3A_1199 = tpu.memref_slice %arg14[%add3A_32, %dma_wait3A_1198] : memref<50176x64xbf16, #tpu.memory_space<vmem_shared>> -> memref<64x64xbf16, #tpu.memory_space<vmem_shared>>
      tpu.wait_dma2 semaphore(%run_scoped3A : memref<!tpu.dma_semaphore, #tpu.memory_space<semaphore_mem>>) src(%arg13 : memref<64x64xbf16, #tpu.memory_space<vmem>>) dst(%dma_wait3A_1199 : memref<64x64xbf16, #tpu.memory_space<vmem_shared>>)
      tpu.yield
    }) : () -> ()
    %add3A_33 = arith.constant 576 : i32
    %add3A_34 = arith.addi %mul3A_6, %add3A_33 : i32
    "tpu.region"() ({
      %run_scoped3A = tpu.sem_alloc : memref<!tpu.dma_semaphore, #tpu.memory_space<semaphore_mem>>
      %dma_start3A_1192 = arith.constant 0 : i32
      %dma_start3A_1193 = tpu.memref_slice %arg14[%add3A_34, %dma_start3A_1192] : memref<50176x64xbf16, #tpu.memory_space<vmem_shared>> -> memref<64x64xbf16, #tpu.memory_space<vmem_shared>>
      %dma_start3A_1194 = arith.constant 0 : i32
      %dma_start3A_1195 = tpu.memref_slice %arg14[%add3A_34, %dma_start3A_1194] : memref<50176x64xbf16, #tpu.memory_space<vmem_shared>> -> memref<64x64xbf16, #tpu.memory_space<vmem_shared>>
      tpu.enqueue_dma source(%arg13 : memref<64x64xbf16, #tpu.memory_space<vmem>>) target(%dma_start3A_1195 : memref<64x64xbf16, #tpu.memory_space<vmem_shared>>) target_semaphore(%run_scoped3A : memref<!tpu.dma_semaphore, #tpu.memory_space<semaphore_mem>>)
      %dma_wait3A_1196 = arith.constant 0 : i32
      %dma_wait3A_1197 = tpu.memref_slice %arg14[%add3A_34, %dma_wait3A_1196] : memref<50176x64xbf16, #tpu.memory_space<vmem_shared>> -> memref<64x64xbf16, #tpu.memory_space<vmem_shared>>
      %dma_wait3A_1198 = arith.constant 0 : i32
      %dma_wait3A_1199 = tpu.memref_slice %arg14[%add3A_34, %dma_wait3A_1198] : memref<50176x64xbf16, #tpu.memory_space<vmem_shared>> -> memref<64x64xbf16, #tpu.memory_space<vmem_shared>>
      tpu.wait_dma2 semaphore(%run_scoped3A : memref<!tpu.dma_semaphore, #tpu.memory_space<semaphore_mem>>) src(%arg13 : memref<64x64xbf16, #tpu.memory_space<vmem>>) dst(%dma_wait3A_1199 : memref<64x64xbf16, #tpu.memory_space<vmem_shared>>)
      tpu.yield
    }) : () -> ()
    %add3A_35 = arith.constant 640 : i32
    %add3A_36 = arith.addi %mul3A_6, %add3A_35 : i32
    "tpu.region"() ({
      %run_scoped3A = tpu.sem_alloc : memref<!tpu.dma_semaphore, #tpu.memory_space<semaphore_mem>>
      %dma_start3A_1192 = arith.constant 0 : i32
      %dma_start3A_1193 = tpu.memref_slice %arg14[%add3A_36, %dma_start3A_1192] : memref<50176x64xbf16, #tpu.memory_space<vmem_shared>> -> memref<64x64xbf16, #tpu.memory_space<vmem_shared>>
      %dma_start3A_1194 = arith.constant 0 : i32
      %dma_start3A_1195 = tpu.memref_slice %arg14[%add3A_36, %dma_start3A_1194] : memref<50176x64xbf16, #tpu.memory_space<vmem_shared>> -> memref<64x64xbf16, #tpu.memory_space<vmem_shared>>
      tpu.enqueue_dma source(%arg13 : memref<64x64xbf16, #tpu.memory_space<vmem>>) target(%dma_start3A_1195 : memref<64x64xbf16, #tpu.memory_space<vmem_shared>>) target_semaphore(%run_scoped3A : memref<!tpu.dma_semaphore, #tpu.memory_space<semaphore_mem>>)
      %dma_wait3A_1196 = arith.constant 0 : i32
      %dma_wait3A_1197 = tpu.memref_slice %arg14[%add3A_36, %dma_wait3A_1196] : memref<50176x64xbf16, #tpu.memory_space<vmem_shared>> -> memref<64x64xbf16, #tpu.memory_space<vmem_shared>>
      %dma_wait3A_1198 = arith.constant 0 : i32
      %dma_wait3A_1199 = tpu.memref_slice %arg14[%add3A_36, %dma_wait3A_1198] : memref<50176x64xbf16, #tpu.memory_space<vmem_shared>> -> memref<64x64xbf16, #tpu.memory_space<vmem_shared>>
      tpu.wait_dma2 semaphore(%run_scoped3A : memref<!tpu.dma_semaphore, #tpu.memory_space<semaphore_mem>>) src(%arg13 : memref<64x64xbf16, #tpu.memory_space<vmem>>) dst(%dma_wait3A_1199 : memref<64x64xbf16, #tpu.memory_space<vmem_shared>>)
      tpu.yield
    }) : () -> ()
    %add3A_37 = arith.constant 704 : i32
    %add3A_38 = arith.addi %mul3A_6, %add3A_37 : i32
    "tpu.region"() ({
      %run_scoped3A = tpu.sem_alloc : memref<!tpu.dma_semaphore, #tpu.memory_space<semaphore_mem>>
      %dma_start3A_1192 = arith.constant 0 : i32
      %dma_start3A_1193 = tpu.memref_slice %arg14[%add3A_38, %dma_start3A_1192] : memref<50176x64xbf16, #tpu.memory_space<vmem_shared>> -> memref<64x64xbf16, #tpu.memory_space<vmem_shared>>
      %dma_start3A_1194 = arith.constant 0 : i32
      %dma_start3A_1195 = tpu.memref_slice %arg14[%add3A_38, %dma_start3A_1194] : memref<50176x64xbf16, #tpu.memory_space<vmem_shared>> -> memref<64x64xbf16, #tpu.memory_space<vmem_shared>>
      tpu.enqueue_dma source(%arg13 : memref<64x64xbf16, #tpu.memory_space<vmem>>) target(%dma_start3A_1195 : memref<64x64xbf16, #tpu.memory_space<vmem_shared>>) target_semaphore(%run_scoped3A : memref<!tpu.dma_semaphore, #tpu.memory_space<semaphore_mem>>)
      %dma_wait3A_1196 = arith.constant 0 : i32
      %dma_wait3A_1197 = tpu.memref_slice %arg14[%add3A_38, %dma_wait3A_1196] : memref<50176x64xbf16, #tpu.memory_space<vmem_shared>> -> memref<64x64xbf16, #tpu.memory_space<vmem_shared>>
      %dma_wait3A_1198 = arith.constant 0 : i32
      %dma_wait3A_1199 = tpu.memref_slice %arg14[%add3A_38, %dma_wait3A_1198] : memref<50176x64xbf16, #tpu.memory_space<vmem_shared>> -> memref<64x64xbf16, #tpu.memory_space<vmem_shared>>
      tpu.wait_dma2 semaphore(%run_scoped3A : memref<!tpu.dma_semaphore, #tpu.memory_space<semaphore_mem>>) src(%arg13 : memref<64x64xbf16, #tpu.memory_space<vmem>>) dst(%dma_wait3A_1199 : memref<64x64xbf16, #tpu.memory_space<vmem_shared>>)
      tpu.yield
    }) : () -> ()
    %add3A_39 = arith.constant 768 : i32
    %add3A_40 = arith.addi %mul3A_6, %add3A_39 : i32
    "tpu.region"() ({
      %run_scoped3A = tpu.sem_alloc : memref<!tpu.dma_semaphore, #tpu.memory_space<semaphore_mem>>
      %dma_start3A_1192 = arith.constant 0 : i32
      %dma_start3A_1193 = tpu.memref_slice %arg14[%add3A_40, %dma_start3A_1192] : memref<50176x64xbf16, #tpu.memory_space<vmem_shared>> -> memref<64x64xbf16, #tpu.memory_space<vmem_shared>>
      %dma_start3A_1194 = arith.constant 0 : i32
      %dma_start3A_1195 = tpu.memref_slice %arg14[%add3A_40, %dma_start3A_1194] : memref<50176x64xbf16, #tpu.memory_space<vmem_shared>> -> memref<64x64xbf16, #tpu.memory_space<vmem_shared>>
      tpu.enqueue_dma source(%arg13 : memref<64x64xbf16, #tpu.memory_space<vmem>>) target(%dma_start3A_1195 : memref<64x64xbf16, #tpu.memory_space<vmem_shared>>) target_semaphore(%run_scoped3A : memref<!tpu.dma_semaphore, #tpu.memory_space<semaphore_mem>>)
      %dma_wait3A_1196 = arith.constant 0 : i32
      %dma_wait3A_1197 = tpu.memref_slice %arg14[%add3A_40, %dma_wait3A_1196] : memref<50176x64xbf16, #tpu.memory_space<vmem_shared>> -> memref<64x64xbf16, #tpu.memory_space<vmem_shared>>
      %dma_wait3A_1198 = arith.constant 0 : i32
      %dma_wait3A_1199 = tpu.memref_slice %arg14[%add3A_40, %dma_wait3A_1198] : memref<50176x64xbf16, #tpu.memory_space<vmem_shared>> -> memref<64x64xbf16, #tpu.memory_space<vmem_shared>>
      tpu.wait_dma2 semaphore(%run_scoped3A : memref<!tpu.dma_semaphore, #tpu.memory_space<semaphore_mem>>) src(%arg13 : memref<64x64xbf16, #tpu.memory_space<vmem>>) dst(%dma_wait3A_1199 : memref<64x64xbf16, #tpu.memory_space<vmem_shared>>)
      tpu.yield
    }) : () -> ()
    %add3A_41 = arith.constant 832 : i32
    %add3A_42 = arith.addi %mul3A_6, %add3A_41 : i32
    "tpu.region"() ({
      %run_scoped3A = tpu.sem_alloc : memref<!tpu.dma_semaphore, #tpu.memory_space<semaphore_mem>>
      %dma_start3A_1192 = arith.constant 0 : i32
      %dma_start3A_1193 = tpu.memref_slice %arg14[%add3A_42, %dma_start3A_1192] : memref<50176x64xbf16, #tpu.memory_space<vmem_shared>> -> memref<64x64xbf16, #tpu.memory_space<vmem_shared>>
      %dma_start3A_1194 = arith.constant 0 : i32
      %dma_start3A_1195 = tpu.memref_slice %arg14[%add3A_42, %dma_start3A_1194] : memref<50176x64xbf16, #tpu.memory_space<vmem_shared>> -> memref<64x64xbf16, #tpu.memory_space<vmem_shared>>
      tpu.enqueue_dma source(%arg13 : memref<64x64xbf16, #tpu.memory_space<vmem>>) target(%dma_start3A_1195 : memref<64x64xbf16, #tpu.memory_space<vmem_shared>>) target_semaphore(%run_scoped3A : memref<!tpu.dma_semaphore, #tpu.memory_space<semaphore_mem>>)
      %dma_wait3A_1196 = arith.constant 0 : i32
      %dma_wait3A_1197 = tpu.memref_slice %arg14[%add3A_42, %dma_wait3A_1196] : memref<50176x64xbf16, #tpu.memory_space<vmem_shared>> -> memref<64x64xbf16, #tpu.memory_space<vmem_shared>>
      %dma_wait3A_1198 = arith.constant 0 : i32
      %dma_wait3A_1199 = tpu.memref_slice %arg14[%add3A_42, %dma_wait3A_1198] : memref<50176x64xbf16, #tpu.memory_space<vmem_shared>> -> memref<64x64xbf16, #tpu.memory_space<vmem_shared>>
      tpu.wait_dma2 semaphore(%run_scoped3A : memref<!tpu.dma_semaphore, #tpu.memory_space<semaphore_mem>>) src(%arg13 : memref<64x64xbf16, #tpu.memory_space<vmem>>) dst(%dma_wait3A_1199 : memref<64x64xbf16, #tpu.memory_space<vmem_shared>>)
      tpu.yield
    }) : () -> ()
    %add3A_43 = arith.constant 896 : i32
    %add3A_44 = arith.addi %mul3A_6, %add3A_43 : i32
    "tpu.region"() ({
      %run_scoped3A = tpu.sem_alloc : memref<!tpu.dma_semaphore, #tpu.memory_space<semaphore_mem>>
      %dma_start3A_1192 = arith.constant 0 : i32
      %dma_start3A_1193 = tpu.memref_slice %arg14[%add3A_44, %dma_start3A_1192] : memref<50176x64xbf16, #tpu.memory_space<vmem_shared>> -> memref<64x64xbf16, #tpu.memory_space<vmem_shared>>
      %dma_start3A_1194 = arith.constant 0 : i32
      %dma_start3A_1195 = tpu.memref_slice %arg14[%add3A_44, %dma_start3A_1194] : memref<50176x64xbf16, #tpu.memory_space<vmem_shared>> -> memref<64x64xbf16, #tpu.memory_space<vmem_shared>>
      tpu.enqueue_dma source(%arg13 : memref<64x64xbf16, #tpu.memory_space<vmem>>) target(%dma_start3A_1195 : memref<64x64xbf16, #tpu.memory_space<vmem_shared>>) target_semaphore(%run_scoped3A : memref<!tpu.dma_semaphore, #tpu.memory_space<semaphore_mem>>)
      %dma_wait3A_1196 = arith.constant 0 : i32
      %dma_wait3A_1197 = tpu.memref_slice %arg14[%add3A_44, %dma_wait3A_1196] : memref<50176x64xbf16, #tpu.memory_space<vmem_shared>> -> memref<64x64xbf16, #tpu.memory_space<vmem_shared>>
      %dma_wait3A_1198 = arith.constant 0 : i32
      %dma_wait3A_1199 = tpu.memref_slice %arg14[%add3A_44, %dma_wait3A_1198] : memref<50176x64xbf16, #tpu.memory_space<vmem_shared>> -> memref<64x64xbf16, #tpu.memory_space<vmem_shared>>
      tpu.wait_dma2 semaphore(%run_scoped3A : memref<!tpu.dma_semaphore, #tpu.memory_space<semaphore_mem>>) src(%arg13 : memref<64x64xbf16, #tpu.memory_space<vmem>>) dst(%dma_wait3A_1199 : memref<64x64xbf16, #tpu.memory_space<vmem_shared>>)
      tpu.yield
    }) : () -> ()
    %add3A_45 = arith.constant 960 : i32
    %add3A_46 = arith.addi %mul3A_6, %add3A_45 : i32
    "tpu.region"() ({
      %run_scoped3A = tpu.sem_alloc : memref<!tpu.dma_semaphore, #tpu.memory_space<semaphore_mem>>
      %dma_start3A_1192 = arith.constant 0 : i32
      %dma_start3A_1193 = tpu.memref_slice %arg14[%add3A_46, %dma_start3A_1192] : memref<50176x64xbf16, #tpu.memory_space<vmem_shared>> -> memref<64x64xbf16, #tpu.memory_space<vmem_shared>>
      %dma_start3A_1194 = arith.constant 0 : i32
      %dma_start3A_1195 = tpu.memref_slice %arg14[%add3A_46, %dma_start3A_1194] : memref<50176x64xbf16, #tpu.memory_space<vmem_shared>> -> memref<64x64xbf16, #tpu.memory_space<vmem_shared>>
      tpu.enqueue_dma source(%arg13 : memref<64x64xbf16, #tpu.memory_space<vmem>>) target(%dma_start3A_1195 : memref<64x64xbf16, #tpu.memory_space<vmem_shared>>) target_semaphore(%run_scoped3A : memref<!tpu.dma_semaphore, #tpu.memory_space<semaphore_mem>>)
      %dma_wait3A_1196 = arith.constant 0 : i32
      %dma_wait3A_1197 = tpu.memref_slice %arg14[%add3A_46, %dma_wait3A_1196] : memref<50176x64xbf16, #tpu.memory_space<vmem_shared>> -> memref<64x64xbf16, #tpu.memory_space<vmem_shared>>
      %dma_wait3A_1198 = arith.constant 0 : i32
      %dma_wait3A_1199 = tpu.memref_slice %arg14[%add3A_46, %dma_wait3A_1198] : memref<50176x64xbf16, #tpu.memory_space<vmem_shared>> -> memref<64x64xbf16, #tpu.memory_space<vmem_shared>>
      tpu.wait_dma2 semaphore(%run_scoped3A : memref<!tpu.dma_semaphore, #tpu.memory_space<semaphore_mem>>) src(%arg13 : memref<64x64xbf16, #tpu.memory_space<vmem>>) dst(%dma_wait3A_1199 : memref<64x64xbf16, #tpu.memory_space<vmem_shared>>)
      tpu.yield
    }) : () -> ()
    %add3A_47 = arith.constant 1024 : i32
    %add3A_48 = arith.addi %mul3A_6, %add3A_47 : i32
    "tpu.region"() ({
      %run_scoped3A = tpu.sem_alloc : memref<!tpu.dma_semaphore, #tpu.memory_space<semaphore_mem>>
      %dma_start3A_1192 = arith.constant 0 : i32
      %dma_start3A_1193 = tpu.memref_slice %arg14[%add3A_48, %dma_start3A_1192] : memref<50176x64xbf16, #tpu.memory_space<vmem_shared>> -> memref<64x64xbf16, #tpu.memory_space<vmem_shared>>
      %dma_start3A_1194 = arith.constant 0 : i32
      %dma_start3A_1195 = tpu.memref_slice %arg14[%add3A_48, %dma_start3A_1194] : memref<50176x64xbf16, #tpu.memory_space<vmem_shared>> -> memref<64x64xbf16, #tpu.memory_space<vmem_shared>>
      tpu.enqueue_dma source(%arg13 : memref<64x64xbf16, #tpu.memory_space<vmem>>) target(%dma_start3A_1195 : memref<64x64xbf16, #tpu.memory_space<vmem_shared>>) target_semaphore(%run_scoped3A : memref<!tpu.dma_semaphore, #tpu.memory_space<semaphore_mem>>)
      %dma_wait3A_1196 = arith.constant 0 : i32
      %dma_wait3A_1197 = tpu.memref_slice %arg14[%add3A_48, %dma_wait3A_1196] : memref<50176x64xbf16, #tpu.memory_space<vmem_shared>> -> memref<64x64xbf16, #tpu.memory_space<vmem_shared>>
      %dma_wait3A_1198 = arith.constant 0 : i32
      %dma_wait3A_1199 = tpu.memref_slice %arg14[%add3A_48, %dma_wait3A_1198] : memref<50176x64xbf16, #tpu.memory_space<vmem_shared>> -> memref<64x64xbf16, #tpu.memory_space<vmem_shared>>
      tpu.wait_dma2 semaphore(%run_scoped3A : memref<!tpu.dma_semaphore, #tpu.memory_space<semaphore_mem>>) src(%arg13 : memref<64x64xbf16, #tpu.memory_space<vmem>>) dst(%dma_wait3A_1199 : memref<64x64xbf16, #tpu.memory_space<vmem_shared>>)
      tpu.yield
    }) : () -> ()
    %add3A_49 = arith.constant 1088 : i32
    %add3A_50 = arith.addi %mul3A_6, %add3A_49 : i32
    "tpu.region"() ({
      %run_scoped3A = tpu.sem_alloc : memref<!tpu.dma_semaphore, #tpu.memory_space<semaphore_mem>>
      %dma_start3A_1192 = arith.constant 0 : i32
      %dma_start3A_1193 = tpu.memref_slice %arg14[%add3A_50, %dma_start3A_1192] : memref<50176x64xbf16, #tpu.memory_space<vmem_shared>> -> memref<64x64xbf16, #tpu.memory_space<vmem_shared>>
      %dma_start3A_1194 = arith.constant 0 : i32
      %dma_start3A_1195 = tpu.memref_slice %arg14[%add3A_50, %dma_start3A_1194] : memref<50176x64xbf16, #tpu.memory_space<vmem_shared>> -> memref<64x64xbf16, #tpu.memory_space<vmem_shared>>
      tpu.enqueue_dma source(%arg13 : memref<64x64xbf16, #tpu.memory_space<vmem>>) target(%dma_start3A_1195 : memref<64x64xbf16, #tpu.memory_space<vmem_shared>>) target_semaphore(%run_scoped3A : memref<!tpu.dma_semaphore, #tpu.memory_space<semaphore_mem>>)
      %dma_wait3A_1196 = arith.constant 0 : i32
      %dma_wait3A_1197 = tpu.memref_slice %arg14[%add3A_50, %dma_wait3A_1196] : memref<50176x64xbf16, #tpu.memory_space<vmem_shared>> -> memref<64x64xbf16, #tpu.memory_space<vmem_shared>>
      %dma_wait3A_1198 = arith.constant 0 : i32
      %dma_wait3A_1199 = tpu.memref_slice %arg14[%add3A_50, %dma_wait3A_1198] : memref<50176x64xbf16, #tpu.memory_space<vmem_shared>> -> memref<64x64xbf16, #tpu.memory_space<vmem_shared>>
      tpu.wait_dma2 semaphore(%run_scoped3A : memref<!tpu.dma_semaphore, #tpu.memory_space<semaphore_mem>>) src(%arg13 : memref<64x64xbf16, #tpu.memory_space<vmem>>) dst(%dma_wait3A_1199 : memref<64x64xbf16, #tpu.memory_space<vmem_shared>>)
      tpu.yield
    }) : () -> ()
    %add3A_51 = arith.constant 1152 : i32
    %add3A_52 = arith.addi %mul3A_6, %add3A_51 : i32
    "tpu.region"() ({
      %run_scoped3A = tpu.sem_alloc : memref<!tpu.dma_semaphore, #tpu.memory_space<semaphore_mem>>
      %dma_start3A_1192 = arith.constant 0 : i32
      %dma_start3A_1193 = tpu.memref_slice %arg14[%add3A_52, %dma_start3A_1192] : memref<50176x64xbf16, #tpu.memory_space<vmem_shared>> -> memref<64x64xbf16, #tpu.memory_space<vmem_shared>>
      %dma_start3A_1194 = arith.constant 0 : i32
      %dma_start3A_1195 = tpu.memref_slice %arg14[%add3A_52, %dma_start3A_1194] : memref<50176x64xbf16, #tpu.memory_space<vmem_shared>> -> memref<64x64xbf16, #tpu.memory_space<vmem_shared>>
      tpu.enqueue_dma source(%arg13 : memref<64x64xbf16, #tpu.memory_space<vmem>>) target(%dma_start3A_1195 : memref<64x64xbf16, #tpu.memory_space<vmem_shared>>) target_semaphore(%run_scoped3A : memref<!tpu.dma_semaphore, #tpu.memory_space<semaphore_mem>>)
      %dma_wait3A_1196 = arith.constant 0 : i32
      %dma_wait3A_1197 = tpu.memref_slice %arg14[%add3A_52, %dma_wait3A_1196] : memref<50176x64xbf16, #tpu.memory_space<vmem_shared>> -> memref<64x64xbf16, #tpu.memory_space<vmem_shared>>
      %dma_wait3A_1198 = arith.constant 0 : i32
      %dma_wait3A_1199 = tpu.memref_slice %arg14[%add3A_52, %dma_wait3A_1198] : memref<50176x64xbf16, #tpu.memory_space<vmem_shared>> -> memref<64x64xbf16, #tpu.memory_space<vmem_shared>>
      tpu.wait_dma2 semaphore(%run_scoped3A : memref<!tpu.dma_semaphore, #tpu.memory_space<semaphore_mem>>) src(%arg13 : memref<64x64xbf16, #tpu.memory_space<vmem>>) dst(%dma_wait3A_1199 : memref<64x64xbf16, #tpu.memory_space<vmem_shared>>)
      tpu.yield
    }) : () -> ()
    %add3A_53 = arith.constant 1216 : i32
    %add3A_54 = arith.addi %mul3A_6, %add3A_53 : i32
    "tpu.region"() ({
      %run_scoped3A = tpu.sem_alloc : memref<!tpu.dma_semaphore, #tpu.memory_space<semaphore_mem>>
      %dma_start3A_1192 = arith.constant 0 : i32
      %dma_start3A_1193 = tpu.memref_slice %arg14[%add3A_54, %dma_start3A_1192] : memref<50176x64xbf16, #tpu.memory_space<vmem_shared>> -> memref<64x64xbf16, #tpu.memory_space<vmem_shared>>
      %dma_start3A_1194 = arith.constant 0 : i32
      %dma_start3A_1195 = tpu.memref_slice %arg14[%add3A_54, %dma_start3A_1194] : memref<50176x64xbf16, #tpu.memory_space<vmem_shared>> -> memref<64x64xbf16, #tpu.memory_space<vmem_shared>>
      tpu.enqueue_dma source(%arg13 : memref<64x64xbf16, #tpu.memory_space<vmem>>) target(%dma_start3A_1195 : memref<64x64xbf16, #tpu.memory_space<vmem_shared>>) target_semaphore(%run_scoped3A : memref<!tpu.dma_semaphore, #tpu.memory_space<semaphore_mem>>)
      %dma_wait3A_1196 = arith.constant 0 : i32
      %dma_wait3A_1197 = tpu.memref_slice %arg14[%add3A_54, %dma_wait3A_1196] : memref<50176x64xbf16, #tpu.memory_space<vmem_shared>> -> memref<64x64xbf16, #tpu.memory_space<vmem_shared>>
      %dma_wait3A_1198 = arith.constant 0 : i32
      %dma_wait3A_1199 = tpu.memref_slice %arg14[%add3A_54, %dma_wait3A_1198] : memref<50176x64xbf16, #tpu.memory_space<vmem_shared>> -> memref<64x64xbf16, #tpu.memory_space<vmem_shared>>
      tpu.wait_dma2 semaphore(%run_scoped3A : memref<!tpu.dma_semaphore, #tpu.memory_space<semaphore_mem>>) src(%arg13 : memref<64x64xbf16, #tpu.memory_space<vmem>>) dst(%dma_wait3A_1199 : memref<64x64xbf16, #tpu.memory_space<vmem_shared>>)
      tpu.yield
    }) : () -> ()
    %add3A_55 = arith.constant 1280 : i32
    %add3A_56 = arith.addi %mul3A_6, %add3A_55 : i32
    "tpu.region"() ({
      %run_scoped3A = tpu.sem_alloc : memref<!tpu.dma_semaphore, #tpu.memory_space<semaphore_mem>>
      %dma_start3A_1192 = arith.constant 0 : i32
      %dma_start3A_1193 = tpu.memref_slice %arg14[%add3A_56, %dma_start3A_1192] : memref<50176x64xbf16, #tpu.memory_space<vmem_shared>> -> memref<64x64xbf16, #tpu.memory_space<vmem_shared>>
      %dma_start3A_1194 = arith.constant 0 : i32
      %dma_start3A_1195 = tpu.memref_slice %arg14[%add3A_56, %dma_start3A_1194] : memref<50176x64xbf16, #tpu.memory_space<vmem_shared>> -> memref<64x64xbf16, #tpu.memory_space<vmem_shared>>
      tpu.enqueue_dma source(%arg13 : memref<64x64xbf16, #tpu.memory_space<vmem>>) target(%dma_start3A_1195 : memref<64x64xbf16, #tpu.memory_space<vmem_shared>>) target_semaphore(%run_scoped3A : memref<!tpu.dma_semaphore, #tpu.memory_space<semaphore_mem>>)
      %dma_wait3A_1196 = arith.constant 0 : i32
      %dma_wait3A_1197 = tpu.memref_slice %arg14[%add3A_56, %dma_wait3A_1196] : memref<50176x64xbf16, #tpu.memory_space<vmem_shared>> -> memref<64x64xbf16, #tpu.memory_space<vmem_shared>>
      %dma_wait3A_1198 = arith.constant 0 : i32
      %dma_wait3A_1199 = tpu.memref_slice %arg14[%add3A_56, %dma_wait3A_1198] : memref<50176x64xbf16, #tpu.memory_space<vmem_shared>> -> memref<64x64xbf16, #tpu.memory_space<vmem_shared>>
      tpu.wait_dma2 semaphore(%run_scoped3A : memref<!tpu.dma_semaphore, #tpu.memory_space<semaphore_mem>>) src(%arg13 : memref<64x64xbf16, #tpu.memory_space<vmem>>) dst(%dma_wait3A_1199 : memref<64x64xbf16, #tpu.memory_space<vmem_shared>>)
      tpu.yield
    }) : () -> ()
    %add3A_57 = arith.constant 1344 : i32
    %add3A_58 = arith.addi %mul3A_6, %add3A_57 : i32
    "tpu.region"() ({
      %run_scoped3A = tpu.sem_alloc : memref<!tpu.dma_semaphore, #tpu.memory_space<semaphore_mem>>
      %dma_start3A_1192 = arith.constant 0 : i32
      %dma_start3A_1193 = tpu.memref_slice %arg14[%add3A_58, %dma_start3A_1192] : memref<50176x64xbf16, #tpu.memory_space<vmem_shared>> -> memref<64x64xbf16, #tpu.memory_space<vmem_shared>>
      %dma_start3A_1194 = arith.constant 0 : i32
      %dma_start3A_1195 = tpu.memref_slice %arg14[%add3A_58, %dma_start3A_1194] : memref<50176x64xbf16, #tpu.memory_space<vmem_shared>> -> memref<64x64xbf16, #tpu.memory_space<vmem_shared>>
      tpu.enqueue_dma source(%arg13 : memref<64x64xbf16, #tpu.memory_space<vmem>>) target(%dma_start3A_1195 : memref<64x64xbf16, #tpu.memory_space<vmem_shared>>) target_semaphore(%run_scoped3A : memref<!tpu.dma_semaphore, #tpu.memory_space<semaphore_mem>>)
      %dma_wait3A_1196 = arith.constant 0 : i32
      %dma_wait3A_1197 = tpu.memref_slice %arg14[%add3A_58, %dma_wait3A_1196] : memref<50176x64xbf16, #tpu.memory_space<vmem_shared>> -> memref<64x64xbf16, #tpu.memory_space<vmem_shared>>
      %dma_wait3A_1198 = arith.constant 0 : i32
      %dma_wait3A_1199 = tpu.memref_slice %arg14[%add3A_58, %dma_wait3A_1198] : memref<50176x64xbf16, #tpu.memory_space<vmem_shared>> -> memref<64x64xbf16, #tpu.memory_space<vmem_shared>>
      tpu.wait_dma2 semaphore(%run_scoped3A : memref<!tpu.dma_semaphore, #tpu.memory_space<semaphore_mem>>) src(%arg13 : memref<64x64xbf16, #tpu.memory_space<vmem>>) dst(%dma_wait3A_1199 : memref<64x64xbf16, #tpu.memory_space<vmem_shared>>)
      tpu.yield
    }) : () -> ()
    %add3A_59 = arith.constant 1408 : i32
    %add3A_60 = arith.addi %mul3A_6, %add3A_59 : i32
    "tpu.region"() ({
      %run_scoped3A = tpu.sem_alloc : memref<!tpu.dma_semaphore, #tpu.memory_space<semaphore_mem>>
      %dma_start3A_1192 = arith.constant 0 : i32
      %dma_start3A_1193 = tpu.memref_slice %arg14[%add3A_60, %dma_start3A_1192] : memref<50176x64xbf16, #tpu.memory_space<vmem_shared>> -> memref<64x64xbf16, #tpu.memory_space<vmem_shared>>
      %dma_start3A_1194 = arith.constant 0 : i32
      %dma_start3A_1195 = tpu.memref_slice %arg14[%add3A_60, %dma_start3A_1194] : memref<50176x64xbf16, #tpu.memory_space<vmem_shared>> -> memref<64x64xbf16, #tpu.memory_space<vmem_shared>>
      tpu.enqueue_dma source(%arg13 : memref<64x64xbf16, #tpu.memory_space<vmem>>) target(%dma_start3A_1195 : memref<64x64xbf16, #tpu.memory_space<vmem_shared>>) target_semaphore(%run_scoped3A : memref<!tpu.dma_semaphore, #tpu.memory_space<semaphore_mem>>)
      %dma_wait3A_1196 = arith.constant 0 : i32
      %dma_wait3A_1197 = tpu.memref_slice %arg14[%add3A_60, %dma_wait3A_1196] : memref<50176x64xbf16, #tpu.memory_space<vmem_shared>> -> memref<64x64xbf16, #tpu.memory_space<vmem_shared>>
      %dma_wait3A_1198 = arith.constant 0 : i32
      %dma_wait3A_1199 = tpu.memref_slice %arg14[%add3A_60, %dma_wait3A_1198] : memref<50176x64xbf16, #tpu.memory_space<vmem_shared>> -> memref<64x64xbf16, #tpu.memory_space<vmem_shared>>
      tpu.wait_dma2 semaphore(%run_scoped3A : memref<!tpu.dma_semaphore, #tpu.memory_space<semaphore_mem>>) src(%arg13 : memref<64x64xbf16, #tpu.memory_space<vmem>>) dst(%dma_wait3A_1199 : memref<64x64xbf16, #tpu.memory_space<vmem_shared>>)
      tpu.yield
    }) : () -> ()
    %add3A_61 = arith.constant 1472 : i32
    %add3A_62 = arith.addi %mul3A_6, %add3A_61 : i32
    "tpu.region"() ({
      %run_scoped3A = tpu.sem_alloc : memref<!tpu.dma_semaphore, #tpu.memory_space<semaphore_mem>>
      %dma_start3A_1192 = arith.constant 0 : i32
      %dma_start3A_1193 = tpu.memref_slice %arg14[%add3A_62, %dma_start3A_1192] : memref<50176x64xbf16, #tpu.memory_space<vmem_shared>> -> memref<64x64xbf16, #tpu.memory_space<vmem_shared>>
      %dma_start3A_1194 = arith.constant 0 : i32
      %dma_start3A_1195 = tpu.memref_slice %arg14[%add3A_62, %dma_start3A_1194] : memref<50176x64xbf16, #tpu.memory_space<vmem_shared>> -> memref<64x64xbf16, #tpu.memory_space<vmem_shared>>
      tpu.enqueue_dma source(%arg13 : memref<64x64xbf16, #tpu.memory_space<vmem>>) target(%dma_start3A_1195 : memref<64x64xbf16, #tpu.memory_space<vmem_shared>>) target_semaphore(%run_scoped3A : memref<!tpu.dma_semaphore, #tpu.memory_space<semaphore_mem>>)
      %dma_wait3A_1196 = arith.constant 0 : i32
      %dma_wait3A_1197 = tpu.memref_slice %arg14[%add3A_62, %dma_wait3A_1196] : memref<50176x64xbf16, #tpu.memory_space<vmem_shared>> -> memref<64x64xbf16, #tpu.memory_space<vmem_shared>>
      %dma_wait3A_1198 = arith.constant 0 : i32
      %dma_wait3A_1199 = tpu.memref_slice %arg14[%add3A_62, %dma_wait3A_1198] : memref<50176x64xbf16, #tpu.memory_space<vmem_shared>> -> memref<64x64xbf16, #tpu.memory_space<vmem_shared>>
      tpu.wait_dma2 semaphore(%run_scoped3A : memref<!tpu.dma_semaphore, #tpu.memory_space<semaphore_mem>>) src(%arg13 : memref<64x64xbf16, #tpu.memory_space<vmem>>) dst(%dma_wait3A_1199 : memref<64x64xbf16, #tpu.memory_space<vmem_shared>>)
      tpu.yield
    }) : () -> ()
    %add3A_63 = arith.constant 1536 : i32
    %add3A_64 = arith.addi %mul3A_6, %add3A_63 : i32
    "tpu.region"() ({
      %run_scoped3A = tpu.sem_alloc : memref<!tpu.dma_semaphore, #tpu.memory_space<semaphore_mem>>
      %dma_start3A_1192 = arith.constant 0 : i32
      %dma_start3A_1193 = tpu.memref_slice %arg14[%add3A_64, %dma_start3A_1192] : memref<50176x64xbf16, #tpu.memory_space<vmem_shared>> -> memref<64x64xbf16, #tpu.memory_space<vmem_shared>>
      %dma_start3A_1194 = arith.constant 0 : i32
      %dma_start3A_1195 = tpu.memref_slice %arg14[%add3A_64, %dma_start3A_1194] : memref<50176x64xbf16, #tpu.memory_space<vmem_shared>> -> memref<64x64xbf16, #tpu.memory_space<vmem_shared>>
      tpu.enqueue_dma source(%arg13 : memref<64x64xbf16, #tpu.memory_space<vmem>>) target(%dma_start3A_1195 : memref<64x64xbf16, #tpu.memory_space<vmem_shared>>) target_semaphore(%run_scoped3A : memref<!tpu.dma_semaphore, #tpu.memory_space<semaphore_mem>>)
      %dma_wait3A_1196 = arith.constant 0 : i32
      %dma_wait3A_1197 = tpu.memref_slice %arg14[%add3A_64, %dma_wait3A_1196] : memref<50176x64xbf16, #tpu.memory_space<vmem_shared>> -> memref<64x64xbf16, #tpu.memory_space<vmem_shared>>
      %dma_wait3A_1198 = arith.constant 0 : i32
      %dma_wait3A_1199 = tpu.memref_slice %arg14[%add3A_64, %dma_wait3A_1198] : memref<50176x64xbf16, #tpu.memory_space<vmem_shared>> -> memref<64x64xbf16, #tpu.memory_space<vmem_shared>>
      tpu.wait_dma2 semaphore(%run_scoped3A : memref<!tpu.dma_semaphore, #tpu.memory_space<semaphore_mem>>) src(%arg13 : memref<64x64xbf16, #tpu.memory_space<vmem>>) dst(%dma_wait3A_1199 : memref<64x64xbf16, #tpu.memory_space<vmem_shared>>)
      tpu.yield
    }) : () -> ()
    %add3A_65 = arith.constant 1600 : i32
    %add3A_66 = arith.addi %mul3A_6, %add3A_65 : i32
    "tpu.region"() ({
      %run_scoped3A = tpu.sem_alloc : memref<!tpu.dma_semaphore, #tpu.memory_space<semaphore_mem>>
      %dma_start3A_1192 = arith.constant 0 : i32
      %dma_start3A_1193 = tpu.memref_slice %arg14[%add3A_66, %dma_start3A_1192] : memref<50176x64xbf16, #tpu.memory_space<vmem_shared>> -> memref<64x64xbf16, #tpu.memory_space<vmem_shared>>
      %dma_start3A_1194 = arith.constant 0 : i32
      %dma_start3A_1195 = tpu.memref_slice %arg14[%add3A_66, %dma_start3A_1194] : memref<50176x64xbf16, #tpu.memory_space<vmem_shared>> -> memref<64x64xbf16, #tpu.memory_space<vmem_shared>>
      tpu.enqueue_dma source(%arg13 : memref<64x64xbf16, #tpu.memory_space<vmem>>) target(%dma_start3A_1195 : memref<64x64xbf16, #tpu.memory_space<vmem_shared>>) target_semaphore(%run_scoped3A : memref<!tpu.dma_semaphore, #tpu.memory_space<semaphore_mem>>)
      %dma_wait3A_1196 = arith.constant 0 : i32
      %dma_wait3A_1197 = tpu.memref_slice %arg14[%add3A_66, %dma_wait3A_1196] : memref<50176x64xbf16, #tpu.memory_space<vmem_shared>> -> memref<64x64xbf16, #tpu.memory_space<vmem_shared>>
      %dma_wait3A_1198 = arith.constant 0 : i32
      %dma_wait3A_1199 = tpu.memref_slice %arg14[%add3A_66, %dma_wait3A_1198] : memref<50176x64xbf16, #tpu.memory_space<vmem_shared>> -> memref<64x64xbf16, #tpu.memory_space<vmem_shared>>
      tpu.wait_dma2 semaphore(%run_scoped3A : memref<!tpu.dma_semaphore, #tpu.memory_space<semaphore_mem>>) src(%arg13 : memref<64x64xbf16, #tpu.memory_space<vmem>>) dst(%dma_wait3A_1199 : memref<64x64xbf16, #tpu.memory_space<vmem_shared>>)
      tpu.yield
    }) : () -> ()
    %add3A_67 = arith.constant 1664 : i32
    %add3A_68 = arith.addi %mul3A_6, %add3A_67 : i32
    "tpu.region"() ({
      %run_scoped3A = tpu.sem_alloc : memref<!tpu.dma_semaphore, #tpu.memory_space<semaphore_mem>>
      %dma_start3A_1192 = arith.constant 0 : i32
      %dma_start3A_1193 = tpu.memref_slice %arg14[%add3A_68, %dma_start3A_1192] : memref<50176x64xbf16, #tpu.memory_space<vmem_shared>> -> memref<64x64xbf16, #tpu.memory_space<vmem_shared>>
      %dma_start3A_1194 = arith.constant 0 : i32
      %dma_start3A_1195 = tpu.memref_slice %arg14[%add3A_68, %dma_start3A_1194] : memref<50176x64xbf16, #tpu.memory_space<vmem_shared>> -> memref<64x64xbf16, #tpu.memory_space<vmem_shared>>
      tpu.enqueue_dma source(%arg13 : memref<64x64xbf16, #tpu.memory_space<vmem>>) target(%dma_start3A_1195 : memref<64x64xbf16, #tpu.memory_space<vmem_shared>>) target_semaphore(%run_scoped3A : memref<!tpu.dma_semaphore, #tpu.memory_space<semaphore_mem>>)
      %dma_wait3A_1196 = arith.constant 0 : i32
      %dma_wait3A_1197 = tpu.memref_slice %arg14[%add3A_68, %dma_wait3A_1196] : memref<50176x64xbf16, #tpu.memory_space<vmem_shared>> -> memref<64x64xbf16, #tpu.memory_space<vmem_shared>>
      %dma_wait3A_1198 = arith.constant 0 : i32
      %dma_wait3A_1199 = tpu.memref_slice %arg14[%add3A_68, %dma_wait3A_1198] : memref<50176x64xbf16, #tpu.memory_space<vmem_shared>> -> memref<64x64xbf16, #tpu.memory_space<vmem_shared>>
      tpu.wait_dma2 semaphore(%run_scoped3A : memref<!tpu.dma_semaphore, #tpu.memory_space<semaphore_mem>>) src(%arg13 : memref<64x64xbf16, #tpu.memory_space<vmem>>) dst(%dma_wait3A_1199 : memref<64x64xbf16, #tpu.memory_space<vmem_shared>>)
      tpu.yield
    }) : () -> ()
    %add3A_69 = arith.constant 1728 : i32
    %add3A_70 = arith.addi %mul3A_6, %add3A_69 : i32
    "tpu.region"() ({
      %run_scoped3A = tpu.sem_alloc : memref<!tpu.dma_semaphore, #tpu.memory_space<semaphore_mem>>
      %dma_start3A_1192 = arith.constant 0 : i32
      %dma_start3A_1193 = tpu.memref_slice %arg14[%add3A_70, %dma_start3A_1192] : memref<50176x64xbf16, #tpu.memory_space<vmem_shared>> -> memref<64x64xbf16, #tpu.memory_space<vmem_shared>>
      %dma_start3A_1194 = arith.constant 0 : i32
      %dma_start3A_1195 = tpu.memref_slice %arg14[%add3A_70, %dma_start3A_1194] : memref<50176x64xbf16, #tpu.memory_space<vmem_shared>> -> memref<64x64xbf16, #tpu.memory_space<vmem_shared>>
      tpu.enqueue_dma source(%arg13 : memref<64x64xbf16, #tpu.memory_space<vmem>>) target(%dma_start3A_1195 : memref<64x64xbf16, #tpu.memory_space<vmem_shared>>) target_semaphore(%run_scoped3A : memref<!tpu.dma_semaphore, #tpu.memory_space<semaphore_mem>>)
      %dma_wait3A_1196 = arith.constant 0 : i32
      %dma_wait3A_1197 = tpu.memref_slice %arg14[%add3A_70, %dma_wait3A_1196] : memref<50176x64xbf16, #tpu.memory_space<vmem_shared>> -> memref<64x64xbf16, #tpu.memory_space<vmem_shared>>
      %dma_wait3A_1198 = arith.constant 0 : i32
      %dma_wait3A_1199 = tpu.memref_slice %arg14[%add3A_70, %dma_wait3A_1198] : memref<50176x64xbf16, #tpu.memory_space<vmem_shared>> -> memref<64x64xbf16, #tpu.memory_space<vmem_shared>>
      tpu.wait_dma2 semaphore(%run_scoped3A : memref<!tpu.dma_semaphore, #tpu.memory_space<semaphore_mem>>) src(%arg13 : memref<64x64xbf16, #tpu.memory_space<vmem>>) dst(%dma_wait3A_1199 : memref<64x64xbf16, #tpu.memory_space<vmem_shared>>)
      tpu.yield
    }) : () -> ()
    %add3A_71 = arith.constant 1792 : i32
    %add3A_72 = arith.addi %mul3A_6, %add3A_71 : i32
    "tpu.region"() ({
      %run_scoped3A = tpu.sem_alloc : memref<!tpu.dma_semaphore, #tpu.memory_space<semaphore_mem>>
      %dma_start3A_1192 = arith.constant 0 : i32
      %dma_start3A_1193 = tpu.memref_slice %arg14[%add3A_72, %dma_start3A_1192] : memref<50176x64xbf16, #tpu.memory_space<vmem_shared>> -> memref<64x64xbf16, #tpu.memory_space<vmem_shared>>
      %dma_start3A_1194 = arith.constant 0 : i32
      %dma_start3A_1195 = tpu.memref_slice %arg14[%add3A_72, %dma_start3A_1194] : memref<50176x64xbf16, #tpu.memory_space<vmem_shared>> -> memref<64x64xbf16, #tpu.memory_space<vmem_shared>>
      tpu.enqueue_dma source(%arg13 : memref<64x64xbf16, #tpu.memory_space<vmem>>) target(%dma_start3A_1195 : memref<64x64xbf16, #tpu.memory_space<vmem_shared>>) target_semaphore(%run_scoped3A : memref<!tpu.dma_semaphore, #tpu.memory_space<semaphore_mem>>)
      %dma_wait3A_1196 = arith.constant 0 : i32
      %dma_wait3A_1197 = tpu.memref_slice %arg14[%add3A_72, %dma_wait3A_1196] : memref<50176x64xbf16, #tpu.memory_space<vmem_shared>> -> memref<64x64xbf16, #tpu.memory_space<vmem_shared>>
      %dma_wait3A_1198 = arith.constant 0 : i32
      %dma_wait3A_1199 = tpu.memref_slice %arg14[%add3A_72, %dma_wait3A_1198] : memref<50176x64xbf16, #tpu.memory_space<vmem_shared>> -> memref<64x64xbf16, #tpu.memory_space<vmem_shared>>
      tpu.wait_dma2 semaphore(%run_scoped3A : memref<!tpu.dma_semaphore, #tpu.memory_space<semaphore_mem>>) src(%arg13 : memref<64x64xbf16, #tpu.memory_space<vmem>>) dst(%dma_wait3A_1199 : memref<64x64xbf16, #tpu.memory_space<vmem_shared>>)
      tpu.yield
    }) : () -> ()
    %add3A_73 = arith.constant 1856 : i32
    %add3A_74 = arith.addi %mul3A_6, %add3A_73 : i32
    "tpu.region"() ({
      %run_scoped3A = tpu.sem_alloc : memref<!tpu.dma_semaphore, #tpu.memory_space<semaphore_mem>>
      %dma_start3A_1192 = arith.constant 0 : i32
      %dma_start3A_1193 = tpu.memref_slice %arg14[%add3A_74, %dma_start3A_1192] : memref<50176x64xbf16, #tpu.memory_space<vmem_shared>> -> memref<64x64xbf16, #tpu.memory_space<vmem_shared>>
      %dma_start3A_1194 = arith.constant 0 : i32
      %dma_start3A_1195 = tpu.memref_slice %arg14[%add3A_74, %dma_start3A_1194] : memref<50176x64xbf16, #tpu.memory_space<vmem_shared>> -> memref<64x64xbf16, #tpu.memory_space<vmem_shared>>
      tpu.enqueue_dma source(%arg13 : memref<64x64xbf16, #tpu.memory_space<vmem>>) target(%dma_start3A_1195 : memref<64x64xbf16, #tpu.memory_space<vmem_shared>>) target_semaphore(%run_scoped3A : memref<!tpu.dma_semaphore, #tpu.memory_space<semaphore_mem>>)
      %dma_wait3A_1196 = arith.constant 0 : i32
      %dma_wait3A_1197 = tpu.memref_slice %arg14[%add3A_74, %dma_wait3A_1196] : memref<50176x64xbf16, #tpu.memory_space<vmem_shared>> -> memref<64x64xbf16, #tpu.memory_space<vmem_shared>>
      %dma_wait3A_1198 = arith.constant 0 : i32
      %dma_wait3A_1199 = tpu.memref_slice %arg14[%add3A_74, %dma_wait3A_1198] : memref<50176x64xbf16, #tpu.memory_space<vmem_shared>> -> memref<64x64xbf16, #tpu.memory_space<vmem_shared>>
      tpu.wait_dma2 semaphore(%run_scoped3A : memref<!tpu.dma_semaphore, #tpu.memory_space<semaphore_mem>>) src(%arg13 : memref<64x64xbf16, #tpu.memory_space<vmem>>) dst(%dma_wait3A_1199 : memref<64x64xbf16, #tpu.memory_space<vmem_shared>>)
      tpu.yield
    }) : () -> ()
    %add3A_75 = arith.constant 1920 : i32
    %add3A_76 = arith.addi %mul3A_6, %add3A_75 : i32
    "tpu.region"() ({
      %run_scoped3A = tpu.sem_alloc : memref<!tpu.dma_semaphore, #tpu.memory_space<semaphore_mem>>
      %dma_start3A_1192 = arith.constant 0 : i32
      %dma_start3A_1193 = tpu.memref_slice %arg14[%add3A_76, %dma_start3A_1192] : memref<50176x64xbf16, #tpu.memory_space<vmem_shared>> -> memref<64x64xbf16, #tpu.memory_space<vmem_shared>>
      %dma_start3A_1194 = arith.constant 0 : i32
      %dma_start3A_1195 = tpu.memref_slice %arg14[%add3A_76, %dma_start3A_1194] : memref<50176x64xbf16, #tpu.memory_space<vmem_shared>> -> memref<64x64xbf16, #tpu.memory_space<vmem_shared>>
      tpu.enqueue_dma source(%arg13 : memref<64x64xbf16, #tpu.memory_space<vmem>>) target(%dma_start3A_1195 : memref<64x64xbf16, #tpu.memory_space<vmem_shared>>) target_semaphore(%run_scoped3A : memref<!tpu.dma_semaphore, #tpu.memory_space<semaphore_mem>>)
      %dma_wait3A_1196 = arith.constant 0 : i32
      %dma_wait3A_1197 = tpu.memref_slice %arg14[%add3A_76, %dma_wait3A_1196] : memref<50176x64xbf16, #tpu.memory_space<vmem_shared>> -> memref<64x64xbf16, #tpu.memory_space<vmem_shared>>
      %dma_wait3A_1198 = arith.constant 0 : i32
      %dma_wait3A_1199 = tpu.memref_slice %arg14[%add3A_76, %dma_wait3A_1198] : memref<50176x64xbf16, #tpu.memory_space<vmem_shared>> -> memref<64x64xbf16, #tpu.memory_space<vmem_shared>>
      tpu.wait_dma2 semaphore(%run_scoped3A : memref<!tpu.dma_semaphore, #tpu.memory_space<semaphore_mem>>) src(%arg13 : memref<64x64xbf16, #tpu.memory_space<vmem>>) dst(%dma_wait3A_1199 : memref<64x64xbf16, #tpu.memory_space<vmem_shared>>)
      tpu.yield
    }) : () -> ()
    %add3A_77 = arith.constant 1984 : i32
    %add3A_78 = arith.addi %mul3A_6, %add3A_77 : i32
    "tpu.region"() ({
      %run_scoped3A = tpu.sem_alloc : memref<!tpu.dma_semaphore, #tpu.memory_space<semaphore_mem>>
      %dma_start3A_1192 = arith.constant 0 : i32
      %dma_start3A_1193 = tpu.memref_slice %arg14[%add3A_78, %dma_start3A_1192] : memref<50176x64xbf16, #tpu.memory_space<vmem_shared>> -> memref<64x64xbf16, #tpu.memory_space<vmem_shared>>
      %dma_start3A_1194 = arith.constant 0 : i32
      %dma_start3A_1195 = tpu.memref_slice %arg14[%add3A_78, %dma_start3A_1194] : memref<50176x64xbf16, #tpu.memory_space<vmem_shared>> -> memref<64x64xbf16, #tpu.memory_space<vmem_shared>>
      tpu.enqueue_dma source(%arg13 : memref<64x64xbf16, #tpu.memory_space<vmem>>) target(%dma_start3A_1195 : memref<64x64xbf16, #tpu.memory_space<vmem_shared>>) target_semaphore(%run_scoped3A : memref<!tpu.dma_semaphore, #tpu.memory_space<semaphore_mem>>)
      %dma_wait3A_1196 = arith.constant 0 : i32
      %dma_wait3A_1197 = tpu.memref_slice %arg14[%add3A_78, %dma_wait3A_1196] : memref<50176x64xbf16, #tpu.memory_space<vmem_shared>> -> memref<64x64xbf16, #tpu.memory_space<vmem_shared>>
      %dma_wait3A_1198 = arith.constant 0 : i32
      %dma_wait3A_1199 = tpu.memref_slice %arg14[%add3A_78, %dma_wait3A_1198] : memref<50176x64xbf16, #tpu.memory_space<vmem_shared>> -> memref<64x64xbf16, #tpu.memory_space<vmem_shared>>
      tpu.wait_dma2 semaphore(%run_scoped3A : memref<!tpu.dma_semaphore, #tpu.memory_space<semaphore_mem>>) src(%arg13 : memref<64x64xbf16, #tpu.memory_space<vmem>>) dst(%dma_wait3A_1199 : memref<64x64xbf16, #tpu.memory_space<vmem_shared>>)
      tpu.yield
    }) : () -> ()
    %add3A_79 = arith.constant 2048 : i32
    %add3A_80 = arith.addi %mul3A_6, %add3A_79 : i32
    "tpu.region"() ({
      %run_scoped3A = tpu.sem_alloc : memref<!tpu.dma_semaphore, #tpu.memory_space<semaphore_mem>>
      %dma_start3A_1192 = arith.constant 0 : i32
      %dma_start3A_1193 = tpu.memref_slice %arg14[%add3A_80, %dma_start3A_1192] : memref<50176x64xbf16, #tpu.memory_space<vmem_shared>> -> memref<64x64xbf16, #tpu.memory_space<vmem_shared>>
      %dma_start3A_1194 = arith.constant 0 : i32
      %dma_start3A_1195 = tpu.memref_slice %arg14[%add3A_80, %dma_start3A_1194] : memref<50176x64xbf16, #tpu.memory_space<vmem_shared>> -> memref<64x64xbf16, #tpu.memory_space<vmem_shared>>
      tpu.enqueue_dma source(%arg13 : memref<64x64xbf16, #tpu.memory_space<vmem>>) target(%dma_start3A_1195 : memref<64x64xbf16, #tpu.memory_space<vmem_shared>>) target_semaphore(%run_scoped3A : memref<!tpu.dma_semaphore, #tpu.memory_space<semaphore_mem>>)
      %dma_wait3A_1196 = arith.constant 0 : i32
      %dma_wait3A_1197 = tpu.memref_slice %arg14[%add3A_80, %dma_wait3A_1196] : memref<50176x64xbf16, #tpu.memory_space<vmem_shared>> -> memref<64x64xbf16, #tpu.memory_space<vmem_shared>>
      %dma_wait3A_1198 = arith.constant 0 : i32
      %dma_wait3A_1199 = tpu.memref_slice %arg14[%add3A_80, %dma_wait3A_1198] : memref<50176x64xbf16, #tpu.memory_space<vmem_shared>> -> memref<64x64xbf16, #tpu.memory_space<vmem_shared>>
      tpu.wait_dma2 semaphore(%run_scoped3A : memref<!tpu.dma_semaphore, #tpu.memory_space<semaphore_mem>>) src(%arg13 : memref<64x64xbf16, #tpu.memory_space<vmem>>) dst(%dma_wait3A_1199 : memref<64x64xbf16, #tpu.memory_space<vmem_shared>>)
      tpu.yield
    }) : () -> ()
    %add3A_81 = arith.constant 2112 : i32
    %add3A_82 = arith.addi %mul3A_6, %add3A_81 : i32
    "tpu.region"() ({
      %run_scoped3A = tpu.sem_alloc : memref<!tpu.dma_semaphore, #tpu.memory_space<semaphore_mem>>
      %dma_start3A_1192 = arith.constant 0 : i32
      %dma_start3A_1193 = tpu.memref_slice %arg14[%add3A_82, %dma_start3A_1192] : memref<50176x64xbf16, #tpu.memory_space<vmem_shared>> -> memref<64x64xbf16, #tpu.memory_space<vmem_shared>>
      %dma_start3A_1194 = arith.constant 0 : i32
      %dma_start3A_1195 = tpu.memref_slice %arg14[%add3A_82, %dma_start3A_1194] : memref<50176x64xbf16, #tpu.memory_space<vmem_shared>> -> memref<64x64xbf16, #tpu.memory_space<vmem_shared>>
      tpu.enqueue_dma source(%arg13 : memref<64x64xbf16, #tpu.memory_space<vmem>>) target(%dma_start3A_1195 : memref<64x64xbf16, #tpu.memory_space<vmem_shared>>) target_semaphore(%run_scoped3A : memref<!tpu.dma_semaphore, #tpu.memory_space<semaphore_mem>>)
      %dma_wait3A_1196 = arith.constant 0 : i32
      %dma_wait3A_1197 = tpu.memref_slice %arg14[%add3A_82, %dma_wait3A_1196] : memref<50176x64xbf16, #tpu.memory_space<vmem_shared>> -> memref<64x64xbf16, #tpu.memory_space<vmem_shared>>
      %dma_wait3A_1198 = arith.constant 0 : i32
      %dma_wait3A_1199 = tpu.memref_slice %arg14[%add3A_82, %dma_wait3A_1198] : memref<50176x64xbf16, #tpu.memory_space<vmem_shared>> -> memref<64x64xbf16, #tpu.memory_space<vmem_shared>>
      tpu.wait_dma2 semaphore(%run_scoped3A : memref<!tpu.dma_semaphore, #tpu.memory_space<semaphore_mem>>) src(%arg13 : memref<64x64xbf16, #tpu.memory_space<vmem>>) dst(%dma_wait3A_1199 : memref<64x64xbf16, #tpu.memory_space<vmem_shared>>)
      tpu.yield
    }) : () -> ()
    %add3A_83 = arith.constant 2176 : i32
    %add3A_84 = arith.addi %mul3A_6, %add3A_83 : i32
    "tpu.region"() ({
      %run_scoped3A = tpu.sem_alloc : memref<!tpu.dma_semaphore, #tpu.memory_space<semaphore_mem>>
      %dma_start3A_1192 = arith.constant 0 : i32
      %dma_start3A_1193 = tpu.memref_slice %arg14[%add3A_84, %dma_start3A_1192] : memref<50176x64xbf16, #tpu.memory_space<vmem_shared>> -> memref<64x64xbf16, #tpu.memory_space<vmem_shared>>
      %dma_start3A_1194 = arith.constant 0 : i32
      %dma_start3A_1195 = tpu.memref_slice %arg14[%add3A_84, %dma_start3A_1194] : memref<50176x64xbf16, #tpu.memory_space<vmem_shared>> -> memref<64x64xbf16, #tpu.memory_space<vmem_shared>>
      tpu.enqueue_dma source(%arg13 : memref<64x64xbf16, #tpu.memory_space<vmem>>) target(%dma_start3A_1195 : memref<64x64xbf16, #tpu.memory_space<vmem_shared>>) target_semaphore(%run_scoped3A : memref<!tpu.dma_semaphore, #tpu.memory_space<semaphore_mem>>)
      %dma_wait3A_1196 = arith.constant 0 : i32
      %dma_wait3A_1197 = tpu.memref_slice %arg14[%add3A_84, %dma_wait3A_1196] : memref<50176x64xbf16, #tpu.memory_space<vmem_shared>> -> memref<64x64xbf16, #tpu.memory_space<vmem_shared>>
      %dma_wait3A_1198 = arith.constant 0 : i32
      %dma_wait3A_1199 = tpu.memref_slice %arg14[%add3A_84, %dma_wait3A_1198] : memref<50176x64xbf16, #tpu.memory_space<vmem_shared>> -> memref<64x64xbf16, #tpu.memory_space<vmem_shared>>
      tpu.wait_dma2 semaphore(%run_scoped3A : memref<!tpu.dma_semaphore, #tpu.memory_space<semaphore_mem>>) src(%arg13 : memref<64x64xbf16, #tpu.memory_space<vmem>>) dst(%dma_wait3A_1199 : memref<64x64xbf16, #tpu.memory_space<vmem_shared>>)
      tpu.yield
    }) : () -> ()
    %add3A_85 = arith.constant 2240 : i32
    %add3A_86 = arith.addi %mul3A_6, %add3A_85 : i32
    "tpu.region"() ({
      %run_scoped3A = tpu.sem_alloc : memref<!tpu.dma_semaphore, #tpu.memory_space<semaphore_mem>>
      %dma_start3A_1192 = arith.constant 0 : i32
      %dma_start3A_1193 = tpu.memref_slice %arg14[%add3A_86, %dma_start3A_1192] : memref<50176x64xbf16, #tpu.memory_space<vmem_shared>> -> memref<64x64xbf16, #tpu.memory_space<vmem_shared>>
      %dma_start3A_1194 = arith.constant 0 : i32
      %dma_start3A_1195 = tpu.memref_slice %arg14[%add3A_86, %dma_start3A_1194] : memref<50176x64xbf16, #tpu.memory_space<vmem_shared>> -> memref<64x64xbf16, #tpu.memory_space<vmem_shared>>
      tpu.enqueue_dma source(%arg13 : memref<64x64xbf16, #tpu.memory_space<vmem>>) target(%dma_start3A_1195 : memref<64x64xbf16, #tpu.memory_space<vmem_shared>>) target_semaphore(%run_scoped3A : memref<!tpu.dma_semaphore, #tpu.memory_space<semaphore_mem>>)
      %dma_wait3A_1196 = arith.constant 0 : i32
      %dma_wait3A_1197 = tpu.memref_slice %arg14[%add3A_86, %dma_wait3A_1196] : memref<50176x64xbf16, #tpu.memory_space<vmem_shared>> -> memref<64x64xbf16, #tpu.memory_space<vmem_shared>>
      %dma_wait3A_1198 = arith.constant 0 : i32
      %dma_wait3A_1199 = tpu.memref_slice %arg14[%add3A_86, %dma_wait3A_1198] : memref<50176x64xbf16, #tpu.memory_space<vmem_shared>> -> memref<64x64xbf16, #tpu.memory_space<vmem_shared>>
      tpu.wait_dma2 semaphore(%run_scoped3A : memref<!tpu.dma_semaphore, #tpu.memory_space<semaphore_mem>>) src(%arg13 : memref<64x64xbf16, #tpu.memory_space<vmem>>) dst(%dma_wait3A_1199 : memref<64x64xbf16, #tpu.memory_space<vmem_shared>>)
      tpu.yield
    }) : () -> ()
    %add3A_87 = arith.constant 2304 : i32
    %add3A_88 = arith.addi %mul3A_6, %add3A_87 : i32
    "tpu.region"() ({
      %run_scoped3A = tpu.sem_alloc : memref<!tpu.dma_semaphore, #tpu.memory_space<semaphore_mem>>
      %dma_start3A_1192 = arith.constant 0 : i32
      %dma_start3A_1193 = tpu.memref_slice %arg14[%add3A_88, %dma_start3A_1192] : memref<50176x64xbf16, #tpu.memory_space<vmem_shared>> -> memref<64x64xbf16, #tpu.memory_space<vmem_shared>>
      %dma_start3A_1194 = arith.constant 0 : i32
      %dma_start3A_1195 = tpu.memref_slice %arg14[%add3A_88, %dma_start3A_1194] : memref<50176x64xbf16, #tpu.memory_space<vmem_shared>> -> memref<64x64xbf16, #tpu.memory_space<vmem_shared>>
      tpu.enqueue_dma source(%arg13 : memref<64x64xbf16, #tpu.memory_space<vmem>>) target(%dma_start3A_1195 : memref<64x64xbf16, #tpu.memory_space<vmem_shared>>) target_semaphore(%run_scoped3A : memref<!tpu.dma_semaphore, #tpu.memory_space<semaphore_mem>>)
      %dma_wait3A_1196 = arith.constant 0 : i32
      %dma_wait3A_1197 = tpu.memref_slice %arg14[%add3A_88, %dma_wait3A_1196] : memref<50176x64xbf16, #tpu.memory_space<vmem_shared>> -> memref<64x64xbf16, #tpu.memory_space<vmem_shared>>
      %dma_wait3A_1198 = arith.constant 0 : i32
      %dma_wait3A_1199 = tpu.memref_slice %arg14[%add3A_88, %dma_wait3A_1198] : memref<50176x64xbf16, #tpu.memory_space<vmem_shared>> -> memref<64x64xbf16, #tpu.memory_space<vmem_shared>>
      tpu.wait_dma2 semaphore(%run_scoped3A : memref<!tpu.dma_semaphore, #tpu.memory_space<semaphore_mem>>) src(%arg13 : memref<64x64xbf16, #tpu.memory_space<vmem>>) dst(%dma_wait3A_1199 : memref<64x64xbf16, #tpu.memory_space<vmem_shared>>)
      tpu.yield
    }) : () -> ()
    %add3A_89 = arith.constant 2368 : i32
    %add3A_90 = arith.addi %mul3A_6, %add3A_89 : i32
    "tpu.region"() ({
      %run_scoped3A = tpu.sem_alloc : memref<!tpu.dma_semaphore, #tpu.memory_space<semaphore_mem>>
      %dma_start3A_1192 = arith.constant 0 : i32
      %dma_start3A_1193 = tpu.memref_slice %arg14[%add3A_90, %dma_start3A_1192] : memref<50176x64xbf16, #tpu.memory_space<vmem_shared>> -> memref<64x64xbf16, #tpu.memory_space<vmem_shared>>
      %dma_start3A_1194 = arith.constant 0 : i32
      %dma_start3A_1195 = tpu.memref_slice %arg14[%add3A_90, %dma_start3A_1194] : memref<50176x64xbf16, #tpu.memory_space<vmem_shared>> -> memref<64x64xbf16, #tpu.memory_space<vmem_shared>>
      tpu.enqueue_dma source(%arg13 : memref<64x64xbf16, #tpu.memory_space<vmem>>) target(%dma_start3A_1195 : memref<64x64xbf16, #tpu.memory_space<vmem_shared>>) target_semaphore(%run_scoped3A : memref<!tpu.dma_semaphore, #tpu.memory_space<semaphore_mem>>)
      %dma_wait3A_1196 = arith.constant 0 : i32
      %dma_wait3A_1197 = tpu.memref_slice %arg14[%add3A_90, %dma_wait3A_1196] : memref<50176x64xbf16, #tpu.memory_space<vmem_shared>> -> memref<64x64xbf16, #tpu.memory_space<vmem_shared>>
      %dma_wait3A_1198 = arith.constant 0 : i32
      %dma_wait3A_1199 = tpu.memref_slice %arg14[%add3A_90, %dma_wait3A_1198] : memref<50176x64xbf16, #tpu.memory_space<vmem_shared>> -> memref<64x64xbf16, #tpu.memory_space<vmem_shared>>
      tpu.wait_dma2 semaphore(%run_scoped3A : memref<!tpu.dma_semaphore, #tpu.memory_space<semaphore_mem>>) src(%arg13 : memref<64x64xbf16, #tpu.memory_space<vmem>>) dst(%dma_wait3A_1199 : memref<64x64xbf16, #tpu.memory_space<vmem_shared>>)
      tpu.yield
    }) : () -> ()
    %add3A_91 = arith.constant 2432 : i32
    %add3A_92 = arith.addi %mul3A_6, %add3A_91 : i32
    "tpu.region"() ({
      %run_scoped3A = tpu.sem_alloc : memref<!tpu.dma_semaphore, #tpu.memory_space<semaphore_mem>>
      %dma_start3A_1192 = arith.constant 0 : i32
      %dma_start3A_1193 = tpu.memref_slice %arg14[%add3A_92, %dma_start3A_1192] : memref<50176x64xbf16, #tpu.memory_space<vmem_shared>> -> memref<64x64xbf16, #tpu.memory_space<vmem_shared>>
      %dma_start3A_1194 = arith.constant 0 : i32
      %dma_start3A_1195 = tpu.memref_slice %arg14[%add3A_92, %dma_start3A_1194] : memref<50176x64xbf16, #tpu.memory_space<vmem_shared>> -> memref<64x64xbf16, #tpu.memory_space<vmem_shared>>
      tpu.enqueue_dma source(%arg13 : memref<64x64xbf16, #tpu.memory_space<vmem>>) target(%dma_start3A_1195 : memref<64x64xbf16, #tpu.memory_space<vmem_shared>>) target_semaphore(%run_scoped3A : memref<!tpu.dma_semaphore, #tpu.memory_space<semaphore_mem>>)
      %dma_wait3A_1196 = arith.constant 0 : i32
      %dma_wait3A_1197 = tpu.memref_slice %arg14[%add3A_92, %dma_wait3A_1196] : memref<50176x64xbf16, #tpu.memory_space<vmem_shared>> -> memref<64x64xbf16, #tpu.memory_space<vmem_shared>>
      %dma_wait3A_1198 = arith.constant 0 : i32
      %dma_wait3A_1199 = tpu.memref_slice %arg14[%add3A_92, %dma_wait3A_1198] : memref<50176x64xbf16, #tpu.memory_space<vmem_shared>> -> memref<64x64xbf16, #tpu.memory_space<vmem_shared>>
      tpu.wait_dma2 semaphore(%run_scoped3A : memref<!tpu.dma_semaphore, #tpu.memory_space<semaphore_mem>>) src(%arg13 : memref<64x64xbf16, #tpu.memory_space<vmem>>) dst(%dma_wait3A_1199 : memref<64x64xbf16, #tpu.memory_space<vmem_shared>>)
      tpu.yield
    }) : () -> ()
    %add3A_93 = arith.constant 2496 : i32
    %add3A_94 = arith.addi %mul3A_6, %add3A_93 : i32
    "tpu.region"() ({
      %run_scoped3A = tpu.sem_alloc : memref<!tpu.dma_semaphore, #tpu.memory_space<semaphore_mem>>
      %dma_start3A_1192 = arith.constant 0 : i32
      %dma_start3A_1193 = tpu.memref_slice %arg14[%add3A_94, %dma_start3A_1192] : memref<50176x64xbf16, #tpu.memory_space<vmem_shared>> -> memref<64x64xbf16, #tpu.memory_space<vmem_shared>>
      %dma_start3A_1194 = arith.constant 0 : i32
      %dma_start3A_1195 = tpu.memref_slice %arg14[%add3A_94, %dma_start3A_1194] : memref<50176x64xbf16, #tpu.memory_space<vmem_shared>> -> memref<64x64xbf16, #tpu.memory_space<vmem_shared>>
      tpu.enqueue_dma source(%arg13 : memref<64x64xbf16, #tpu.memory_space<vmem>>) target(%dma_start3A_1195 : memref<64x64xbf16, #tpu.memory_space<vmem_shared>>) target_semaphore(%run_scoped3A : memref<!tpu.dma_semaphore, #tpu.memory_space<semaphore_mem>>)
      %dma_wait3A_1196 = arith.constant 0 : i32
      %dma_wait3A_1197 = tpu.memref_slice %arg14[%add3A_94, %dma_wait3A_1196] : memref<50176x64xbf16, #tpu.memory_space<vmem_shared>> -> memref<64x64xbf16, #tpu.memory_space<vmem_shared>>
      %dma_wait3A_1198 = arith.constant 0 : i32
      %dma_wait3A_1199 = tpu.memref_slice %arg14[%add3A_94, %dma_wait3A_1198] : memref<50176x64xbf16, #tpu.memory_space<vmem_shared>> -> memref<64x64xbf16, #tpu.memory_space<vmem_shared>>
      tpu.wait_dma2 semaphore(%run_scoped3A : memref<!tpu.dma_semaphore, #tpu.memory_space<semaphore_mem>>) src(%arg13 : memref<64x64xbf16, #tpu.memory_space<vmem>>) dst(%dma_wait3A_1199 : memref<64x64xbf16, #tpu.memory_space<vmem_shared>>)
      tpu.yield
    }) : () -> ()
    %add3A_95 = arith.constant 2560 : i32
    %add3A_96 = arith.addi %mul3A_6, %add3A_95 : i32
    "tpu.region"() ({
      %run_scoped3A = tpu.sem_alloc : memref<!tpu.dma_semaphore, #tpu.memory_space<semaphore_mem>>
      %dma_start3A_1192 = arith.constant 0 : i32
      %dma_start3A_1193 = tpu.memref_slice %arg14[%add3A_96, %dma_start3A_1192] : memref<50176x64xbf16, #tpu.memory_space<vmem_shared>> -> memref<64x64xbf16, #tpu.memory_space<vmem_shared>>
      %dma_start3A_1194 = arith.constant 0 : i32
      %dma_start3A_1195 = tpu.memref_slice %arg14[%add3A_96, %dma_start3A_1194] : memref<50176x64xbf16, #tpu.memory_space<vmem_shared>> -> memref<64x64xbf16, #tpu.memory_space<vmem_shared>>
      tpu.enqueue_dma source(%arg13 : memref<64x64xbf16, #tpu.memory_space<vmem>>) target(%dma_start3A_1195 : memref<64x64xbf16, #tpu.memory_space<vmem_shared>>) target_semaphore(%run_scoped3A : memref<!tpu.dma_semaphore, #tpu.memory_space<semaphore_mem>>)
      %dma_wait3A_1196 = arith.constant 0 : i32
      %dma_wait3A_1197 = tpu.memref_slice %arg14[%add3A_96, %dma_wait3A_1196] : memref<50176x64xbf16, #tpu.memory_space<vmem_shared>> -> memref<64x64xbf16, #tpu.memory_space<vmem_shared>>
      %dma_wait3A_1198 = arith.constant 0 : i32
      %dma_wait3A_1199 = tpu.memref_slice %arg14[%add3A_96, %dma_wait3A_1198] : memref<50176x64xbf16, #tpu.memory_space<vmem_shared>> -> memref<64x64xbf16, #tpu.memory_space<vmem_shared>>
      tpu.wait_dma2 semaphore(%run_scoped3A : memref<!tpu.dma_semaphore, #tpu.memory_space<semaphore_mem>>) src(%arg13 : memref<64x64xbf16, #tpu.memory_space<vmem>>) dst(%dma_wait3A_1199 : memref<64x64xbf16, #tpu.memory_space<vmem_shared>>)
      tpu.yield
    }) : () -> ()
    %add3A_97 = arith.constant 2624 : i32
    %add3A_98 = arith.addi %mul3A_6, %add3A_97 : i32
    "tpu.region"() ({
      %run_scoped3A = tpu.sem_alloc : memref<!tpu.dma_semaphore, #tpu.memory_space<semaphore_mem>>
      %dma_start3A_1192 = arith.constant 0 : i32
      %dma_start3A_1193 = tpu.memref_slice %arg14[%add3A_98, %dma_start3A_1192] : memref<50176x64xbf16, #tpu.memory_space<vmem_shared>> -> memref<64x64xbf16, #tpu.memory_space<vmem_shared>>
      %dma_start3A_1194 = arith.constant 0 : i32
      %dma_start3A_1195 = tpu.memref_slice %arg14[%add3A_98, %dma_start3A_1194] : memref<50176x64xbf16, #tpu.memory_space<vmem_shared>> -> memref<64x64xbf16, #tpu.memory_space<vmem_shared>>
      tpu.enqueue_dma source(%arg13 : memref<64x64xbf16, #tpu.memory_space<vmem>>) target(%dma_start3A_1195 : memref<64x64xbf16, #tpu.memory_space<vmem_shared>>) target_semaphore(%run_scoped3A : memref<!tpu.dma_semaphore, #tpu.memory_space<semaphore_mem>>)
      %dma_wait3A_1196 = arith.constant 0 : i32
      %dma_wait3A_1197 = tpu.memref_slice %arg14[%add3A_98, %dma_wait3A_1196] : memref<50176x64xbf16, #tpu.memory_space<vmem_shared>> -> memref<64x64xbf16, #tpu.memory_space<vmem_shared>>
      %dma_wait3A_1198 = arith.constant 0 : i32
      %dma_wait3A_1199 = tpu.memref_slice %arg14[%add3A_98, %dma_wait3A_1198] : memref<50176x64xbf16, #tpu.memory_space<vmem_shared>> -> memref<64x64xbf16, #tpu.memory_space<vmem_shared>>
      tpu.wait_dma2 semaphore(%run_scoped3A : memref<!tpu.dma_semaphore, #tpu.memory_space<semaphore_mem>>) src(%arg13 : memref<64x64xbf16, #tpu.memory_space<vmem>>) dst(%dma_wait3A_1199 : memref<64x64xbf16, #tpu.memory_space<vmem_shared>>)
      tpu.yield
    }) : () -> ()
    %add3A_99 = arith.constant 2688 : i32
    %add3A_100 = arith.addi %mul3A_6, %add3A_99 : i32
    "tpu.region"() ({
      %run_scoped3A = tpu.sem_alloc : memref<!tpu.dma_semaphore, #tpu.memory_space<semaphore_mem>>
      %dma_start3A_1192 = arith.constant 0 : i32
      %dma_start3A_1193 = tpu.memref_slice %arg14[%add3A_100, %dma_start3A_1192] : memref<50176x64xbf16, #tpu.memory_space<vmem_shared>> -> memref<64x64xbf16, #tpu.memory_space<vmem_shared>>
      %dma_start3A_1194 = arith.constant 0 : i32
      %dma_start3A_1195 = tpu.memref_slice %arg14[%add3A_100, %dma_start3A_1194] : memref<50176x64xbf16, #tpu.memory_space<vmem_shared>> -> memref<64x64xbf16, #tpu.memory_space<vmem_shared>>
      tpu.enqueue_dma source(%arg13 : memref<64x64xbf16, #tpu.memory_space<vmem>>) target(%dma_start3A_1195 : memref<64x64xbf16, #tpu.memory_space<vmem_shared>>) target_semaphore(%run_scoped3A : memref<!tpu.dma_semaphore, #tpu.memory_space<semaphore_mem>>)
      %dma_wait3A_1196 = arith.constant 0 : i32
      %dma_wait3A_1197 = tpu.memref_slice %arg14[%add3A_100, %dma_wait3A_1196] : memref<50176x64xbf16, #tpu.memory_space<vmem_shared>> -> memref<64x64xbf16, #tpu.memory_space<vmem_shared>>
      %dma_wait3A_1198 = arith.constant 0 : i32
      %dma_wait3A_1199 = tpu.memref_slice %arg14[%add3A_100, %dma_wait3A_1198] : memref<50176x64xbf16, #tpu.memory_space<vmem_shared>> -> memref<64x64xbf16, #tpu.memory_space<vmem_shared>>
      tpu.wait_dma2 semaphore(%run_scoped3A : memref<!tpu.dma_semaphore, #tpu.memory_space<semaphore_mem>>) src(%arg13 : memref<64x64xbf16, #tpu.memory_space<vmem>>) dst(%dma_wait3A_1199 : memref<64x64xbf16, #tpu.memory_space<vmem_shared>>)
      tpu.yield
    }) : () -> ()
    %add3A_101 = arith.constant 2752 : i32
    %add3A_102 = arith.addi %mul3A_6, %add3A_101 : i32
    "tpu.region"() ({
      %run_scoped3A = tpu.sem_alloc : memref<!tpu.dma_semaphore, #tpu.memory_space<semaphore_mem>>
      %dma_start3A_1192 = arith.constant 0 : i32
      %dma_start3A_1193 = tpu.memref_slice %arg14[%add3A_102, %dma_start3A_1192] : memref<50176x64xbf16, #tpu.memory_space<vmem_shared>> -> memref<64x64xbf16, #tpu.memory_space<vmem_shared>>
      %dma_start3A_1194 = arith.constant 0 : i32
      %dma_start3A_1195 = tpu.memref_slice %arg14[%add3A_102, %dma_start3A_1194] : memref<50176x64xbf16, #tpu.memory_space<vmem_shared>> -> memref<64x64xbf16, #tpu.memory_space<vmem_shared>>
      tpu.enqueue_dma source(%arg13 : memref<64x64xbf16, #tpu.memory_space<vmem>>) target(%dma_start3A_1195 : memref<64x64xbf16, #tpu.memory_space<vmem_shared>>) target_semaphore(%run_scoped3A : memref<!tpu.dma_semaphore, #tpu.memory_space<semaphore_mem>>)
      %dma_wait3A_1196 = arith.constant 0 : i32
      %dma_wait3A_1197 = tpu.memref_slice %arg14[%add3A_102, %dma_wait3A_1196] : memref<50176x64xbf16, #tpu.memory_space<vmem_shared>> -> memref<64x64xbf16, #tpu.memory_space<vmem_shared>>
      %dma_wait3A_1198 = arith.constant 0 : i32
      %dma_wait3A_1199 = tpu.memref_slice %arg14[%add3A_102, %dma_wait3A_1198] : memref<50176x64xbf16, #tpu.memory_space<vmem_shared>> -> memref<64x64xbf16, #tpu.memory_space<vmem_shared>>
      tpu.wait_dma2 semaphore(%run_scoped3A : memref<!tpu.dma_semaphore, #tpu.memory_space<semaphore_mem>>) src(%arg13 : memref<64x64xbf16, #tpu.memory_space<vmem>>) dst(%dma_wait3A_1199 : memref<64x64xbf16, #tpu.memory_space<vmem_shared>>)
      tpu.yield
    }) : () -> ()
    %add3A_103 = arith.constant 2816 : i32
    %add3A_104 = arith.addi %mul3A_6, %add3A_103 : i32
    "tpu.region"() ({
      %run_scoped3A = tpu.sem_alloc : memref<!tpu.dma_semaphore, #tpu.memory_space<semaphore_mem>>
      %dma_start3A_1192 = arith.constant 0 : i32
      %dma_start3A_1193 = tpu.memref_slice %arg14[%add3A_104, %dma_start3A_1192] : memref<50176x64xbf16, #tpu.memory_space<vmem_shared>> -> memref<64x64xbf16, #tpu.memory_space<vmem_shared>>
      %dma_start3A_1194 = arith.constant 0 : i32
      %dma_start3A_1195 = tpu.memref_slice %arg14[%add3A_104, %dma_start3A_1194] : memref<50176x64xbf16, #tpu.memory_space<vmem_shared>> -> memref<64x64xbf16, #tpu.memory_space<vmem_shared>>
      tpu.enqueue_dma source(%arg13 : memref<64x64xbf16, #tpu.memory_space<vmem>>) target(%dma_start3A_1195 : memref<64x64xbf16, #tpu.memory_space<vmem_shared>>) target_semaphore(%run_scoped3A : memref<!tpu.dma_semaphore, #tpu.memory_space<semaphore_mem>>)
      %dma_wait3A_1196 = arith.constant 0 : i32
      %dma_wait3A_1197 = tpu.memref_slice %arg14[%add3A_104, %dma_wait3A_1196] : memref<50176x64xbf16, #tpu.memory_space<vmem_shared>> -> memref<64x64xbf16, #tpu.memory_space<vmem_shared>>
      %dma_wait3A_1198 = arith.constant 0 : i32
      %dma_wait3A_1199 = tpu.memref_slice %arg14[%add3A_104, %dma_wait3A_1198] : memref<50176x64xbf16, #tpu.memory_space<vmem_shared>> -> memref<64x64xbf16, #tpu.memory_space<vmem_shared>>
      tpu.wait_dma2 semaphore(%run_scoped3A : memref<!tpu.dma_semaphore, #tpu.memory_space<semaphore_mem>>) src(%arg13 : memref<64x64xbf16, #tpu.memory_space<vmem>>) dst(%dma_wait3A_1199 : memref<64x64xbf16, #tpu.memory_space<vmem_shared>>)
      tpu.yield
    }) : () -> ()
    %add3A_105 = arith.constant 2880 : i32
    %add3A_106 = arith.addi %mul3A_6, %add3A_105 : i32
    "tpu.region"() ({
      %run_scoped3A = tpu.sem_alloc : memref<!tpu.dma_semaphore, #tpu.memory_space<semaphore_mem>>
      %dma_start3A_1192 = arith.constant 0 : i32
      %dma_start3A_1193 = tpu.memref_slice %arg14[%add3A_106, %dma_start3A_1192] : memref<50176x64xbf16, #tpu.memory_space<vmem_shared>> -> memref<64x64xbf16, #tpu.memory_space<vmem_shared>>
      %dma_start3A_1194 = arith.constant 0 : i32
      %dma_start3A_1195 = tpu.memref_slice %arg14[%add3A_106, %dma_start3A_1194] : memref<50176x64xbf16, #tpu.memory_space<vmem_shared>> -> memref<64x64xbf16, #tpu.memory_space<vmem_shared>>
      tpu.enqueue_dma source(%arg13 : memref<64x64xbf16, #tpu.memory_space<vmem>>) target(%dma_start3A_1195 : memref<64x64xbf16, #tpu.memory_space<vmem_shared>>) target_semaphore(%run_scoped3A : memref<!tpu.dma_semaphore, #tpu.memory_space<semaphore_mem>>)
      %dma_wait3A_1196 = arith.constant 0 : i32
      %dma_wait3A_1197 = tpu.memref_slice %arg14[%add3A_106, %dma_wait3A_1196] : memref<50176x64xbf16, #tpu.memory_space<vmem_shared>> -> memref<64x64xbf16, #tpu.memory_space<vmem_shared>>
      %dma_wait3A_1198 = arith.constant 0 : i32
      %dma_wait3A_1199 = tpu.memref_slice %arg14[%add3A_106, %dma_wait3A_1198] : memref<50176x64xbf16, #tpu.memory_space<vmem_shared>> -> memref<64x64xbf16, #tpu.memory_space<vmem_shared>>
      tpu.wait_dma2 semaphore(%run_scoped3A : memref<!tpu.dma_semaphore, #tpu.memory_space<semaphore_mem>>) src(%arg13 : memref<64x64xbf16, #tpu.memory_space<vmem>>) dst(%dma_wait3A_1199 : memref<64x64xbf16, #tpu.memory_space<vmem_shared>>)
      tpu.yield
    }) : () -> ()
    %add3A_107 = arith.constant 2944 : i32
    %add3A_108 = arith.addi %mul3A_6, %add3A_107 : i32
    "tpu.region"() ({
      %run_scoped3A = tpu.sem_alloc : memref<!tpu.dma_semaphore, #tpu.memory_space<semaphore_mem>>
      %dma_start3A_1192 = arith.constant 0 : i32
      %dma_start3A_1193 = tpu.memref_slice %arg14[%add3A_108, %dma_start3A_1192] : memref<50176x64xbf16, #tpu.memory_space<vmem_shared>> -> memref<64x64xbf16, #tpu.memory_space<vmem_shared>>
      %dma_start3A_1194 = arith.constant 0 : i32
      %dma_start3A_1195 = tpu.memref_slice %arg14[%add3A_108, %dma_start3A_1194] : memref<50176x64xbf16, #tpu.memory_space<vmem_shared>> -> memref<64x64xbf16, #tpu.memory_space<vmem_shared>>
      tpu.enqueue_dma source(%arg13 : memref<64x64xbf16, #tpu.memory_space<vmem>>) target(%dma_start3A_1195 : memref<64x64xbf16, #tpu.memory_space<vmem_shared>>) target_semaphore(%run_scoped3A : memref<!tpu.dma_semaphore, #tpu.memory_space<semaphore_mem>>)
      %dma_wait3A_1196 = arith.constant 0 : i32
      %dma_wait3A_1197 = tpu.memref_slice %arg14[%add3A_108, %dma_wait3A_1196] : memref<50176x64xbf16, #tpu.memory_space<vmem_shared>> -> memref<64x64xbf16, #tpu.memory_space<vmem_shared>>
      %dma_wait3A_1198 = arith.constant 0 : i32
      %dma_wait3A_1199 = tpu.memref_slice %arg14[%add3A_108, %dma_wait3A_1198] : memref<50176x64xbf16, #tpu.memory_space<vmem_shared>> -> memref<64x64xbf16, #tpu.memory_space<vmem_shared>>
      tpu.wait_dma2 semaphore(%run_scoped3A : memref<!tpu.dma_semaphore, #tpu.memory_space<semaphore_mem>>) src(%arg13 : memref<64x64xbf16, #tpu.memory_space<vmem>>) dst(%dma_wait3A_1199 : memref<64x64xbf16, #tpu.memory_space<vmem_shared>>)
      tpu.yield
    }) : () -> ()
    %add3A_109 = arith.constant 3008 : i32
    %add3A_110 = arith.addi %mul3A_6, %add3A_109 : i32
    "tpu.region"() ({
      %run_scoped3A = tpu.sem_alloc : memref<!tpu.dma_semaphore, #tpu.memory_space<semaphore_mem>>
      %dma_start3A_1192 = arith.constant 0 : i32
      %dma_start3A_1193 = tpu.memref_slice %arg14[%add3A_110, %dma_start3A_1192] : memref<50176x64xbf16, #tpu.memory_space<vmem_shared>> -> memref<64x64xbf16, #tpu.memory_space<vmem_shared>>
      %dma_start3A_1194 = arith.constant 0 : i32
      %dma_start3A_1195 = tpu.memref_slice %arg14[%add3A_110, %dma_start3A_1194] : memref<50176x64xbf16, #tpu.memory_space<vmem_shared>> -> memref<64x64xbf16, #tpu.memory_space<vmem_shared>>
      tpu.enqueue_dma source(%arg13 : memref<64x64xbf16, #tpu.memory_space<vmem>>) target(%dma_start3A_1195 : memref<64x64xbf16, #tpu.memory_space<vmem_shared>>) target_semaphore(%run_scoped3A : memref<!tpu.dma_semaphore, #tpu.memory_space<semaphore_mem>>)
      %dma_wait3A_1196 = arith.constant 0 : i32
      %dma_wait3A_1197 = tpu.memref_slice %arg14[%add3A_110, %dma_wait3A_1196] : memref<50176x64xbf16, #tpu.memory_space<vmem_shared>> -> memref<64x64xbf16, #tpu.memory_space<vmem_shared>>
      %dma_wait3A_1198 = arith.constant 0 : i32
      %dma_wait3A_1199 = tpu.memref_slice %arg14[%add3A_110, %dma_wait3A_1198] : memref<50176x64xbf16, #tpu.memory_space<vmem_shared>> -> memref<64x64xbf16, #tpu.memory_space<vmem_shared>>
      tpu.wait_dma2 semaphore(%run_scoped3A : memref<!tpu.dma_semaphore, #tpu.memory_space<semaphore_mem>>) src(%arg13 : memref<64x64xbf16, #tpu.memory_space<vmem>>) dst(%dma_wait3A_1199 : memref<64x64xbf16, #tpu.memory_space<vmem_shared>>)
      tpu.yield
    }) : () -> ()
    %add3A_111 = arith.constant 3072 : i32
    %add3A_112 = arith.addi %mul3A_6, %add3A_111 : i32
    "tpu.region"() ({
      %run_scoped3A = tpu.sem_alloc : memref<!tpu.dma_semaphore, #tpu.memory_space<semaphore_mem>>
      %dma_start3A_1192 = arith.constant 0 : i32
      %dma_start3A_1193 = tpu.memref_slice %arg14[%add3A_112, %dma_start3A_1192] : memref<50176x64xbf16, #tpu.memory_space<vmem_shared>> -> memref<64x64xbf16, #tpu.memory_space<vmem_shared>>
      %dma_start3A_1194 = arith.constant 0 : i32
      %dma_start3A_1195 = tpu.memref_slice %arg14[%add3A_112, %dma_start3A_1194] : memref<50176x64xbf16, #tpu.memory_space<vmem_shared>> -> memref<64x64xbf16, #tpu.memory_space<vmem_shared>>
      tpu.enqueue_dma source(%arg13 : memref<64x64xbf16, #tpu.memory_space<vmem>>) target(%dma_start3A_1195 : memref<64x64xbf16, #tpu.memory_space<vmem_shared>>) target_semaphore(%run_scoped3A : memref<!tpu.dma_semaphore, #tpu.memory_space<semaphore_mem>>)
      %dma_wait3A_1196 = arith.constant 0 : i32
      %dma_wait3A_1197 = tpu.memref_slice %arg14[%add3A_112, %dma_wait3A_1196] : memref<50176x64xbf16, #tpu.memory_space<vmem_shared>> -> memref<64x64xbf16, #tpu.memory_space<vmem_shared>>
      %dma_wait3A_1198 = arith.constant 0 : i32
      %dma_wait3A_1199 = tpu.memref_slice %arg14[%add3A_112, %dma_wait3A_1198] : memref<50176x64xbf16, #tpu.memory_space<vmem_shared>> -> memref<64x64xbf16, #tpu.memory_space<vmem_shared>>
      tpu.wait_dma2 semaphore(%run_scoped3A : memref<!tpu.dma_semaphore, #tpu.memory_space<semaphore_mem>>) src(%arg13 : memref<64x64xbf16, #tpu.memory_space<vmem>>) dst(%dma_wait3A_1199 : memref<64x64xbf16, #tpu.memory_space<vmem_shared>>)
      tpu.yield
    }) : () -> ()
    %barrier3A = arith.constant 0 : index
    tpu.barrier barrier_id(%barrier3A)
    %dma_wait3A = arith.constant 0 : i32
    %dma_wait3A_113 = tpu.memref_slice %arg3[%mul3A_11, %dma_wait3A] : memref<7936x128xi32, #tpu.memory_space<hbm>> -> memref<4x128xi32, #tpu.memory_space<hbm>>
    %dma_wait3A_114 = arith.constant 0 : i32
    %dma_wait3A_115 = tpu.memref_slice %arg3[%mul3A_11, %dma_wait3A_114] : memref<7936x128xi32, #tpu.memory_space<hbm>> -> memref<4x128xi32, #tpu.memory_space<hbm>>
    tpu.wait_dma2 semaphore(%arg15 : memref<!tpu.dma_semaphore, #tpu.memory_space<semaphore_mem>>) src(%dma_wait3A_115 : memref<4x128xi32, #tpu.memory_space<hbm>>) dst(%arg5 : memref<4x128xi32, #tpu.memory_space<vmem>>)
    %get3A = arith.constant 0 : i32
    %get3A_116 = arith.index_cast %get3A : i32 to index
    %get3A_117 = arith.constant 0 : index
    %get3A_118 = tpu.vector_load %arg5[%get3A_116, %get3A_117] {strides = array<i32>} : memref<4x128xi32, #tpu.memory_space<vmem>>, vector<1x16xi32>,
    %get3A_119 = vector.shape_cast %get3A_118 : vector<1x16xi32> to vector<16xi32>
    %mul3A_120 = arith.constant 2 : i32
    %mul3A_121 = vector.broadcast %mul3A_120 : i32 to vector<16xi32>
    %mul3A_122 = arith.muli %get3A_119, %mul3A_121 : vector<16xi32>
    %add3A_123 = vector.broadcast %arg0 : i32 to vector<16xi32>
    %add3A_124 = arith.addi %mul3A_122, %add3A_123 : vector<16xi32>
    %swap3A = arith.constant 0 : i32
    %swap3A_125 = arith.index_cast %swap3A : i32 to index
    %swap3A_126 = arith.constant 0 : index
    %swap3A_127 = tpu.vector_load %arg7[%swap3A_125, %swap3A_126] {strides = array<i32>} : memref<2x128xi32, #tpu.memory_space<vmem>>, vector<1x16xi32>,
    %swap3A_128 = vector.shape_cast %swap3A_127 : vector<1x16xi32> to vector<16xi32>
    %swap3A_129 = vector.shape_cast %add3A_124 : vector<16xi32> to vector<1x16xi32>
    tpu.vector_store %arg7[%swap3A_125, %swap3A_126], %swap3A_129 {strides = array<i32>} : memref<2x128xi32, #tpu.memory_space<vmem>>, vector<1x16xi32>,
    %get3A_130 = arith.constant 1 : i32
    %get3A_131 = arith.index_cast %get3A_130 : i32 to index
    %get3A_132 = arith.constant 0 : index
    %get3A_133 = tpu.vector_load %arg5[%get3A_131, %get3A_132] {strides = array<i32>} : memref<4x128xi32, #tpu.memory_space<vmem>>, vector<1x16xi32>,
    %get3A_134 = vector.shape_cast %get3A_133 : vector<1x16xi32> to vector<16xi32>
    %swap3A_135 = arith.constant 0 : i32
    %swap3A_136 = arith.index_cast %swap3A_135 : i32 to index
    %swap3A_137 = arith.constant 0 : index
    %swap3A_138 = tpu.vector_load %arg9[%swap3A_136, %swap3A_137] {strides = array<i32>} : memref<2x128xi32, #tpu.memory_space<vmem>>, vector<1x16xi32>,
    %swap3A_139 = vector.shape_cast %swap3A_138 : vector<1x16xi32> to vector<16xi32>
    %swap3A_140 = vector.shape_cast %get3A_134 : vector<16xi32> to vector<1x16xi32>
    tpu.vector_store %arg9[%swap3A_136, %swap3A_137], %swap3A_140 {strides = array<i32>} : memref<2x128xi32, #tpu.memory_space<vmem>>, vector<1x16xi32>,
    %get3A_141 = arith.constant 0 : i32
    %get3A_142 = arith.index_cast %get3A_141 : i32 to index
    %get3A_143 = arith.constant 16 : index
    %get3A_144 = tpu.vector_load %arg5[%get3A_142, %get3A_143] {strides = array<i32>} : memref<4x128xi32, #tpu.memory_space<vmem>>, vector<1x16xi32>,
    %get3A_145 = vector.shape_cast %get3A_144 : vector<1x16xi32> to vector<16xi32>
    %mul3A_146 = arith.constant 2 : i32
    %mul3A_147 = vector.broadcast %mul3A_146 : i32 to vector<16xi32>
    %mul3A_148 = arith.muli %get3A_145, %mul3A_147 : vector<16xi32>
    %add3A_149 = vector.broadcast %arg0 : i32 to vector<16xi32>
    %add3A_150 = arith.addi %mul3A_148, %add3A_149 : vector<16xi32>
    %swap3A_151 = arith.constant 0 : i32
    %swap3A_152 = arith.index_cast %swap3A_151 : i32 to index
    %swap3A_153 = arith.constant 16 : index
    %swap3A_154 = tpu.vector_load %arg7[%swap3A_152, %swap3A_153] {strides = array<i32>} : memref<2x128xi32, #tpu.memory_space<vmem>>, vector<1x16xi32>,
    %swap3A_155 = vector.shape_cast %swap3A_154 : vector<1x16xi32> to vector<16xi32>
    %swap3A_156 = vector.shape_cast %add3A_150 : vector<16xi32> to vector<1x16xi32>
    tpu.vector_store %arg7[%swap3A_152, %swap3A_153], %swap3A_156 {strides = array<i32>} : memref<2x128xi32, #tpu.memory_space<vmem>>, vector<1x16xi32>,
    %get3A_157 = arith.constant 1 : i32
    %get3A_158 = arith.index_cast %get3A_157 : i32 to index
    %get3A_159 = arith.constant 16 : index
    %get3A_160 = tpu.vector_load %arg5[%get3A_158, %get3A_159] {strides = array<i32>} : memref<4x128xi32, #tpu.memory_space<vmem>>, vector<1x16xi32>,
    %get3A_161 = vector.shape_cast %get3A_160 : vector<1x16xi32> to vector<16xi32>
    %swap3A_162 = arith.constant 0 : i32
    %swap3A_163 = arith.index_cast %swap3A_162 : i32 to index
    %swap3A_164 = arith.constant 16 : index
    %swap3A_165 = tpu.vector_load %arg9[%swap3A_163, %swap3A_164] {strides = array<i32>} : memref<2x128xi32, #tpu.memory_space<vmem>>, vector<1x16xi32>,
    %swap3A_166 = vector.shape_cast %swap3A_165 : vector<1x16xi32> to vector<16xi32>
    %swap3A_167 = vector.shape_cast %get3A_161 : vector<16xi32> to vector<1x16xi32>
    tpu.vector_store %arg9[%swap3A_163, %swap3A_164], %swap3A_167 {strides = array<i32>} : memref<2x128xi32, #tpu.memory_space<vmem>>, vector<1x16xi32>,
    %get3A_168 = arith.constant 0 : i32
    %get3A_169 = arith.index_cast %get3A_168 : i32 to index
    %get3A_170 = arith.constant 32 : index
    %get3A_171 = tpu.vector_load %arg5[%get3A_169, %get3A_170] {strides = array<i32>} : memref<4x128xi32, #tpu.memory_space<vmem>>, vector<1x16xi32>,
    %get3A_172 = vector.shape_cast %get3A_171 : vector<1x16xi32> to vector<16xi32>
    %mul3A_173 = arith.constant 2 : i32
    %mul3A_174 = vector.broadcast %mul3A_173 : i32 to vector<16xi32>
    %mul3A_175 = arith.muli %get3A_172, %mul3A_174 : vector<16xi32>
    %add3A_176 = vector.broadcast %arg0 : i32 to vector<16xi32>
    %add3A_177 = arith.addi %mul3A_175, %add3A_176 : vector<16xi32>
    %swap3A_178 = arith.constant 0 : i32
    %swap3A_179 = arith.index_cast %swap3A_178 : i32 to index
    %swap3A_180 = arith.constant 32 : index
    %swap3A_181 = tpu.vector_load %arg7[%swap3A_179, %swap3A_180] {strides = array<i32>} : memref<2x128xi32, #tpu.memory_space<vmem>>, vector<1x16xi32>,
    %swap3A_182 = vector.shape_cast %swap3A_181 : vector<1x16xi32> to vector<16xi32>
    %swap3A_183 = vector.shape_cast %add3A_177 : vector<16xi32> to vector<1x16xi32>
    tpu.vector_store %arg7[%swap3A_179, %swap3A_180], %swap3A_183 {strides = array<i32>} : memref<2x128xi32, #tpu.memory_space<vmem>>, vector<1x16xi32>,
    %get3A_184 = arith.constant 1 : i32
    %get3A_185 = arith.index_cast %get3A_184 : i32 to index
    %get3A_186 = arith.constant 32 : index
    %get3A_187 = tpu.vector_load %arg5[%get3A_185, %get3A_186] {strides = array<i32>} : memref<4x128xi32, #tpu.memory_space<vmem>>, vector<1x16xi32>,
    %get3A_188 = vector.shape_cast %get3A_187 : vector<1x16xi32> to vector<16xi32>
    %swap3A_189 = arith.constant 0 : i32
    %swap3A_190 = arith.index_cast %swap3A_189 : i32 to index
    %swap3A_191 = arith.constant 32 : index
    %swap3A_192 = tpu.vector_load %arg9[%swap3A_190, %swap3A_191] {strides = array<i32>} : memref<2x128xi32, #tpu.memory_space<vmem>>, vector<1x16xi32>,
    %swap3A_193 = vector.shape_cast %swap3A_192 : vector<1x16xi32> to vector<16xi32>
    %swap3A_194 = vector.shape_cast %get3A_188 : vector<16xi32> to vector<1x16xi32>
    tpu.vector_store %arg9[%swap3A_190, %swap3A_191], %swap3A_194 {strides = array<i32>} : memref<2x128xi32, #tpu.memory_space<vmem>>, vector<1x16xi32>,
    %get3A_195 = arith.constant 0 : i32
    %get3A_196 = arith.index_cast %get3A_195 : i32 to index
    %get3A_197 = arith.constant 48 : index
    %get3A_198 = tpu.vector_load %arg5[%get3A_196, %get3A_197] {strides = array<i32>} : memref<4x128xi32, #tpu.memory_space<vmem>>, vector<1x16xi32>,
    %get3A_199 = vector.shape_cast %get3A_198 : vector<1x16xi32> to vector<16xi32>
    %mul3A_200 = arith.constant 2 : i32
    %mul3A_201 = vector.broadcast %mul3A_200 : i32 to vector<16xi32>
    %mul3A_202 = arith.muli %get3A_199, %mul3A_201 : vector<16xi32>
    %add3A_203 = vector.broadcast %arg0 : i32 to vector<16xi32>
    %add3A_204 = arith.addi %mul3A_202, %add3A_203 : vector<16xi32>
    %swap3A_205 = arith.constant 0 : i32
    %swap3A_206 = arith.index_cast %swap3A_205 : i32 to index
    %swap3A_207 = arith.constant 48 : index
    %swap3A_208 = tpu.vector_load %arg7[%swap3A_206, %swap3A_207] {strides = array<i32>} : memref<2x128xi32, #tpu.memory_space<vmem>>, vector<1x16xi32>,
    %swap3A_209 = vector.shape_cast %swap3A_208 : vector<1x16xi32> to vector<16xi32>
    %swap3A_210 = vector.shape_cast %add3A_204 : vector<16xi32> to vector<1x16xi32>
    tpu.vector_store %arg7[%swap3A_206, %swap3A_207], %swap3A_210 {strides = array<i32>} : memref<2x128xi32, #tpu.memory_space<vmem>>, vector<1x16xi32>,
    %get3A_211 = arith.constant 1 : i32
    %get3A_212 = arith.index_cast %get3A_211 : i32 to index
    %get3A_213 = arith.constant 48 : index
    %get3A_214 = tpu.vector_load %arg5[%get3A_212, %get3A_213] {strides = array<i32>} : memref<4x128xi32, #tpu.memory_space<vmem>>, vector<1x16xi32>,
    %get3A_215 = vector.shape_cast %get3A_214 : vector<1x16xi32> to vector<16xi32>
    %swap3A_216 = arith.constant 0 : i32
    %swap3A_217 = arith.index_cast %swap3A_216 : i32 to index
    %swap3A_218 = arith.constant 48 : index
    %swap3A_219 = tpu.vector_load %arg9[%swap3A_217, %swap3A_218] {strides = array<i32>} : memref<2x128xi32, #tpu.memory_space<vmem>>, vector<1x16xi32>,
    %swap3A_220 = vector.shape_cast %swap3A_219 : vector<1x16xi32> to vector<16xi32>
    %swap3A_221 = vector.shape_cast %get3A_215 : vector<16xi32> to vector<1x16xi32>
    tpu.vector_store %arg9[%swap3A_217, %swap3A_218], %swap3A_221 {strides = array<i32>} : memref<2x128xi32, #tpu.memory_space<vmem>>, vector<1x16xi32>,
    %get3A_222 = arith.constant 0 : i32
    %get3A_223 = arith.index_cast %get3A_222 : i32 to index
    %get3A_224 = arith.constant 64 : index
    %get3A_225 = tpu.vector_load %arg5[%get3A_223, %get3A_224] {strides = array<i32>} : memref<4x128xi32, #tpu.memory_space<vmem>>, vector<1x16xi32>,
    %get3A_226 = vector.shape_cast %get3A_225 : vector<1x16xi32> to vector<16xi32>
    %mul3A_227 = arith.constant 2 : i32
    %mul3A_228 = vector.broadcast %mul3A_227 : i32 to vector<16xi32>
    %mul3A_229 = arith.muli %get3A_226, %mul3A_228 : vector<16xi32>
    %add3A_230 = vector.broadcast %arg0 : i32 to vector<16xi32>
    %add3A_231 = arith.addi %mul3A_229, %add3A_230 : vector<16xi32>
    %swap3A_232 = arith.constant 0 : i32
    %swap3A_233 = arith.index_cast %swap3A_232 : i32 to index
    %swap3A_234 = arith.constant 64 : index
    %swap3A_235 = tpu.vector_load %arg7[%swap3A_233, %swap3A_234] {strides = array<i32>} : memref<2x128xi32, #tpu.memory_space<vmem>>, vector<1x16xi32>,
    %swap3A_236 = vector.shape_cast %swap3A_235 : vector<1x16xi32> to vector<16xi32>
    %swap3A_237 = vector.shape_cast %add3A_231 : vector<16xi32> to vector<1x16xi32>
    tpu.vector_store %arg7[%swap3A_233, %swap3A_234], %swap3A_237 {strides = array<i32>} : memref<2x128xi32, #tpu.memory_space<vmem>>, vector<1x16xi32>,
    %get3A_238 = arith.constant 1 : i32
    %get3A_239 = arith.index_cast %get3A_238 : i32 to index
    %get3A_240 = arith.constant 64 : index
    %get3A_241 = tpu.vector_load %arg5[%get3A_239, %get3A_240] {strides = array<i32>} : memref<4x128xi32, #tpu.memory_space<vmem>>, vector<1x16xi32>,
    %get3A_242 = vector.shape_cast %get3A_241 : vector<1x16xi32> to vector<16xi32>
    %swap3A_243 = arith.constant 0 : i32
    %swap3A_244 = arith.index_cast %swap3A_243 : i32 to index
    %swap3A_245 = arith.constant 64 : index
    %swap3A_246 = tpu.vector_load %arg9[%swap3A_244, %swap3A_245] {strides = array<i32>} : memref<2x128xi32, #tpu.memory_space<vmem>>, vector<1x16xi32>,
    %swap3A_247 = vector.shape_cast %swap3A_246 : vector<1x16xi32> to vector<16xi32>
    %swap3A_248 = vector.shape_cast %get3A_242 : vector<16xi32> to vector<1x16xi32>
    tpu.vector_store %arg9[%swap3A_244, %swap3A_245], %swap3A_248 {strides = array<i32>} : memref<2x128xi32, #tpu.memory_space<vmem>>, vector<1x16xi32>,
    %get3A_249 = arith.constant 0 : i32
    %get3A_250 = arith.index_cast %get3A_249 : i32 to index
    %get3A_251 = arith.constant 80 : index
    %get3A_252 = tpu.vector_load %arg5[%get3A_250, %get3A_251] {strides = array<i32>} : memref<4x128xi32, #tpu.memory_space<vmem>>, vector<1x16xi32>,
    %get3A_253 = vector.shape_cast %get3A_252 : vector<1x16xi32> to vector<16xi32>
    %mul3A_254 = arith.constant 2 : i32
    %mul3A_255 = vector.broadcast %mul3A_254 : i32 to vector<16xi32>
    %mul3A_256 = arith.muli %get3A_253, %mul3A_255 : vector<16xi32>
    %add3A_257 = vector.broadcast %arg0 : i32 to vector<16xi32>
    %add3A_258 = arith.addi %mul3A_256, %add3A_257 : vector<16xi32>
    %swap3A_259 = arith.constant 0 : i32
    %swap3A_260 = arith.index_cast %swap3A_259 : i32 to index
    %swap3A_261 = arith.constant 80 : index
    %swap3A_262 = tpu.vector_load %arg7[%swap3A_260, %swap3A_261] {strides = array<i32>} : memref<2x128xi32, #tpu.memory_space<vmem>>, vector<1x16xi32>,
    %swap3A_263 = vector.shape_cast %swap3A_262 : vector<1x16xi32> to vector<16xi32>
    %swap3A_264 = vector.shape_cast %add3A_258 : vector<16xi32> to vector<1x16xi32>
    tpu.vector_store %arg7[%swap3A_260, %swap3A_261], %swap3A_264 {strides = array<i32>} : memref<2x128xi32, #tpu.memory_space<vmem>>, vector<1x16xi32>,
    %get3A_265 = arith.constant 1 : i32
    %get3A_266 = arith.index_cast %get3A_265 : i32 to index
    %get3A_267 = arith.constant 80 : index
    %get3A_268 = tpu.vector_load %arg5[%get3A_266, %get3A_267] {strides = array<i32>} : memref<4x128xi32, #tpu.memory_space<vmem>>, vector<1x16xi32>,
    %get3A_269 = vector.shape_cast %get3A_268 : vector<1x16xi32> to vector<16xi32>
    %swap3A_270 = arith.constant 0 : i32
    %swap3A_271 = arith.index_cast %swap3A_270 : i32 to index
    %swap3A_272 = arith.constant 80 : index
    %swap3A_273 = tpu.vector_load %arg9[%swap3A_271, %swap3A_272] {strides = array<i32>} : memref<2x128xi32, #tpu.memory_space<vmem>>, vector<1x16xi32>,
    %swap3A_274 = vector.shape_cast %swap3A_273 : vector<1x16xi32> to vector<16xi32>
    %swap3A_275 = vector.shape_cast %get3A_269 : vector<16xi32> to vector<1x16xi32>
    tpu.vector_store %arg9[%swap3A_271, %swap3A_272], %swap3A_275 {strides = array<i32>} : memref<2x128xi32, #tpu.memory_space<vmem>>, vector<1x16xi32>,
    %get3A_276 = arith.constant 0 : i32
    %get3A_277 = arith.index_cast %get3A_276 : i32 to index
    %get3A_278 = arith.constant 96 : index
    %get3A_279 = tpu.vector_load %arg5[%get3A_277, %get3A_278] {strides = array<i32>} : memref<4x128xi32, #tpu.memory_space<vmem>>, vector<1x16xi32>,
    %get3A_280 = vector.shape_cast %get3A_279 : vector<1x16xi32> to vector<16xi32>
    %mul3A_281 = arith.constant 2 : i32
    %mul3A_282 = vector.broadcast %mul3A_281 : i32 to vector<16xi32>
    %mul3A_283 = arith.muli %get3A_280, %mul3A_282 : vector<16xi32>
    %add3A_284 = vector.broadcast %arg0 : i32 to vector<16xi32>
    %add3A_285 = arith.addi %mul3A_283, %add3A_284 : vector<16xi32>
    %swap3A_286 = arith.constant 0 : i32
    %swap3A_287 = arith.index_cast %swap3A_286 : i32 to index
    %swap3A_288 = arith.constant 96 : index
    %swap3A_289 = tpu.vector_load %arg7[%swap3A_287, %swap3A_288] {strides = array<i32>} : memref<2x128xi32, #tpu.memory_space<vmem>>, vector<1x16xi32>,
    %swap3A_290 = vector.shape_cast %swap3A_289 : vector<1x16xi32> to vector<16xi32>
    %swap3A_291 = vector.shape_cast %add3A_285 : vector<16xi32> to vector<1x16xi32>
    tpu.vector_store %arg7[%swap3A_287, %swap3A_288], %swap3A_291 {strides = array<i32>} : memref<2x128xi32, #tpu.memory_space<vmem>>, vector<1x16xi32>,
    %get3A_292 = arith.constant 1 : i32
    %get3A_293 = arith.index_cast %get3A_292 : i32 to index
    %get3A_294 = arith.constant 96 : index
    %get3A_295 = tpu.vector_load %arg5[%get3A_293, %get3A_294] {strides = array<i32>} : memref<4x128xi32, #tpu.memory_space<vmem>>, vector<1x16xi32>,
    %get3A_296 = vector.shape_cast %get3A_295 : vector<1x16xi32> to vector<16xi32>
    %swap3A_297 = arith.constant 0 : i32
    %swap3A_298 = arith.index_cast %swap3A_297 : i32 to index
    %swap3A_299 = arith.constant 96 : index
    %swap3A_300 = tpu.vector_load %arg9[%swap3A_298, %swap3A_299] {strides = array<i32>} : memref<2x128xi32, #tpu.memory_space<vmem>>, vector<1x16xi32>,
    %swap3A_301 = vector.shape_cast %swap3A_300 : vector<1x16xi32> to vector<16xi32>
    %swap3A_302 = vector.shape_cast %get3A_296 : vector<16xi32> to vector<1x16xi32>
    tpu.vector_store %arg9[%swap3A_298, %swap3A_299], %swap3A_302 {strides = array<i32>} : memref<2x128xi32, #tpu.memory_space<vmem>>, vector<1x16xi32>,
    %get3A_303 = arith.constant 0 : i32
    %get3A_304 = arith.index_cast %get3A_303 : i32 to index
    %get3A_305 = arith.constant 112 : index
    %get3A_306 = tpu.vector_load %arg5[%get3A_304, %get3A_305] {strides = array<i32>} : memref<4x128xi32, #tpu.memory_space<vmem>>, vector<1x16xi32>,
    %get3A_307 = vector.shape_cast %get3A_306 : vector<1x16xi32> to vector<16xi32>
    %mul3A_308 = arith.constant 2 : i32
    %mul3A_309 = vector.broadcast %mul3A_308 : i32 to vector<16xi32>
    %mul3A_310 = arith.muli %get3A_307, %mul3A_309 : vector<16xi32>
    %add3A_311 = vector.broadcast %arg0 : i32 to vector<16xi32>
    %add3A_312 = arith.addi %mul3A_310, %add3A_311 : vector<16xi32>
    %swap3A_313 = arith.constant 0 : i32
    %swap3A_314 = arith.index_cast %swap3A_313 : i32 to index
    %swap3A_315 = arith.constant 112 : index
    %swap3A_316 = tpu.vector_load %arg7[%swap3A_314, %swap3A_315] {strides = array<i32>} : memref<2x128xi32, #tpu.memory_space<vmem>>, vector<1x16xi32>,
    %swap3A_317 = vector.shape_cast %swap3A_316 : vector<1x16xi32> to vector<16xi32>
    %swap3A_318 = vector.shape_cast %add3A_312 : vector<16xi32> to vector<1x16xi32>
    tpu.vector_store %arg7[%swap3A_314, %swap3A_315], %swap3A_318 {strides = array<i32>} : memref<2x128xi32, #tpu.memory_space<vmem>>, vector<1x16xi32>,
    %get3A_319 = arith.constant 1 : i32
    %get3A_320 = arith.index_cast %get3A_319 : i32 to index
    %get3A_321 = arith.constant 112 : index
    %get3A_322 = tpu.vector_load %arg5[%get3A_320, %get3A_321] {strides = array<i32>} : memref<4x128xi32, #tpu.memory_space<vmem>>, vector<1x16xi32>,
    %get3A_323 = vector.shape_cast %get3A_322 : vector<1x16xi32> to vector<16xi32>
    %swap3A_324 = arith.constant 0 : i32
    %swap3A_325 = arith.index_cast %swap3A_324 : i32 to index
    %swap3A_326 = arith.constant 112 : index
    %swap3A_327 = tpu.vector_load %arg9[%swap3A_325, %swap3A_326] {strides = array<i32>} : memref<2x128xi32, #tpu.memory_space<vmem>>, vector<1x16xi32>,
    %swap3A_328 = vector.shape_cast %swap3A_327 : vector<1x16xi32> to vector<16xi32>
    %swap3A_329 = vector.shape_cast %get3A_323 : vector<16xi32> to vector<1x16xi32>
    tpu.vector_store %arg9[%swap3A_325, %swap3A_326], %swap3A_329 {strides = array<i32>} : memref<2x128xi32, #tpu.memory_space<vmem>>, vector<1x16xi32>,
    %get3A_330 = arith.constant 2 : i32
    %get3A_331 = arith.index_cast %get3A_330 : i32 to index
    %get3A_332 = arith.constant 0 : index
    %get3A_333 = tpu.vector_load %arg5[%get3A_331, %get3A_332] {strides = array<i32>} : memref<4x128xi32, #tpu.memory_space<vmem>>, vector<1x16xi32>,
    %get3A_334 = vector.shape_cast %get3A_333 : vector<1x16xi32> to vector<16xi32>
    %mul3A_335 = arith.constant 2 : i32
    %mul3A_336 = vector.broadcast %mul3A_335 : i32 to vector<16xi32>
    %mul3A_337 = arith.muli %get3A_334, %mul3A_336 : vector<16xi32>
    %add3A_338 = vector.broadcast %arg0 : i32 to vector<16xi32>
    %add3A_339 = arith.addi %mul3A_337, %add3A_338 : vector<16xi32>
    %swap3A_340 = arith.constant 1 : i32
    %swap3A_341 = arith.index_cast %swap3A_340 : i32 to index
    %swap3A_342 = arith.constant 0 : index
    %swap3A_343 = tpu.vector_load %arg7[%swap3A_341, %swap3A_342] {strides = array<i32>} : memref<2x128xi32, #tpu.memory_space<vmem>>, vector<1x16xi32>,
    %swap3A_344 = vector.shape_cast %swap3A_343 : vector<1x16xi32> to vector<16xi32>
    %swap3A_345 = vector.shape_cast %add3A_339 : vector<16xi32> to vector<1x16xi32>
    tpu.vector_store %arg7[%swap3A_341, %swap3A_342], %swap3A_345 {strides = array<i32>} : memref<2x128xi32, #tpu.memory_space<vmem>>, vector<1x16xi32>,
    %get3A_346 = arith.constant 3 : i32
    %get3A_347 = arith.index_cast %get3A_346 : i32 to index
    %get3A_348 = arith.constant 0 : index
    %get3A_349 = tpu.vector_load %arg5[%get3A_347, %get3A_348] {strides = array<i32>} : memref<4x128xi32, #tpu.memory_space<vmem>>, vector<1x16xi32>,
    %get3A_350 = vector.shape_cast %get3A_349 : vector<1x16xi32> to vector<16xi32>
    %swap3A_351 = arith.constant 1 : i32
    %swap3A_352 = arith.index_cast %swap3A_351 : i32 to index
    %swap3A_353 = arith.constant 0 : index
    %swap3A_354 = tpu.vector_load %arg9[%swap3A_352, %swap3A_353] {strides = array<i32>} : memref<2x128xi32, #tpu.memory_space<vmem>>, vector<1x16xi32>,
    %swap3A_355 = vector.shape_cast %swap3A_354 : vector<1x16xi32> to vector<16xi32>
    %swap3A_356 = vector.shape_cast %get3A_350 : vector<16xi32> to vector<1x16xi32>
    tpu.vector_store %arg9[%swap3A_352, %swap3A_353], %swap3A_356 {strides = array<i32>} : memref<2x128xi32, #tpu.memory_space<vmem>>, vector<1x16xi32>,
    %get3A_357 = arith.constant 2 : i32
    %get3A_358 = arith.index_cast %get3A_357 : i32 to index
    %get3A_359 = arith.constant 16 : index
    %get3A_360 = tpu.vector_load %arg5[%get3A_358, %get3A_359] {strides = array<i32>} : memref<4x128xi32, #tpu.memory_space<vmem>>, vector<1x16xi32>,
    %get3A_361 = vector.shape_cast %get3A_360 : vector<1x16xi32> to vector<16xi32>
    %mul3A_362 = arith.constant 2 : i32
    %mul3A_363 = vector.broadcast %mul3A_362 : i32 to vector<16xi32>
    %mul3A_364 = arith.muli %get3A_361, %mul3A_363 : vector<16xi32>
    %add3A_365 = vector.broadcast %arg0 : i32 to vector<16xi32>
    %add3A_366 = arith.addi %mul3A_364, %add3A_365 : vector<16xi32>
    %swap3A_367 = arith.constant 1 : i32
    %swap3A_368 = arith.index_cast %swap3A_367 : i32 to index
    %swap3A_369 = arith.constant 16 : index
    %swap3A_370 = tpu.vector_load %arg7[%swap3A_368, %swap3A_369] {strides = array<i32>} : memref<2x128xi32, #tpu.memory_space<vmem>>, vector<1x16xi32>,
    %swap3A_371 = vector.shape_cast %swap3A_370 : vector<1x16xi32> to vector<16xi32>
    %swap3A_372 = vector.shape_cast %add3A_366 : vector<16xi32> to vector<1x16xi32>
    tpu.vector_store %arg7[%swap3A_368, %swap3A_369], %swap3A_372 {strides = array<i32>} : memref<2x128xi32, #tpu.memory_space<vmem>>, vector<1x16xi32>,
    %get3A_373 = arith.constant 3 : i32
    %get3A_374 = arith.index_cast %get3A_373 : i32 to index
    %get3A_375 = arith.constant 16 : index
    %get3A_376 = tpu.vector_load %arg5[%get3A_374, %get3A_375] {strides = array<i32>} : memref<4x128xi32, #tpu.memory_space<vmem>>, vector<1x16xi32>,
    %get3A_377 = vector.shape_cast %get3A_376 : vector<1x16xi32> to vector<16xi32>
    %swap3A_378 = arith.constant 1 : i32
    %swap3A_379 = arith.index_cast %swap3A_378 : i32 to index
    %swap3A_380 = arith.constant 16 : index
    %swap3A_381 = tpu.vector_load %arg9[%swap3A_379, %swap3A_380] {strides = array<i32>} : memref<2x128xi32, #tpu.memory_space<vmem>>, vector<1x16xi32>,
    %swap3A_382 = vector.shape_cast %swap3A_381 : vector<1x16xi32> to vector<16xi32>
    %swap3A_383 = vector.shape_cast %get3A_377 : vector<16xi32> to vector<1x16xi32>
    tpu.vector_store %arg9[%swap3A_379, %swap3A_380], %swap3A_383 {strides = array<i32>} : memref<2x128xi32, #tpu.memory_space<vmem>>, vector<1x16xi32>,
    %get3A_384 = arith.constant 2 : i32
    %get3A_385 = arith.index_cast %get3A_384 : i32 to index
    %get3A_386 = arith.constant 32 : index
    %get3A_387 = tpu.vector_load %arg5[%get3A_385, %get3A_386] {strides = array<i32>} : memref<4x128xi32, #tpu.memory_space<vmem>>, vector<1x16xi32>,
    %get3A_388 = vector.shape_cast %get3A_387 : vector<1x16xi32> to vector<16xi32>
    %mul3A_389 = arith.constant 2 : i32
    %mul3A_390 = vector.broadcast %mul3A_389 : i32 to vector<16xi32>
    %mul3A_391 = arith.muli %get3A_388, %mul3A_390 : vector<16xi32>
    %add3A_392 = vector.broadcast %arg0 : i32 to vector<16xi32>
    %add3A_393 = arith.addi %mul3A_391, %add3A_392 : vector<16xi32>
    %swap3A_394 = arith.constant 1 : i32
    %swap3A_395 = arith.index_cast %swap3A_394 : i32 to index
    %swap3A_396 = arith.constant 32 : index
    %swap3A_397 = tpu.vector_load %arg7[%swap3A_395, %swap3A_396] {strides = array<i32>} : memref<2x128xi32, #tpu.memory_space<vmem>>, vector<1x16xi32>,
    %swap3A_398 = vector.shape_cast %swap3A_397 : vector<1x16xi32> to vector<16xi32>
    %swap3A_399 = vector.shape_cast %add3A_393 : vector<16xi32> to vector<1x16xi32>
    tpu.vector_store %arg7[%swap3A_395, %swap3A_396], %swap3A_399 {strides = array<i32>} : memref<2x128xi32, #tpu.memory_space<vmem>>, vector<1x16xi32>,
    %get3A_400 = arith.constant 3 : i32
    %get3A_401 = arith.index_cast %get3A_400 : i32 to index
    %get3A_402 = arith.constant 32 : index
    %get3A_403 = tpu.vector_load %arg5[%get3A_401, %get3A_402] {strides = array<i32>} : memref<4x128xi32, #tpu.memory_space<vmem>>, vector<1x16xi32>,
    %get3A_404 = vector.shape_cast %get3A_403 : vector<1x16xi32> to vector<16xi32>
    %swap3A_405 = arith.constant 1 : i32
    %swap3A_406 = arith.index_cast %swap3A_405 : i32 to index
    %swap3A_407 = arith.constant 32 : index
    %swap3A_408 = tpu.vector_load %arg9[%swap3A_406, %swap3A_407] {strides = array<i32>} : memref<2x128xi32, #tpu.memory_space<vmem>>, vector<1x16xi32>,
    %swap3A_409 = vector.shape_cast %swap3A_408 : vector<1x16xi32> to vector<16xi32>
    %swap3A_410 = vector.shape_cast %get3A_404 : vector<16xi32> to vector<1x16xi32>
    tpu.vector_store %arg9[%swap3A_406, %swap3A_407], %swap3A_410 {strides = array<i32>} : memref<2x128xi32, #tpu.memory_space<vmem>>, vector<1x16xi32>,
    %get3A_411 = arith.constant 2 : i32
    %get3A_412 = arith.index_cast %get3A_411 : i32 to index
    %get3A_413 = arith.constant 48 : index
    %get3A_414 = tpu.vector_load %arg5[%get3A_412, %get3A_413] {strides = array<i32>} : memref<4x128xi32, #tpu.memory_space<vmem>>, vector<1x16xi32>,
    %get3A_415 = vector.shape_cast %get3A_414 : vector<1x16xi32> to vector<16xi32>
    %mul3A_416 = arith.constant 2 : i32
    %mul3A_417 = vector.broadcast %mul3A_416 : i32 to vector<16xi32>
    %mul3A_418 = arith.muli %get3A_415, %mul3A_417 : vector<16xi32>
    %add3A_419 = vector.broadcast %arg0 : i32 to vector<16xi32>
    %add3A_420 = arith.addi %mul3A_418, %add3A_419 : vector<16xi32>
    %swap3A_421 = arith.constant 1 : i32
    %swap3A_422 = arith.index_cast %swap3A_421 : i32 to index
    %swap3A_423 = arith.constant 48 : index
    %swap3A_424 = tpu.vector_load %arg7[%swap3A_422, %swap3A_423] {strides = array<i32>} : memref<2x128xi32, #tpu.memory_space<vmem>>, vector<1x16xi32>,
    %swap3A_425 = vector.shape_cast %swap3A_424 : vector<1x16xi32> to vector<16xi32>
    %swap3A_426 = vector.shape_cast %add3A_420 : vector<16xi32> to vector<1x16xi32>
    tpu.vector_store %arg7[%swap3A_422, %swap3A_423], %swap3A_426 {strides = array<i32>} : memref<2x128xi32, #tpu.memory_space<vmem>>, vector<1x16xi32>,
    %get3A_427 = arith.constant 3 : i32
    %get3A_428 = arith.index_cast %get3A_427 : i32 to index
    %get3A_429 = arith.constant 48 : index
    %get3A_430 = tpu.vector_load %arg5[%get3A_428, %get3A_429] {strides = array<i32>} : memref<4x128xi32, #tpu.memory_space<vmem>>, vector<1x16xi32>,
    %get3A_431 = vector.shape_cast %get3A_430 : vector<1x16xi32> to vector<16xi32>
    %swap3A_432 = arith.constant 1 : i32
    %swap3A_433 = arith.index_cast %swap3A_432 : i32 to index
    %swap3A_434 = arith.constant 48 : index
    %swap3A_435 = tpu.vector_load %arg9[%swap3A_433, %swap3A_434] {strides = array<i32>} : memref<2x128xi32, #tpu.memory_space<vmem>>, vector<1x16xi32>,
    %swap3A_436 = vector.shape_cast %swap3A_435 : vector<1x16xi32> to vector<16xi32>
    %swap3A_437 = vector.shape_cast %get3A_431 : vector<16xi32> to vector<1x16xi32>
    tpu.vector_store %arg9[%swap3A_433, %swap3A_434], %swap3A_437 {strides = array<i32>} : memref<2x128xi32, #tpu.memory_space<vmem>>, vector<1x16xi32>,
    %get3A_438 = arith.constant 2 : i32
    %get3A_439 = arith.index_cast %get3A_438 : i32 to index
    %get3A_440 = arith.constant 64 : index
    %get3A_441 = tpu.vector_load %arg5[%get3A_439, %get3A_440] {strides = array<i32>} : memref<4x128xi32, #tpu.memory_space<vmem>>, vector<1x16xi32>,
    %get3A_442 = vector.shape_cast %get3A_441 : vector<1x16xi32> to vector<16xi32>
    %mul3A_443 = arith.constant 2 : i32
    %mul3A_444 = vector.broadcast %mul3A_443 : i32 to vector<16xi32>
    %mul3A_445 = arith.muli %get3A_442, %mul3A_444 : vector<16xi32>
    %add3A_446 = vector.broadcast %arg0 : i32 to vector<16xi32>
    %add3A_447 = arith.addi %mul3A_445, %add3A_446 : vector<16xi32>
    %swap3A_448 = arith.constant 1 : i32
    %swap3A_449 = arith.index_cast %swap3A_448 : i32 to index
    %swap3A_450 = arith.constant 64 : index
    %swap3A_451 = tpu.vector_load %arg7[%swap3A_449, %swap3A_450] {strides = array<i32>} : memref<2x128xi32, #tpu.memory_space<vmem>>, vector<1x16xi32>,
    %swap3A_452 = vector.shape_cast %swap3A_451 : vector<1x16xi32> to vector<16xi32>
    %swap3A_453 = vector.shape_cast %add3A_447 : vector<16xi32> to vector<1x16xi32>
    tpu.vector_store %arg7[%swap3A_449, %swap3A_450], %swap3A_453 {strides = array<i32>} : memref<2x128xi32, #tpu.memory_space<vmem>>, vector<1x16xi32>,
    %get3A_454 = arith.constant 3 : i32
    %get3A_455 = arith.index_cast %get3A_454 : i32 to index
    %get3A_456 = arith.constant 64 : index
    %get3A_457 = tpu.vector_load %arg5[%get3A_455, %get3A_456] {strides = array<i32>} : memref<4x128xi32, #tpu.memory_space<vmem>>, vector<1x16xi32>,
    %get3A_458 = vector.shape_cast %get3A_457 : vector<1x16xi32> to vector<16xi32>
    %swap3A_459 = arith.constant 1 : i32
    %swap3A_460 = arith.index_cast %swap3A_459 : i32 to index
    %swap3A_461 = arith.constant 64 : index
    %swap3A_462 = tpu.vector_load %arg9[%swap3A_460, %swap3A_461] {strides = array<i32>} : memref<2x128xi32, #tpu.memory_space<vmem>>, vector<1x16xi32>,
    %swap3A_463 = vector.shape_cast %swap3A_462 : vector<1x16xi32> to vector<16xi32>
    %swap3A_464 = vector.shape_cast %get3A_458 : vector<16xi32> to vector<1x16xi32>
    tpu.vector_store %arg9[%swap3A_460, %swap3A_461], %swap3A_464 {strides = array<i32>} : memref<2x128xi32, #tpu.memory_space<vmem>>, vector<1x16xi32>,
    %get3A_465 = arith.constant 2 : i32
    %get3A_466 = arith.index_cast %get3A_465 : i32 to index
    %get3A_467 = arith.constant 80 : index
    %get3A_468 = tpu.vector_load %arg5[%get3A_466, %get3A_467] {strides = array<i32>} : memref<4x128xi32, #tpu.memory_space<vmem>>, vector<1x16xi32>,
    %get3A_469 = vector.shape_cast %get3A_468 : vector<1x16xi32> to vector<16xi32>
    %mul3A_470 = arith.constant 2 : i32
    %mul3A_471 = vector.broadcast %mul3A_470 : i32 to vector<16xi32>
    %mul3A_472 = arith.muli %get3A_469, %mul3A_471 : vector<16xi32>
    %add3A_473 = vector.broadcast %arg0 : i32 to vector<16xi32>
    %add3A_474 = arith.addi %mul3A_472, %add3A_473 : vector<16xi32>
    %swap3A_475 = arith.constant 1 : i32
    %swap3A_476 = arith.index_cast %swap3A_475 : i32 to index
    %swap3A_477 = arith.constant 80 : index
    %swap3A_478 = tpu.vector_load %arg7[%swap3A_476, %swap3A_477] {strides = array<i32>} : memref<2x128xi32, #tpu.memory_space<vmem>>, vector<1x16xi32>,
    %swap3A_479 = vector.shape_cast %swap3A_478 : vector<1x16xi32> to vector<16xi32>
    %swap3A_480 = vector.shape_cast %add3A_474 : vector<16xi32> to vector<1x16xi32>
    tpu.vector_store %arg7[%swap3A_476, %swap3A_477], %swap3A_480 {strides = array<i32>} : memref<2x128xi32, #tpu.memory_space<vmem>>, vector<1x16xi32>,
    %get3A_481 = arith.constant 3 : i32
    %get3A_482 = arith.index_cast %get3A_481 : i32 to index
    %get3A_483 = arith.constant 80 : index
    %get3A_484 = tpu.vector_load %arg5[%get3A_482, %get3A_483] {strides = array<i32>} : memref<4x128xi32, #tpu.memory_space<vmem>>, vector<1x16xi32>,
    %get3A_485 = vector.shape_cast %get3A_484 : vector<1x16xi32> to vector<16xi32>
    %swap3A_486 = arith.constant 1 : i32
    %swap3A_487 = arith.index_cast %swap3A_486 : i32 to index
    %swap3A_488 = arith.constant 80 : index
    %swap3A_489 = tpu.vector_load %arg9[%swap3A_487, %swap3A_488] {strides = array<i32>} : memref<2x128xi32, #tpu.memory_space<vmem>>, vector<1x16xi32>,
    %swap3A_490 = vector.shape_cast %swap3A_489 : vector<1x16xi32> to vector<16xi32>
    %swap3A_491 = vector.shape_cast %get3A_485 : vector<16xi32> to vector<1x16xi32>
    tpu.vector_store %arg9[%swap3A_487, %swap3A_488], %swap3A_491 {strides = array<i32>} : memref<2x128xi32, #tpu.memory_space<vmem>>, vector<1x16xi32>,
    %get3A_492 = arith.constant 2 : i32
    %get3A_493 = arith.index_cast %get3A_492 : i32 to index
    %get3A_494 = arith.constant 96 : index
    %get3A_495 = tpu.vector_load %arg5[%get3A_493, %get3A_494] {strides = array<i32>} : memref<4x128xi32, #tpu.memory_space<vmem>>, vector<1x16xi32>,
    %get3A_496 = vector.shape_cast %get3A_495 : vector<1x16xi32> to vector<16xi32>
    %mul3A_497 = arith.constant 2 : i32
    %mul3A_498 = vector.broadcast %mul3A_497 : i32 to vector<16xi32>
    %mul3A_499 = arith.muli %get3A_496, %mul3A_498 : vector<16xi32>
    %add3A_500 = vector.broadcast %arg0 : i32 to vector<16xi32>
    %add3A_501 = arith.addi %mul3A_499, %add3A_500 : vector<16xi32>
    %swap3A_502 = arith.constant 1 : i32
    %swap3A_503 = arith.index_cast %swap3A_502 : i32 to index
    %swap3A_504 = arith.constant 96 : index
    %swap3A_505 = tpu.vector_load %arg7[%swap3A_503, %swap3A_504] {strides = array<i32>} : memref<2x128xi32, #tpu.memory_space<vmem>>, vector<1x16xi32>,
    %swap3A_506 = vector.shape_cast %swap3A_505 : vector<1x16xi32> to vector<16xi32>
    %swap3A_507 = vector.shape_cast %add3A_501 : vector<16xi32> to vector<1x16xi32>
    tpu.vector_store %arg7[%swap3A_503, %swap3A_504], %swap3A_507 {strides = array<i32>} : memref<2x128xi32, #tpu.memory_space<vmem>>, vector<1x16xi32>,
    %get3A_508 = arith.constant 3 : i32
    %get3A_509 = arith.index_cast %get3A_508 : i32 to index
    %get3A_510 = arith.constant 96 : index
    %get3A_511 = tpu.vector_load %arg5[%get3A_509, %get3A_510] {strides = array<i32>} : memref<4x128xi32, #tpu.memory_space<vmem>>, vector<1x16xi32>,
    %get3A_512 = vector.shape_cast %get3A_511 : vector<1x16xi32> to vector<16xi32>
    %swap3A_513 = arith.constant 1 : i32
    %swap3A_514 = arith.index_cast %swap3A_513 : i32 to index
    %swap3A_515 = arith.constant 96 : index
    %swap3A_516 = tpu.vector_load %arg9[%swap3A_514, %swap3A_515] {strides = array<i32>} : memref<2x128xi32, #tpu.memory_space<vmem>>, vector<1x16xi32>,
    %swap3A_517 = vector.shape_cast %swap3A_516 : vector<1x16xi32> to vector<16xi32>
    %swap3A_518 = vector.shape_cast %get3A_512 : vector<16xi32> to vector<1x16xi32>
    tpu.vector_store %arg9[%swap3A_514, %swap3A_515], %swap3A_518 {strides = array<i32>} : memref<2x128xi32, #tpu.memory_space<vmem>>, vector<1x16xi32>,
    %get3A_519 = arith.constant 2 : i32
    %get3A_520 = arith.index_cast %get3A_519 : i32 to index
    %get3A_521 = arith.constant 112 : index
    %get3A_522 = tpu.vector_load %arg5[%get3A_520, %get3A_521] {strides = array<i32>} : memref<4x128xi32, #tpu.memory_space<vmem>>, vector<1x16xi32>,
    %get3A_523 = vector.shape_cast %get3A_522 : vector<1x16xi32> to vector<16xi32>
    %mul3A_524 = arith.constant 2 : i32
    %mul3A_525 = vector.broadcast %mul3A_524 : i32 to vector<16xi32>
    %mul3A_526 = arith.muli %get3A_523, %mul3A_525 : vector<16xi32>
    %add3A_527 = vector.broadcast %arg0 : i32 to vector<16xi32>
    %add3A_528 = arith.addi %mul3A_526, %add3A_527 : vector<16xi32>
    %swap3A_529 = arith.constant 1 : i32
    %swap3A_530 = arith.index_cast %swap3A_529 : i32 to index
    %swap3A_531 = arith.constant 112 : index
    %swap3A_532 = tpu.vector_load %arg7[%swap3A_530, %swap3A_531] {strides = array<i32>} : memref<2x128xi32, #tpu.memory_space<vmem>>, vector<1x16xi32>,
    %swap3A_533 = vector.shape_cast %swap3A_532 : vector<1x16xi32> to vector<16xi32>
    %swap3A_534 = vector.shape_cast %add3A_528 : vector<16xi32> to vector<1x16xi32>
    tpu.vector_store %arg7[%swap3A_530, %swap3A_531], %swap3A_534 {strides = array<i32>} : memref<2x128xi32, #tpu.memory_space<vmem>>, vector<1x16xi32>,
    %get3A_535 = arith.constant 3 : i32
    %get3A_536 = arith.index_cast %get3A_535 : i32 to index
    %get3A_537 = arith.constant 112 : index
    %get3A_538 = tpu.vector_load %arg5[%get3A_536, %get3A_537] {strides = array<i32>} : memref<4x128xi32, #tpu.memory_space<vmem>>, vector<1x16xi32>,
    %get3A_539 = vector.shape_cast %get3A_538 : vector<1x16xi32> to vector<16xi32>
    %swap3A_540 = arith.constant 1 : i32
    %swap3A_541 = arith.index_cast %swap3A_540 : i32 to index
    %swap3A_542 = arith.constant 112 : index
    %swap3A_543 = tpu.vector_load %arg9[%swap3A_541, %swap3A_542] {strides = array<i32>} : memref<2x128xi32, #tpu.memory_space<vmem>>, vector<1x16xi32>,
    %swap3A_544 = vector.shape_cast %swap3A_543 : vector<1x16xi32> to vector<16xi32>
    %swap3A_545 = vector.shape_cast %get3A_539 : vector<16xi32> to vector<1x16xi32>
    tpu.vector_store %arg9[%swap3A_541, %swap3A_542], %swap3A_545 {strides = array<i32>} : memref<2x128xi32, #tpu.memory_space<vmem>>, vector<1x16xi32>,
    %dma_start3A_546 = arith.constant 0 : i32
    %dma_start3A_547 = arith.constant 0 : i32
    %dma_start3A_548 = arith.constant 0 : i32
    %dma_start3A_549 = arith.constant 0 : i32
    %dma_start3A_550 = tpu.memref_slice %arg11[%dma_start3A_547, %dma_start3A_548, %dma_start3A_549] : memref<2x128x64xbf16, #tpu.memory_space<vmem>> -> memref<1x128x64xbf16, #tpu.memory_space<vmem>>
    %dma_start3A_551 = tpu.memref_squeeze %dma_start3A_550 : memref<1x128x64xbf16, #tpu.memory_space<vmem>> -> memref<128x64xbf16, #tpu.memory_space<vmem>>
    %dma_start3A_552 = arith.constant 0 : i32
    %dma_start3A_553 = tpu.memref_slice %arg7[%dma_start3A_546, %dma_start3A_552] : memref<2x128xi32, #tpu.memory_space<vmem>> -> memref<1x128xi32, #tpu.memory_space<vmem>>
    %dma_start3A_554 = tpu.memref_squeeze %dma_start3A_553 : memref<1x128xi32, #tpu.memory_space<vmem>> -> memref<128xi32, #tpu.memory_space<vmem>>
    %dma_start3A_555 = arith.constant 0 : i32
    %dma_start3A_556 = arith.constant 0 : i32
    %dma_start3A_557 = tpu.memref_slice %arg2[%dma_start3A_555, %dma_start3A_556] : memref<100352x64xbf16, #tpu.memory_space<hbm>> -> memref<100352x64xbf16, #tpu.memory_space<hbm>>
    tpu.enqueue_indirect_dma source(%dma_start3A_557 : memref<100352x64xbf16, #tpu.memory_space<hbm>>) target(%dma_start3A_551 : memref<128x64xbf16, #tpu.memory_space<vmem>>) offsets(%dma_start3A_554 : memref<128xi32, #tpu.memory_space<vmem>>) semaphore(%arg17 : memref<!tpu.dma_semaphore, #tpu.memory_space<semaphore_mem>>)
    %dma_start3A_558 = arith.constant 1 : i32
    %dma_start3A_559 = arith.constant 1 : i32
    %dma_start3A_560 = arith.constant 0 : i32
    %dma_start3A_561 = arith.constant 0 : i32
    %dma_start3A_562 = tpu.memref_slice %arg11[%dma_start3A_559, %dma_start3A_560, %dma_start3A_561] : memref<2x128x64xbf16, #tpu.memory_space<vmem>> -> memref<1x128x64xbf16, #tpu.memory_space<vmem>>
    %dma_start3A_563 = tpu.memref_squeeze %dma_start3A_562 : memref<1x128x64xbf16, #tpu.memory_space<vmem>> -> memref<128x64xbf16, #tpu.memory_space<vmem>>
    %dma_start3A_564 = arith.constant 0 : i32
    %dma_start3A_565 = tpu.memref_slice %arg7[%dma_start3A_558, %dma_start3A_564] : memref<2x128xi32, #tpu.memory_space<vmem>> -> memref<1x128xi32, #tpu.memory_space<vmem>>
    %dma_start3A_566 = tpu.memref_squeeze %dma_start3A_565 : memref<1x128xi32, #tpu.memory_space<vmem>> -> memref<128xi32, #tpu.memory_space<vmem>>
    %dma_start3A_567 = arith.constant 0 : i32
    %dma_start3A_568 = arith.constant 0 : i32
    %dma_start3A_569 = tpu.memref_slice %arg2[%dma_start3A_567, %dma_start3A_568] : memref<100352x64xbf16, #tpu.memory_space<hbm>> -> memref<100352x64xbf16, #tpu.memory_space<hbm>>
    tpu.enqueue_indirect_dma source(%dma_start3A_569 : memref<100352x64xbf16, #tpu.memory_space<hbm>>) target(%dma_start3A_563 : memref<128x64xbf16, #tpu.memory_space<vmem>>) offsets(%dma_start3A_566 : memref<128xi32, #tpu.memory_space<vmem>>) semaphore(%arg17 : memref<!tpu.dma_semaphore, #tpu.memory_space<semaphore_mem>>)
    %add3A_570 = arith.constant 2 : i32
    %add3A_571 = arith.addi %mul3A_8, %add3A_570 : i32
    %mul3A_572 = arith.constant 2 : i32
    %mul3A_573 = arith.muli %mul3A_572, %add3A_571 : i32
    %dma_start3A_574 = arith.constant 0 : i32
    %dma_start3A_575 = tpu.memref_slice %arg3[%mul3A_573, %dma_start3A_574] : memref<7936x128xi32, #tpu.memory_space<hbm>> -> memref<4x128xi32, #tpu.memory_space<hbm>>
    %dma_start3A_576 = arith.constant 0 : i32
    %dma_start3A_577 = tpu.memref_slice %arg3[%mul3A_573, %dma_start3A_576] : memref<7936x128xi32, #tpu.memory_space<hbm>> -> memref<4x128xi32, #tpu.memory_space<hbm>>
    tpu.enqueue_dma source(%dma_start3A_577 : memref<4x128xi32, #tpu.memory_space<hbm>>) target(%arg6 : memref<4x128xi32, #tpu.memory_space<vmem>>) target_semaphore(%arg16 : memref<!tpu.dma_semaphore, #tpu.memory_space<semaphore_mem>>)
    %dma_wait3A_578 = arith.constant 0 : i32
    %dma_wait3A_579 = tpu.memref_slice %arg3[%mul3A_573, %dma_wait3A_578] : memref<7936x128xi32, #tpu.memory_space<hbm>> -> memref<4x128xi32, #tpu.memory_space<hbm>>
    %dma_wait3A_580 = arith.constant 0 : i32
    %dma_wait3A_581 = tpu.memref_slice %arg3[%mul3A_573, %dma_wait3A_580] : memref<7936x128xi32, #tpu.memory_space<hbm>> -> memref<4x128xi32, #tpu.memory_space<hbm>>
    tpu.wait_dma2 semaphore(%arg16 : memref<!tpu.dma_semaphore, #tpu.memory_space<semaphore_mem>>) src(%dma_wait3A_581 : memref<4x128xi32, #tpu.memory_space<hbm>>) dst(%arg6 : memref<4x128xi32, #tpu.memory_space<vmem>>)
    %scan3A_582 = arith.constant 0 : i32
    %scan3A_583 = arith.constant 0 : i32
    %scan3A_584 = arith.constant 61 : i32
    %scan3A_585 = arith.addi %scan3A_583, %scan3A_584 : i32
    %scan3A_586 = arith.constant 1 : i32
    scf.for %scan3A_1192 = %scan3A_583 to %scan3A_585 step %scan3A_586  : i32 {
      %mul3A_1193 = arith.constant 2 : i32
      %mul3A_1194 = arith.muli %scan3A_1192, %mul3A_1193 : i32
      %get3A_1195 = arith.constant 0 : i32
      %get3A_1196 = arith.index_cast %get3A_1195 : i32 to index
      %get3A_1197 = arith.constant 0 : index
      %get3A_1198 = tpu.vector_load %arg6[%get3A_1196, %get3A_1197] {strides = array<i32>} : memref<4x128xi32, #tpu.memory_space<vmem>>, vector<1x16xi32>,
      %get3A_1199 = vector.shape_cast %get3A_1198 : vector<1x16xi32> to vector<16xi32>
      %mul3A_1200 = arith.constant 2 : i32
      %mul3A_1201 = vector.broadcast %mul3A_1200 : i32 to vector<16xi32>
      %mul3A_1202 = arith.muli %get3A_1199, %mul3A_1201 : vector<16xi32>
      %add3A_1203 = vector.broadcast %arg0 : i32 to vector<16xi32>
      %add3A_1204 = arith.addi %mul3A_1202, %add3A_1203 : vector<16xi32>
      %swap3A_1205 = arith.constant 0 : i32
      %swap3A_1206 = arith.index_cast %swap3A_1205 : i32 to index
      %swap3A_1207 = arith.constant 0 : index
      %swap3A_1208 = tpu.vector_load %arg8[%swap3A_1206, %swap3A_1207] {strides = array<i32>} : memref<2x128xi32, #tpu.memory_space<vmem>>, vector<1x16xi32>,
      %swap3A_1209 = vector.shape_cast %swap3A_1208 : vector<1x16xi32> to vector<16xi32>
      %swap3A_1210 = vector.shape_cast %add3A_1204 : vector<16xi32> to vector<1x16xi32>
      tpu.vector_store %arg8[%swap3A_1206, %swap3A_1207], %swap3A_1210 {strides = array<i32>} : memref<2x128xi32, #tpu.memory_space<vmem>>, vector<1x16xi32>,
      %get3A_1211 = arith.constant 1 : i32
      %get3A_1212 = arith.index_cast %get3A_1211 : i32 to index
      %get3A_1213 = arith.constant 0 : index
      %get3A_1214 = tpu.vector_load %arg6[%get3A_1212, %get3A_1213] {strides = array<i32>} : memref<4x128xi32, #tpu.memory_space<vmem>>, vector<1x16xi32>,
      %get3A_1215 = vector.shape_cast %get3A_1214 : vector<1x16xi32> to vector<16xi32>
      %swap3A_1216 = arith.constant 0 : i32
      %swap3A_1217 = arith.index_cast %swap3A_1216 : i32 to index
      %swap3A_1218 = arith.constant 0 : index
      %swap3A_1219 = tpu.vector_load %arg10[%swap3A_1217, %swap3A_1218] {strides = array<i32>} : memref<2x128xi32, #tpu.memory_space<vmem>>, vector<1x16xi32>,
      %swap3A_1220 = vector.shape_cast %swap3A_1219 : vector<1x16xi32> to vector<16xi32>
      %swap3A_1221 = vector.shape_cast %get3A_1215 : vector<16xi32> to vector<1x16xi32>
      tpu.vector_store %arg10[%swap3A_1217, %swap3A_1218], %swap3A_1221 {strides = array<i32>} : memref<2x128xi32, #tpu.memory_space<vmem>>, vector<1x16xi32>,
      %get3A_1222 = arith.constant 0 : i32
      %get3A_1223 = arith.index_cast %get3A_1222 : i32 to index
      %get3A_1224 = arith.constant 16 : index
      %get3A_1225 = tpu.vector_load %arg6[%get3A_1223, %get3A_1224] {strides = array<i32>} : memref<4x128xi32, #tpu.memory_space<vmem>>, vector<1x16xi32>,
      %get3A_1226 = vector.shape_cast %get3A_1225 : vector<1x16xi32> to vector<16xi32>
      %mul3A_1227 = arith.constant 2 : i32
      %mul3A_1228 = vector.broadcast %mul3A_1227 : i32 to vector<16xi32>
      %mul3A_1229 = arith.muli %get3A_1226, %mul3A_1228 : vector<16xi32>
      %add3A_1230 = vector.broadcast %arg0 : i32 to vector<16xi32>
      %add3A_1231 = arith.addi %mul3A_1229, %add3A_1230 : vector<16xi32>
      %swap3A_1232 = arith.constant 0 : i32
      %swap3A_1233 = arith.index_cast %swap3A_1232 : i32 to index
      %swap3A_1234 = arith.constant 16 : index
      %swap3A_1235 = tpu.vector_load %arg8[%swap3A_1233, %swap3A_1234] {strides = array<i32>} : memref<2x128xi32, #tpu.memory_space<vmem>>, vector<1x16xi32>,
      %swap3A_1236 = vector.shape_cast %swap3A_1235 : vector<1x16xi32> to vector<16xi32>
      %swap3A_1237 = vector.shape_cast %add3A_1231 : vector<16xi32> to vector<1x16xi32>
      tpu.vector_store %arg8[%swap3A_1233, %swap3A_1234], %swap3A_1237 {strides = array<i32>} : memref<2x128xi32, #tpu.memory_space<vmem>>, vector<1x16xi32>,
      %get3A_1238 = arith.constant 1 : i32
      %get3A_1239 = arith.index_cast %get3A_1238 : i32 to index
      %get3A_1240 = arith.constant 16 : index
      %get3A_1241 = tpu.vector_load %arg6[%get3A_1239, %get3A_1240] {strides = array<i32>} : memref<4x128xi32, #tpu.memory_space<vmem>>, vector<1x16xi32>,
      %get3A_1242 = vector.shape_cast %get3A_1241 : vector<1x16xi32> to vector<16xi32>
      %swap3A_1243 = arith.constant 0 : i32
      %swap3A_1244 = arith.index_cast %swap3A_1243 : i32 to index
      %swap3A_1245 = arith.constant 16 : index
      %swap3A_1246 = tpu.vector_load %arg10[%swap3A_1244, %swap3A_1245] {strides = array<i32>} : memref<2x128xi32, #tpu.memory_space<vmem>>, vector<1x16xi32>,
      %swap3A_1247 = vector.shape_cast %swap3A_1246 : vector<1x16xi32> to vector<16xi32>
      %swap3A_1248 = vector.shape_cast %get3A_1242 : vector<16xi32> to vector<1x16xi32>
      tpu.vector_store %arg10[%swap3A_1244, %swap3A_1245], %swap3A_1248 {strides = array<i32>} : memref<2x128xi32, #tpu.memory_space<vmem>>, vector<1x16xi32>,
      %get3A_1249 = arith.constant 0 : i32
      %get3A_1250 = arith.index_cast %get3A_1249 : i32 to index
      %get3A_1251 = arith.constant 32 : index
      %get3A_1252 = tpu.vector_load %arg6[%get3A_1250, %get3A_1251] {strides = array<i32>} : memref<4x128xi32, #tpu.memory_space<vmem>>, vector<1x16xi32>,
      %get3A_1253 = vector.shape_cast %get3A_1252 : vector<1x16xi32> to vector<16xi32>
      %mul3A_1254 = arith.constant 2 : i32
      %mul3A_1255 = vector.broadcast %mul3A_1254 : i32 to vector<16xi32>
      %mul3A_1256 = arith.muli %get3A_1253, %mul3A_1255 : vector<16xi32>
      %add3A_1257 = vector.broadcast %arg0 : i32 to vector<16xi32>
      %add3A_1258 = arith.addi %mul3A_1256, %add3A_1257 : vector<16xi32>
      %swap3A_1259 = arith.constant 0 : i32
      %swap3A_1260 = arith.index_cast %swap3A_1259 : i32 to index
      %swap3A_1261 = arith.constant 32 : index
      %swap3A_1262 = tpu.vector_load %arg8[%swap3A_1260, %swap3A_1261] {strides = array<i32>} : memref<2x128xi32, #tpu.memory_space<vmem>>, vector<1x16xi32>,
      %swap3A_1263 = vector.shape_cast %swap3A_1262 : vector<1x16xi32> to vector<16xi32>
      %swap3A_1264 = vector.shape_cast %add3A_1258 : vector<16xi32> to vector<1x16xi32>
      tpu.vector_store %arg8[%swap3A_1260, %swap3A_1261], %swap3A_1264 {strides = array<i32>} : memref<2x128xi32, #tpu.memory_space<vmem>>, vector<1x16xi32>,
      %get3A_1265 = arith.constant 1 : i32
      %get3A_1266 = arith.index_cast %get3A_1265 : i32 to index
      %get3A_1267 = arith.constant 32 : index
      %get3A_1268 = tpu.vector_load %arg6[%get3A_1266, %get3A_1267] {strides = array<i32>} : memref<4x128xi32, #tpu.memory_space<vmem>>, vector<1x16xi32>,
      %get3A_1269 = vector.shape_cast %get3A_1268 : vector<1x16xi32> to vector<16xi32>
      %swap3A_1270 = arith.constant 0 : i32
      %swap3A_1271 = arith.index_cast %swap3A_1270 : i32 to index
      %swap3A_1272 = arith.constant 32 : index
      %swap3A_1273 = tpu.vector_load %arg10[%swap3A_1271, %swap3A_1272] {strides = array<i32>} : memref<2x128xi32, #tpu.memory_space<vmem>>, vector<1x16xi32>,
      %swap3A_1274 = vector.shape_cast %swap3A_1273 : vector<1x16xi32> to vector<16xi32>
      %swap3A_1275 = vector.shape_cast %get3A_1269 : vector<16xi32> to vector<1x16xi32>
      tpu.vector_store %arg10[%swap3A_1271, %swap3A_1272], %swap3A_1275 {strides = array<i32>} : memref<2x128xi32, #tpu.memory_space<vmem>>, vector<1x16xi32>,
      %get3A_1276 = arith.constant 0 : i32
      %get3A_1277 = arith.index_cast %get3A_1276 : i32 to index
      %get3A_1278 = arith.constant 48 : index
      %get3A_1279 = tpu.vector_load %arg6[%get3A_1277, %get3A_1278] {strides = array<i32>} : memref<4x128xi32, #tpu.memory_space<vmem>>, vector<1x16xi32>,
      %get3A_1280 = vector.shape_cast %get3A_1279 : vector<1x16xi32> to vector<16xi32>
      %mul3A_1281 = arith.constant 2 : i32
      %mul3A_1282 = vector.broadcast %mul3A_1281 : i32 to vector<16xi32>
      %mul3A_1283 = arith.muli %get3A_1280, %mul3A_1282 : vector<16xi32>
      %add3A_1284 = vector.broadcast %arg0 : i32 to vector<16xi32>
      %add3A_1285 = arith.addi %mul3A_1283, %add3A_1284 : vector<16xi32>
      %swap3A_1286 = arith.constant 0 : i32
      %swap3A_1287 = arith.index_cast %swap3A_1286 : i32 to index
      %swap3A_1288 = arith.constant 48 : index
      %swap3A_1289 = tpu.vector_load %arg8[%swap3A_1287, %swap3A_1288] {strides = array<i32>} : memref<2x128xi32, #tpu.memory_space<vmem>>, vector<1x16xi32>,
      %swap3A_1290 = vector.shape_cast %swap3A_1289 : vector<1x16xi32> to vector<16xi32>
      %swap3A_1291 = vector.shape_cast %add3A_1285 : vector<16xi32> to vector<1x16xi32>
      tpu.vector_store %arg8[%swap3A_1287, %swap3A_1288], %swap3A_1291 {strides = array<i32>} : memref<2x128xi32, #tpu.memory_space<vmem>>, vector<1x16xi32>,
      %get3A_1292 = arith.constant 1 : i32
      %get3A_1293 = arith.index_cast %get3A_1292 : i32 to index
      %get3A_1294 = arith.constant 48 : index
      %get3A_1295 = tpu.vector_load %arg6[%get3A_1293, %get3A_1294] {strides = array<i32>} : memref<4x128xi32, #tpu.memory_space<vmem>>, vector<1x16xi32>,
      %get3A_1296 = vector.shape_cast %get3A_1295 : vector<1x16xi32> to vector<16xi32>
      %swap3A_1297 = arith.constant 0 : i32
      %swap3A_1298 = arith.index_cast %swap3A_1297 : i32 to index
      %swap3A_1299 = arith.constant 48 : index
      %swap3A_1300 = tpu.vector_load %arg10[%swap3A_1298, %swap3A_1299] {strides = array<i32>} : memref<2x128xi32, #tpu.memory_space<vmem>>, vector<1x16xi32>,
      %swap3A_1301 = vector.shape_cast %swap3A_1300 : vector<1x16xi32> to vector<16xi32>
      %swap3A_1302 = vector.shape_cast %get3A_1296 : vector<16xi32> to vector<1x16xi32>
      tpu.vector_store %arg10[%swap3A_1298, %swap3A_1299], %swap3A_1302 {strides = array<i32>} : memref<2x128xi32, #tpu.memory_space<vmem>>, vector<1x16xi32>,
      %get3A_1303 = arith.constant 0 : i32
      %get3A_1304 = arith.index_cast %get3A_1303 : i32 to index
      %get3A_1305 = arith.constant 64 : index
      %get3A_1306 = tpu.vector_load %arg6[%get3A_1304, %get3A_1305] {strides = array<i32>} : memref<4x128xi32, #tpu.memory_space<vmem>>, vector<1x16xi32>,
      %get3A_1307 = vector.shape_cast %get3A_1306 : vector<1x16xi32> to vector<16xi32>
      %mul3A_1308 = arith.constant 2 : i32
      %mul3A_1309 = vector.broadcast %mul3A_1308 : i32 to vector<16xi32>
      %mul3A_1310 = arith.muli %get3A_1307, %mul3A_1309 : vector<16xi32>
      %add3A_1311 = vector.broadcast %arg0 : i32 to vector<16xi32>
      %add3A_1312 = arith.addi %mul3A_1310, %add3A_1311 : vector<16xi32>
      %swap3A_1313 = arith.constant 0 : i32
      %swap3A_1314 = arith.index_cast %swap3A_1313 : i32 to index
      %swap3A_1315 = arith.constant 64 : index
      %swap3A_1316 = tpu.vector_load %arg8[%swap3A_1314, %swap3A_1315] {strides = array<i32>} : memref<2x128xi32, #tpu.memory_space<vmem>>, vector<1x16xi32>,
      %swap3A_1317 = vector.shape_cast %swap3A_1316 : vector<1x16xi32> to vector<16xi32>
      %swap3A_1318 = vector.shape_cast %add3A_1312 : vector<16xi32> to vector<1x16xi32>
      tpu.vector_store %arg8[%swap3A_1314, %swap3A_1315], %swap3A_1318 {strides = array<i32>} : memref<2x128xi32, #tpu.memory_space<vmem>>, vector<1x16xi32>,
      %get3A_1319 = arith.constant 1 : i32
      %get3A_1320 = arith.index_cast %get3A_1319 : i32 to index
      %get3A_1321 = arith.constant 64 : index
      %get3A_1322 = tpu.vector_load %arg6[%get3A_1320, %get3A_1321] {strides = array<i32>} : memref<4x128xi32, #tpu.memory_space<vmem>>, vector<1x16xi32>,
      %get3A_1323 = vector.shape_cast %get3A_1322 : vector<1x16xi32> to vector<16xi32>
      %swap3A_1324 = arith.constant 0 : i32
      %swap3A_1325 = arith.index_cast %swap3A_1324 : i32 to index
      %swap3A_1326 = arith.constant 64 : index
      %swap3A_1327 = tpu.vector_load %arg10[%swap3A_1325, %swap3A_1326] {strides = array<i32>} : memref<2x128xi32, #tpu.memory_space<vmem>>, vector<1x16xi32>,
      %swap3A_1328 = vector.shape_cast %swap3A_1327 : vector<1x16xi32> to vector<16xi32>
      %swap3A_1329 = vector.shape_cast %get3A_1323 : vector<16xi32> to vector<1x16xi32>
      tpu.vector_store %arg10[%swap3A_1325, %swap3A_1326], %swap3A_1329 {strides = array<i32>} : memref<2x128xi32, #tpu.memory_space<vmem>>, vector<1x16xi32>,
      %get3A_1330 = arith.constant 0 : i32
      %get3A_1331 = arith.index_cast %get3A_1330 : i32 to index
      %get3A_1332 = arith.constant 80 : index
      %get3A_1333 = tpu.vector_load %arg6[%get3A_1331, %get3A_1332] {strides = array<i32>} : memref<4x128xi32, #tpu.memory_space<vmem>>, vector<1x16xi32>,
      %get3A_1334 = vector.shape_cast %get3A_1333 : vector<1x16xi32> to vector<16xi32>
      %mul3A_1335 = arith.constant 2 : i32
      %mul3A_1336 = vector.broadcast %mul3A_1335 : i32 to vector<16xi32>
      %mul3A_1337 = arith.muli %get3A_1334, %mul3A_1336 : vector<16xi32>
      %add3A_1338 = vector.broadcast %arg0 : i32 to vector<16xi32>
      %add3A_1339 = arith.addi %mul3A_1337, %add3A_1338 : vector<16xi32>
      %swap3A_1340 = arith.constant 0 : i32
      %swap3A_1341 = arith.index_cast %swap3A_1340 : i32 to index
      %swap3A_1342 = arith.constant 80 : index
      %swap3A_1343 = tpu.vector_load %arg8[%swap3A_1341, %swap3A_1342] {strides = array<i32>} : memref<2x128xi32, #tpu.memory_space<vmem>>, vector<1x16xi32>,
      %swap3A_1344 = vector.shape_cast %swap3A_1343 : vector<1x16xi32> to vector<16xi32>
      %swap3A_1345 = vector.shape_cast %add3A_1339 : vector<16xi32> to vector<1x16xi32>
      tpu.vector_store %arg8[%swap3A_1341, %swap3A_1342], %swap3A_1345 {strides = array<i32>} : memref<2x128xi32, #tpu.memory_space<vmem>>, vector<1x16xi32>,
      %get3A_1346 = arith.constant 1 : i32
      %get3A_1347 = arith.index_cast %get3A_1346 : i32 to index
      %get3A_1348 = arith.constant 80 : index
      %get3A_1349 = tpu.vector_load %arg6[%get3A_1347, %get3A_1348] {strides = array<i32>} : memref<4x128xi32, #tpu.memory_space<vmem>>, vector<1x16xi32>,
      %get3A_1350 = vector.shape_cast %get3A_1349 : vector<1x16xi32> to vector<16xi32>
      %swap3A_1351 = arith.constant 0 : i32
      %swap3A_1352 = arith.index_cast %swap3A_1351 : i32 to index
      %swap3A_1353 = arith.constant 80 : index
      %swap3A_1354 = tpu.vector_load %arg10[%swap3A_1352, %swap3A_1353] {strides = array<i32>} : memref<2x128xi32, #tpu.memory_space<vmem>>, vector<1x16xi32>,
      %swap3A_1355 = vector.shape_cast %swap3A_1354 : vector<1x16xi32> to vector<16xi32>
      %swap3A_1356 = vector.shape_cast %get3A_1350 : vector<16xi32> to vector<1x16xi32>
      tpu.vector_store %arg10[%swap3A_1352, %swap3A_1353], %swap3A_1356 {strides = array<i32>} : memref<2x128xi32, #tpu.memory_space<vmem>>, vector<1x16xi32>,
      %get3A_1357 = arith.constant 0 : i32
      %get3A_1358 = arith.index_cast %get3A_1357 : i32 to index
      %get3A_1359 = arith.constant 96 : index
      %get3A_1360 = tpu.vector_load %arg6[%get3A_1358, %get3A_1359] {strides = array<i32>} : memref<4x128xi32, #tpu.memory_space<vmem>>, vector<1x16xi32>,
      %get3A_1361 = vector.shape_cast %get3A_1360 : vector<1x16xi32> to vector<16xi32>
      %mul3A_1362 = arith.constant 2 : i32
      %mul3A_1363 = vector.broadcast %mul3A_1362 : i32 to vector<16xi32>
      %mul3A_1364 = arith.muli %get3A_1361, %mul3A_1363 : vector<16xi32>
      %add3A_1365 = vector.broadcast %arg0 : i32 to vector<16xi32>
      %add3A_1366 = arith.addi %mul3A_1364, %add3A_1365 : vector<16xi32>
      %swap3A_1367 = arith.constant 0 : i32
      %swap3A_1368 = arith.index_cast %swap3A_1367 : i32 to index
      %swap3A_1369 = arith.constant 96 : index
      %swap3A_1370 = tpu.vector_load %arg8[%swap3A_1368, %swap3A_1369] {strides = array<i32>} : memref<2x128xi32, #tpu.memory_space<vmem>>, vector<1x16xi32>,
      %swap3A_1371 = vector.shape_cast %swap3A_1370 : vector<1x16xi32> to vector<16xi32>
      %swap3A_1372 = vector.shape_cast %add3A_1366 : vector<16xi32> to vector<1x16xi32>
      tpu.vector_store %arg8[%swap3A_1368, %swap3A_1369], %swap3A_1372 {strides = array<i32>} : memref<2x128xi32, #tpu.memory_space<vmem>>, vector<1x16xi32>,
      %get3A_1373 = arith.constant 1 : i32
      %get3A_1374 = arith.index_cast %get3A_1373 : i32 to index
      %get3A_1375 = arith.constant 96 : index
      %get3A_1376 = tpu.vector_load %arg6[%get3A_1374, %get3A_1375] {strides = array<i32>} : memref<4x128xi32, #tpu.memory_space<vmem>>, vector<1x16xi32>,
      %get3A_1377 = vector.shape_cast %get3A_1376 : vector<1x16xi32> to vector<16xi32>
      %swap3A_1378 = arith.constant 0 : i32
      %swap3A_1379 = arith.index_cast %swap3A_1378 : i32 to index
      %swap3A_1380 = arith.constant 96 : index
      %swap3A_1381 = tpu.vector_load %arg10[%swap3A_1379, %swap3A_1380] {strides = array<i32>} : memref<2x128xi32, #tpu.memory_space<vmem>>, vector<1x16xi32>,
      %swap3A_1382 = vector.shape_cast %swap3A_1381 : vector<1x16xi32> to vector<16xi32>
      %swap3A_1383 = vector.shape_cast %get3A_1377 : vector<16xi32> to vector<1x16xi32>
      tpu.vector_store %arg10[%swap3A_1379, %swap3A_1380], %swap3A_1383 {strides = array<i32>} : memref<2x128xi32, #tpu.memory_space<vmem>>, vector<1x16xi32>,
      %get3A_1384 = arith.constant 0 : i32
      %get3A_1385 = arith.index_cast %get3A_1384 : i32 to index
      %get3A_1386 = arith.constant 112 : index
      %get3A_1387 = tpu.vector_load %arg6[%get3A_1385, %get3A_1386] {strides = array<i32>} : memref<4x128xi32, #tpu.memory_space<vmem>>, vector<1x16xi32>,
      %get3A_1388 = vector.shape_cast %get3A_1387 : vector<1x16xi32> to vector<16xi32>
      %mul3A_1389 = arith.constant 2 : i32
      %mul3A_1390 = vector.broadcast %mul3A_1389 : i32 to vector<16xi32>
      %mul3A_1391 = arith.muli %get3A_1388, %mul3A_1390 : vector<16xi32>
      %add3A_1392 = vector.broadcast %arg0 : i32 to vector<16xi32>
      %add3A_1393 = arith.addi %mul3A_1391, %add3A_1392 : vector<16xi32>
      %swap3A_1394 = arith.constant 0 : i32
      %swap3A_1395 = arith.index_cast %swap3A_1394 : i32 to index
      %swap3A_1396 = arith.constant 112 : index
      %swap3A_1397 = tpu.vector_load %arg8[%swap3A_1395, %swap3A_1396] {strides = array<i32>} : memref<2x128xi32, #tpu.memory_space<vmem>>, vector<1x16xi32>,
      %swap3A_1398 = vector.shape_cast %swap3A_1397 : vector<1x16xi32> to vector<16xi32>
      %swap3A_1399 = vector.shape_cast %add3A_1393 : vector<16xi32> to vector<1x16xi32>
      tpu.vector_store %arg8[%swap3A_1395, %swap3A_1396], %swap3A_1399 {strides = array<i32>} : memref<2x128xi32, #tpu.memory_space<vmem>>, vector<1x16xi32>,
      %get3A_1400 = arith.constant 1 : i32
      %get3A_1401 = arith.index_cast %get3A_1400 : i32 to index
      %get3A_1402 = arith.constant 112 : index
      %get3A_1403 = tpu.vector_load %arg6[%get3A_1401, %get3A_1402] {strides = array<i32>} : memref<4x128xi32, #tpu.memory_space<vmem>>, vector<1x16xi32>,
      %get3A_1404 = vector.shape_cast %get3A_1403 : vector<1x16xi32> to vector<16xi32>
      %swap3A_1405 = arith.constant 0 : i32
      %swap3A_1406 = arith.index_cast %swap3A_1405 : i32 to index
      %swap3A_1407 = arith.constant 112 : index
      %swap3A_1408 = tpu.vector_load %arg10[%swap3A_1406, %swap3A_1407] {strides = array<i32>} : memref<2x128xi32, #tpu.memory_space<vmem>>, vector<1x16xi32>,
      %swap3A_1409 = vector.shape_cast %swap3A_1408 : vector<1x16xi32> to vector<16xi32>
      %swap3A_1410 = vector.shape_cast %get3A_1404 : vector<16xi32> to vector<1x16xi32>
      tpu.vector_store %arg10[%swap3A_1406, %swap3A_1407], %swap3A_1410 {strides = array<i32>} : memref<2x128xi32, #tpu.memory_space<vmem>>, vector<1x16xi32>,
      %get3A_1411 = arith.constant 2 : i32
      %get3A_1412 = arith.index_cast %get3A_1411 : i32 to index
      %get3A_1413 = arith.constant 0 : index
      %get3A_1414 = tpu.vector_load %arg6[%get3A_1412, %get3A_1413] {strides = array<i32>} : memref<4x128xi32, #tpu.memory_space<vmem>>, vector<1x16xi32>,
      %get3A_1415 = vector.shape_cast %get3A_1414 : vector<1x16xi32> to vector<16xi32>
      %mul3A_1416 = arith.constant 2 : i32
      %mul3A_1417 = vector.broadcast %mul3A_1416 : i32 to vector<16xi32>
      %mul3A_1418 = arith.muli %get3A_1415, %mul3A_1417 : vector<16xi32>
      %add3A_1419 = vector.broadcast %arg0 : i32 to vector<16xi32>
      %add3A_1420 = arith.addi %mul3A_1418, %add3A_1419 : vector<16xi32>
      %swap3A_1421 = arith.constant 1 : i32
      %swap3A_1422 = arith.index_cast %swap3A_1421 : i32 to index
      %swap3A_1423 = arith.constant 0 : index
      %swap3A_1424 = tpu.vector_load %arg8[%swap3A_1422, %swap3A_1423] {strides = array<i32>} : memref<2x128xi32, #tpu.memory_space<vmem>>, vector<1x16xi32>,
      %swap3A_1425 = vector.shape_cast %swap3A_1424 : vector<1x16xi32> to vector<16xi32>
      %swap3A_1426 = vector.shape_cast %add3A_1420 : vector<16xi32> to vector<1x16xi32>
      tpu.vector_store %arg8[%swap3A_1422, %swap3A_1423], %swap3A_1426 {strides = array<i32>} : memref<2x128xi32, #tpu.memory_space<vmem>>, vector<1x16xi32>,
      %get3A_1427 = arith.constant 3 : i32
      %get3A_1428 = arith.index_cast %get3A_1427 : i32 to index
      %get3A_1429 = arith.constant 0 : index
      %get3A_1430 = tpu.vector_load %arg6[%get3A_1428, %get3A_1429] {strides = array<i32>} : memref<4x128xi32, #tpu.memory_space<vmem>>, vector<1x16xi32>,
      %get3A_1431 = vector.shape_cast %get3A_1430 : vector<1x16xi32> to vector<16xi32>
      %swap3A_1432 = arith.constant 1 : i32
      %swap3A_1433 = arith.index_cast %swap3A_1432 : i32 to index
      %swap3A_1434 = arith.constant 0 : index
      %swap3A_1435 = tpu.vector_load %arg10[%swap3A_1433, %swap3A_1434] {strides = array<i32>} : memref<2x128xi32, #tpu.memory_space<vmem>>, vector<1x16xi32>,
      %swap3A_1436 = vector.shape_cast %swap3A_1435 : vector<1x16xi32> to vector<16xi32>
      %swap3A_1437 = vector.shape_cast %get3A_1431 : vector<16xi32> to vector<1x16xi32>
      tpu.vector_store %arg10[%swap3A_1433, %swap3A_1434], %swap3A_1437 {strides = array<i32>} : memref<2x128xi32, #tpu.memory_space<vmem>>, vector<1x16xi32>,
      %get3A_1438 = arith.constant 2 : i32
      %get3A_1439 = arith.index_cast %get3A_1438 : i32 to index
      %get3A_1440 = arith.constant 16 : index
      %get3A_1441 = tpu.vector_load %arg6[%get3A_1439, %get3A_1440] {strides = array<i32>} : memref<4x128xi32, #tpu.memory_space<vmem>>, vector<1x16xi32>,
      %get3A_1442 = vector.shape_cast %get3A_1441 : vector<1x16xi32> to vector<16xi32>
      %mul3A_1443 = arith.constant 2 : i32
      %mul3A_1444 = vector.broadcast %mul3A_1443 : i32 to vector<16xi32>
      %mul3A_1445 = arith.muli %get3A_1442, %mul3A_1444 : vector<16xi32>
      %add3A_1446 = vector.broadcast %arg0 : i32 to vector<16xi32>
      %add3A_1447 = arith.addi %mul3A_1445, %add3A_1446 : vector<16xi32>
      %swap3A_1448 = arith.constant 1 : i32
      %swap3A_1449 = arith.index_cast %swap3A_1448 : i32 to index
      %swap3A_1450 = arith.constant 16 : index
      %swap3A_1451 = tpu.vector_load %arg8[%swap3A_1449, %swap3A_1450] {strides = array<i32>} : memref<2x128xi32, #tpu.memory_space<vmem>>, vector<1x16xi32>,
      %swap3A_1452 = vector.shape_cast %swap3A_1451 : vector<1x16xi32> to vector<16xi32>
      %swap3A_1453 = vector.shape_cast %add3A_1447 : vector<16xi32> to vector<1x16xi32>
      tpu.vector_store %arg8[%swap3A_1449, %swap3A_1450], %swap3A_1453 {strides = array<i32>} : memref<2x128xi32, #tpu.memory_space<vmem>>, vector<1x16xi32>,
      %get3A_1454 = arith.constant 3 : i32
      %get3A_1455 = arith.index_cast %get3A_1454 : i32 to index
      %get3A_1456 = arith.constant 16 : index
      %get3A_1457 = tpu.vector_load %arg6[%get3A_1455, %get3A_1456] {strides = array<i32>} : memref<4x128xi32, #tpu.memory_space<vmem>>, vector<1x16xi32>,
      %get3A_1458 = vector.shape_cast %get3A_1457 : vector<1x16xi32> to vector<16xi32>
      %swap3A_1459 = arith.constant 1 : i32
      %swap3A_1460 = arith.index_cast %swap3A_1459 : i32 to index
      %swap3A_1461 = arith.constant 16 : index
      %swap3A_1462 = tpu.vector_load %arg10[%swap3A_1460, %swap3A_1461] {strides = array<i32>} : memref<2x128xi32, #tpu.memory_space<vmem>>, vector<1x16xi32>,
      %swap3A_1463 = vector.shape_cast %swap3A_1462 : vector<1x16xi32> to vector<16xi32>
      %swap3A_1464 = vector.shape_cast %get3A_1458 : vector<16xi32> to vector<1x16xi32>
      tpu.vector_store %arg10[%swap3A_1460, %swap3A_1461], %swap3A_1464 {strides = array<i32>} : memref<2x128xi32, #tpu.memory_space<vmem>>, vector<1x16xi32>,
      %get3A_1465 = arith.constant 2 : i32
      %get3A_1466 = arith.index_cast %get3A_1465 : i32 to index
      %get3A_1467 = arith.constant 32 : index
      %get3A_1468 = tpu.vector_load %arg6[%get3A_1466, %get3A_1467] {strides = array<i32>} : memref<4x128xi32, #tpu.memory_space<vmem>>, vector<1x16xi32>,
      %get3A_1469 = vector.shape_cast %get3A_1468 : vector<1x16xi32> to vector<16xi32>
      %mul3A_1470 = arith.constant 2 : i32
      %mul3A_1471 = vector.broadcast %mul3A_1470 : i32 to vector<16xi32>
      %mul3A_1472 = arith.muli %get3A_1469, %mul3A_1471 : vector<16xi32>
      %add3A_1473 = vector.broadcast %arg0 : i32 to vector<16xi32>
      %add3A_1474 = arith.addi %mul3A_1472, %add3A_1473 : vector<16xi32>
      %swap3A_1475 = arith.constant 1 : i32
      %swap3A_1476 = arith.index_cast %swap3A_1475 : i32 to index
      %swap3A_1477 = arith.constant 32 : index
      %swap3A_1478 = tpu.vector_load %arg8[%swap3A_1476, %swap3A_1477] {strides = array<i32>} : memref<2x128xi32, #tpu.memory_space<vmem>>, vector<1x16xi32>,
      %swap3A_1479 = vector.shape_cast %swap3A_1478 : vector<1x16xi32> to vector<16xi32>
      %swap3A_1480 = vector.shape_cast %add3A_1474 : vector<16xi32> to vector<1x16xi32>
      tpu.vector_store %arg8[%swap3A_1476, %swap3A_1477], %swap3A_1480 {strides = array<i32>} : memref<2x128xi32, #tpu.memory_space<vmem>>, vector<1x16xi32>,
      %get3A_1481 = arith.constant 3 : i32
      %get3A_1482 = arith.index_cast %get3A_1481 : i32 to index
      %get3A_1483 = arith.constant 32 : index
      %get3A_1484 = tpu.vector_load %arg6[%get3A_1482, %get3A_1483] {strides = array<i32>} : memref<4x128xi32, #tpu.memory_space<vmem>>, vector<1x16xi32>,
      %get3A_1485 = vector.shape_cast %get3A_1484 : vector<1x16xi32> to vector<16xi32>
      %swap3A_1486 = arith.constant 1 : i32
      %swap3A_1487 = arith.index_cast %swap3A_1486 : i32 to index
      %swap3A_1488 = arith.constant 32 : index
      %swap3A_1489 = tpu.vector_load %arg10[%swap3A_1487, %swap3A_1488] {strides = array<i32>} : memref<2x128xi32, #tpu.memory_space<vmem>>, vector<1x16xi32>,
      %swap3A_1490 = vector.shape_cast %swap3A_1489 : vector<1x16xi32> to vector<16xi32>
      %swap3A_1491 = vector.shape_cast %get3A_1485 : vector<16xi32> to vector<1x16xi32>
      tpu.vector_store %arg10[%swap3A_1487, %swap3A_1488], %swap3A_1491 {strides = array<i32>} : memref<2x128xi32, #tpu.memory_space<vmem>>, vector<1x16xi32>,
      %get3A_1492 = arith.constant 2 : i32
      %get3A_1493 = arith.index_cast %get3A_1492 : i32 to index
      %get3A_1494 = arith.constant 48 : index
      %get3A_1495 = tpu.vector_load %arg6[%get3A_1493, %get3A_1494] {strides = array<i32>} : memref<4x128xi32, #tpu.memory_space<vmem>>, vector<1x16xi32>,
      %get3A_1496 = vector.shape_cast %get3A_1495 : vector<1x16xi32> to vector<16xi32>
      %mul3A_1497 = arith.constant 2 : i32
      %mul3A_1498 = vector.broadcast %mul3A_1497 : i32 to vector<16xi32>
      %mul3A_1499 = arith.muli %get3A_1496, %mul3A_1498 : vector<16xi32>
      %add3A_1500 = vector.broadcast %arg0 : i32 to vector<16xi32>
      %add3A_1501 = arith.addi %mul3A_1499, %add3A_1500 : vector<16xi32>
      %swap3A_1502 = arith.constant 1 : i32
      %swap3A_1503 = arith.index_cast %swap3A_1502 : i32 to index
      %swap3A_1504 = arith.constant 48 : index
      %swap3A_1505 = tpu.vector_load %arg8[%swap3A_1503, %swap3A_1504] {strides = array<i32>} : memref<2x128xi32, #tpu.memory_space<vmem>>, vector<1x16xi32>,
      %swap3A_1506 = vector.shape_cast %swap3A_1505 : vector<1x16xi32> to vector<16xi32>
      %swap3A_1507 = vector.shape_cast %add3A_1501 : vector<16xi32> to vector<1x16xi32>
      tpu.vector_store %arg8[%swap3A_1503, %swap3A_1504], %swap3A_1507 {strides = array<i32>} : memref<2x128xi32, #tpu.memory_space<vmem>>, vector<1x16xi32>,
      %get3A_1508 = arith.constant 3 : i32
      %get3A_1509 = arith.index_cast %get3A_1508 : i32 to index
      %get3A_1510 = arith.constant 48 : index
      %get3A_1511 = tpu.vector_load %arg6[%get3A_1509, %get3A_1510] {strides = array<i32>} : memref<4x128xi32, #tpu.memory_space<vmem>>, vector<1x16xi32>,
      %get3A_1512 = vector.shape_cast %get3A_1511 : vector<1x16xi32> to vector<16xi32>
      %swap3A_1513 = arith.constant 1 : i32
      %swap3A_1514 = arith.index_cast %swap3A_1513 : i32 to index
      %swap3A_1515 = arith.constant 48 : index
      %swap3A_1516 = tpu.vector_load %arg10[%swap3A_1514, %swap3A_1515] {strides = array<i32>} : memref<2x128xi32, #tpu.memory_space<vmem>>, vector<1x16xi32>,
      %swap3A_1517 = vector.shape_cast %swap3A_1516 : vector<1x16xi32> to vector<16xi32>
      %swap3A_1518 = vector.shape_cast %get3A_1512 : vector<16xi32> to vector<1x16xi32>
      tpu.vector_store %arg10[%swap3A_1514, %swap3A_1515], %swap3A_1518 {strides = array<i32>} : memref<2x128xi32, #tpu.memory_space<vmem>>, vector<1x16xi32>,
      %get3A_1519 = arith.constant 2 : i32
      %get3A_1520 = arith.index_cast %get3A_1519 : i32 to index
      %get3A_1521 = arith.constant 64 : index
      %get3A_1522 = tpu.vector_load %arg6[%get3A_1520, %get3A_1521] {strides = array<i32>} : memref<4x128xi32, #tpu.memory_space<vmem>>, vector<1x16xi32>,
      %get3A_1523 = vector.shape_cast %get3A_1522 : vector<1x16xi32> to vector<16xi32>
      %mul3A_1524 = arith.constant 2 : i32
      %mul3A_1525 = vector.broadcast %mul3A_1524 : i32 to vector<16xi32>
      %mul3A_1526 = arith.muli %get3A_1523, %mul3A_1525 : vector<16xi32>
      %add3A_1527 = vector.broadcast %arg0 : i32 to vector<16xi32>
      %add3A_1528 = arith.addi %mul3A_1526, %add3A_1527 : vector<16xi32>
      %swap3A_1529 = arith.constant 1 : i32
      %swap3A_1530 = arith.index_cast %swap3A_1529 : i32 to index
      %swap3A_1531 = arith.constant 64 : index
      %swap3A_1532 = tpu.vector_load %arg8[%swap3A_1530, %swap3A_1531] {strides = array<i32>} : memref<2x128xi32, #tpu.memory_space<vmem>>, vector<1x16xi32>,
      %swap3A_1533 = vector.shape_cast %swap3A_1532 : vector<1x16xi32> to vector<16xi32>
      %swap3A_1534 = vector.shape_cast %add3A_1528 : vector<16xi32> to vector<1x16xi32>
      tpu.vector_store %arg8[%swap3A_1530, %swap3A_1531], %swap3A_1534 {strides = array<i32>} : memref<2x128xi32, #tpu.memory_space<vmem>>, vector<1x16xi32>,
      %get3A_1535 = arith.constant 3 : i32
      %get3A_1536 = arith.index_cast %get3A_1535 : i32 to index
      %get3A_1537 = arith.constant 64 : index
      %get3A_1538 = tpu.vector_load %arg6[%get3A_1536, %get3A_1537] {strides = array<i32>} : memref<4x128xi32, #tpu.memory_space<vmem>>, vector<1x16xi32>,
      %get3A_1539 = vector.shape_cast %get3A_1538 : vector<1x16xi32> to vector<16xi32>
      %swap3A_1540 = arith.constant 1 : i32
      %swap3A_1541 = arith.index_cast %swap3A_1540 : i32 to index
      %swap3A_1542 = arith.constant 64 : index
      %swap3A_1543 = tpu.vector_load %arg10[%swap3A_1541, %swap3A_1542] {strides = array<i32>} : memref<2x128xi32, #tpu.memory_space<vmem>>, vector<1x16xi32>,
      %swap3A_1544 = vector.shape_cast %swap3A_1543 : vector<1x16xi32> to vector<16xi32>
      %swap3A_1545 = vector.shape_cast %get3A_1539 : vector<16xi32> to vector<1x16xi32>
      tpu.vector_store %arg10[%swap3A_1541, %swap3A_1542], %swap3A_1545 {strides = array<i32>} : memref<2x128xi32, #tpu.memory_space<vmem>>, vector<1x16xi32>,
      %get3A_1546 = arith.constant 2 : i32
      %get3A_1547 = arith.index_cast %get3A_1546 : i32 to index
      %get3A_1548 = arith.constant 80 : index
      %get3A_1549 = tpu.vector_load %arg6[%get3A_1547, %get3A_1548] {strides = array<i32>} : memref<4x128xi32, #tpu.memory_space<vmem>>, vector<1x16xi32>,
      %get3A_1550 = vector.shape_cast %get3A_1549 : vector<1x16xi32> to vector<16xi32>
      %mul3A_1551 = arith.constant 2 : i32
      %mul3A_1552 = vector.broadcast %mul3A_1551 : i32 to vector<16xi32>
      %mul3A_1553 = arith.muli %get3A_1550, %mul3A_1552 : vector<16xi32>
      %add3A_1554 = vector.broadcast %arg0 : i32 to vector<16xi32>
      %add3A_1555 = arith.addi %mul3A_1553, %add3A_1554 : vector<16xi32>
      %swap3A_1556 = arith.constant 1 : i32
      %swap3A_1557 = arith.index_cast %swap3A_1556 : i32 to index
      %swap3A_1558 = arith.constant 80 : index
      %swap3A_1559 = tpu.vector_load %arg8[%swap3A_1557, %swap3A_1558] {strides = array<i32>} : memref<2x128xi32, #tpu.memory_space<vmem>>, vector<1x16xi32>,
      %swap3A_1560 = vector.shape_cast %swap3A_1559 : vector<1x16xi32> to vector<16xi32>
      %swap3A_1561 = vector.shape_cast %add3A_1555 : vector<16xi32> to vector<1x16xi32>
      tpu.vector_store %arg8[%swap3A_1557, %swap3A_1558], %swap3A_1561 {strides = array<i32>} : memref<2x128xi32, #tpu.memory_space<vmem>>, vector<1x16xi32>,
      %get3A_1562 = arith.constant 3 : i32
      %get3A_1563 = arith.index_cast %get3A_1562 : i32 to index
      %get3A_1564 = arith.constant 80 : index
      %get3A_1565 = tpu.vector_load %arg6[%get3A_1563, %get3A_1564] {strides = array<i32>} : memref<4x128xi32, #tpu.memory_space<vmem>>, vector<1x16xi32>,
      %get3A_1566 = vector.shape_cast %get3A_1565 : vector<1x16xi32> to vector<16xi32>
      %swap3A_1567 = arith.constant 1 : i32
      %swap3A_1568 = arith.index_cast %swap3A_1567 : i32 to index
      %swap3A_1569 = arith.constant 80 : index
      %swap3A_1570 = tpu.vector_load %arg10[%swap3A_1568, %swap3A_1569] {strides = array<i32>} : memref<2x128xi32, #tpu.memory_space<vmem>>, vector<1x16xi32>,
      %swap3A_1571 = vector.shape_cast %swap3A_1570 : vector<1x16xi32> to vector<16xi32>
      %swap3A_1572 = vector.shape_cast %get3A_1566 : vector<16xi32> to vector<1x16xi32>
      tpu.vector_store %arg10[%swap3A_1568, %swap3A_1569], %swap3A_1572 {strides = array<i32>} : memref<2x128xi32, #tpu.memory_space<vmem>>, vector<1x16xi32>,
      %get3A_1573 = arith.constant 2 : i32
      %get3A_1574 = arith.index_cast %get3A_1573 : i32 to index
      %get3A_1575 = arith.constant 96 : index
      %get3A_1576 = tpu.vector_load %arg6[%get3A_1574, %get3A_1575] {strides = array<i32>} : memref<4x128xi32, #tpu.memory_space<vmem>>, vector<1x16xi32>,
      %get3A_1577 = vector.shape_cast %get3A_1576 : vector<1x16xi32> to vector<16xi32>
      %mul3A_1578 = arith.constant 2 : i32
      %mul3A_1579 = vector.broadcast %mul3A_1578 : i32 to vector<16xi32>
      %mul3A_1580 = arith.muli %get3A_1577, %mul3A_1579 : vector<16xi32>
      %add3A_1581 = vector.broadcast %arg0 : i32 to vector<16xi32>
      %add3A_1582 = arith.addi %mul3A_1580, %add3A_1581 : vector<16xi32>
      %swap3A_1583 = arith.constant 1 : i32
      %swap3A_1584 = arith.index_cast %swap3A_1583 : i32 to index
      %swap3A_1585 = arith.constant 96 : index
      %swap3A_1586 = tpu.vector_load %arg8[%swap3A_1584, %swap3A_1585] {strides = array<i32>} : memref<2x128xi32, #tpu.memory_space<vmem>>, vector<1x16xi32>,
      %swap3A_1587 = vector.shape_cast %swap3A_1586 : vector<1x16xi32> to vector<16xi32>
      %swap3A_1588 = vector.shape_cast %add3A_1582 : vector<16xi32> to vector<1x16xi32>
      tpu.vector_store %arg8[%swap3A_1584, %swap3A_1585], %swap3A_1588 {strides = array<i32>} : memref<2x128xi32, #tpu.memory_space<vmem>>, vector<1x16xi32>,
      %get3A_1589 = arith.constant 3 : i32
      %get3A_1590 = arith.index_cast %get3A_1589 : i32 to index
      %get3A_1591 = arith.constant 96 : index
      %get3A_1592 = tpu.vector_load %arg6[%get3A_1590, %get3A_1591] {strides = array<i32>} : memref<4x128xi32, #tpu.memory_space<vmem>>, vector<1x16xi32>,
      %get3A_1593 = vector.shape_cast %get3A_1592 : vector<1x16xi32> to vector<16xi32>
      %swap3A_1594 = arith.constant 1 : i32
      %swap3A_1595 = arith.index_cast %swap3A_1594 : i32 to index
      %swap3A_1596 = arith.constant 96 : index
      %swap3A_1597 = tpu.vector_load %arg10[%swap3A_1595, %swap3A_1596] {strides = array<i32>} : memref<2x128xi32, #tpu.memory_space<vmem>>, vector<1x16xi32>,
      %swap3A_1598 = vector.shape_cast %swap3A_1597 : vector<1x16xi32> to vector<16xi32>
      %swap3A_1599 = vector.shape_cast %get3A_1593 : vector<16xi32> to vector<1x16xi32>
      tpu.vector_store %arg10[%swap3A_1595, %swap3A_1596], %swap3A_1599 {strides = array<i32>} : memref<2x128xi32, #tpu.memory_space<vmem>>, vector<1x16xi32>,
      %get3A_1600 = arith.constant 2 : i32
      %get3A_1601 = arith.index_cast %get3A_1600 : i32 to index
      %get3A_1602 = arith.constant 112 : index
      %get3A_1603 = tpu.vector_load %arg6[%get3A_1601, %get3A_1602] {strides = array<i32>} : memref<4x128xi32, #tpu.memory_space<vmem>>, vector<1x16xi32>,
      %get3A_1604 = vector.shape_cast %get3A_1603 : vector<1x16xi32> to vector<16xi32>
      %mul3A_1605 = arith.constant 2 : i32
      %mul3A_1606 = vector.broadcast %mul3A_1605 : i32 to vector<16xi32>
      %mul3A_1607 = arith.muli %get3A_1604, %mul3A_1606 : vector<16xi32>
      %add3A_1608 = vector.broadcast %arg0 : i32 to vector<16xi32>
      %add3A_1609 = arith.addi %mul3A_1607, %add3A_1608 : vector<16xi32>
      %swap3A_1610 = arith.constant 1 : i32
      %swap3A_1611 = arith.index_cast %swap3A_1610 : i32 to index
      %swap3A_1612 = arith.constant 112 : index
      %swap3A_1613 = tpu.vector_load %arg8[%swap3A_1611, %swap3A_1612] {strides = array<i32>} : memref<2x128xi32, #tpu.memory_space<vmem>>, vector<1x16xi32>,
      %swap3A_1614 = vector.shape_cast %swap3A_1613 : vector<1x16xi32> to vector<16xi32>
      %swap3A_1615 = vector.shape_cast %add3A_1609 : vector<16xi32> to vector<1x16xi32>
      tpu.vector_store %arg8[%swap3A_1611, %swap3A_1612], %swap3A_1615 {strides = array<i32>} : memref<2x128xi32, #tpu.memory_space<vmem>>, vector<1x16xi32>,
      %get3A_1616 = arith.constant 3 : i32
      %get3A_1617 = arith.index_cast %get3A_1616 : i32 to index
      %get3A_1618 = arith.constant 112 : index
      %get3A_1619 = tpu.vector_load %arg6[%get3A_1617, %get3A_1618] {strides = array<i32>} : memref<4x128xi32, #tpu.memory_space<vmem>>, vector<1x16xi32>,
      %get3A_1620 = vector.shape_cast %get3A_1619 : vector<1x16xi32> to vector<16xi32>
      %swap3A_1621 = arith.constant 1 : i32
      %swap3A_1622 = arith.index_cast %swap3A_1621 : i32 to index
      %swap3A_1623 = arith.constant 112 : index
      %swap3A_1624 = tpu.vector_load %arg10[%swap3A_1622, %swap3A_1623] {strides = array<i32>} : memref<2x128xi32, #tpu.memory_space<vmem>>, vector<1x16xi32>,
      %swap3A_1625 = vector.shape_cast %swap3A_1624 : vector<1x16xi32> to vector<16xi32>
      %swap3A_1626 = vector.shape_cast %get3A_1620 : vector<16xi32> to vector<1x16xi32>
      tpu.vector_store %arg10[%swap3A_1622, %swap3A_1623], %swap3A_1626 {strides = array<i32>} : memref<2x128xi32, #tpu.memory_space<vmem>>, vector<1x16xi32>,
      %dma_start3A_1627 = arith.constant 0 : i32
      %dma_start3A_1628 = arith.constant 0 : i32
      %dma_start3A_1629 = arith.constant 0 : i32
      %dma_start3A_1630 = arith.constant 0 : i32
      %dma_start3A_1631 = tpu.memref_slice %arg12[%dma_start3A_1628, %dma_start3A_1629, %dma_start3A_1630] : memref<2x128x64xbf16, #tpu.memory_space<vmem>> -> memref<1x128x64xbf16, #tpu.memory_space<vmem>>
      %dma_start3A_1632 = tpu.memref_squeeze %dma_start3A_1631 : memref<1x128x64xbf16, #tpu.memory_space<vmem>> -> memref<128x64xbf16, #tpu.memory_space<vmem>>
      %dma_start3A_1633 = arith.constant 0 : i32
      %dma_start3A_1634 = tpu.memref_slice %arg8[%dma_start3A_1627, %dma_start3A_1633] : memref<2x128xi32, #tpu.memory_space<vmem>> -> memref<1x128xi32, #tpu.memory_space<vmem>>
      %dma_start3A_1635 = tpu.memref_squeeze %dma_start3A_1634 : memref<1x128xi32, #tpu.memory_space<vmem>> -> memref<128xi32, #tpu.memory_space<vmem>>
      %dma_start3A_1636 = arith.constant 0 : i32
      %dma_start3A_1637 = arith.constant 0 : i32
      %dma_start3A_1638 = tpu.memref_slice %arg2[%dma_start3A_1636, %dma_start3A_1637] : memref<100352x64xbf16, #tpu.memory_space<hbm>> -> memref<100352x64xbf16, #tpu.memory_space<hbm>>
      tpu.enqueue_indirect_dma source(%dma_start3A_1638 : memref<100352x64xbf16, #tpu.memory_space<hbm>>) target(%dma_start3A_1632 : memref<128x64xbf16, #tpu.memory_space<vmem>>) offsets(%dma_start3A_1635 : memref<128xi32, #tpu.memory_space<vmem>>) semaphore(%arg18 : memref<!tpu.dma_semaphore, #tpu.memory_space<semaphore_mem>>)
      %dma_start3A_1639 = arith.constant 1 : i32
      %dma_start3A_1640 = arith.constant 1 : i32
      %dma_start3A_1641 = arith.constant 0 : i32
      %dma_start3A_1642 = arith.constant 0 : i32
      %dma_start3A_1643 = tpu.memref_slice %arg12[%dma_start3A_1640, %dma_start3A_1641, %dma_start3A_1642] : memref<2x128x64xbf16, #tpu.memory_space<vmem>> -> memref<1x128x64xbf16, #tpu.memory_space<vmem>>
      %dma_start3A_1644 = tpu.memref_squeeze %dma_start3A_1643 : memref<1x128x64xbf16, #tpu.memory_space<vmem>> -> memref<128x64xbf16, #tpu.memory_space<vmem>>
      %dma_start3A_1645 = arith.constant 0 : i32
      %dma_start3A_1646 = tpu.memref_slice %arg8[%dma_start3A_1639, %dma_start3A_1645] : memref<2x128xi32, #tpu.memory_space<vmem>> -> memref<1x128xi32, #tpu.memory_space<vmem>>
      %dma_start3A_1647 = tpu.memref_squeeze %dma_start3A_1646 : memref<1x128xi32, #tpu.memory_space<vmem>> -> memref<128xi32, #tpu.memory_space<vmem>>
      %dma_start3A_1648 = arith.constant 0 : i32
      %dma_start3A_1649 = arith.constant 0 : i32
      %dma_start3A_1650 = tpu.memref_slice %arg2[%dma_start3A_1648, %dma_start3A_1649] : memref<100352x64xbf16, #tpu.memory_space<hbm>> -> memref<100352x64xbf16, #tpu.memory_space<hbm>>
      tpu.enqueue_indirect_dma source(%dma_start3A_1650 : memref<100352x64xbf16, #tpu.memory_space<hbm>>) target(%dma_start3A_1644 : memref<128x64xbf16, #tpu.memory_space<vmem>>) offsets(%dma_start3A_1647 : memref<128xi32, #tpu.memory_space<vmem>>) semaphore(%arg18 : memref<!tpu.dma_semaphore, #tpu.memory_space<semaphore_mem>>)
      %add3A_1651 = arith.constant 3 : i32
      %add3A_1652 = arith.addi %mul3A_1194, %add3A_1651 : i32
      %lt3A = arith.constant 124 : i32
      %lt3A_1653 = arith.cmpi slt, %add3A_1652, %lt3A : i32
      %convert_element_type3A = arith.extui %lt3A_1653 : i1 to i32
      %cond3A = arith.constant 0 : i32
      %cond3A_1654 = arith.cmpi ne, %convert_element_type3A, %cond3A : i32
      scf.if %cond3A_1654 {
        %add3A_2277 = arith.constant 3 : i32
        %add3A_2278 = arith.addi %mul3A_1194, %add3A_2277 : i32
        %mul3A_2279 = arith.constant 2 : i32
        %mul3A_2280 = arith.muli %add3A_2278, %mul3A_2279 : i32
        %add3A_2281 = arith.addi %mul3A_8, %mul3A_2280 : i32
        %mul3A_2282 = arith.constant 2 : i32
        %mul3A_2283 = arith.muli %mul3A_2282, %add3A_2281 : i32
        %dma_start3A_2284 = arith.constant 0 : i32
        %dma_start3A_2285 = tpu.memref_slice %arg3[%mul3A_2283, %dma_start3A_2284] : memref<7936x128xi32, #tpu.memory_space<hbm>> -> memref<4x128xi32, #tpu.memory_space<hbm>>
        %dma_start3A_2286 = arith.constant 0 : i32
        %dma_start3A_2287 = tpu.memref_slice %arg3[%mul3A_2283, %dma_start3A_2286] : memref<7936x128xi32, #tpu.memory_space<hbm>> -> memref<4x128xi32, #tpu.memory_space<hbm>>
        tpu.enqueue_dma source(%dma_start3A_2287 : memref<4x128xi32, #tpu.memory_space<hbm>>) target(%arg6 : memref<4x128xi32, #tpu.memory_space<vmem>>) target_semaphore(%arg16 : memref<!tpu.dma_semaphore, #tpu.memory_space<semaphore_mem>>)
      } else {
      }
      %add3A_1655 = arith.constant 2 : i32
      %add3A_1656 = arith.addi %mul3A_1194, %add3A_1655 : i32
      %mul3A_1657 = arith.constant 2 : i32
      %mul3A_1658 = arith.muli %add3A_1656, %mul3A_1657 : i32
      %add3A_1659 = arith.addi %mul3A_8, %mul3A_1658 : i32
      %mul3A_1660 = arith.constant 2 : i32
      %mul3A_1661 = arith.muli %mul3A_1660, %add3A_1659 : i32
      %dma_start3A_1662 = arith.constant 0 : i32
      %dma_start3A_1663 = tpu.memref_slice %arg3[%mul3A_1661, %dma_start3A_1662] : memref<7936x128xi32, #tpu.memory_space<hbm>> -> memref<4x128xi32, #tpu.memory_space<hbm>>
      %dma_start3A_1664 = arith.constant 0 : i32
      %dma_start3A_1665 = tpu.memref_slice %arg3[%mul3A_1661, %dma_start3A_1664] : memref<7936x128xi32, #tpu.memory_space<hbm>> -> memref<4x128xi32, #tpu.memory_space<hbm>>
      tpu.enqueue_dma source(%dma_start3A_1665 : memref<4x128xi32, #tpu.memory_space<hbm>>) target(%arg5 : memref<4x128xi32, #tpu.memory_space<vmem>>) target_semaphore(%arg15 : memref<!tpu.dma_semaphore, #tpu.memory_space<semaphore_mem>>)
      %dma_wait3A_1666 = arith.constant 0 : i32
      %dma_wait3A_1667 = arith.constant 0 : i32
      %dma_wait3A_1668 = arith.constant 0 : i32
      %dma_wait3A_1669 = arith.constant 0 : i32
      %dma_wait3A_1670 = tpu.memref_slice %arg11[%dma_wait3A_1667, %dma_wait3A_1668, %dma_wait3A_1669] : memref<2x128x64xbf16, #tpu.memory_space<vmem>> -> memref<1x128x64xbf16, #tpu.memory_space<vmem>>
      %dma_wait3A_1671 = tpu.memref_squeeze %dma_wait3A_1670 : memref<1x128x64xbf16, #tpu.memory_space<vmem>> -> memref<128x64xbf16, #tpu.memory_space<vmem>>
      %dma_wait3A_1672 = arith.constant 0 : i32
      %dma_wait3A_1673 = tpu.memref_slice %arg7[%dma_wait3A_1666, %dma_wait3A_1672] : memref<2x128xi32, #tpu.memory_space<vmem>> -> memref<1x128xi32, #tpu.memory_space<vmem>>
      %dma_wait3A_1674 = tpu.memref_squeeze %dma_wait3A_1673 : memref<1x128xi32, #tpu.memory_space<vmem>> -> memref<128xi32, #tpu.memory_space<vmem>>
      %dma_wait3A_1675 = arith.constant 0 : i32
      %dma_wait3A_1676 = arith.constant 0 : i32
      %dma_wait3A_1677 = tpu.memref_slice %arg2[%dma_wait3A_1675, %dma_wait3A_1676] : memref<100352x64xbf16, #tpu.memory_space<hbm>> -> memref<100352x64xbf16, #tpu.memory_space<hbm>>
      tpu.wait_indirect_dma semaphore(%arg17 : memref<!tpu.dma_semaphore, #tpu.memory_space<semaphore_mem>>) src(%dma_wait3A_1677 : memref<100352x64xbf16, #tpu.memory_space<hbm>>) dst(%dma_wait3A_1671 : memref<128x64xbf16, #tpu.memory_space<vmem>>)
      %dma_wait3A_1678 = arith.constant 1 : i32
      %dma_wait3A_1679 = arith.constant 1 : i32
      %dma_wait3A_1680 = arith.constant 0 : i32
      %dma_wait3A_1681 = arith.constant 0 : i32
      %dma_wait3A_1682 = tpu.memref_slice %arg11[%dma_wait3A_1679, %dma_wait3A_1680, %dma_wait3A_1681] : memref<2x128x64xbf16, #tpu.memory_space<vmem>> -> memref<1x128x64xbf16, #tpu.memory_space<vmem>>
      %dma_wait3A_1683 = tpu.memref_squeeze %dma_wait3A_1682 : memref<1x128x64xbf16, #tpu.memory_space<vmem>> -> memref<128x64xbf16, #tpu.memory_space<vmem>>
      %dma_wait3A_1684 = arith.constant 0 : i32
      %dma_wait3A_1685 = tpu.memref_slice %arg7[%dma_wait3A_1678, %dma_wait3A_1684] : memref<2x128xi32, #tpu.memory_space<vmem>> -> memref<1x128xi32, #tpu.memory_space<vmem>>
      %dma_wait3A_1686 = tpu.memref_squeeze %dma_wait3A_1685 : memref<1x128xi32, #tpu.memory_space<vmem>> -> memref<128xi32, #tpu.memory_space<vmem>>
      %dma_wait3A_1687 = arith.constant 0 : i32
      %dma_wait3A_1688 = arith.constant 0 : i32
      %dma_wait3A_1689 = tpu.memref_slice %arg2[%dma_wait3A_1687, %dma_wait3A_1688] : memref<100352x64xbf16, #tpu.memory_space<hbm>> -> memref<100352x64xbf16, #tpu.memory_space<hbm>>
      tpu.wait_indirect_dma semaphore(%arg17 : memref<!tpu.dma_semaphore, #tpu.memory_space<semaphore_mem>>) src(%dma_wait3A_1689 : memref<100352x64xbf16, #tpu.memory_space<hbm>>) dst(%dma_wait3A_1683 : memref<128x64xbf16, #tpu.memory_space<vmem>>)
      %dma_start3A_1690 = arith.constant 0 : i32
      %dma_start3A_1691 = arith.constant 0 : i32
      %dma_start3A_1692 = arith.constant 0 : i32
      %dma_start3A_1693 = arith.constant 0 : i32
      %dma_start3A_1694 = tpu.memref_slice %arg11[%dma_start3A_1690, %dma_start3A_1692, %dma_start3A_1693] : memref<2x128x64xbf16, #tpu.memory_space<vmem>> -> memref<1x128x64xbf16, #tpu.memory_space<vmem>>
      %dma_start3A_1695 = tpu.memref_squeeze %dma_start3A_1694 : memref<1x128x64xbf16, #tpu.memory_space<vmem>> -> memref<128x64xbf16, #tpu.memory_space<vmem>>
      %dma_start3A_1696 = arith.constant 0 : i32
      %dma_start3A_1697 = tpu.memref_slice %arg9[%dma_start3A_1691, %dma_start3A_1696] : memref<2x128xi32, #tpu.memory_space<vmem>> -> memref<1x128xi32, #tpu.memory_space<vmem>>
      %dma_start3A_1698 = tpu.memref_squeeze %dma_start3A_1697 : memref<1x128xi32, #tpu.memory_space<vmem>> -> memref<128xi32, #tpu.memory_space<vmem>>
      %dma_start3A_1699 = arith.constant 0 : i32
      %dma_start3A_1700 = arith.constant 0 : i32
      %dma_start3A_1701 = tpu.memref_slice %arg14[%dma_start3A_1699, %dma_start3A_1700] : memref<50176x64xbf16, #tpu.memory_space<vmem_shared>> -> memref<50176x64xbf16, #tpu.memory_space<vmem_shared>>
      tpu.enqueue_indirect_dma source(%dma_start3A_1695 : memref<128x64xbf16, #tpu.memory_space<vmem>>) target(%dma_start3A_1701 : memref<50176x64xbf16, #tpu.memory_space<vmem_shared>>) offsets(%dma_start3A_1698 : memref<128xi32, #tpu.memory_space<vmem>>) semaphore(%arg19 : memref<!tpu.dma_semaphore, #tpu.memory_space<semaphore_mem>>) {add = true}
      %dma_start3A_1702 = arith.constant 1 : i32
      %dma_start3A_1703 = arith.constant 1 : i32
      %dma_start3A_1704 = arith.constant 0 : i32
      %dma_start3A_1705 = arith.constant 0 : i32
      %dma_start3A_1706 = tpu.memref_slice %arg11[%dma_start3A_1702, %dma_start3A_1704, %dma_start3A_1705] : memref<2x128x64xbf16, #tpu.memory_space<vmem>> -> memref<1x128x64xbf16, #tpu.memory_space<vmem>>
      %dma_start3A_1707 = tpu.memref_squeeze %dma_start3A_1706 : memref<1x128x64xbf16, #tpu.memory_space<vmem>> -> memref<128x64xbf16, #tpu.memory_space<vmem>>
      %dma_start3A_1708 = arith.constant 0 : i32
      %dma_start3A_1709 = tpu.memref_slice %arg9[%dma_start3A_1703, %dma_start3A_1708] : memref<2x128xi32, #tpu.memory_space<vmem>> -> memref<1x128xi32, #tpu.memory_space<vmem>>
      %dma_start3A_1710 = tpu.memref_squeeze %dma_start3A_1709 : memref<1x128xi32, #tpu.memory_space<vmem>> -> memref<128xi32, #tpu.memory_space<vmem>>
      %dma_start3A_1711 = arith.constant 0 : i32
      %dma_start3A_1712 = arith.constant 0 : i32
      %dma_start3A_1713 = tpu.memref_slice %arg14[%dma_start3A_1711, %dma_start3A_1712] : memref<50176x64xbf16, #tpu.memory_space<vmem_shared>> -> memref<50176x64xbf16, #tpu.memory_space<vmem_shared>>
      tpu.enqueue_indirect_dma source(%dma_start3A_1707 : memref<128x64xbf16, #tpu.memory_space<vmem>>) target(%dma_start3A_1713 : memref<50176x64xbf16, #tpu.memory_space<vmem_shared>>) offsets(%dma_start3A_1710 : memref<128xi32, #tpu.memory_space<vmem>>) semaphore(%arg19 : memref<!tpu.dma_semaphore, #tpu.memory_space<semaphore_mem>>) {add = true}
      %dma_wait3A_1714 = arith.constant 0 : i32
      %dma_wait3A_1715 = arith.constant 0 : i32
      %dma_wait3A_1716 = arith.constant 0 : i32
      %dma_wait3A_1717 = arith.constant 0 : i32
      %dma_wait3A_1718 = tpu.memref_slice %arg11[%dma_wait3A_1714, %dma_wait3A_1716, %dma_wait3A_1717] : memref<2x128x64xbf16, #tpu.memory_space<vmem>> -> memref<1x128x64xbf16, #tpu.memory_space<vmem>>
      %dma_wait3A_1719 = tpu.memref_squeeze %dma_wait3A_1718 : memref<1x128x64xbf16, #tpu.memory_space<vmem>> -> memref<128x64xbf16, #tpu.memory_space<vmem>>
      %dma_wait3A_1720 = arith.constant 0 : i32
      %dma_wait3A_1721 = tpu.memref_slice %arg9[%dma_wait3A_1715, %dma_wait3A_1720] : memref<2x128xi32, #tpu.memory_space<vmem>> -> memref<1x128xi32, #tpu.memory_space<vmem>>
      %dma_wait3A_1722 = tpu.memref_squeeze %dma_wait3A_1721 : memref<1x128xi32, #tpu.memory_space<vmem>> -> memref<128xi32, #tpu.memory_space<vmem>>
      %dma_wait3A_1723 = arith.constant 0 : i32
      %dma_wait3A_1724 = arith.constant 0 : i32
      %dma_wait3A_1725 = tpu.memref_slice %arg14[%dma_wait3A_1723, %dma_wait3A_1724] : memref<50176x64xbf16, #tpu.memory_space<vmem_shared>> -> memref<50176x64xbf16, #tpu.memory_space<vmem_shared>>
      tpu.wait_indirect_dma semaphore(%arg19 : memref<!tpu.dma_semaphore, #tpu.memory_space<semaphore_mem>>) src(%dma_wait3A_1719 : memref<128x64xbf16, #tpu.memory_space<vmem>>) dst(%dma_wait3A_1725 : memref<50176x64xbf16, #tpu.memory_space<vmem_shared>>)
      %dma_wait3A_1726 = arith.constant 1 : i32
      %dma_wait3A_1727 = arith.constant 1 : i32
      %dma_wait3A_1728 = arith.constant 0 : i32
      %dma_wait3A_1729 = arith.constant 0 : i32
      %dma_wait3A_1730 = tpu.memref_slice %arg11[%dma_wait3A_1726, %dma_wait3A_1728, %dma_wait3A_1729] : memref<2x128x64xbf16, #tpu.memory_space<vmem>> -> memref<1x128x64xbf16, #tpu.memory_space<vmem>>
      %dma_wait3A_1731 = tpu.memref_squeeze %dma_wait3A_1730 : memref<1x128x64xbf16, #tpu.memory_space<vmem>> -> memref<128x64xbf16, #tpu.memory_space<vmem>>
      %dma_wait3A_1732 = arith.constant 0 : i32
      %dma_wait3A_1733 = tpu.memref_slice %arg9[%dma_wait3A_1727, %dma_wait3A_1732] : memref<2x128xi32, #tpu.memory_space<vmem>> -> memref<1x128xi32, #tpu.memory_space<vmem>>
      %dma_wait3A_1734 = tpu.memref_squeeze %dma_wait3A_1733 : memref<1x128xi32, #tpu.memory_space<vmem>> -> memref<128xi32, #tpu.memory_space<vmem>>
      %dma_wait3A_1735 = arith.constant 0 : i32
      %dma_wait3A_1736 = arith.constant 0 : i32
      %dma_wait3A_1737 = tpu.memref_slice %arg14[%dma_wait3A_1735, %dma_wait3A_1736] : memref<50176x64xbf16, #tpu.memory_space<vmem_shared>> -> memref<50176x64xbf16, #tpu.memory_space<vmem_shared>>
      tpu.wait_indirect_dma semaphore(%arg19 : memref<!tpu.dma_semaphore, #tpu.memory_space<semaphore_mem>>) src(%dma_wait3A_1731 : memref<128x64xbf16, #tpu.memory_space<vmem>>) dst(%dma_wait3A_1737 : memref<50176x64xbf16, #tpu.memory_space<vmem_shared>>)
      %dma_wait3A_1738 = arith.constant 0 : i32
      %dma_wait3A_1739 = tpu.memref_slice %arg3[%mul3A_1661, %dma_wait3A_1738] : memref<7936x128xi32, #tpu.memory_space<hbm>> -> memref<4x128xi32, #tpu.memory_space<hbm>>
      %dma_wait3A_1740 = arith.constant 0 : i32
      %dma_wait3A_1741 = tpu.memref_slice %arg3[%mul3A_1661, %dma_wait3A_1740] : memref<7936x128xi32, #tpu.memory_space<hbm>> -> memref<4x128xi32, #tpu.memory_space<hbm>>
      tpu.wait_dma2 semaphore(%arg15 : memref<!tpu.dma_semaphore, #tpu.memory_space<semaphore_mem>>) src(%dma_wait3A_1741 : memref<4x128xi32, #tpu.memory_space<hbm>>) dst(%arg5 : memref<4x128xi32, #tpu.memory_space<vmem>>)
      %get3A_1742 = arith.constant 0 : i32
      %get3A_1743 = arith.index_cast %get3A_1742 : i32 to index
      %get3A_1744 = arith.constant 0 : index
      %get3A_1745 = tpu.vector_load %arg5[%get3A_1743, %get3A_1744] {strides = array<i32>} : memref<4x128xi32, #tpu.memory_space<vmem>>, vector<1x16xi32>,
      %get3A_1746 = vector.shape_cast %get3A_1745 : vector<1x16xi32> to vector<16xi32>
      %mul3A_1747 = arith.constant 2 : i32
      %mul3A_1748 = vector.broadcast %mul3A_1747 : i32 to vector<16xi32>
      %mul3A_1749 = arith.muli %get3A_1746, %mul3A_1748 : vector<16xi32>
      %add3A_1750 = vector.broadcast %arg0 : i32 to vector<16xi32>
      %add3A_1751 = arith.addi %mul3A_1749, %add3A_1750 : vector<16xi32>
      %swap3A_1752 = arith.constant 0 : i32
      %swap3A_1753 = arith.index_cast %swap3A_1752 : i32 to index
      %swap3A_1754 = arith.constant 0 : index
      %swap3A_1755 = tpu.vector_load %arg7[%swap3A_1753, %swap3A_1754] {strides = array<i32>} : memref<2x128xi32, #tpu.memory_space<vmem>>, vector<1x16xi32>,
      %swap3A_1756 = vector.shape_cast %swap3A_1755 : vector<1x16xi32> to vector<16xi32>
      %swap3A_1757 = vector.shape_cast %add3A_1751 : vector<16xi32> to vector<1x16xi32>
      tpu.vector_store %arg7[%swap3A_1753, %swap3A_1754], %swap3A_1757 {strides = array<i32>} : memref<2x128xi32, #tpu.memory_space<vmem>>, vector<1x16xi32>,
      %get3A_1758 = arith.constant 1 : i32
      %get3A_1759 = arith.index_cast %get3A_1758 : i32 to index
      %get3A_1760 = arith.constant 0 : index
      %get3A_1761 = tpu.vector_load %arg5[%get3A_1759, %get3A_1760] {strides = array<i32>} : memref<4x128xi32, #tpu.memory_space<vmem>>, vector<1x16xi32>,
      %get3A_1762 = vector.shape_cast %get3A_1761 : vector<1x16xi32> to vector<16xi32>
      %swap3A_1763 = arith.constant 0 : i32
      %swap3A_1764 = arith.index_cast %swap3A_1763 : i32 to index
      %swap3A_1765 = arith.constant 0 : index
      %swap3A_1766 = tpu.vector_load %arg9[%swap3A_1764, %swap3A_1765] {strides = array<i32>} : memref<2x128xi32, #tpu.memory_space<vmem>>, vector<1x16xi32>,
      %swap3A_1767 = vector.shape_cast %swap3A_1766 : vector<1x16xi32> to vector<16xi32>
      %swap3A_1768 = vector.shape_cast %get3A_1762 : vector<16xi32> to vector<1x16xi32>
      tpu.vector_store %arg9[%swap3A_1764, %swap3A_1765], %swap3A_1768 {strides = array<i32>} : memref<2x128xi32, #tpu.memory_space<vmem>>, vector<1x16xi32>,
      %get3A_1769 = arith.constant 0 : i32
      %get3A_1770 = arith.index_cast %get3A_1769 : i32 to index
      %get3A_1771 = arith.constant 16 : index
      %get3A_1772 = tpu.vector_load %arg5[%get3A_1770, %get3A_1771] {strides = array<i32>} : memref<4x128xi32, #tpu.memory_space<vmem>>, vector<1x16xi32>,
      %get3A_1773 = vector.shape_cast %get3A_1772 : vector<1x16xi32> to vector<16xi32>
      %mul3A_1774 = arith.constant 2 : i32
      %mul3A_1775 = vector.broadcast %mul3A_1774 : i32 to vector<16xi32>
      %mul3A_1776 = arith.muli %get3A_1773, %mul3A_1775 : vector<16xi32>
      %add3A_1777 = vector.broadcast %arg0 : i32 to vector<16xi32>
      %add3A_1778 = arith.addi %mul3A_1776, %add3A_1777 : vector<16xi32>
      %swap3A_1779 = arith.constant 0 : i32
      %swap3A_1780 = arith.index_cast %swap3A_1779 : i32 to index
      %swap3A_1781 = arith.constant 16 : index
      %swap3A_1782 = tpu.vector_load %arg7[%swap3A_1780, %swap3A_1781] {strides = array<i32>} : memref<2x128xi32, #tpu.memory_space<vmem>>, vector<1x16xi32>,
      %swap3A_1783 = vector.shape_cast %swap3A_1782 : vector<1x16xi32> to vector<16xi32>
      %swap3A_1784 = vector.shape_cast %add3A_1778 : vector<16xi32> to vector<1x16xi32>
      tpu.vector_store %arg7[%swap3A_1780, %swap3A_1781], %swap3A_1784 {strides = array<i32>} : memref<2x128xi32, #tpu.memory_space<vmem>>, vector<1x16xi32>,
      %get3A_1785 = arith.constant 1 : i32
      %get3A_1786 = arith.index_cast %get3A_1785 : i32 to index
      %get3A_1787 = arith.constant 16 : index
      %get3A_1788 = tpu.vector_load %arg5[%get3A_1786, %get3A_1787] {strides = array<i32>} : memref<4x128xi32, #tpu.memory_space<vmem>>, vector<1x16xi32>,
      %get3A_1789 = vector.shape_cast %get3A_1788 : vector<1x16xi32> to vector<16xi32>
      %swap3A_1790 = arith.constant 0 : i32
      %swap3A_1791 = arith.index_cast %swap3A_1790 : i32 to index
      %swap3A_1792 = arith.constant 16 : index
      %swap3A_1793 = tpu.vector_load %arg9[%swap3A_1791, %swap3A_1792] {strides = array<i32>} : memref<2x128xi32, #tpu.memory_space<vmem>>, vector<1x16xi32>,
      %swap3A_1794 = vector.shape_cast %swap3A_1793 : vector<1x16xi32> to vector<16xi32>
      %swap3A_1795 = vector.shape_cast %get3A_1789 : vector<16xi32> to vector<1x16xi32>
      tpu.vector_store %arg9[%swap3A_1791, %swap3A_1792], %swap3A_1795 {strides = array<i32>} : memref<2x128xi32, #tpu.memory_space<vmem>>, vector<1x16xi32>,
      %get3A_1796 = arith.constant 0 : i32
      %get3A_1797 = arith.index_cast %get3A_1796 : i32 to index
      %get3A_1798 = arith.constant 32 : index
      %get3A_1799 = tpu.vector_load %arg5[%get3A_1797, %get3A_1798] {strides = array<i32>} : memref<4x128xi32, #tpu.memory_space<vmem>>, vector<1x16xi32>,
      %get3A_1800 = vector.shape_cast %get3A_1799 : vector<1x16xi32> to vector<16xi32>
      %mul3A_1801 = arith.constant 2 : i32
      %mul3A_1802 = vector.broadcast %mul3A_1801 : i32 to vector<16xi32>
      %mul3A_1803 = arith.muli %get3A_1800, %mul3A_1802 : vector<16xi32>
      %add3A_1804 = vector.broadcast %arg0 : i32 to vector<16xi32>
      %add3A_1805 = arith.addi %mul3A_1803, %add3A_1804 : vector<16xi32>
      %swap3A_1806 = arith.constant 0 : i32
      %swap3A_1807 = arith.index_cast %swap3A_1806 : i32 to index
      %swap3A_1808 = arith.constant 32 : index
      %swap3A_1809 = tpu.vector_load %arg7[%swap3A_1807, %swap3A_1808] {strides = array<i32>} : memref<2x128xi32, #tpu.memory_space<vmem>>, vector<1x16xi32>,
      %swap3A_1810 = vector.shape_cast %swap3A_1809 : vector<1x16xi32> to vector<16xi32>
      %swap3A_1811 = vector.shape_cast %add3A_1805 : vector<16xi32> to vector<1x16xi32>
      tpu.vector_store %arg7[%swap3A_1807, %swap3A_1808], %swap3A_1811 {strides = array<i32>} : memref<2x128xi32, #tpu.memory_space<vmem>>, vector<1x16xi32>,
      %get3A_1812 = arith.constant 1 : i32
      %get3A_1813 = arith.index_cast %get3A_1812 : i32 to index
      %get3A_1814 = arith.constant 32 : index
      %get3A_1815 = tpu.vector_load %arg5[%get3A_1813, %get3A_1814] {strides = array<i32>} : memref<4x128xi32, #tpu.memory_space<vmem>>, vector<1x16xi32>,
      %get3A_1816 = vector.shape_cast %get3A_1815 : vector<1x16xi32> to vector<16xi32>
      %swap3A_1817 = arith.constant 0 : i32
      %swap3A_1818 = arith.index_cast %swap3A_1817 : i32 to index
      %swap3A_1819 = arith.constant 32 : index
      %swap3A_1820 = tpu.vector_load %arg9[%swap3A_1818, %swap3A_1819] {strides = array<i32>} : memref<2x128xi32, #tpu.memory_space<vmem>>, vector<1x16xi32>,
      %swap3A_1821 = vector.shape_cast %swap3A_1820 : vector<1x16xi32> to vector<16xi32>
      %swap3A_1822 = vector.shape_cast %get3A_1816 : vector<16xi32> to vector<1x16xi32>
      tpu.vector_store %arg9[%swap3A_1818, %swap3A_1819], %swap3A_1822 {strides = array<i32>} : memref<2x128xi32, #tpu.memory_space<vmem>>, vector<1x16xi32>,
      %get3A_1823 = arith.constant 0 : i32
      %get3A_1824 = arith.index_cast %get3A_1823 : i32 to index
      %get3A_1825 = arith.constant 48 : index
      %get3A_1826 = tpu.vector_load %arg5[%get3A_1824, %get3A_1825] {strides = array<i32>} : memref<4x128xi32, #tpu.memory_space<vmem>>, vector<1x16xi32>,
      %get3A_1827 = vector.shape_cast %get3A_1826 : vector<1x16xi32> to vector<16xi32>
      %mul3A_1828 = arith.constant 2 : i32
      %mul3A_1829 = vector.broadcast %mul3A_1828 : i32 to vector<16xi32>
      %mul3A_1830 = arith.muli %get3A_1827, %mul3A_1829 : vector<16xi32>
      %add3A_1831 = vector.broadcast %arg0 : i32 to vector<16xi32>
      %add3A_1832 = arith.addi %mul3A_1830, %add3A_1831 : vector<16xi32>
      %swap3A_1833 = arith.constant 0 : i32
      %swap3A_1834 = arith.index_cast %swap3A_1833 : i32 to index
      %swap3A_1835 = arith.constant 48 : index
      %swap3A_1836 = tpu.vector_load %arg7[%swap3A_1834, %swap3A_1835] {strides = array<i32>} : memref<2x128xi32, #tpu.memory_space<vmem>>, vector<1x16xi32>,
      %swap3A_1837 = vector.shape_cast %swap3A_1836 : vector<1x16xi32> to vector<16xi32>
      %swap3A_1838 = vector.shape_cast %add3A_1832 : vector<16xi32> to vector<1x16xi32>
      tpu.vector_store %arg7[%swap3A_1834, %swap3A_1835], %swap3A_1838 {strides = array<i32>} : memref<2x128xi32, #tpu.memory_space<vmem>>, vector<1x16xi32>,
      %get3A_1839 = arith.constant 1 : i32
      %get3A_1840 = arith.index_cast %get3A_1839 : i32 to index
      %get3A_1841 = arith.constant 48 : index
      %get3A_1842 = tpu.vector_load %arg5[%get3A_1840, %get3A_1841] {strides = array<i32>} : memref<4x128xi32, #tpu.memory_space<vmem>>, vector<1x16xi32>,
      %get3A_1843 = vector.shape_cast %get3A_1842 : vector<1x16xi32> to vector<16xi32>
      %swap3A_1844 = arith.constant 0 : i32
      %swap3A_1845 = arith.index_cast %swap3A_1844 : i32 to index
      %swap3A_1846 = arith.constant 48 : index
      %swap3A_1847 = tpu.vector_load %arg9[%swap3A_1845, %swap3A_1846] {strides = array<i32>} : memref<2x128xi32, #tpu.memory_space<vmem>>, vector<1x16xi32>,
      %swap3A_1848 = vector.shape_cast %swap3A_1847 : vector<1x16xi32> to vector<16xi32>
      %swap3A_1849 = vector.shape_cast %get3A_1843 : vector<16xi32> to vector<1x16xi32>
      tpu.vector_store %arg9[%swap3A_1845, %swap3A_1846], %swap3A_1849 {strides = array<i32>} : memref<2x128xi32, #tpu.memory_space<vmem>>, vector<1x16xi32>,
      %get3A_1850 = arith.constant 0 : i32
      %get3A_1851 = arith.index_cast %get3A_1850 : i32 to index
      %get3A_1852 = arith.constant 64 : index
      %get3A_1853 = tpu.vector_load %arg5[%get3A_1851, %get3A_1852] {strides = array<i32>} : memref<4x128xi32, #tpu.memory_space<vmem>>, vector<1x16xi32>,
      %get3A_1854 = vector.shape_cast %get3A_1853 : vector<1x16xi32> to vector<16xi32>
      %mul3A_1855 = arith.constant 2 : i32
      %mul3A_1856 = vector.broadcast %mul3A_1855 : i32 to vector<16xi32>
      %mul3A_1857 = arith.muli %get3A_1854, %mul3A_1856 : vector<16xi32>
      %add3A_1858 = vector.broadcast %arg0 : i32 to vector<16xi32>
      %add3A_1859 = arith.addi %mul3A_1857, %add3A_1858 : vector<16xi32>
      %swap3A_1860 = arith.constant 0 : i32
      %swap3A_1861 = arith.index_cast %swap3A_1860 : i32 to index
      %swap3A_1862 = arith.constant 64 : index
      %swap3A_1863 = tpu.vector_load %arg7[%swap3A_1861, %swap3A_1862] {strides = array<i32>} : memref<2x128xi32, #tpu.memory_space<vmem>>, vector<1x16xi32>,
      %swap3A_1864 = vector.shape_cast %swap3A_1863 : vector<1x16xi32> to vector<16xi32>
      %swap3A_1865 = vector.shape_cast %add3A_1859 : vector<16xi32> to vector<1x16xi32>
      tpu.vector_store %arg7[%swap3A_1861, %swap3A_1862], %swap3A_1865 {strides = array<i32>} : memref<2x128xi32, #tpu.memory_space<vmem>>, vector<1x16xi32>,
      %get3A_1866 = arith.constant 1 : i32
      %get3A_1867 = arith.index_cast %get3A_1866 : i32 to index
      %get3A_1868 = arith.constant 64 : index
      %get3A_1869 = tpu.vector_load %arg5[%get3A_1867, %get3A_1868] {strides = array<i32>} : memref<4x128xi32, #tpu.memory_space<vmem>>, vector<1x16xi32>,
      %get3A_1870 = vector.shape_cast %get3A_1869 : vector<1x16xi32> to vector<16xi32>
      %swap3A_1871 = arith.constant 0 : i32
      %swap3A_1872 = arith.index_cast %swap3A_1871 : i32 to index
      %swap3A_1873 = arith.constant 64 : index
      %swap3A_1874 = tpu.vector_load %arg9[%swap3A_1872, %swap3A_1873] {strides = array<i32>} : memref<2x128xi32, #tpu.memory_space<vmem>>, vector<1x16xi32>,
      %swap3A_1875 = vector.shape_cast %swap3A_1874 : vector<1x16xi32> to vector<16xi32>
      %swap3A_1876 = vector.shape_cast %get3A_1870 : vector<16xi32> to vector<1x16xi32>
      tpu.vector_store %arg9[%swap3A_1872, %swap3A_1873], %swap3A_1876 {strides = array<i32>} : memref<2x128xi32, #tpu.memory_space<vmem>>, vector<1x16xi32>,
      %get3A_1877 = arith.constant 0 : i32
      %get3A_1878 = arith.index_cast %get3A_1877 : i32 to index
      %get3A_1879 = arith.constant 80 : index
      %get3A_1880 = tpu.vector_load %arg5[%get3A_1878, %get3A_1879] {strides = array<i32>} : memref<4x128xi32, #tpu.memory_space<vmem>>, vector<1x16xi32>,
      %get3A_1881 = vector.shape_cast %get3A_1880 : vector<1x16xi32> to vector<16xi32>
      %mul3A_1882 = arith.constant 2 : i32
      %mul3A_1883 = vector.broadcast %mul3A_1882 : i32 to vector<16xi32>
      %mul3A_1884 = arith.muli %get3A_1881, %mul3A_1883 : vector<16xi32>
      %add3A_1885 = vector.broadcast %arg0 : i32 to vector<16xi32>
      %add3A_1886 = arith.addi %mul3A_1884, %add3A_1885 : vector<16xi32>
      %swap3A_1887 = arith.constant 0 : i32
      %swap3A_1888 = arith.index_cast %swap3A_1887 : i32 to index
      %swap3A_1889 = arith.constant 80 : index
      %swap3A_1890 = tpu.vector_load %arg7[%swap3A_1888, %swap3A_1889] {strides = array<i32>} : memref<2x128xi32, #tpu.memory_space<vmem>>, vector<1x16xi32>,
      %swap3A_1891 = vector.shape_cast %swap3A_1890 : vector<1x16xi32> to vector<16xi32>
      %swap3A_1892 = vector.shape_cast %add3A_1886 : vector<16xi32> to vector<1x16xi32>
      tpu.vector_store %arg7[%swap3A_1888, %swap3A_1889], %swap3A_1892 {strides = array<i32>} : memref<2x128xi32, #tpu.memory_space<vmem>>, vector<1x16xi32>,
      %get3A_1893 = arith.constant 1 : i32
      %get3A_1894 = arith.index_cast %get3A_1893 : i32 to index
      %get3A_1895 = arith.constant 80 : index
      %get3A_1896 = tpu.vector_load %arg5[%get3A_1894, %get3A_1895] {strides = array<i32>} : memref<4x128xi32, #tpu.memory_space<vmem>>, vector<1x16xi32>,
      %get3A_1897 = vector.shape_cast %get3A_1896 : vector<1x16xi32> to vector<16xi32>
      %swap3A_1898 = arith.constant 0 : i32
      %swap3A_1899 = arith.index_cast %swap3A_1898 : i32 to index
      %swap3A_1900 = arith.constant 80 : index
      %swap3A_1901 = tpu.vector_load %arg9[%swap3A_1899, %swap3A_1900] {strides = array<i32>} : memref<2x128xi32, #tpu.memory_space<vmem>>, vector<1x16xi32>,
      %swap3A_1902 = vector.shape_cast %swap3A_1901 : vector<1x16xi32> to vector<16xi32>
      %swap3A_1903 = vector.shape_cast %get3A_1897 : vector<16xi32> to vector<1x16xi32>
      tpu.vector_store %arg9[%swap3A_1899, %swap3A_1900], %swap3A_1903 {strides = array<i32>} : memref<2x128xi32, #tpu.memory_space<vmem>>, vector<1x16xi32>,
      %get3A_1904 = arith.constant 0 : i32
      %get3A_1905 = arith.index_cast %get3A_1904 : i32 to index
      %get3A_1906 = arith.constant 96 : index
      %get3A_1907 = tpu.vector_load %arg5[%get3A_1905, %get3A_1906] {strides = array<i32>} : memref<4x128xi32, #tpu.memory_space<vmem>>, vector<1x16xi32>,
      %get3A_1908 = vector.shape_cast %get3A_1907 : vector<1x16xi32> to vector<16xi32>
      %mul3A_1909 = arith.constant 2 : i32
      %mul3A_1910 = vector.broadcast %mul3A_1909 : i32 to vector<16xi32>
      %mul3A_1911 = arith.muli %get3A_1908, %mul3A_1910 : vector<16xi32>
      %add3A_1912 = vector.broadcast %arg0 : i32 to vector<16xi32>
      %add3A_1913 = arith.addi %mul3A_1911, %add3A_1912 : vector<16xi32>
      %swap3A_1914 = arith.constant 0 : i32
      %swap3A_1915 = arith.index_cast %swap3A_1914 : i32 to index
      %swap3A_1916 = arith.constant 96 : index
      %swap3A_1917 = tpu.vector_load %arg7[%swap3A_1915, %swap3A_1916] {strides = array<i32>} : memref<2x128xi32, #tpu.memory_space<vmem>>, vector<1x16xi32>,
      %swap3A_1918 = vector.shape_cast %swap3A_1917 : vector<1x16xi32> to vector<16xi32>
      %swap3A_1919 = vector.shape_cast %add3A_1913 : vector<16xi32> to vector<1x16xi32>
      tpu.vector_store %arg7[%swap3A_1915, %swap3A_1916], %swap3A_1919 {strides = array<i32>} : memref<2x128xi32, #tpu.memory_space<vmem>>, vector<1x16xi32>,
      %get3A_1920 = arith.constant 1 : i32
      %get3A_1921 = arith.index_cast %get3A_1920 : i32 to index
      %get3A_1922 = arith.constant 96 : index
      %get3A_1923 = tpu.vector_load %arg5[%get3A_1921, %get3A_1922] {strides = array<i32>} : memref<4x128xi32, #tpu.memory_space<vmem>>, vector<1x16xi32>,
      %get3A_1924 = vector.shape_cast %get3A_1923 : vector<1x16xi32> to vector<16xi32>
      %swap3A_1925 = arith.constant 0 : i32
      %swap3A_1926 = arith.index_cast %swap3A_1925 : i32 to index
      %swap3A_1927 = arith.constant 96 : index
      %swap3A_1928 = tpu.vector_load %arg9[%swap3A_1926, %swap3A_1927] {strides = array<i32>} : memref<2x128xi32, #tpu.memory_space<vmem>>, vector<1x16xi32>,
      %swap3A_1929 = vector.shape_cast %swap3A_1928 : vector<1x16xi32> to vector<16xi32>
      %swap3A_1930 = vector.shape_cast %get3A_1924 : vector<16xi32> to vector<1x16xi32>
      tpu.vector_store %arg9[%swap3A_1926, %swap3A_1927], %swap3A_1930 {strides = array<i32>} : memref<2x128xi32, #tpu.memory_space<vmem>>, vector<1x16xi32>,
      %get3A_1931 = arith.constant 0 : i32
      %get3A_1932 = arith.index_cast %get3A_1931 : i32 to index
      %get3A_1933 = arith.constant 112 : index
      %get3A_1934 = tpu.vector_load %arg5[%get3A_1932, %get3A_1933] {strides = array<i32>} : memref<4x128xi32, #tpu.memory_space<vmem>>, vector<1x16xi32>,
      %get3A_1935 = vector.shape_cast %get3A_1934 : vector<1x16xi32> to vector<16xi32>
      %mul3A_1936 = arith.constant 2 : i32
      %mul3A_1937 = vector.broadcast %mul3A_1936 : i32 to vector<16xi32>
      %mul3A_1938 = arith.muli %get3A_1935, %mul3A_1937 : vector<16xi32>
      %add3A_1939 = vector.broadcast %arg0 : i32 to vector<16xi32>
      %add3A_1940 = arith.addi %mul3A_1938, %add3A_1939 : vector<16xi32>
      %swap3A_1941 = arith.constant 0 : i32
      %swap3A_1942 = arith.index_cast %swap3A_1941 : i32 to index
      %swap3A_1943 = arith.constant 112 : index
      %swap3A_1944 = tpu.vector_load %arg7[%swap3A_1942, %swap3A_1943] {strides = array<i32>} : memref<2x128xi32, #tpu.memory_space<vmem>>, vector<1x16xi32>,
      %swap3A_1945 = vector.shape_cast %swap3A_1944 : vector<1x16xi32> to vector<16xi32>
      %swap3A_1946 = vector.shape_cast %add3A_1940 : vector<16xi32> to vector<1x16xi32>
      tpu.vector_store %arg7[%swap3A_1942, %swap3A_1943], %swap3A_1946 {strides = array<i32>} : memref<2x128xi32, #tpu.memory_space<vmem>>, vector<1x16xi32>,
      %get3A_1947 = arith.constant 1 : i32
      %get3A_1948 = arith.index_cast %get3A_1947 : i32 to index
      %get3A_1949 = arith.constant 112 : index
      %get3A_1950 = tpu.vector_load %arg5[%get3A_1948, %get3A_1949] {strides = array<i32>} : memref<4x128xi32, #tpu.memory_space<vmem>>, vector<1x16xi32>,
      %get3A_1951 = vector.shape_cast %get3A_1950 : vector<1x16xi32> to vector<16xi32>
      %swap3A_1952 = arith.constant 0 : i32
      %swap3A_1953 = arith.index_cast %swap3A_1952 : i32 to index
      %swap3A_1954 = arith.constant 112 : index
      %swap3A_1955 = tpu.vector_load %arg9[%swap3A_1953, %swap3A_1954] {strides = array<i32>} : memref<2x128xi32, #tpu.memory_space<vmem>>, vector<1x16xi32>,
      %swap3A_1956 = vector.shape_cast %swap3A_1955 : vector<1x16xi32> to vector<16xi32>
      %swap3A_1957 = vector.shape_cast %get3A_1951 : vector<16xi32> to vector<1x16xi32>
      tpu.vector_store %arg9[%swap3A_1953, %swap3A_1954], %swap3A_1957 {strides = array<i32>} : memref<2x128xi32, #tpu.memory_space<vmem>>, vector<1x16xi32>,
      %get3A_1958 = arith.constant 2 : i32
      %get3A_1959 = arith.index_cast %get3A_1958 : i32 to index
      %get3A_1960 = arith.constant 0 : index
      %get3A_1961 = tpu.vector_load %arg5[%get3A_1959, %get3A_1960] {strides = array<i32>} : memref<4x128xi32, #tpu.memory_space<vmem>>, vector<1x16xi32>,
      %get3A_1962 = vector.shape_cast %get3A_1961 : vector<1x16xi32> to vector<16xi32>
      %mul3A_1963 = arith.constant 2 : i32
      %mul3A_1964 = vector.broadcast %mul3A_1963 : i32 to vector<16xi32>
      %mul3A_1965 = arith.muli %get3A_1962, %mul3A_1964 : vector<16xi32>
      %add3A_1966 = vector.broadcast %arg0 : i32 to vector<16xi32>
      %add3A_1967 = arith.addi %mul3A_1965, %add3A_1966 : vector<16xi32>
      %swap3A_1968 = arith.constant 1 : i32
      %swap3A_1969 = arith.index_cast %swap3A_1968 : i32 to index
      %swap3A_1970 = arith.constant 0 : index
      %swap3A_1971 = tpu.vector_load %arg7[%swap3A_1969, %swap3A_1970] {strides = array<i32>} : memref<2x128xi32, #tpu.memory_space<vmem>>, vector<1x16xi32>,
      %swap3A_1972 = vector.shape_cast %swap3A_1971 : vector<1x16xi32> to vector<16xi32>
      %swap3A_1973 = vector.shape_cast %add3A_1967 : vector<16xi32> to vector<1x16xi32>
      tpu.vector_store %arg7[%swap3A_1969, %swap3A_1970], %swap3A_1973 {strides = array<i32>} : memref<2x128xi32, #tpu.memory_space<vmem>>, vector<1x16xi32>,
      %get3A_1974 = arith.constant 3 : i32
      %get3A_1975 = arith.index_cast %get3A_1974 : i32 to index
      %get3A_1976 = arith.constant 0 : index
      %get3A_1977 = tpu.vector_load %arg5[%get3A_1975, %get3A_1976] {strides = array<i32>} : memref<4x128xi32, #tpu.memory_space<vmem>>, vector<1x16xi32>,
      %get3A_1978 = vector.shape_cast %get3A_1977 : vector<1x16xi32> to vector<16xi32>
      %swap3A_1979 = arith.constant 1 : i32
      %swap3A_1980 = arith.index_cast %swap3A_1979 : i32 to index
      %swap3A_1981 = arith.constant 0 : index
      %swap3A_1982 = tpu.vector_load %arg9[%swap3A_1980, %swap3A_1981] {strides = array<i32>} : memref<2x128xi32, #tpu.memory_space<vmem>>, vector<1x16xi32>,
      %swap3A_1983 = vector.shape_cast %swap3A_1982 : vector<1x16xi32> to vector<16xi32>
      %swap3A_1984 = vector.shape_cast %get3A_1978 : vector<16xi32> to vector<1x16xi32>
      tpu.vector_store %arg9[%swap3A_1980, %swap3A_1981], %swap3A_1984 {strides = array<i32>} : memref<2x128xi32, #tpu.memory_space<vmem>>, vector<1x16xi32>,
      %get3A_1985 = arith.constant 2 : i32
      %get3A_1986 = arith.index_cast %get3A_1985 : i32 to index
      %get3A_1987 = arith.constant 16 : index
      %get3A_1988 = tpu.vector_load %arg5[%get3A_1986, %get3A_1987] {strides = array<i32>} : memref<4x128xi32, #tpu.memory_space<vmem>>, vector<1x16xi32>,
      %get3A_1989 = vector.shape_cast %get3A_1988 : vector<1x16xi32> to vector<16xi32>
      %mul3A_1990 = arith.constant 2 : i32
      %mul3A_1991 = vector.broadcast %mul3A_1990 : i32 to vector<16xi32>
      %mul3A_1992 = arith.muli %get3A_1989, %mul3A_1991 : vector<16xi32>
      %add3A_1993 = vector.broadcast %arg0 : i32 to vector<16xi32>
      %add3A_1994 = arith.addi %mul3A_1992, %add3A_1993 : vector<16xi32>
      %swap3A_1995 = arith.constant 1 : i32
      %swap3A_1996 = arith.index_cast %swap3A_1995 : i32 to index
      %swap3A_1997 = arith.constant 16 : index
      %swap3A_1998 = tpu.vector_load %arg7[%swap3A_1996, %swap3A_1997] {strides = array<i32>} : memref<2x128xi32, #tpu.memory_space<vmem>>, vector<1x16xi32>,
      %swap3A_1999 = vector.shape_cast %swap3A_1998 : vector<1x16xi32> to vector<16xi32>
      %swap3A_2000 = vector.shape_cast %add3A_1994 : vector<16xi32> to vector<1x16xi32>
      tpu.vector_store %arg7[%swap3A_1996, %swap3A_1997], %swap3A_2000 {strides = array<i32>} : memref<2x128xi32, #tpu.memory_space<vmem>>, vector<1x16xi32>,
      %get3A_2001 = arith.constant 3 : i32
      %get3A_2002 = arith.index_cast %get3A_2001 : i32 to index
      %get3A_2003 = arith.constant 16 : index
      %get3A_2004 = tpu.vector_load %arg5[%get3A_2002, %get3A_2003] {strides = array<i32>} : memref<4x128xi32, #tpu.memory_space<vmem>>, vector<1x16xi32>,
      %get3A_2005 = vector.shape_cast %get3A_2004 : vector<1x16xi32> to vector<16xi32>
      %swap3A_2006 = arith.constant 1 : i32
      %swap3A_2007 = arith.index_cast %swap3A_2006 : i32 to index
      %swap3A_2008 = arith.constant 16 : index
      %swap3A_2009 = tpu.vector_load %arg9[%swap3A_2007, %swap3A_2008] {strides = array<i32>} : memref<2x128xi32, #tpu.memory_space<vmem>>, vector<1x16xi32>,
      %swap3A_2010 = vector.shape_cast %swap3A_2009 : vector<1x16xi32> to vector<16xi32>
      %swap3A_2011 = vector.shape_cast %get3A_2005 : vector<16xi32> to vector<1x16xi32>
      tpu.vector_store %arg9[%swap3A_2007, %swap3A_2008], %swap3A_2011 {strides = array<i32>} : memref<2x128xi32, #tpu.memory_space<vmem>>, vector<1x16xi32>,
      %get3A_2012 = arith.constant 2 : i32
      %get3A_2013 = arith.index_cast %get3A_2012 : i32 to index
      %get3A_2014 = arith.constant 32 : index
      %get3A_2015 = tpu.vector_load %arg5[%get3A_2013, %get3A_2014] {strides = array<i32>} : memref<4x128xi32, #tpu.memory_space<vmem>>, vector<1x16xi32>,
      %get3A_2016 = vector.shape_cast %get3A_2015 : vector<1x16xi32> to vector<16xi32>
      %mul3A_2017 = arith.constant 2 : i32
      %mul3A_2018 = vector.broadcast %mul3A_2017 : i32 to vector<16xi32>
      %mul3A_2019 = arith.muli %get3A_2016, %mul3A_2018 : vector<16xi32>
      %add3A_2020 = vector.broadcast %arg0 : i32 to vector<16xi32>
      %add3A_2021 = arith.addi %mul3A_2019, %add3A_2020 : vector<16xi32>
      %swap3A_2022 = arith.constant 1 : i32
      %swap3A_2023 = arith.index_cast %swap3A_2022 : i32 to index
      %swap3A_2024 = arith.constant 32 : index
      %swap3A_2025 = tpu.vector_load %arg7[%swap3A_2023, %swap3A_2024] {strides = array<i32>} : memref<2x128xi32, #tpu.memory_space<vmem>>, vector<1x16xi32>,
      %swap3A_2026 = vector.shape_cast %swap3A_2025 : vector<1x16xi32> to vector<16xi32>
      %swap3A_2027 = vector.shape_cast %add3A_2021 : vector<16xi32> to vector<1x16xi32>
      tpu.vector_store %arg7[%swap3A_2023, %swap3A_2024], %swap3A_2027 {strides = array<i32>} : memref<2x128xi32, #tpu.memory_space<vmem>>, vector<1x16xi32>,
      %get3A_2028 = arith.constant 3 : i32
      %get3A_2029 = arith.index_cast %get3A_2028 : i32 to index
      %get3A_2030 = arith.constant 32 : index
      %get3A_2031 = tpu.vector_load %arg5[%get3A_2029, %get3A_2030] {strides = array<i32>} : memref<4x128xi32, #tpu.memory_space<vmem>>, vector<1x16xi32>,
      %get3A_2032 = vector.shape_cast %get3A_2031 : vector<1x16xi32> to vector<16xi32>
      %swap3A_2033 = arith.constant 1 : i32
      %swap3A_2034 = arith.index_cast %swap3A_2033 : i32 to index
      %swap3A_2035 = arith.constant 32 : index
      %swap3A_2036 = tpu.vector_load %arg9[%swap3A_2034, %swap3A_2035] {strides = array<i32>} : memref<2x128xi32, #tpu.memory_space<vmem>>, vector<1x16xi32>,
      %swap3A_2037 = vector.shape_cast %swap3A_2036 : vector<1x16xi32> to vector<16xi32>
      %swap3A_2038 = vector.shape_cast %get3A_2032 : vector<16xi32> to vector<1x16xi32>
      tpu.vector_store %arg9[%swap3A_2034, %swap3A_2035], %swap3A_2038 {strides = array<i32>} : memref<2x128xi32, #tpu.memory_space<vmem>>, vector<1x16xi32>,
      %get3A_2039 = arith.constant 2 : i32
      %get3A_2040 = arith.index_cast %get3A_2039 : i32 to index
      %get3A_2041 = arith.constant 48 : index
      %get3A_2042 = tpu.vector_load %arg5[%get3A_2040, %get3A_2041] {strides = array<i32>} : memref<4x128xi32, #tpu.memory_space<vmem>>, vector<1x16xi32>,
      %get3A_2043 = vector.shape_cast %get3A_2042 : vector<1x16xi32> to vector<16xi32>
      %mul3A_2044 = arith.constant 2 : i32
      %mul3A_2045 = vector.broadcast %mul3A_2044 : i32 to vector<16xi32>
      %mul3A_2046 = arith.muli %get3A_2043, %mul3A_2045 : vector<16xi32>
      %add3A_2047 = vector.broadcast %arg0 : i32 to vector<16xi32>
      %add3A_2048 = arith.addi %mul3A_2046, %add3A_2047 : vector<16xi32>
      %swap3A_2049 = arith.constant 1 : i32
      %swap3A_2050 = arith.index_cast %swap3A_2049 : i32 to index
      %swap3A_2051 = arith.constant 48 : index
      %swap3A_2052 = tpu.vector_load %arg7[%swap3A_2050, %swap3A_2051] {strides = array<i32>} : memref<2x128xi32, #tpu.memory_space<vmem>>, vector<1x16xi32>,
      %swap3A_2053 = vector.shape_cast %swap3A_2052 : vector<1x16xi32> to vector<16xi32>
      %swap3A_2054 = vector.shape_cast %add3A_2048 : vector<16xi32> to vector<1x16xi32>
      tpu.vector_store %arg7[%swap3A_2050, %swap3A_2051], %swap3A_2054 {strides = array<i32>} : memref<2x128xi32, #tpu.memory_space<vmem>>, vector<1x16xi32>,
      %get3A_2055 = arith.constant 3 : i32
      %get3A_2056 = arith.index_cast %get3A_2055 : i32 to index
      %get3A_2057 = arith.constant 48 : index
      %get3A_2058 = tpu.vector_load %arg5[%get3A_2056, %get3A_2057] {strides = array<i32>} : memref<4x128xi32, #tpu.memory_space<vmem>>, vector<1x16xi32>,
      %get3A_2059 = vector.shape_cast %get3A_2058 : vector<1x16xi32> to vector<16xi32>
      %swap3A_2060 = arith.constant 1 : i32
      %swap3A_2061 = arith.index_cast %swap3A_2060 : i32 to index
      %swap3A_2062 = arith.constant 48 : index
      %swap3A_2063 = tpu.vector_load %arg9[%swap3A_2061, %swap3A_2062] {strides = array<i32>} : memref<2x128xi32, #tpu.memory_space<vmem>>, vector<1x16xi32>,
      %swap3A_2064 = vector.shape_cast %swap3A_2063 : vector<1x16xi32> to vector<16xi32>
      %swap3A_2065 = vector.shape_cast %get3A_2059 : vector<16xi32> to vector<1x16xi32>
      tpu.vector_store %arg9[%swap3A_2061, %swap3A_2062], %swap3A_2065 {strides = array<i32>} : memref<2x128xi32, #tpu.memory_space<vmem>>, vector<1x16xi32>,
      %get3A_2066 = arith.constant 2 : i32
      %get3A_2067 = arith.index_cast %get3A_2066 : i32 to index
      %get3A_2068 = arith.constant 64 : index
      %get3A_2069 = tpu.vector_load %arg5[%get3A_2067, %get3A_2068] {strides = array<i32>} : memref<4x128xi32, #tpu.memory_space<vmem>>, vector<1x16xi32>,
      %get3A_2070 = vector.shape_cast %get3A_2069 : vector<1x16xi32> to vector<16xi32>
      %mul3A_2071 = arith.constant 2 : i32
      %mul3A_2072 = vector.broadcast %mul3A_2071 : i32 to vector<16xi32>
      %mul3A_2073 = arith.muli %get3A_2070, %mul3A_2072 : vector<16xi32>
      %add3A_2074 = vector.broadcast %arg0 : i32 to vector<16xi32>
      %add3A_2075 = arith.addi %mul3A_2073, %add3A_2074 : vector<16xi32>
      %swap3A_2076 = arith.constant 1 : i32
      %swap3A_2077 = arith.index_cast %swap3A_2076 : i32 to index
      %swap3A_2078 = arith.constant 64 : index
      %swap3A_2079 = tpu.vector_load %arg7[%swap3A_2077, %swap3A_2078] {strides = array<i32>} : memref<2x128xi32, #tpu.memory_space<vmem>>, vector<1x16xi32>,
      %swap3A_2080 = vector.shape_cast %swap3A_2079 : vector<1x16xi32> to vector<16xi32>
      %swap3A_2081 = vector.shape_cast %add3A_2075 : vector<16xi32> to vector<1x16xi32>
      tpu.vector_store %arg7[%swap3A_2077, %swap3A_2078], %swap3A_2081 {strides = array<i32>} : memref<2x128xi32, #tpu.memory_space<vmem>>, vector<1x16xi32>,
      %get3A_2082 = arith.constant 3 : i32
      %get3A_2083 = arith.index_cast %get3A_2082 : i32 to index
      %get3A_2084 = arith.constant 64 : index
      %get3A_2085 = tpu.vector_load %arg5[%get3A_2083, %get3A_2084] {strides = array<i32>} : memref<4x128xi32, #tpu.memory_space<vmem>>, vector<1x16xi32>,
      %get3A_2086 = vector.shape_cast %get3A_2085 : vector<1x16xi32> to vector<16xi32>
      %swap3A_2087 = arith.constant 1 : i32
      %swap3A_2088 = arith.index_cast %swap3A_2087 : i32 to index
      %swap3A_2089 = arith.constant 64 : index
      %swap3A_2090 = tpu.vector_load %arg9[%swap3A_2088, %swap3A_2089] {strides = array<i32>} : memref<2x128xi32, #tpu.memory_space<vmem>>, vector<1x16xi32>,
      %swap3A_2091 = vector.shape_cast %swap3A_2090 : vector<1x16xi32> to vector<16xi32>
      %swap3A_2092 = vector.shape_cast %get3A_2086 : vector<16xi32> to vector<1x16xi32>
      tpu.vector_store %arg9[%swap3A_2088, %swap3A_2089], %swap3A_2092 {strides = array<i32>} : memref<2x128xi32, #tpu.memory_space<vmem>>, vector<1x16xi32>,
      %get3A_2093 = arith.constant 2 : i32
      %get3A_2094 = arith.index_cast %get3A_2093 : i32 to index
      %get3A_2095 = arith.constant 80 : index
      %get3A_2096 = tpu.vector_load %arg5[%get3A_2094, %get3A_2095] {strides = array<i32>} : memref<4x128xi32, #tpu.memory_space<vmem>>, vector<1x16xi32>,
      %get3A_2097 = vector.shape_cast %get3A_2096 : vector<1x16xi32> to vector<16xi32>
      %mul3A_2098 = arith.constant 2 : i32
      %mul3A_2099 = vector.broadcast %mul3A_2098 : i32 to vector<16xi32>
      %mul3A_2100 = arith.muli %get3A_2097, %mul3A_2099 : vector<16xi32>
      %add3A_2101 = vector.broadcast %arg0 : i32 to vector<16xi32>
      %add3A_2102 = arith.addi %mul3A_2100, %add3A_2101 : vector<16xi32>
      %swap3A_2103 = arith.constant 1 : i32
      %swap3A_2104 = arith.index_cast %swap3A_2103 : i32 to index
      %swap3A_2105 = arith.constant 80 : index
      %swap3A_2106 = tpu.vector_load %arg7[%swap3A_2104, %swap3A_2105] {strides = array<i32>} : memref<2x128xi32, #tpu.memory_space<vmem>>, vector<1x16xi32>,
      %swap3A_2107 = vector.shape_cast %swap3A_2106 : vector<1x16xi32> to vector<16xi32>
      %swap3A_2108 = vector.shape_cast %add3A_2102 : vector<16xi32> to vector<1x16xi32>
      tpu.vector_store %arg7[%swap3A_2104, %swap3A_2105], %swap3A_2108 {strides = array<i32>} : memref<2x128xi32, #tpu.memory_space<vmem>>, vector<1x16xi32>,
      %get3A_2109 = arith.constant 3 : i32
      %get3A_2110 = arith.index_cast %get3A_2109 : i32 to index
      %get3A_2111 = arith.constant 80 : index
      %get3A_2112 = tpu.vector_load %arg5[%get3A_2110, %get3A_2111] {strides = array<i32>} : memref<4x128xi32, #tpu.memory_space<vmem>>, vector<1x16xi32>,
      %get3A_2113 = vector.shape_cast %get3A_2112 : vector<1x16xi32> to vector<16xi32>
      %swap3A_2114 = arith.constant 1 : i32
      %swap3A_2115 = arith.index_cast %swap3A_2114 : i32 to index
      %swap3A_2116 = arith.constant 80 : index
      %swap3A_2117 = tpu.vector_load %arg9[%swap3A_2115, %swap3A_2116] {strides = array<i32>} : memref<2x128xi32, #tpu.memory_space<vmem>>, vector<1x16xi32>,
      %swap3A_2118 = vector.shape_cast %swap3A_2117 : vector<1x16xi32> to vector<16xi32>
      %swap3A_2119 = vector.shape_cast %get3A_2113 : vector<16xi32> to vector<1x16xi32>
      tpu.vector_store %arg9[%swap3A_2115, %swap3A_2116], %swap3A_2119 {strides = array<i32>} : memref<2x128xi32, #tpu.memory_space<vmem>>, vector<1x16xi32>,
      %get3A_2120 = arith.constant 2 : i32
      %get3A_2121 = arith.index_cast %get3A_2120 : i32 to index
      %get3A_2122 = arith.constant 96 : index
      %get3A_2123 = tpu.vector_load %arg5[%get3A_2121, %get3A_2122] {strides = array<i32>} : memref<4x128xi32, #tpu.memory_space<vmem>>, vector<1x16xi32>,
      %get3A_2124 = vector.shape_cast %get3A_2123 : vector<1x16xi32> to vector<16xi32>
      %mul3A_2125 = arith.constant 2 : i32
      %mul3A_2126 = vector.broadcast %mul3A_2125 : i32 to vector<16xi32>
      %mul3A_2127 = arith.muli %get3A_2124, %mul3A_2126 : vector<16xi32>
      %add3A_2128 = vector.broadcast %arg0 : i32 to vector<16xi32>
      %add3A_2129 = arith.addi %mul3A_2127, %add3A_2128 : vector<16xi32>
      %swap3A_2130 = arith.constant 1 : i32
      %swap3A_2131 = arith.index_cast %swap3A_2130 : i32 to index
      %swap3A_2132 = arith.constant 96 : index
      %swap3A_2133 = tpu.vector_load %arg7[%swap3A_2131, %swap3A_2132] {strides = array<i32>} : memref<2x128xi32, #tpu.memory_space<vmem>>, vector<1x16xi32>,
      %swap3A_2134 = vector.shape_cast %swap3A_2133 : vector<1x16xi32> to vector<16xi32>
      %swap3A_2135 = vector.shape_cast %add3A_2129 : vector<16xi32> to vector<1x16xi32>
      tpu.vector_store %arg7[%swap3A_2131, %swap3A_2132], %swap3A_2135 {strides = array<i32>} : memref<2x128xi32, #tpu.memory_space<vmem>>, vector<1x16xi32>,
      %get3A_2136 = arith.constant 3 : i32
      %get3A_2137 = arith.index_cast %get3A_2136 : i32 to index
      %get3A_2138 = arith.constant 96 : index
      %get3A_2139 = tpu.vector_load %arg5[%get3A_2137, %get3A_2138] {strides = array<i32>} : memref<4x128xi32, #tpu.memory_space<vmem>>, vector<1x16xi32>,
      %get3A_2140 = vector.shape_cast %get3A_2139 : vector<1x16xi32> to vector<16xi32>
      %swap3A_2141 = arith.constant 1 : i32
      %swap3A_2142 = arith.index_cast %swap3A_2141 : i32 to index
      %swap3A_2143 = arith.constant 96 : index
      %swap3A_2144 = tpu.vector_load %arg9[%swap3A_2142, %swap3A_2143] {strides = array<i32>} : memref<2x128xi32, #tpu.memory_space<vmem>>, vector<1x16xi32>,
      %swap3A_2145 = vector.shape_cast %swap3A_2144 : vector<1x16xi32> to vector<16xi32>
      %swap3A_2146 = vector.shape_cast %get3A_2140 : vector<16xi32> to vector<1x16xi32>
      tpu.vector_store %arg9[%swap3A_2142, %swap3A_2143], %swap3A_2146 {strides = array<i32>} : memref<2x128xi32, #tpu.memory_space<vmem>>, vector<1x16xi32>,
      %get3A_2147 = arith.constant 2 : i32
      %get3A_2148 = arith.index_cast %get3A_2147 : i32 to index
      %get3A_2149 = arith.constant 112 : index
      %get3A_2150 = tpu.vector_load %arg5[%get3A_2148, %get3A_2149] {strides = array<i32>} : memref<4x128xi32, #tpu.memory_space<vmem>>, vector<1x16xi32>,
      %get3A_2151 = vector.shape_cast %get3A_2150 : vector<1x16xi32> to vector<16xi32>
      %mul3A_2152 = arith.constant 2 : i32
      %mul3A_2153 = vector.broadcast %mul3A_2152 : i32 to vector<16xi32>
      %mul3A_2154 = arith.muli %get3A_2151, %mul3A_2153 : vector<16xi32>
      %add3A_2155 = vector.broadcast %arg0 : i32 to vector<16xi32>
      %add3A_2156 = arith.addi %mul3A_2154, %add3A_2155 : vector<16xi32>
      %swap3A_2157 = arith.constant 1 : i32
      %swap3A_2158 = arith.index_cast %swap3A_2157 : i32 to index
      %swap3A_2159 = arith.constant 112 : index
      %swap3A_2160 = tpu.vector_load %arg7[%swap3A_2158, %swap3A_2159] {strides = array<i32>} : memref<2x128xi32, #tpu.memory_space<vmem>>, vector<1x16xi32>,
      %swap3A_2161 = vector.shape_cast %swap3A_2160 : vector<1x16xi32> to vector<16xi32>
      %swap3A_2162 = vector.shape_cast %add3A_2156 : vector<16xi32> to vector<1x16xi32>
      tpu.vector_store %arg7[%swap3A_2158, %swap3A_2159], %swap3A_2162 {strides = array<i32>} : memref<2x128xi32, #tpu.memory_space<vmem>>, vector<1x16xi32>,
      %get3A_2163 = arith.constant 3 : i32
      %get3A_2164 = arith.index_cast %get3A_2163 : i32 to index
      %get3A_2165 = arith.constant 112 : index
      %get3A_2166 = tpu.vector_load %arg5[%get3A_2164, %get3A_2165] {strides = array<i32>} : memref<4x128xi32, #tpu.memory_space<vmem>>, vector<1x16xi32>,
      %get3A_2167 = vector.shape_cast %get3A_2166 : vector<1x16xi32> to vector<16xi32>
      %swap3A_2168 = arith.constant 1 : i32
      %swap3A_2169 = arith.index_cast %swap3A_2168 : i32 to index
      %swap3A_2170 = arith.constant 112 : index
      %swap3A_2171 = tpu.vector_load %arg9[%swap3A_2169, %swap3A_2170] {strides = array<i32>} : memref<2x128xi32, #tpu.memory_space<vmem>>, vector<1x16xi32>,
      %swap3A_2172 = vector.shape_cast %swap3A_2171 : vector<1x16xi32> to vector<16xi32>
      %swap3A_2173 = vector.shape_cast %get3A_2167 : vector<16xi32> to vector<1x16xi32>
      tpu.vector_store %arg9[%swap3A_2169, %swap3A_2170], %swap3A_2173 {strides = array<i32>} : memref<2x128xi32, #tpu.memory_space<vmem>>, vector<1x16xi32>,
      %dma_start3A_2174 = arith.constant 0 : i32
      %dma_start3A_2175 = arith.constant 0 : i32
      %dma_start3A_2176 = arith.constant 0 : i32
      %dma_start3A_2177 = arith.constant 0 : i32
      %dma_start3A_2178 = tpu.memref_slice %arg11[%dma_start3A_2175, %dma_start3A_2176, %dma_start3A_2177] : memref<2x128x64xbf16, #tpu.memory_space<vmem>> -> memref<1x128x64xbf16, #tpu.memory_space<vmem>>
      %dma_start3A_2179 = tpu.memref_squeeze %dma_start3A_2178 : memref<1x128x64xbf16, #tpu.memory_space<vmem>> -> memref<128x64xbf16, #tpu.memory_space<vmem>>
      %dma_start3A_2180 = arith.constant 0 : i32
      %dma_start3A_2181 = tpu.memref_slice %arg7[%dma_start3A_2174, %dma_start3A_2180] : memref<2x128xi32, #tpu.memory_space<vmem>> -> memref<1x128xi32, #tpu.memory_space<vmem>>
      %dma_start3A_2182 = tpu.memref_squeeze %dma_start3A_2181 : memref<1x128xi32, #tpu.memory_space<vmem>> -> memref<128xi32, #tpu.memory_space<vmem>>
      %dma_start3A_2183 = arith.constant 0 : i32
      %dma_start3A_2184 = arith.constant 0 : i32
      %dma_start3A_2185 = tpu.memref_slice %arg2[%dma_start3A_2183, %dma_start3A_2184] : memref<100352x64xbf16, #tpu.memory_space<hbm>> -> memref<100352x64xbf16, #tpu.memory_space<hbm>>
      tpu.enqueue_indirect_dma source(%dma_start3A_2185 : memref<100352x64xbf16, #tpu.memory_space<hbm>>) target(%dma_start3A_2179 : memref<128x64xbf16, #tpu.memory_space<vmem>>) offsets(%dma_start3A_2182 : memref<128xi32, #tpu.memory_space<vmem>>) semaphore(%arg17 : memref<!tpu.dma_semaphore, #tpu.memory_space<semaphore_mem>>)
      %dma_start3A_2186 = arith.constant 1 : i32
      %dma_start3A_2187 = arith.constant 1 : i32
      %dma_start3A_2188 = arith.constant 0 : i32
      %dma_start3A_2189 = arith.constant 0 : i32
      %dma_start3A_2190 = tpu.memref_slice %arg11[%dma_start3A_2187, %dma_start3A_2188, %dma_start3A_2189] : memref<2x128x64xbf16, #tpu.memory_space<vmem>> -> memref<1x128x64xbf16, #tpu.memory_space<vmem>>
      %dma_start3A_2191 = tpu.memref_squeeze %dma_start3A_2190 : memref<1x128x64xbf16, #tpu.memory_space<vmem>> -> memref<128x64xbf16, #tpu.memory_space<vmem>>
      %dma_start3A_2192 = arith.constant 0 : i32
      %dma_start3A_2193 = tpu.memref_slice %arg7[%dma_start3A_2186, %dma_start3A_2192] : memref<2x128xi32, #tpu.memory_space<vmem>> -> memref<1x128xi32, #tpu.memory_space<vmem>>
      %dma_start3A_2194 = tpu.memref_squeeze %dma_start3A_2193 : memref<1x128xi32, #tpu.memory_space<vmem>> -> memref<128xi32, #tpu.memory_space<vmem>>
      %dma_start3A_2195 = arith.constant 0 : i32
      %dma_start3A_2196 = arith.constant 0 : i32
      %dma_start3A_2197 = tpu.memref_slice %arg2[%dma_start3A_2195, %dma_start3A_2196] : memref<100352x64xbf16, #tpu.memory_space<hbm>> -> memref<100352x64xbf16, #tpu.memory_space<hbm>>
      tpu.enqueue_indirect_dma source(%dma_start3A_2197 : memref<100352x64xbf16, #tpu.memory_space<hbm>>) target(%dma_start3A_2191 : memref<128x64xbf16, #tpu.memory_space<vmem>>) offsets(%dma_start3A_2194 : memref<128xi32, #tpu.memory_space<vmem>>) semaphore(%arg17 : memref<!tpu.dma_semaphore, #tpu.memory_space<semaphore_mem>>)
      %dma_wait3A_2198 = arith.constant 0 : i32
      %dma_wait3A_2199 = arith.constant 0 : i32
      %dma_wait3A_2200 = arith.constant 0 : i32
      %dma_wait3A_2201 = arith.constant 0 : i32
      %dma_wait3A_2202 = tpu.memref_slice %arg12[%dma_wait3A_2199, %dma_wait3A_2200, %dma_wait3A_2201] : memref<2x128x64xbf16, #tpu.memory_space<vmem>> -> memref<1x128x64xbf16, #tpu.memory_space<vmem>>
      %dma_wait3A_2203 = tpu.memref_squeeze %dma_wait3A_2202 : memref<1x128x64xbf16, #tpu.memory_space<vmem>> -> memref<128x64xbf16, #tpu.memory_space<vmem>>
      %dma_wait3A_2204 = arith.constant 0 : i32
      %dma_wait3A_2205 = tpu.memref_slice %arg8[%dma_wait3A_2198, %dma_wait3A_2204] : memref<2x128xi32, #tpu.memory_space<vmem>> -> memref<1x128xi32, #tpu.memory_space<vmem>>
      %dma_wait3A_2206 = tpu.memref_squeeze %dma_wait3A_2205 : memref<1x128xi32, #tpu.memory_space<vmem>> -> memref<128xi32, #tpu.memory_space<vmem>>
      %dma_wait3A_2207 = arith.constant 0 : i32
      %dma_wait3A_2208 = arith.constant 0 : i32
      %dma_wait3A_2209 = tpu.memref_slice %arg2[%dma_wait3A_2207, %dma_wait3A_2208] : memref<100352x64xbf16, #tpu.memory_space<hbm>> -> memref<100352x64xbf16, #tpu.memory_space<hbm>>
      tpu.wait_indirect_dma semaphore(%arg18 : memref<!tpu.dma_semaphore, #tpu.memory_space<semaphore_mem>>) src(%dma_wait3A_2209 : memref<100352x64xbf16, #tpu.memory_space<hbm>>) dst(%dma_wait3A_2203 : memref<128x64xbf16, #tpu.memory_space<vmem>>)
      %dma_wait3A_2210 = arith.constant 1 : i32
      %dma_wait3A_2211 = arith.constant 1 : i32
      %dma_wait3A_2212 = arith.constant 0 : i32
      %dma_wait3A_2213 = arith.constant 0 : i32
      %dma_wait3A_2214 = tpu.memref_slice %arg12[%dma_wait3A_2211, %dma_wait3A_2212, %dma_wait3A_2213] : memref<2x128x64xbf16, #tpu.memory_space<vmem>> -> memref<1x128x64xbf16, #tpu.memory_space<vmem>>
      %dma_wait3A_2215 = tpu.memref_squeeze %dma_wait3A_2214 : memref<1x128x64xbf16, #tpu.memory_space<vmem>> -> memref<128x64xbf16, #tpu.memory_space<vmem>>
      %dma_wait3A_2216 = arith.constant 0 : i32
      %dma_wait3A_2217 = tpu.memref_slice %arg8[%dma_wait3A_2210, %dma_wait3A_2216] : memref<2x128xi32, #tpu.memory_space<vmem>> -> memref<1x128xi32, #tpu.memory_space<vmem>>
      %dma_wait3A_2218 = tpu.memref_squeeze %dma_wait3A_2217 : memref<1x128xi32, #tpu.memory_space<vmem>> -> memref<128xi32, #tpu.memory_space<vmem>>
      %dma_wait3A_2219 = arith.constant 0 : i32
      %dma_wait3A_2220 = arith.constant 0 : i32
      %dma_wait3A_2221 = tpu.memref_slice %arg2[%dma_wait3A_2219, %dma_wait3A_2220] : memref<100352x64xbf16, #tpu.memory_space<hbm>> -> memref<100352x64xbf16, #tpu.memory_space<hbm>>
      tpu.wait_indirect_dma semaphore(%arg18 : memref<!tpu.dma_semaphore, #tpu.memory_space<semaphore_mem>>) src(%dma_wait3A_2221 : memref<100352x64xbf16, #tpu.memory_space<hbm>>) dst(%dma_wait3A_2215 : memref<128x64xbf16, #tpu.memory_space<vmem>>)
      %dma_start3A_2222 = arith.constant 0 : i32
      %dma_start3A_2223 = arith.constant 0 : i32
      %dma_start3A_2224 = arith.constant 0 : i32
      %dma_start3A_2225 = arith.constant 0 : i32
      %dma_start3A_2226 = tpu.memref_slice %arg12[%dma_start3A_2222, %dma_start3A_2224, %dma_start3A_2225] : memref<2x128x64xbf16, #tpu.memory_space<vmem>> -> memref<1x128x64xbf16, #tpu.memory_space<vmem>>
      %dma_start3A_2227 = tpu.memref_squeeze %dma_start3A_2226 : memref<1x128x64xbf16, #tpu.memory_space<vmem>> -> memref<128x64xbf16, #tpu.memory_space<vmem>>
      %dma_start3A_2228 = arith.constant 0 : i32
      %dma_start3A_2229 = tpu.memref_slice %arg10[%dma_start3A_2223, %dma_start3A_2228] : memref<2x128xi32, #tpu.memory_space<vmem>> -> memref<1x128xi32, #tpu.memory_space<vmem>>
      %dma_start3A_2230 = tpu.memref_squeeze %dma_start3A_2229 : memref<1x128xi32, #tpu.memory_space<vmem>> -> memref<128xi32, #tpu.memory_space<vmem>>
      %dma_start3A_2231 = arith.constant 0 : i32
      %dma_start3A_2232 = arith.constant 0 : i32
      %dma_start3A_2233 = tpu.memref_slice %arg14[%dma_start3A_2231, %dma_start3A_2232] : memref<50176x64xbf16, #tpu.memory_space<vmem_shared>> -> memref<50176x64xbf16, #tpu.memory_space<vmem_shared>>
      tpu.enqueue_indirect_dma source(%dma_start3A_2227 : memref<128x64xbf16, #tpu.memory_space<vmem>>) target(%dma_start3A_2233 : memref<50176x64xbf16, #tpu.memory_space<vmem_shared>>) offsets(%dma_start3A_2230 : memref<128xi32, #tpu.memory_space<vmem>>) semaphore(%arg20 : memref<!tpu.dma_semaphore, #tpu.memory_space<semaphore_mem>>) {add = true}
      %dma_start3A_2234 = arith.constant 1 : i32
      %dma_start3A_2235 = arith.constant 1 : i32
      %dma_start3A_2236 = arith.constant 0 : i32
      %dma_start3A_2237 = arith.constant 0 : i32
      %dma_start3A_2238 = tpu.memref_slice %arg12[%dma_start3A_2234, %dma_start3A_2236, %dma_start3A_2237] : memref<2x128x64xbf16, #tpu.memory_space<vmem>> -> memref<1x128x64xbf16, #tpu.memory_space<vmem>>
      %dma_start3A_2239 = tpu.memref_squeeze %dma_start3A_2238 : memref<1x128x64xbf16, #tpu.memory_space<vmem>> -> memref<128x64xbf16, #tpu.memory_space<vmem>>
      %dma_start3A_2240 = arith.constant 0 : i32
      %dma_start3A_2241 = tpu.memref_slice %arg10[%dma_start3A_2235, %dma_start3A_2240] : memref<2x128xi32, #tpu.memory_space<vmem>> -> memref<1x128xi32, #tpu.memory_space<vmem>>
      %dma_start3A_2242 = tpu.memref_squeeze %dma_start3A_2241 : memref<1x128xi32, #tpu.memory_space<vmem>> -> memref<128xi32, #tpu.memory_space<vmem>>
      %dma_start3A_2243 = arith.constant 0 : i32
      %dma_start3A_2244 = arith.constant 0 : i32
      %dma_start3A_2245 = tpu.memref_slice %arg14[%dma_start3A_2243, %dma_start3A_2244] : memref<50176x64xbf16, #tpu.memory_space<vmem_shared>> -> memref<50176x64xbf16, #tpu.memory_space<vmem_shared>>
      tpu.enqueue_indirect_dma source(%dma_start3A_2239 : memref<128x64xbf16, #tpu.memory_space<vmem>>) target(%dma_start3A_2245 : memref<50176x64xbf16, #tpu.memory_space<vmem_shared>>) offsets(%dma_start3A_2242 : memref<128xi32, #tpu.memory_space<vmem>>) semaphore(%arg20 : memref<!tpu.dma_semaphore, #tpu.memory_space<semaphore_mem>>) {add = true}
      %dma_wait3A_2246 = arith.constant 0 : i32
      %dma_wait3A_2247 = arith.constant 0 : i32
      %dma_wait3A_2248 = arith.constant 0 : i32
      %dma_wait3A_2249 = arith.constant 0 : i32
      %dma_wait3A_2250 = tpu.memref_slice %arg12[%dma_wait3A_2246, %dma_wait3A_2248, %dma_wait3A_2249] : memref<2x128x64xbf16, #tpu.memory_space<vmem>> -> memref<1x128x64xbf16, #tpu.memory_space<vmem>>
      %dma_wait3A_2251 = tpu.memref_squeeze %dma_wait3A_2250 : memref<1x128x64xbf16, #tpu.memory_space<vmem>> -> memref<128x64xbf16, #tpu.memory_space<vmem>>
      %dma_wait3A_2252 = arith.constant 0 : i32
      %dma_wait3A_2253 = tpu.memref_slice %arg10[%dma_wait3A_2247, %dma_wait3A_2252] : memref<2x128xi32, #tpu.memory_space<vmem>> -> memref<1x128xi32, #tpu.memory_space<vmem>>
      %dma_wait3A_2254 = tpu.memref_squeeze %dma_wait3A_2253 : memref<1x128xi32, #tpu.memory_space<vmem>> -> memref<128xi32, #tpu.memory_space<vmem>>
      %dma_wait3A_2255 = arith.constant 0 : i32
      %dma_wait3A_2256 = arith.constant 0 : i32
      %dma_wait3A_2257 = tpu.memref_slice %arg14[%dma_wait3A_2255, %dma_wait3A_2256] : memref<50176x64xbf16, #tpu.memory_space<vmem_shared>> -> memref<50176x64xbf16, #tpu.memory_space<vmem_shared>>
      tpu.wait_indirect_dma semaphore(%arg20 : memref<!tpu.dma_semaphore, #tpu.memory_space<semaphore_mem>>) src(%dma_wait3A_2251 : memref<128x64xbf16, #tpu.memory_space<vmem>>) dst(%dma_wait3A_2257 : memref<50176x64xbf16, #tpu.memory_space<vmem_shared>>)
      %dma_wait3A_2258 = arith.constant 1 : i32
      %dma_wait3A_2259 = arith.constant 1 : i32
      %dma_wait3A_2260 = arith.constant 0 : i32
      %dma_wait3A_2261 = arith.constant 0 : i32
      %dma_wait3A_2262 = tpu.memref_slice %arg12[%dma_wait3A_2258, %dma_wait3A_2260, %dma_wait3A_2261] : memref<2x128x64xbf16, #tpu.memory_space<vmem>> -> memref<1x128x64xbf16, #tpu.memory_space<vmem>>
      %dma_wait3A_2263 = tpu.memref_squeeze %dma_wait3A_2262 : memref<1x128x64xbf16, #tpu.memory_space<vmem>> -> memref<128x64xbf16, #tpu.memory_space<vmem>>
      %dma_wait3A_2264 = arith.constant 0 : i32
      %dma_wait3A_2265 = tpu.memref_slice %arg10[%dma_wait3A_2259, %dma_wait3A_2264] : memref<2x128xi32, #tpu.memory_space<vmem>> -> memref<1x128xi32, #tpu.memory_space<vmem>>
      %dma_wait3A_2266 = tpu.memref_squeeze %dma_wait3A_2265 : memref<1x128xi32, #tpu.memory_space<vmem>> -> memref<128xi32, #tpu.memory_space<vmem>>
      %dma_wait3A_2267 = arith.constant 0 : i32
      %dma_wait3A_2268 = arith.constant 0 : i32
      %dma_wait3A_2269 = tpu.memref_slice %arg14[%dma_wait3A_2267, %dma_wait3A_2268] : memref<50176x64xbf16, #tpu.memory_space<vmem_shared>> -> memref<50176x64xbf16, #tpu.memory_space<vmem_shared>>
      tpu.wait_indirect_dma semaphore(%arg20 : memref<!tpu.dma_semaphore, #tpu.memory_space<semaphore_mem>>) src(%dma_wait3A_2263 : memref<128x64xbf16, #tpu.memory_space<vmem>>) dst(%dma_wait3A_2269 : memref<50176x64xbf16, #tpu.memory_space<vmem_shared>>)
      %add3A_2270 = arith.constant 3 : i32
      %add3A_2271 = arith.addi %mul3A_1194, %add3A_2270 : i32
      %lt3A_2272 = arith.constant 124 : i32
      %lt3A_2273 = arith.cmpi slt, %add3A_2271, %lt3A_2272 : i32
      %convert_element_type3A_2274 = arith.extui %lt3A_2273 : i1 to i32
      %cond3A_2275 = arith.constant 0 : i32
      %cond3A_2276 = arith.cmpi ne, %convert_element_type3A_2274, %cond3A_2275 : i32
      scf.if %cond3A_2276 {
        %mul3A_2277 = arith.constant 2 : i32
        %mul3A_2278 = arith.muli %mul3A_2277, %mul3A_8 : i32
        %dma_wait3A_2279 = arith.constant 0 : i32
        %dma_wait3A_2280 = tpu.memref_slice %arg3[%mul3A_2278, %dma_wait3A_2279] : memref<7936x128xi32, #tpu.memory_space<hbm>> -> memref<4x128xi32, #tpu.memory_space<hbm>>
        %dma_wait3A_2281 = arith.constant 0 : i32
        %dma_wait3A_2282 = tpu.memref_slice %arg3[%mul3A_2278, %dma_wait3A_2281] : memref<7936x128xi32, #tpu.memory_space<hbm>> -> memref<4x128xi32, #tpu.memory_space<hbm>>
        tpu.wait_dma2 semaphore(%arg16 : memref<!tpu.dma_semaphore, #tpu.memory_space<semaphore_mem>>) src(%dma_wait3A_2282 : memref<4x128xi32, #tpu.memory_space<hbm>>) dst(%arg6 : memref<4x128xi32, #tpu.memory_space<vmem>>)
      } else {
      }
    }
    %scan3A_587 = arith.constant 61 : i32
    %get3A_588 = arith.constant 0 : i32
    %get3A_589 = arith.index_cast %get3A_588 : i32 to index
    %get3A_590 = arith.constant 0 : index
    %get3A_591 = tpu.vector_load %arg6[%get3A_589, %get3A_590] {strides = array<i32>} : memref<4x128xi32, #tpu.memory_space<vmem>>, vector<1x16xi32>,
    %get3A_592 = vector.shape_cast %get3A_591 : vector<1x16xi32> to vector<16xi32>
    %mul3A_593 = arith.constant 2 : i32
    %mul3A_594 = vector.broadcast %mul3A_593 : i32 to vector<16xi32>
    %mul3A_595 = arith.muli %get3A_592, %mul3A_594 : vector<16xi32>
    %add3A_596 = vector.broadcast %arg0 : i32 to vector<16xi32>
    %add3A_597 = arith.addi %mul3A_595, %add3A_596 : vector<16xi32>
    %swap3A_598 = arith.constant 0 : i32
    %swap3A_599 = arith.index_cast %swap3A_598 : i32 to index
    %swap3A_600 = arith.constant 0 : index
    %swap3A_601 = tpu.vector_load %arg8[%swap3A_599, %swap3A_600] {strides = array<i32>} : memref<2x128xi32, #tpu.memory_space<vmem>>, vector<1x16xi32>,
    %swap3A_602 = vector.shape_cast %swap3A_601 : vector<1x16xi32> to vector<16xi32>
    %swap3A_603 = vector.shape_cast %add3A_597 : vector<16xi32> to vector<1x16xi32>
    tpu.vector_store %arg8[%swap3A_599, %swap3A_600], %swap3A_603 {strides = array<i32>} : memref<2x128xi32, #tpu.memory_space<vmem>>, vector<1x16xi32>,
    %get3A_604 = arith.constant 1 : i32
    %get3A_605 = arith.index_cast %get3A_604 : i32 to index
    %get3A_606 = arith.constant 0 : index
    %get3A_607 = tpu.vector_load %arg6[%get3A_605, %get3A_606] {strides = array<i32>} : memref<4x128xi32, #tpu.memory_space<vmem>>, vector<1x16xi32>,
    %get3A_608 = vector.shape_cast %get3A_607 : vector<1x16xi32> to vector<16xi32>
    %swap3A_609 = arith.constant 0 : i32
    %swap3A_610 = arith.index_cast %swap3A_609 : i32 to index
    %swap3A_611 = arith.constant 0 : index
    %swap3A_612 = tpu.vector_load %arg10[%swap3A_610, %swap3A_611] {strides = array<i32>} : memref<2x128xi32, #tpu.memory_space<vmem>>, vector<1x16xi32>,
    %swap3A_613 = vector.shape_cast %swap3A_612 : vector<1x16xi32> to vector<16xi32>
    %swap3A_614 = vector.shape_cast %get3A_608 : vector<16xi32> to vector<1x16xi32>
    tpu.vector_store %arg10[%swap3A_610, %swap3A_611], %swap3A_614 {strides = array<i32>} : memref<2x128xi32, #tpu.memory_space<vmem>>, vector<1x16xi32>,
    %get3A_615 = arith.constant 0 : i32
    %get3A_616 = arith.index_cast %get3A_615 : i32 to index
    %get3A_617 = arith.constant 16 : index
    %get3A_618 = tpu.vector_load %arg6[%get3A_616, %get3A_617] {strides = array<i32>} : memref<4x128xi32, #tpu.memory_space<vmem>>, vector<1x16xi32>,
    %get3A_619 = vector.shape_cast %get3A_618 : vector<1x16xi32> to vector<16xi32>
    %mul3A_620 = arith.constant 2 : i32
    %mul3A_621 = vector.broadcast %mul3A_620 : i32 to vector<16xi32>
    %mul3A_622 = arith.muli %get3A_619, %mul3A_621 : vector<16xi32>
    %add3A_623 = vector.broadcast %arg0 : i32 to vector<16xi32>
    %add3A_624 = arith.addi %mul3A_622, %add3A_623 : vector<16xi32>
    %swap3A_625 = arith.constant 0 : i32
    %swap3A_626 = arith.index_cast %swap3A_625 : i32 to index
    %swap3A_627 = arith.constant 16 : index
    %swap3A_628 = tpu.vector_load %arg8[%swap3A_626, %swap3A_627] {strides = array<i32>} : memref<2x128xi32, #tpu.memory_space<vmem>>, vector<1x16xi32>,
    %swap3A_629 = vector.shape_cast %swap3A_628 : vector<1x16xi32> to vector<16xi32>
    %swap3A_630 = vector.shape_cast %add3A_624 : vector<16xi32> to vector<1x16xi32>
    tpu.vector_store %arg8[%swap3A_626, %swap3A_627], %swap3A_630 {strides = array<i32>} : memref<2x128xi32, #tpu.memory_space<vmem>>, vector<1x16xi32>,
    %get3A_631 = arith.constant 1 : i32
    %get3A_632 = arith.index_cast %get3A_631 : i32 to index
    %get3A_633 = arith.constant 16 : index
    %get3A_634 = tpu.vector_load %arg6[%get3A_632, %get3A_633] {strides = array<i32>} : memref<4x128xi32, #tpu.memory_space<vmem>>, vector<1x16xi32>,
    %get3A_635 = vector.shape_cast %get3A_634 : vector<1x16xi32> to vector<16xi32>
    %swap3A_636 = arith.constant 0 : i32
    %swap3A_637 = arith.index_cast %swap3A_636 : i32 to index
    %swap3A_638 = arith.constant 16 : index
    %swap3A_639 = tpu.vector_load %arg10[%swap3A_637, %swap3A_638] {strides = array<i32>} : memref<2x128xi32, #tpu.memory_space<vmem>>, vector<1x16xi32>,
    %swap3A_640 = vector.shape_cast %swap3A_639 : vector<1x16xi32> to vector<16xi32>
    %swap3A_641 = vector.shape_cast %get3A_635 : vector<16xi32> to vector<1x16xi32>
    tpu.vector_store %arg10[%swap3A_637, %swap3A_638], %swap3A_641 {strides = array<i32>} : memref<2x128xi32, #tpu.memory_space<vmem>>, vector<1x16xi32>,
    %get3A_642 = arith.constant 0 : i32
    %get3A_643 = arith.index_cast %get3A_642 : i32 to index
    %get3A_644 = arith.constant 32 : index
    %get3A_645 = tpu.vector_load %arg6[%get3A_643, %get3A_644] {strides = array<i32>} : memref<4x128xi32, #tpu.memory_space<vmem>>, vector<1x16xi32>,
    %get3A_646 = vector.shape_cast %get3A_645 : vector<1x16xi32> to vector<16xi32>
    %mul3A_647 = arith.constant 2 : i32
    %mul3A_648 = vector.broadcast %mul3A_647 : i32 to vector<16xi32>
    %mul3A_649 = arith.muli %get3A_646, %mul3A_648 : vector<16xi32>
    %add3A_650 = vector.broadcast %arg0 : i32 to vector<16xi32>
    %add3A_651 = arith.addi %mul3A_649, %add3A_650 : vector<16xi32>
    %swap3A_652 = arith.constant 0 : i32
    %swap3A_653 = arith.index_cast %swap3A_652 : i32 to index
    %swap3A_654 = arith.constant 32 : index
    %swap3A_655 = tpu.vector_load %arg8[%swap3A_653, %swap3A_654] {strides = array<i32>} : memref<2x128xi32, #tpu.memory_space<vmem>>, vector<1x16xi32>,
    %swap3A_656 = vector.shape_cast %swap3A_655 : vector<1x16xi32> to vector<16xi32>
    %swap3A_657 = vector.shape_cast %add3A_651 : vector<16xi32> to vector<1x16xi32>
    tpu.vector_store %arg8[%swap3A_653, %swap3A_654], %swap3A_657 {strides = array<i32>} : memref<2x128xi32, #tpu.memory_space<vmem>>, vector<1x16xi32>,
    %get3A_658 = arith.constant 1 : i32
    %get3A_659 = arith.index_cast %get3A_658 : i32 to index
    %get3A_660 = arith.constant 32 : index
    %get3A_661 = tpu.vector_load %arg6[%get3A_659, %get3A_660] {strides = array<i32>} : memref<4x128xi32, #tpu.memory_space<vmem>>, vector<1x16xi32>,
    %get3A_662 = vector.shape_cast %get3A_661 : vector<1x16xi32> to vector<16xi32>
    %swap3A_663 = arith.constant 0 : i32
    %swap3A_664 = arith.index_cast %swap3A_663 : i32 to index
    %swap3A_665 = arith.constant 32 : index
    %swap3A_666 = tpu.vector_load %arg10[%swap3A_664, %swap3A_665] {strides = array<i32>} : memref<2x128xi32, #tpu.memory_space<vmem>>, vector<1x16xi32>,
    %swap3A_667 = vector.shape_cast %swap3A_666 : vector<1x16xi32> to vector<16xi32>
    %swap3A_668 = vector.shape_cast %get3A_662 : vector<16xi32> to vector<1x16xi32>
    tpu.vector_store %arg10[%swap3A_664, %swap3A_665], %swap3A_668 {strides = array<i32>} : memref<2x128xi32, #tpu.memory_space<vmem>>, vector<1x16xi32>,
    %get3A_669 = arith.constant 0 : i32
    %get3A_670 = arith.index_cast %get3A_669 : i32 to index
    %get3A_671 = arith.constant 48 : index
    %get3A_672 = tpu.vector_load %arg6[%get3A_670, %get3A_671] {strides = array<i32>} : memref<4x128xi32, #tpu.memory_space<vmem>>, vector<1x16xi32>,
    %get3A_673 = vector.shape_cast %get3A_672 : vector<1x16xi32> to vector<16xi32>
    %mul3A_674 = arith.constant 2 : i32
    %mul3A_675 = vector.broadcast %mul3A_674 : i32 to vector<16xi32>
    %mul3A_676 = arith.muli %get3A_673, %mul3A_675 : vector<16xi32>
    %add3A_677 = vector.broadcast %arg0 : i32 to vector<16xi32>
    %add3A_678 = arith.addi %mul3A_676, %add3A_677 : vector<16xi32>
    %swap3A_679 = arith.constant 0 : i32
    %swap3A_680 = arith.index_cast %swap3A_679 : i32 to index
    %swap3A_681 = arith.constant 48 : index
    %swap3A_682 = tpu.vector_load %arg8[%swap3A_680, %swap3A_681] {strides = array<i32>} : memref<2x128xi32, #tpu.memory_space<vmem>>, vector<1x16xi32>,
    %swap3A_683 = vector.shape_cast %swap3A_682 : vector<1x16xi32> to vector<16xi32>
    %swap3A_684 = vector.shape_cast %add3A_678 : vector<16xi32> to vector<1x16xi32>
    tpu.vector_store %arg8[%swap3A_680, %swap3A_681], %swap3A_684 {strides = array<i32>} : memref<2x128xi32, #tpu.memory_space<vmem>>, vector<1x16xi32>,
    %get3A_685 = arith.constant 1 : i32
    %get3A_686 = arith.index_cast %get3A_685 : i32 to index
    %get3A_687 = arith.constant 48 : index
    %get3A_688 = tpu.vector_load %arg6[%get3A_686, %get3A_687] {strides = array<i32>} : memref<4x128xi32, #tpu.memory_space<vmem>>, vector<1x16xi32>,
    %get3A_689 = vector.shape_cast %get3A_688 : vector<1x16xi32> to vector<16xi32>
    %swap3A_690 = arith.constant 0 : i32
    %swap3A_691 = arith.index_cast %swap3A_690 : i32 to index
    %swap3A_692 = arith.constant 48 : index
    %swap3A_693 = tpu.vector_load %arg10[%swap3A_691, %swap3A_692] {strides = array<i32>} : memref<2x128xi32, #tpu.memory_space<vmem>>, vector<1x16xi32>,
    %swap3A_694 = vector.shape_cast %swap3A_693 : vector<1x16xi32> to vector<16xi32>
    %swap3A_695 = vector.shape_cast %get3A_689 : vector<16xi32> to vector<1x16xi32>
    tpu.vector_store %arg10[%swap3A_691, %swap3A_692], %swap3A_695 {strides = array<i32>} : memref<2x128xi32, #tpu.memory_space<vmem>>, vector<1x16xi32>,
    %get3A_696 = arith.constant 0 : i32
    %get3A_697 = arith.index_cast %get3A_696 : i32 to index
    %get3A_698 = arith.constant 64 : index
    %get3A_699 = tpu.vector_load %arg6[%get3A_697, %get3A_698] {strides = array<i32>} : memref<4x128xi32, #tpu.memory_space<vmem>>, vector<1x16xi32>,
    %get3A_700 = vector.shape_cast %get3A_699 : vector<1x16xi32> to vector<16xi32>
    %mul3A_701 = arith.constant 2 : i32
    %mul3A_702 = vector.broadcast %mul3A_701 : i32 to vector<16xi32>
    %mul3A_703 = arith.muli %get3A_700, %mul3A_702 : vector<16xi32>
    %add3A_704 = vector.broadcast %arg0 : i32 to vector<16xi32>
    %add3A_705 = arith.addi %mul3A_703, %add3A_704 : vector<16xi32>
    %swap3A_706 = arith.constant 0 : i32
    %swap3A_707 = arith.index_cast %swap3A_706 : i32 to index
    %swap3A_708 = arith.constant 64 : index
    %swap3A_709 = tpu.vector_load %arg8[%swap3A_707, %swap3A_708] {strides = array<i32>} : memref<2x128xi32, #tpu.memory_space<vmem>>, vector<1x16xi32>,
    %swap3A_710 = vector.shape_cast %swap3A_709 : vector<1x16xi32> to vector<16xi32>
    %swap3A_711 = vector.shape_cast %add3A_705 : vector<16xi32> to vector<1x16xi32>
    tpu.vector_store %arg8[%swap3A_707, %swap3A_708], %swap3A_711 {strides = array<i32>} : memref<2x128xi32, #tpu.memory_space<vmem>>, vector<1x16xi32>,
    %get3A_712 = arith.constant 1 : i32
    %get3A_713 = arith.index_cast %get3A_712 : i32 to index
    %get3A_714 = arith.constant 64 : index
    %get3A_715 = tpu.vector_load %arg6[%get3A_713, %get3A_714] {strides = array<i32>} : memref<4x128xi32, #tpu.memory_space<vmem>>, vector<1x16xi32>,
    %get3A_716 = vector.shape_cast %get3A_715 : vector<1x16xi32> to vector<16xi32>
    %swap3A_717 = arith.constant 0 : i32
    %swap3A_718 = arith.index_cast %swap3A_717 : i32 to index
    %swap3A_719 = arith.constant 64 : index
    %swap3A_720 = tpu.vector_load %arg10[%swap3A_718, %swap3A_719] {strides = array<i32>} : memref<2x128xi32, #tpu.memory_space<vmem>>, vector<1x16xi32>,
    %swap3A_721 = vector.shape_cast %swap3A_720 : vector<1x16xi32> to vector<16xi32>
    %swap3A_722 = vector.shape_cast %get3A_716 : vector<16xi32> to vector<1x16xi32>
    tpu.vector_store %arg10[%swap3A_718, %swap3A_719], %swap3A_722 {strides = array<i32>} : memref<2x128xi32, #tpu.memory_space<vmem>>, vector<1x16xi32>,
    %get3A_723 = arith.constant 0 : i32
    %get3A_724 = arith.index_cast %get3A_723 : i32 to index
    %get3A_725 = arith.constant 80 : index
    %get3A_726 = tpu.vector_load %arg6[%get3A_724, %get3A_725] {strides = array<i32>} : memref<4x128xi32, #tpu.memory_space<vmem>>, vector<1x16xi32>,
    %get3A_727 = vector.shape_cast %get3A_726 : vector<1x16xi32> to vector<16xi32>
    %mul3A_728 = arith.constant 2 : i32
    %mul3A_729 = vector.broadcast %mul3A_728 : i32 to vector<16xi32>
    %mul3A_730 = arith.muli %get3A_727, %mul3A_729 : vector<16xi32>
    %add3A_731 = vector.broadcast %arg0 : i32 to vector<16xi32>
    %add3A_732 = arith.addi %mul3A_730, %add3A_731 : vector<16xi32>
    %swap3A_733 = arith.constant 0 : i32
    %swap3A_734 = arith.index_cast %swap3A_733 : i32 to index
    %swap3A_735 = arith.constant 80 : index
    %swap3A_736 = tpu.vector_load %arg8[%swap3A_734, %swap3A_735] {strides = array<i32>} : memref<2x128xi32, #tpu.memory_space<vmem>>, vector<1x16xi32>,
    %swap3A_737 = vector.shape_cast %swap3A_736 : vector<1x16xi32> to vector<16xi32>
    %swap3A_738 = vector.shape_cast %add3A_732 : vector<16xi32> to vector<1x16xi32>
    tpu.vector_store %arg8[%swap3A_734, %swap3A_735], %swap3A_738 {strides = array<i32>} : memref<2x128xi32, #tpu.memory_space<vmem>>, vector<1x16xi32>,
    %get3A_739 = arith.constant 1 : i32
    %get3A_740 = arith.index_cast %get3A_739 : i32 to index
    %get3A_741 = arith.constant 80 : index
    %get3A_742 = tpu.vector_load %arg6[%get3A_740, %get3A_741] {strides = array<i32>} : memref<4x128xi32, #tpu.memory_space<vmem>>, vector<1x16xi32>,
    %get3A_743 = vector.shape_cast %get3A_742 : vector<1x16xi32> to vector<16xi32>
    %swap3A_744 = arith.constant 0 : i32
    %swap3A_745 = arith.index_cast %swap3A_744 : i32 to index
    %swap3A_746 = arith.constant 80 : index
    %swap3A_747 = tpu.vector_load %arg10[%swap3A_745, %swap3A_746] {strides = array<i32>} : memref<2x128xi32, #tpu.memory_space<vmem>>, vector<1x16xi32>,
    %swap3A_748 = vector.shape_cast %swap3A_747 : vector<1x16xi32> to vector<16xi32>
    %swap3A_749 = vector.shape_cast %get3A_743 : vector<16xi32> to vector<1x16xi32>
    tpu.vector_store %arg10[%swap3A_745, %swap3A_746], %swap3A_749 {strides = array<i32>} : memref<2x128xi32, #tpu.memory_space<vmem>>, vector<1x16xi32>,
    %get3A_750 = arith.constant 0 : i32
    %get3A_751 = arith.index_cast %get3A_750 : i32 to index
    %get3A_752 = arith.constant 96 : index
    %get3A_753 = tpu.vector_load %arg6[%get3A_751, %get3A_752] {strides = array<i32>} : memref<4x128xi32, #tpu.memory_space<vmem>>, vector<1x16xi32>,
    %get3A_754 = vector.shape_cast %get3A_753 : vector<1x16xi32> to vector<16xi32>
    %mul3A_755 = arith.constant 2 : i32
    %mul3A_756 = vector.broadcast %mul3A_755 : i32 to vector<16xi32>
    %mul3A_757 = arith.muli %get3A_754, %mul3A_756 : vector<16xi32>
    %add3A_758 = vector.broadcast %arg0 : i32 to vector<16xi32>
    %add3A_759 = arith.addi %mul3A_757, %add3A_758 : vector<16xi32>
    %swap3A_760 = arith.constant 0 : i32
    %swap3A_761 = arith.index_cast %swap3A_760 : i32 to index
    %swap3A_762 = arith.constant 96 : index
    %swap3A_763 = tpu.vector_load %arg8[%swap3A_761, %swap3A_762] {strides = array<i32>} : memref<2x128xi32, #tpu.memory_space<vmem>>, vector<1x16xi32>,
    %swap3A_764 = vector.shape_cast %swap3A_763 : vector<1x16xi32> to vector<16xi32>
    %swap3A_765 = vector.shape_cast %add3A_759 : vector<16xi32> to vector<1x16xi32>
    tpu.vector_store %arg8[%swap3A_761, %swap3A_762], %swap3A_765 {strides = array<i32>} : memref<2x128xi32, #tpu.memory_space<vmem>>, vector<1x16xi32>,
    %get3A_766 = arith.constant 1 : i32
    %get3A_767 = arith.index_cast %get3A_766 : i32 to index
    %get3A_768 = arith.constant 96 : index
    %get3A_769 = tpu.vector_load %arg6[%get3A_767, %get3A_768] {strides = array<i32>} : memref<4x128xi32, #tpu.memory_space<vmem>>, vector<1x16xi32>,
    %get3A_770 = vector.shape_cast %get3A_769 : vector<1x16xi32> to vector<16xi32>
    %swap3A_771 = arith.constant 0 : i32
    %swap3A_772 = arith.index_cast %swap3A_771 : i32 to index
    %swap3A_773 = arith.constant 96 : index
    %swap3A_774 = tpu.vector_load %arg10[%swap3A_772, %swap3A_773] {strides = array<i32>} : memref<2x128xi32, #tpu.memory_space<vmem>>, vector<1x16xi32>,
    %swap3A_775 = vector.shape_cast %swap3A_774 : vector<1x16xi32> to vector<16xi32>
    %swap3A_776 = vector.shape_cast %get3A_770 : vector<16xi32> to vector<1x16xi32>
    tpu.vector_store %arg10[%swap3A_772, %swap3A_773], %swap3A_776 {strides = array<i32>} : memref<2x128xi32, #tpu.memory_space<vmem>>, vector<1x16xi32>,
    %get3A_777 = arith.constant 0 : i32
    %get3A_778 = arith.index_cast %get3A_777 : i32 to index
    %get3A_779 = arith.constant 112 : index
    %get3A_780 = tpu.vector_load %arg6[%get3A_778, %get3A_779] {strides = array<i32>} : memref<4x128xi32, #tpu.memory_space<vmem>>, vector<1x16xi32>,
    %get3A_781 = vector.shape_cast %get3A_780 : vector<1x16xi32> to vector<16xi32>
    %mul3A_782 = arith.constant 2 : i32
    %mul3A_783 = vector.broadcast %mul3A_782 : i32 to vector<16xi32>
    %mul3A_784 = arith.muli %get3A_781, %mul3A_783 : vector<16xi32>
    %add3A_785 = vector.broadcast %arg0 : i32 to vector<16xi32>
    %add3A_786 = arith.addi %mul3A_784, %add3A_785 : vector<16xi32>
    %swap3A_787 = arith.constant 0 : i32
    %swap3A_788 = arith.index_cast %swap3A_787 : i32 to index
    %swap3A_789 = arith.constant 112 : index
    %swap3A_790 = tpu.vector_load %arg8[%swap3A_788, %swap3A_789] {strides = array<i32>} : memref<2x128xi32, #tpu.memory_space<vmem>>, vector<1x16xi32>,
    %swap3A_791 = vector.shape_cast %swap3A_790 : vector<1x16xi32> to vector<16xi32>
    %swap3A_792 = vector.shape_cast %add3A_786 : vector<16xi32> to vector<1x16xi32>
    tpu.vector_store %arg8[%swap3A_788, %swap3A_789], %swap3A_792 {strides = array<i32>} : memref<2x128xi32, #tpu.memory_space<vmem>>, vector<1x16xi32>,
    %get3A_793 = arith.constant 1 : i32
    %get3A_794 = arith.index_cast %get3A_793 : i32 to index
    %get3A_795 = arith.constant 112 : index
    %get3A_796 = tpu.vector_load %arg6[%get3A_794, %get3A_795] {strides = array<i32>} : memref<4x128xi32, #tpu.memory_space<vmem>>, vector<1x16xi32>,
    %get3A_797 = vector.shape_cast %get3A_796 : vector<1x16xi32> to vector<16xi32>
    %swap3A_798 = arith.constant 0 : i32
    %swap3A_799 = arith.index_cast %swap3A_798 : i32 to index
    %swap3A_800 = arith.constant 112 : index
    %swap3A_801 = tpu.vector_load %arg10[%swap3A_799, %swap3A_800] {strides = array<i32>} : memref<2x128xi32, #tpu.memory_space<vmem>>, vector<1x16xi32>,
    %swap3A_802 = vector.shape_cast %swap3A_801 : vector<1x16xi32> to vector<16xi32>
    %swap3A_803 = vector.shape_cast %get3A_797 : vector<16xi32> to vector<1x16xi32>
    tpu.vector_store %arg10[%swap3A_799, %swap3A_800], %swap3A_803 {strides = array<i32>} : memref<2x128xi32, #tpu.memory_space<vmem>>, vector<1x16xi32>,
    %get3A_804 = arith.constant 2 : i32
    %get3A_805 = arith.index_cast %get3A_804 : i32 to index
    %get3A_806 = arith.constant 0 : index
    %get3A_807 = tpu.vector_load %arg6[%get3A_805, %get3A_806] {strides = array<i32>} : memref<4x128xi32, #tpu.memory_space<vmem>>, vector<1x16xi32>,
    %get3A_808 = vector.shape_cast %get3A_807 : vector<1x16xi32> to vector<16xi32>
    %mul3A_809 = arith.constant 2 : i32
    %mul3A_810 = vector.broadcast %mul3A_809 : i32 to vector<16xi32>
    %mul3A_811 = arith.muli %get3A_808, %mul3A_810 : vector<16xi32>
    %add3A_812 = vector.broadcast %arg0 : i32 to vector<16xi32>
    %add3A_813 = arith.addi %mul3A_811, %add3A_812 : vector<16xi32>
    %swap3A_814 = arith.constant 1 : i32
    %swap3A_815 = arith.index_cast %swap3A_814 : i32 to index
    %swap3A_816 = arith.constant 0 : index
    %swap3A_817 = tpu.vector_load %arg8[%swap3A_815, %swap3A_816] {strides = array<i32>} : memref<2x128xi32, #tpu.memory_space<vmem>>, vector<1x16xi32>,
    %swap3A_818 = vector.shape_cast %swap3A_817 : vector<1x16xi32> to vector<16xi32>
    %swap3A_819 = vector.shape_cast %add3A_813 : vector<16xi32> to vector<1x16xi32>
    tpu.vector_store %arg8[%swap3A_815, %swap3A_816], %swap3A_819 {strides = array<i32>} : memref<2x128xi32, #tpu.memory_space<vmem>>, vector<1x16xi32>,
    %get3A_820 = arith.constant 3 : i32
    %get3A_821 = arith.index_cast %get3A_820 : i32 to index
    %get3A_822 = arith.constant 0 : index
    %get3A_823 = tpu.vector_load %arg6[%get3A_821, %get3A_822] {strides = array<i32>} : memref<4x128xi32, #tpu.memory_space<vmem>>, vector<1x16xi32>,
    %get3A_824 = vector.shape_cast %get3A_823 : vector<1x16xi32> to vector<16xi32>
    %swap3A_825 = arith.constant 1 : i32
    %swap3A_826 = arith.index_cast %swap3A_825 : i32 to index
    %swap3A_827 = arith.constant 0 : index
    %swap3A_828 = tpu.vector_load %arg10[%swap3A_826, %swap3A_827] {strides = array<i32>} : memref<2x128xi32, #tpu.memory_space<vmem>>, vector<1x16xi32>,
    %swap3A_829 = vector.shape_cast %swap3A_828 : vector<1x16xi32> to vector<16xi32>
    %swap3A_830 = vector.shape_cast %get3A_824 : vector<16xi32> to vector<1x16xi32>
    tpu.vector_store %arg10[%swap3A_826, %swap3A_827], %swap3A_830 {strides = array<i32>} : memref<2x128xi32, #tpu.memory_space<vmem>>, vector<1x16xi32>,
    %get3A_831 = arith.constant 2 : i32
    %get3A_832 = arith.index_cast %get3A_831 : i32 to index
    %get3A_833 = arith.constant 16 : index
    %get3A_834 = tpu.vector_load %arg6[%get3A_832, %get3A_833] {strides = array<i32>} : memref<4x128xi32, #tpu.memory_space<vmem>>, vector<1x16xi32>,
    %get3A_835 = vector.shape_cast %get3A_834 : vector<1x16xi32> to vector<16xi32>
    %mul3A_836 = arith.constant 2 : i32
    %mul3A_837 = vector.broadcast %mul3A_836 : i32 to vector<16xi32>
    %mul3A_838 = arith.muli %get3A_835, %mul3A_837 : vector<16xi32>
    %add3A_839 = vector.broadcast %arg0 : i32 to vector<16xi32>
    %add3A_840 = arith.addi %mul3A_838, %add3A_839 : vector<16xi32>
    %swap3A_841 = arith.constant 1 : i32
    %swap3A_842 = arith.index_cast %swap3A_841 : i32 to index
    %swap3A_843 = arith.constant 16 : index
    %swap3A_844 = tpu.vector_load %arg8[%swap3A_842, %swap3A_843] {strides = array<i32>} : memref<2x128xi32, #tpu.memory_space<vmem>>, vector<1x16xi32>,
    %swap3A_845 = vector.shape_cast %swap3A_844 : vector<1x16xi32> to vector<16xi32>
    %swap3A_846 = vector.shape_cast %add3A_840 : vector<16xi32> to vector<1x16xi32>
    tpu.vector_store %arg8[%swap3A_842, %swap3A_843], %swap3A_846 {strides = array<i32>} : memref<2x128xi32, #tpu.memory_space<vmem>>, vector<1x16xi32>,
    %get3A_847 = arith.constant 3 : i32
    %get3A_848 = arith.index_cast %get3A_847 : i32 to index
    %get3A_849 = arith.constant 16 : index
    %get3A_850 = tpu.vector_load %arg6[%get3A_848, %get3A_849] {strides = array<i32>} : memref<4x128xi32, #tpu.memory_space<vmem>>, vector<1x16xi32>,
    %get3A_851 = vector.shape_cast %get3A_850 : vector<1x16xi32> to vector<16xi32>
    %swap3A_852 = arith.constant 1 : i32
    %swap3A_853 = arith.index_cast %swap3A_852 : i32 to index
    %swap3A_854 = arith.constant 16 : index
    %swap3A_855 = tpu.vector_load %arg10[%swap3A_853, %swap3A_854] {strides = array<i32>} : memref<2x128xi32, #tpu.memory_space<vmem>>, vector<1x16xi32>,
    %swap3A_856 = vector.shape_cast %swap3A_855 : vector<1x16xi32> to vector<16xi32>
    %swap3A_857 = vector.shape_cast %get3A_851 : vector<16xi32> to vector<1x16xi32>
    tpu.vector_store %arg10[%swap3A_853, %swap3A_854], %swap3A_857 {strides = array<i32>} : memref<2x128xi32, #tpu.memory_space<vmem>>, vector<1x16xi32>,
    %get3A_858 = arith.constant 2 : i32
    %get3A_859 = arith.index_cast %get3A_858 : i32 to index
    %get3A_860 = arith.constant 32 : index
    %get3A_861 = tpu.vector_load %arg6[%get3A_859, %get3A_860] {strides = array<i32>} : memref<4x128xi32, #tpu.memory_space<vmem>>, vector<1x16xi32>,
    %get3A_862 = vector.shape_cast %get3A_861 : vector<1x16xi32> to vector<16xi32>
    %mul3A_863 = arith.constant 2 : i32
    %mul3A_864 = vector.broadcast %mul3A_863 : i32 to vector<16xi32>
    %mul3A_865 = arith.muli %get3A_862, %mul3A_864 : vector<16xi32>
    %add3A_866 = vector.broadcast %arg0 : i32 to vector<16xi32>
    %add3A_867 = arith.addi %mul3A_865, %add3A_866 : vector<16xi32>
    %swap3A_868 = arith.constant 1 : i32
    %swap3A_869 = arith.index_cast %swap3A_868 : i32 to index
    %swap3A_870 = arith.constant 32 : index
    %swap3A_871 = tpu.vector_load %arg8[%swap3A_869, %swap3A_870] {strides = array<i32>} : memref<2x128xi32, #tpu.memory_space<vmem>>, vector<1x16xi32>,
    %swap3A_872 = vector.shape_cast %swap3A_871 : vector<1x16xi32> to vector<16xi32>
    %swap3A_873 = vector.shape_cast %add3A_867 : vector<16xi32> to vector<1x16xi32>
    tpu.vector_store %arg8[%swap3A_869, %swap3A_870], %swap3A_873 {strides = array<i32>} : memref<2x128xi32, #tpu.memory_space<vmem>>, vector<1x16xi32>,
    %get3A_874 = arith.constant 3 : i32
    %get3A_875 = arith.index_cast %get3A_874 : i32 to index
    %get3A_876 = arith.constant 32 : index
    %get3A_877 = tpu.vector_load %arg6[%get3A_875, %get3A_876] {strides = array<i32>} : memref<4x128xi32, #tpu.memory_space<vmem>>, vector<1x16xi32>,
    %get3A_878 = vector.shape_cast %get3A_877 : vector<1x16xi32> to vector<16xi32>
    %swap3A_879 = arith.constant 1 : i32
    %swap3A_880 = arith.index_cast %swap3A_879 : i32 to index
    %swap3A_881 = arith.constant 32 : index
    %swap3A_882 = tpu.vector_load %arg10[%swap3A_880, %swap3A_881] {strides = array<i32>} : memref<2x128xi32, #tpu.memory_space<vmem>>, vector<1x16xi32>,
    %swap3A_883 = vector.shape_cast %swap3A_882 : vector<1x16xi32> to vector<16xi32>
    %swap3A_884 = vector.shape_cast %get3A_878 : vector<16xi32> to vector<1x16xi32>
    tpu.vector_store %arg10[%swap3A_880, %swap3A_881], %swap3A_884 {strides = array<i32>} : memref<2x128xi32, #tpu.memory_space<vmem>>, vector<1x16xi32>,
    %get3A_885 = arith.constant 2 : i32
    %get3A_886 = arith.index_cast %get3A_885 : i32 to index
    %get3A_887 = arith.constant 48 : index
    %get3A_888 = tpu.vector_load %arg6[%get3A_886, %get3A_887] {strides = array<i32>} : memref<4x128xi32, #tpu.memory_space<vmem>>, vector<1x16xi32>,
    %get3A_889 = vector.shape_cast %get3A_888 : vector<1x16xi32> to vector<16xi32>
    %mul3A_890 = arith.constant 2 : i32
    %mul3A_891 = vector.broadcast %mul3A_890 : i32 to vector<16xi32>
    %mul3A_892 = arith.muli %get3A_889, %mul3A_891 : vector<16xi32>
    %add3A_893 = vector.broadcast %arg0 : i32 to vector<16xi32>
    %add3A_894 = arith.addi %mul3A_892, %add3A_893 : vector<16xi32>
    %swap3A_895 = arith.constant 1 : i32
    %swap3A_896 = arith.index_cast %swap3A_895 : i32 to index
    %swap3A_897 = arith.constant 48 : index
    %swap3A_898 = tpu.vector_load %arg8[%swap3A_896, %swap3A_897] {strides = array<i32>} : memref<2x128xi32, #tpu.memory_space<vmem>>, vector<1x16xi32>,
    %swap3A_899 = vector.shape_cast %swap3A_898 : vector<1x16xi32> to vector<16xi32>
    %swap3A_900 = vector.shape_cast %add3A_894 : vector<16xi32> to vector<1x16xi32>
    tpu.vector_store %arg8[%swap3A_896, %swap3A_897], %swap3A_900 {strides = array<i32>} : memref<2x128xi32, #tpu.memory_space<vmem>>, vector<1x16xi32>,
    %get3A_901 = arith.constant 3 : i32
    %get3A_902 = arith.index_cast %get3A_901 : i32 to index
    %get3A_903 = arith.constant 48 : index
    %get3A_904 = tpu.vector_load %arg6[%get3A_902, %get3A_903] {strides = array<i32>} : memref<4x128xi32, #tpu.memory_space<vmem>>, vector<1x16xi32>,
    %get3A_905 = vector.shape_cast %get3A_904 : vector<1x16xi32> to vector<16xi32>
    %swap3A_906 = arith.constant 1 : i32
    %swap3A_907 = arith.index_cast %swap3A_906 : i32 to index
    %swap3A_908 = arith.constant 48 : index
    %swap3A_909 = tpu.vector_load %arg10[%swap3A_907, %swap3A_908] {strides = array<i32>} : memref<2x128xi32, #tpu.memory_space<vmem>>, vector<1x16xi32>,
    %swap3A_910 = vector.shape_cast %swap3A_909 : vector<1x16xi32> to vector<16xi32>
    %swap3A_911 = vector.shape_cast %get3A_905 : vector<16xi32> to vector<1x16xi32>
    tpu.vector_store %arg10[%swap3A_907, %swap3A_908], %swap3A_911 {strides = array<i32>} : memref<2x128xi32, #tpu.memory_space<vmem>>, vector<1x16xi32>,
    %get3A_912 = arith.constant 2 : i32
    %get3A_913 = arith.index_cast %get3A_912 : i32 to index
    %get3A_914 = arith.constant 64 : index
    %get3A_915 = tpu.vector_load %arg6[%get3A_913, %get3A_914] {strides = array<i32>} : memref<4x128xi32, #tpu.memory_space<vmem>>, vector<1x16xi32>,
    %get3A_916 = vector.shape_cast %get3A_915 : vector<1x16xi32> to vector<16xi32>
    %mul3A_917 = arith.constant 2 : i32
    %mul3A_918 = vector.broadcast %mul3A_917 : i32 to vector<16xi32>
    %mul3A_919 = arith.muli %get3A_916, %mul3A_918 : vector<16xi32>
    %add3A_920 = vector.broadcast %arg0 : i32 to vector<16xi32>
    %add3A_921 = arith.addi %mul3A_919, %add3A_920 : vector<16xi32>
    %swap3A_922 = arith.constant 1 : i32
    %swap3A_923 = arith.index_cast %swap3A_922 : i32 to index
    %swap3A_924 = arith.constant 64 : index
    %swap3A_925 = tpu.vector_load %arg8[%swap3A_923, %swap3A_924] {strides = array<i32>} : memref<2x128xi32, #tpu.memory_space<vmem>>, vector<1x16xi32>,
    %swap3A_926 = vector.shape_cast %swap3A_925 : vector<1x16xi32> to vector<16xi32>
    %swap3A_927 = vector.shape_cast %add3A_921 : vector<16xi32> to vector<1x16xi32>
    tpu.vector_store %arg8[%swap3A_923, %swap3A_924], %swap3A_927 {strides = array<i32>} : memref<2x128xi32, #tpu.memory_space<vmem>>, vector<1x16xi32>,
    %get3A_928 = arith.constant 3 : i32
    %get3A_929 = arith.index_cast %get3A_928 : i32 to index
    %get3A_930 = arith.constant 64 : index
    %get3A_931 = tpu.vector_load %arg6[%get3A_929, %get3A_930] {strides = array<i32>} : memref<4x128xi32, #tpu.memory_space<vmem>>, vector<1x16xi32>,
    %get3A_932 = vector.shape_cast %get3A_931 : vector<1x16xi32> to vector<16xi32>
    %swap3A_933 = arith.constant 1 : i32
    %swap3A_934 = arith.index_cast %swap3A_933 : i32 to index
    %swap3A_935 = arith.constant 64 : index
    %swap3A_936 = tpu.vector_load %arg10[%swap3A_934, %swap3A_935] {strides = array<i32>} : memref<2x128xi32, #tpu.memory_space<vmem>>, vector<1x16xi32>,
    %swap3A_937 = vector.shape_cast %swap3A_936 : vector<1x16xi32> to vector<16xi32>
    %swap3A_938 = vector.shape_cast %get3A_932 : vector<16xi32> to vector<1x16xi32>
    tpu.vector_store %arg10[%swap3A_934, %swap3A_935], %swap3A_938 {strides = array<i32>} : memref<2x128xi32, #tpu.memory_space<vmem>>, vector<1x16xi32>,
    %get3A_939 = arith.constant 2 : i32
    %get3A_940 = arith.index_cast %get3A_939 : i32 to index
    %get3A_941 = arith.constant 80 : index
    %get3A_942 = tpu.vector_load %arg6[%get3A_940, %get3A_941] {strides = array<i32>} : memref<4x128xi32, #tpu.memory_space<vmem>>, vector<1x16xi32>,
    %get3A_943 = vector.shape_cast %get3A_942 : vector<1x16xi32> to vector<16xi32>
    %mul3A_944 = arith.constant 2 : i32
    %mul3A_945 = vector.broadcast %mul3A_944 : i32 to vector<16xi32>
    %mul3A_946 = arith.muli %get3A_943, %mul3A_945 : vector<16xi32>
    %add3A_947 = vector.broadcast %arg0 : i32 to vector<16xi32>
    %add3A_948 = arith.addi %mul3A_946, %add3A_947 : vector<16xi32>
    %swap3A_949 = arith.constant 1 : i32
    %swap3A_950 = arith.index_cast %swap3A_949 : i32 to index
    %swap3A_951 = arith.constant 80 : index
    %swap3A_952 = tpu.vector_load %arg8[%swap3A_950, %swap3A_951] {strides = array<i32>} : memref<2x128xi32, #tpu.memory_space<vmem>>, vector<1x16xi32>,
    %swap3A_953 = vector.shape_cast %swap3A_952 : vector<1x16xi32> to vector<16xi32>
    %swap3A_954 = vector.shape_cast %add3A_948 : vector<16xi32> to vector<1x16xi32>
    tpu.vector_store %arg8[%swap3A_950, %swap3A_951], %swap3A_954 {strides = array<i32>} : memref<2x128xi32, #tpu.memory_space<vmem>>, vector<1x16xi32>,
    %get3A_955 = arith.constant 3 : i32
    %get3A_956 = arith.index_cast %get3A_955 : i32 to index
    %get3A_957 = arith.constant 80 : index
    %get3A_958 = tpu.vector_load %arg6[%get3A_956, %get3A_957] {strides = array<i32>} : memref<4x128xi32, #tpu.memory_space<vmem>>, vector<1x16xi32>,
    %get3A_959 = vector.shape_cast %get3A_958 : vector<1x16xi32> to vector<16xi32>
    %swap3A_960 = arith.constant 1 : i32
    %swap3A_961 = arith.index_cast %swap3A_960 : i32 to index
    %swap3A_962 = arith.constant 80 : index
    %swap3A_963 = tpu.vector_load %arg10[%swap3A_961, %swap3A_962] {strides = array<i32>} : memref<2x128xi32, #tpu.memory_space<vmem>>, vector<1x16xi32>,
    %swap3A_964 = vector.shape_cast %swap3A_963 : vector<1x16xi32> to vector<16xi32>
    %swap3A_965 = vector.shape_cast %get3A_959 : vector<16xi32> to vector<1x16xi32>
    tpu.vector_store %arg10[%swap3A_961, %swap3A_962], %swap3A_965 {strides = array<i32>} : memref<2x128xi32, #tpu.memory_space<vmem>>, vector<1x16xi32>,
    %get3A_966 = arith.constant 2 : i32
    %get3A_967 = arith.index_cast %get3A_966 : i32 to index
    %get3A_968 = arith.constant 96 : index
    %get3A_969 = tpu.vector_load %arg6[%get3A_967, %get3A_968] {strides = array<i32>} : memref<4x128xi32, #tpu.memory_space<vmem>>, vector<1x16xi32>,
    %get3A_970 = vector.shape_cast %get3A_969 : vector<1x16xi32> to vector<16xi32>
    %mul3A_971 = arith.constant 2 : i32
    %mul3A_972 = vector.broadcast %mul3A_971 : i32 to vector<16xi32>
    %mul3A_973 = arith.muli %get3A_970, %mul3A_972 : vector<16xi32>
    %add3A_974 = vector.broadcast %arg0 : i32 to vector<16xi32>
    %add3A_975 = arith.addi %mul3A_973, %add3A_974 : vector<16xi32>
    %swap3A_976 = arith.constant 1 : i32
    %swap3A_977 = arith.index_cast %swap3A_976 : i32 to index
    %swap3A_978 = arith.constant 96 : index
    %swap3A_979 = tpu.vector_load %arg8[%swap3A_977, %swap3A_978] {strides = array<i32>} : memref<2x128xi32, #tpu.memory_space<vmem>>, vector<1x16xi32>,
    %swap3A_980 = vector.shape_cast %swap3A_979 : vector<1x16xi32> to vector<16xi32>
    %swap3A_981 = vector.shape_cast %add3A_975 : vector<16xi32> to vector<1x16xi32>
    tpu.vector_store %arg8[%swap3A_977, %swap3A_978], %swap3A_981 {strides = array<i32>} : memref<2x128xi32, #tpu.memory_space<vmem>>, vector<1x16xi32>,
    %get3A_982 = arith.constant 3 : i32
    %get3A_983 = arith.index_cast %get3A_982 : i32 to index
    %get3A_984 = arith.constant 96 : index
    %get3A_985 = tpu.vector_load %arg6[%get3A_983, %get3A_984] {strides = array<i32>} : memref<4x128xi32, #tpu.memory_space<vmem>>, vector<1x16xi32>,
    %get3A_986 = vector.shape_cast %get3A_985 : vector<1x16xi32> to vector<16xi32>
    %swap3A_987 = arith.constant 1 : i32
    %swap3A_988 = arith.index_cast %swap3A_987 : i32 to index
    %swap3A_989 = arith.constant 96 : index
    %swap3A_990 = tpu.vector_load %arg10[%swap3A_988, %swap3A_989] {strides = array<i32>} : memref<2x128xi32, #tpu.memory_space<vmem>>, vector<1x16xi32>,
    %swap3A_991 = vector.shape_cast %swap3A_990 : vector<1x16xi32> to vector<16xi32>
    %swap3A_992 = vector.shape_cast %get3A_986 : vector<16xi32> to vector<1x16xi32>
    tpu.vector_store %arg10[%swap3A_988, %swap3A_989], %swap3A_992 {strides = array<i32>} : memref<2x128xi32, #tpu.memory_space<vmem>>, vector<1x16xi32>,
    %get3A_993 = arith.constant 2 : i32
    %get3A_994 = arith.index_cast %get3A_993 : i32 to index
    %get3A_995 = arith.constant 112 : index
    %get3A_996 = tpu.vector_load %arg6[%get3A_994, %get3A_995] {strides = array<i32>} : memref<4x128xi32, #tpu.memory_space<vmem>>, vector<1x16xi32>,
    %get3A_997 = vector.shape_cast %get3A_996 : vector<1x16xi32> to vector<16xi32>
    %mul3A_998 = arith.constant 2 : i32
    %mul3A_999 = vector.broadcast %mul3A_998 : i32 to vector<16xi32>
    %mul3A_1000 = arith.muli %get3A_997, %mul3A_999 : vector<16xi32>
    %add3A_1001 = vector.broadcast %arg0 : i32 to vector<16xi32>
    %add3A_1002 = arith.addi %mul3A_1000, %add3A_1001 : vector<16xi32>
    %swap3A_1003 = arith.constant 1 : i32
    %swap3A_1004 = arith.index_cast %swap3A_1003 : i32 to index
    %swap3A_1005 = arith.constant 112 : index
    %swap3A_1006 = tpu.vector_load %arg8[%swap3A_1004, %swap3A_1005] {strides = array<i32>} : memref<2x128xi32, #tpu.memory_space<vmem>>, vector<1x16xi32>,
    %swap3A_1007 = vector.shape_cast %swap3A_1006 : vector<1x16xi32> to vector<16xi32>
    %swap3A_1008 = vector.shape_cast %add3A_1002 : vector<16xi32> to vector<1x16xi32>
    tpu.vector_store %arg8[%swap3A_1004, %swap3A_1005], %swap3A_1008 {strides = array<i32>} : memref<2x128xi32, #tpu.memory_space<vmem>>, vector<1x16xi32>,
    %get3A_1009 = arith.constant 3 : i32
    %get3A_1010 = arith.index_cast %get3A_1009 : i32 to index
    %get3A_1011 = arith.constant 112 : index
    %get3A_1012 = tpu.vector_load %arg6[%get3A_1010, %get3A_1011] {strides = array<i32>} : memref<4x128xi32, #tpu.memory_space<vmem>>, vector<1x16xi32>,
    %get3A_1013 = vector.shape_cast %get3A_1012 : vector<1x16xi32> to vector<16xi32>
    %swap3A_1014 = arith.constant 1 : i32
    %swap3A_1015 = arith.index_cast %swap3A_1014 : i32 to index
    %swap3A_1016 = arith.constant 112 : index
    %swap3A_1017 = tpu.vector_load %arg10[%swap3A_1015, %swap3A_1016] {strides = array<i32>} : memref<2x128xi32, #tpu.memory_space<vmem>>, vector<1x16xi32>,
    %swap3A_1018 = vector.shape_cast %swap3A_1017 : vector<1x16xi32> to vector<16xi32>
    %swap3A_1019 = vector.shape_cast %get3A_1013 : vector<16xi32> to vector<1x16xi32>
    tpu.vector_store %arg10[%swap3A_1015, %swap3A_1016], %swap3A_1019 {strides = array<i32>} : memref<2x128xi32, #tpu.memory_space<vmem>>, vector<1x16xi32>,
    %dma_start3A_1020 = arith.constant 0 : i32
    %dma_start3A_1021 = arith.constant 0 : i32
    %dma_start3A_1022 = arith.constant 0 : i32
    %dma_start3A_1023 = arith.constant 0 : i32
    %dma_start3A_1024 = tpu.memref_slice %arg12[%dma_start3A_1021, %dma_start3A_1022, %dma_start3A_1023] : memref<2x128x64xbf16, #tpu.memory_space<vmem>> -> memref<1x128x64xbf16, #tpu.memory_space<vmem>>
    %dma_start3A_1025 = tpu.memref_squeeze %dma_start3A_1024 : memref<1x128x64xbf16, #tpu.memory_space<vmem>> -> memref<128x64xbf16, #tpu.memory_space<vmem>>
    %dma_start3A_1026 = arith.constant 0 : i32
    %dma_start3A_1027 = tpu.memref_slice %arg8[%dma_start3A_1020, %dma_start3A_1026] : memref<2x128xi32, #tpu.memory_space<vmem>> -> memref<1x128xi32, #tpu.memory_space<vmem>>
    %dma_start3A_1028 = tpu.memref_squeeze %dma_start3A_1027 : memref<1x128xi32, #tpu.memory_space<vmem>> -> memref<128xi32, #tpu.memory_space<vmem>>
    %dma_start3A_1029 = arith.constant 0 : i32
    %dma_start3A_1030 = arith.constant 0 : i32
    %dma_start3A_1031 = tpu.memref_slice %arg2[%dma_start3A_1029, %dma_start3A_1030] : memref<100352x64xbf16, #tpu.memory_space<hbm>> -> memref<100352x64xbf16, #tpu.memory_space<hbm>>
    tpu.enqueue_indirect_dma source(%dma_start3A_1031 : memref<100352x64xbf16, #tpu.memory_space<hbm>>) target(%dma_start3A_1025 : memref<128x64xbf16, #tpu.memory_space<vmem>>) offsets(%dma_start3A_1028 : memref<128xi32, #tpu.memory_space<vmem>>) semaphore(%arg18 : memref<!tpu.dma_semaphore, #tpu.memory_space<semaphore_mem>>)
    %dma_start3A_1032 = arith.constant 1 : i32
    %dma_start3A_1033 = arith.constant 1 : i32
    %dma_start3A_1034 = arith.constant 0 : i32
    %dma_start3A_1035 = arith.constant 0 : i32
    %dma_start3A_1036 = tpu.memref_slice %arg12[%dma_start3A_1033, %dma_start3A_1034, %dma_start3A_1035] : memref<2x128x64xbf16, #tpu.memory_space<vmem>> -> memref<1x128x64xbf16, #tpu.memory_space<vmem>>
    %dma_start3A_1037 = tpu.memref_squeeze %dma_start3A_1036 : memref<1x128x64xbf16, #tpu.memory_space<vmem>> -> memref<128x64xbf16, #tpu.memory_space<vmem>>
    %dma_start3A_1038 = arith.constant 0 : i32
    %dma_start3A_1039 = tpu.memref_slice %arg8[%dma_start3A_1032, %dma_start3A_1038] : memref<2x128xi32, #tpu.memory_space<vmem>> -> memref<1x128xi32, #tpu.memory_space<vmem>>
    %dma_start3A_1040 = tpu.memref_squeeze %dma_start3A_1039 : memref<1x128xi32, #tpu.memory_space<vmem>> -> memref<128xi32, #tpu.memory_space<vmem>>
    %dma_start3A_1041 = arith.constant 0 : i32
    %dma_start3A_1042 = arith.constant 0 : i32
    %dma_start3A_1043 = tpu.memref_slice %arg2[%dma_start3A_1041, %dma_start3A_1042] : memref<100352x64xbf16, #tpu.memory_space<hbm>> -> memref<100352x64xbf16, #tpu.memory_space<hbm>>
    tpu.enqueue_indirect_dma source(%dma_start3A_1043 : memref<100352x64xbf16, #tpu.memory_space<hbm>>) target(%dma_start3A_1037 : memref<128x64xbf16, #tpu.memory_space<vmem>>) offsets(%dma_start3A_1040 : memref<128xi32, #tpu.memory_space<vmem>>) semaphore(%arg18 : memref<!tpu.dma_semaphore, #tpu.memory_space<semaphore_mem>>)
    %dma_wait3A_1044 = arith.constant 0 : i32
    %dma_wait3A_1045 = arith.constant 0 : i32
    %dma_wait3A_1046 = arith.constant 0 : i32
    %dma_wait3A_1047 = arith.constant 0 : i32
    %dma_wait3A_1048 = tpu.memref_slice %arg11[%dma_wait3A_1045, %dma_wait3A_1046, %dma_wait3A_1047] : memref<2x128x64xbf16, #tpu.memory_space<vmem>> -> memref<1x128x64xbf16, #tpu.memory_space<vmem>>
    %dma_wait3A_1049 = tpu.memref_squeeze %dma_wait3A_1048 : memref<1x128x64xbf16, #tpu.memory_space<vmem>> -> memref<128x64xbf16, #tpu.memory_space<vmem>>
    %dma_wait3A_1050 = arith.constant 0 : i32
    %dma_wait3A_1051 = tpu.memref_slice %arg7[%dma_wait3A_1044, %dma_wait3A_1050] : memref<2x128xi32, #tpu.memory_space<vmem>> -> memref<1x128xi32, #tpu.memory_space<vmem>>
    %dma_wait3A_1052 = tpu.memref_squeeze %dma_wait3A_1051 : memref<1x128xi32, #tpu.memory_space<vmem>> -> memref<128xi32, #tpu.memory_space<vmem>>
    %dma_wait3A_1053 = arith.constant 0 : i32
    %dma_wait3A_1054 = arith.constant 0 : i32
    %dma_wait3A_1055 = tpu.memref_slice %arg2[%dma_wait3A_1053, %dma_wait3A_1054] : memref<100352x64xbf16, #tpu.memory_space<hbm>> -> memref<100352x64xbf16, #tpu.memory_space<hbm>>
    tpu.wait_indirect_dma semaphore(%arg17 : memref<!tpu.dma_semaphore, #tpu.memory_space<semaphore_mem>>) src(%dma_wait3A_1055 : memref<100352x64xbf16, #tpu.memory_space<hbm>>) dst(%dma_wait3A_1049 : memref<128x64xbf16, #tpu.memory_space<vmem>>)
    %dma_wait3A_1056 = arith.constant 1 : i32
    %dma_wait3A_1057 = arith.constant 1 : i32
    %dma_wait3A_1058 = arith.constant 0 : i32
    %dma_wait3A_1059 = arith.constant 0 : i32
    %dma_wait3A_1060 = tpu.memref_slice %arg11[%dma_wait3A_1057, %dma_wait3A_1058, %dma_wait3A_1059] : memref<2x128x64xbf16, #tpu.memory_space<vmem>> -> memref<1x128x64xbf16, #tpu.memory_space<vmem>>
    %dma_wait3A_1061 = tpu.memref_squeeze %dma_wait3A_1060 : memref<1x128x64xbf16, #tpu.memory_space<vmem>> -> memref<128x64xbf16, #tpu.memory_space<vmem>>
    %dma_wait3A_1062 = arith.constant 0 : i32
    %dma_wait3A_1063 = tpu.memref_slice %arg7[%dma_wait3A_1056, %dma_wait3A_1062] : memref<2x128xi32, #tpu.memory_space<vmem>> -> memref<1x128xi32, #tpu.memory_space<vmem>>
    %dma_wait3A_1064 = tpu.memref_squeeze %dma_wait3A_1063 : memref<1x128xi32, #tpu.memory_space<vmem>> -> memref<128xi32, #tpu.memory_space<vmem>>
    %dma_wait3A_1065 = arith.constant 0 : i32
    %dma_wait3A_1066 = arith.constant 0 : i32
    %dma_wait3A_1067 = tpu.memref_slice %arg2[%dma_wait3A_1065, %dma_wait3A_1066] : memref<100352x64xbf16, #tpu.memory_space<hbm>> -> memref<100352x64xbf16, #tpu.memory_space<hbm>>
    tpu.wait_indirect_dma semaphore(%arg17 : memref<!tpu.dma_semaphore, #tpu.memory_space<semaphore_mem>>) src(%dma_wait3A_1067 : memref<100352x64xbf16, #tpu.memory_space<hbm>>) dst(%dma_wait3A_1061 : memref<128x64xbf16, #tpu.memory_space<vmem>>)
    %dma_start3A_1068 = arith.constant 0 : i32
    %dma_start3A_1069 = arith.constant 0 : i32
    %dma_start3A_1070 = arith.constant 0 : i32
    %dma_start3A_1071 = arith.constant 0 : i32
    %dma_start3A_1072 = tpu.memref_slice %arg11[%dma_start3A_1068, %dma_start3A_1070, %dma_start3A_1071] : memref<2x128x64xbf16, #tpu.memory_space<vmem>> -> memref<1x128x64xbf16, #tpu.memory_space<vmem>>
    %dma_start3A_1073 = tpu.memref_squeeze %dma_start3A_1072 : memref<1x128x64xbf16, #tpu.memory_space<vmem>> -> memref<128x64xbf16, #tpu.memory_space<vmem>>
    %dma_start3A_1074 = arith.constant 0 : i32
    %dma_start3A_1075 = tpu.memref_slice %arg9[%dma_start3A_1069, %dma_start3A_1074] : memref<2x128xi32, #tpu.memory_space<vmem>> -> memref<1x128xi32, #tpu.memory_space<vmem>>
    %dma_start3A_1076 = tpu.memref_squeeze %dma_start3A_1075 : memref<1x128xi32, #tpu.memory_space<vmem>> -> memref<128xi32, #tpu.memory_space<vmem>>
    %dma_start3A_1077 = arith.constant 0 : i32
    %dma_start3A_1078 = arith.constant 0 : i32
    %dma_start3A_1079 = tpu.memref_slice %arg14[%dma_start3A_1077, %dma_start3A_1078] : memref<50176x64xbf16, #tpu.memory_space<vmem_shared>> -> memref<50176x64xbf16, #tpu.memory_space<vmem_shared>>
    tpu.enqueue_indirect_dma source(%dma_start3A_1073 : memref<128x64xbf16, #tpu.memory_space<vmem>>) target(%dma_start3A_1079 : memref<50176x64xbf16, #tpu.memory_space<vmem_shared>>) offsets(%dma_start3A_1076 : memref<128xi32, #tpu.memory_space<vmem>>) semaphore(%arg19 : memref<!tpu.dma_semaphore, #tpu.memory_space<semaphore_mem>>) {add = true}
    %dma_start3A_1080 = arith.constant 1 : i32
    %dma_start3A_1081 = arith.constant 1 : i32
    %dma_start3A_1082 = arith.constant 0 : i32
    %dma_start3A_1083 = arith.constant 0 : i32
    %dma_start3A_1084 = tpu.memref_slice %arg11[%dma_start3A_1080, %dma_start3A_1082, %dma_start3A_1083] : memref<2x128x64xbf16, #tpu.memory_space<vmem>> -> memref<1x128x64xbf16, #tpu.memory_space<vmem>>
    %dma_start3A_1085 = tpu.memref_squeeze %dma_start3A_1084 : memref<1x128x64xbf16, #tpu.memory_space<vmem>> -> memref<128x64xbf16, #tpu.memory_space<vmem>>
    %dma_start3A_1086 = arith.constant 0 : i32
    %dma_start3A_1087 = tpu.memref_slice %arg9[%dma_start3A_1081, %dma_start3A_1086] : memref<2x128xi32, #tpu.memory_space<vmem>> -> memref<1x128xi32, #tpu.memory_space<vmem>>
    %dma_start3A_1088 = tpu.memref_squeeze %dma_start3A_1087 : memref<1x128xi32, #tpu.memory_space<vmem>> -> memref<128xi32, #tpu.memory_space<vmem>>
    %dma_start3A_1089 = arith.constant 0 : i32
    %dma_start3A_1090 = arith.constant 0 : i32
    %dma_start3A_1091 = tpu.memref_slice %arg14[%dma_start3A_1089, %dma_start3A_1090] : memref<50176x64xbf16, #tpu.memory_space<vmem_shared>> -> memref<50176x64xbf16, #tpu.memory_space<vmem_shared>>
    tpu.enqueue_indirect_dma source(%dma_start3A_1085 : memref<128x64xbf16, #tpu.memory_space<vmem>>) target(%dma_start3A_1091 : memref<50176x64xbf16, #tpu.memory_space<vmem_shared>>) offsets(%dma_start3A_1088 : memref<128xi32, #tpu.memory_space<vmem>>) semaphore(%arg19 : memref<!tpu.dma_semaphore, #tpu.memory_space<semaphore_mem>>) {add = true}
    %dma_wait3A_1092 = arith.constant 0 : i32
    %dma_wait3A_1093 = arith.constant 0 : i32
    %dma_wait3A_1094 = arith.constant 0 : i32
    %dma_wait3A_1095 = arith.constant 0 : i32
    %dma_wait3A_1096 = tpu.memref_slice %arg11[%dma_wait3A_1092, %dma_wait3A_1094, %dma_wait3A_1095] : memref<2x128x64xbf16, #tpu.memory_space<vmem>> -> memref<1x128x64xbf16, #tpu.memory_space<vmem>>
    %dma_wait3A_1097 = tpu.memref_squeeze %dma_wait3A_1096 : memref<1x128x64xbf16, #tpu.memory_space<vmem>> -> memref<128x64xbf16, #tpu.memory_space<vmem>>
    %dma_wait3A_1098 = arith.constant 0 : i32
    %dma_wait3A_1099 = tpu.memref_slice %arg9[%dma_wait3A_1093, %dma_wait3A_1098] : memref<2x128xi32, #tpu.memory_space<vmem>> -> memref<1x128xi32, #tpu.memory_space<vmem>>
    %dma_wait3A_1100 = tpu.memref_squeeze %dma_wait3A_1099 : memref<1x128xi32, #tpu.memory_space<vmem>> -> memref<128xi32, #tpu.memory_space<vmem>>
    %dma_wait3A_1101 = arith.constant 0 : i32
    %dma_wait3A_1102 = arith.constant 0 : i32
    %dma_wait3A_1103 = tpu.memref_slice %arg14[%dma_wait3A_1101, %dma_wait3A_1102] : memref<50176x64xbf16, #tpu.memory_space<vmem_shared>> -> memref<50176x64xbf16, #tpu.memory_space<vmem_shared>>
    tpu.wait_indirect_dma semaphore(%arg19 : memref<!tpu.dma_semaphore, #tpu.memory_space<semaphore_mem>>) src(%dma_wait3A_1097 : memref<128x64xbf16, #tpu.memory_space<vmem>>) dst(%dma_wait3A_1103 : memref<50176x64xbf16, #tpu.memory_space<vmem_shared>>)
    %dma_wait3A_1104 = arith.constant 1 : i32
    %dma_wait3A_1105 = arith.constant 1 : i32
    %dma_wait3A_1106 = arith.constant 0 : i32
    %dma_wait3A_1107 = arith.constant 0 : i32
    %dma_wait3A_1108 = tpu.memref_slice %arg11[%dma_wait3A_1104, %dma_wait3A_1106, %dma_wait3A_1107] : memref<2x128x64xbf16, #tpu.memory_space<vmem>> -> memref<1x128x64xbf16, #tpu.memory_space<vmem>>
    %dma_wait3A_1109 = tpu.memref_squeeze %dma_wait3A_1108 : memref<1x128x64xbf16, #tpu.memory_space<vmem>> -> memref<128x64xbf16, #tpu.memory_space<vmem>>
    %dma_wait3A_1110 = arith.constant 0 : i32
    %dma_wait3A_1111 = tpu.memref_slice %arg9[%dma_wait3A_1105, %dma_wait3A_1110] : memref<2x128xi32, #tpu.memory_space<vmem>> -> memref<1x128xi32, #tpu.memory_space<vmem>>
    %dma_wait3A_1112 = tpu.memref_squeeze %dma_wait3A_1111 : memref<1x128xi32, #tpu.memory_space<vmem>> -> memref<128xi32, #tpu.memory_space<vmem>>
    %dma_wait3A_1113 = arith.constant 0 : i32
    %dma_wait3A_1114 = arith.constant 0 : i32
    %dma_wait3A_1115 = tpu.memref_slice %arg14[%dma_wait3A_1113, %dma_wait3A_1114] : memref<50176x64xbf16, #tpu.memory_space<vmem_shared>> -> memref<50176x64xbf16, #tpu.memory_space<vmem_shared>>
    tpu.wait_indirect_dma semaphore(%arg19 : memref<!tpu.dma_semaphore, #tpu.memory_space<semaphore_mem>>) src(%dma_wait3A_1109 : memref<128x64xbf16, #tpu.memory_space<vmem>>) dst(%dma_wait3A_1115 : memref<50176x64xbf16, #tpu.memory_space<vmem_shared>>)
    %dma_wait3A_1116 = arith.constant 0 : i32
    %dma_wait3A_1117 = arith.constant 0 : i32
    %dma_wait3A_1118 = arith.constant 0 : i32
    %dma_wait3A_1119 = arith.constant 0 : i32
    %dma_wait3A_1120 = tpu.memref_slice %arg12[%dma_wait3A_1117, %dma_wait3A_1118, %dma_wait3A_1119] : memref<2x128x64xbf16, #tpu.memory_space<vmem>> -> memref<1x128x64xbf16, #tpu.memory_space<vmem>>
    %dma_wait3A_1121 = tpu.memref_squeeze %dma_wait3A_1120 : memref<1x128x64xbf16, #tpu.memory_space<vmem>> -> memref<128x64xbf16, #tpu.memory_space<vmem>>
    %dma_wait3A_1122 = arith.constant 0 : i32
    %dma_wait3A_1123 = tpu.memref_slice %arg8[%dma_wait3A_1116, %dma_wait3A_1122] : memref<2x128xi32, #tpu.memory_space<vmem>> -> memref<1x128xi32, #tpu.memory_space<vmem>>
    %dma_wait3A_1124 = tpu.memref_squeeze %dma_wait3A_1123 : memref<1x128xi32, #tpu.memory_space<vmem>> -> memref<128xi32, #tpu.memory_space<vmem>>
    %dma_wait3A_1125 = arith.constant 0 : i32
    %dma_wait3A_1126 = arith.constant 0 : i32
    %dma_wait3A_1127 = tpu.memref_slice %arg2[%dma_wait3A_1125, %dma_wait3A_1126] : memref<100352x64xbf16, #tpu.memory_space<hbm>> -> memref<100352x64xbf16, #tpu.memory_space<hbm>>
    tpu.wait_indirect_dma semaphore(%arg18 : memref<!tpu.dma_semaphore, #tpu.memory_space<semaphore_mem>>) src(%dma_wait3A_1127 : memref<100352x64xbf16, #tpu.memory_space<hbm>>) dst(%dma_wait3A_1121 : memref<128x64xbf16, #tpu.memory_space<vmem>>)
    %dma_wait3A_1128 = arith.constant 1 : i32
    %dma_wait3A_1129 = arith.constant 1 : i32
    %dma_wait3A_1130 = arith.constant 0 : i32
    %dma_wait3A_1131 = arith.constant 0 : i32
    %dma_wait3A_1132 = tpu.memref_slice %arg12[%dma_wait3A_1129, %dma_wait3A_1130, %dma_wait3A_1131] : memref<2x128x64xbf16, #tpu.memory_space<vmem>> -> memref<1x128x64xbf16, #tpu.memory_space<vmem>>
    %dma_wait3A_1133 = tpu.memref_squeeze %dma_wait3A_1132 : memref<1x128x64xbf16, #tpu.memory_space<vmem>> -> memref<128x64xbf16, #tpu.memory_space<vmem>>
    %dma_wait3A_1134 = arith.constant 0 : i32
    %dma_wait3A_1135 = tpu.memref_slice %arg8[%dma_wait3A_1128, %dma_wait3A_1134] : memref<2x128xi32, #tpu.memory_space<vmem>> -> memref<1x128xi32, #tpu.memory_space<vmem>>
    %dma_wait3A_1136 = tpu.memref_squeeze %dma_wait3A_1135 : memref<1x128xi32, #tpu.memory_space<vmem>> -> memref<128xi32, #tpu.memory_space<vmem>>
    %dma_wait3A_1137 = arith.constant 0 : i32
    %dma_wait3A_1138 = arith.constant 0 : i32
    %dma_wait3A_1139 = tpu.memref_slice %arg2[%dma_wait3A_1137, %dma_wait3A_1138] : memref<100352x64xbf16, #tpu.memory_space<hbm>> -> memref<100352x64xbf16, #tpu.memory_space<hbm>>
    tpu.wait_indirect_dma semaphore(%arg18 : memref<!tpu.dma_semaphore, #tpu.memory_space<semaphore_mem>>) src(%dma_wait3A_1139 : memref<100352x64xbf16, #tpu.memory_space<hbm>>) dst(%dma_wait3A_1133 : memref<128x64xbf16, #tpu.memory_space<vmem>>)
    %dma_start3A_1140 = arith.constant 0 : i32
    %dma_start3A_1141 = arith.constant 0 : i32
    %dma_start3A_1142 = arith.constant 0 : i32
    %dma_start3A_1143 = arith.constant 0 : i32
    %dma_start3A_1144 = tpu.memref_slice %arg12[%dma_start3A_1140, %dma_start3A_1142, %dma_start3A_1143] : memref<2x128x64xbf16, #tpu.memory_space<vmem>> -> memref<1x128x64xbf16, #tpu.memory_space<vmem>>
    %dma_start3A_1145 = tpu.memref_squeeze %dma_start3A_1144 : memref<1x128x64xbf16, #tpu.memory_space<vmem>> -> memref<128x64xbf16, #tpu.memory_space<vmem>>
    %dma_start3A_1146 = arith.constant 0 : i32
    %dma_start3A_1147 = tpu.memref_slice %arg10[%dma_start3A_1141, %dma_start3A_1146] : memref<2x128xi32, #tpu.memory_space<vmem>> -> memref<1x128xi32, #tpu.memory_space<vmem>>
    %dma_start3A_1148 = tpu.memref_squeeze %dma_start3A_1147 : memref<1x128xi32, #tpu.memory_space<vmem>> -> memref<128xi32, #tpu.memory_space<vmem>>
    %dma_start3A_1149 = arith.constant 0 : i32
    %dma_start3A_1150 = arith.constant 0 : i32
    %dma_start3A_1151 = tpu.memref_slice %arg14[%dma_start3A_1149, %dma_start3A_1150] : memref<50176x64xbf16, #tpu.memory_space<vmem_shared>> -> memref<50176x64xbf16, #tpu.memory_space<vmem_shared>>
    tpu.enqueue_indirect_dma source(%dma_start3A_1145 : memref<128x64xbf16, #tpu.memory_space<vmem>>) target(%dma_start3A_1151 : memref<50176x64xbf16, #tpu.memory_space<vmem_shared>>) offsets(%dma_start3A_1148 : memref<128xi32, #tpu.memory_space<vmem>>) semaphore(%arg20 : memref<!tpu.dma_semaphore, #tpu.memory_space<semaphore_mem>>) {add = true}
    %dma_start3A_1152 = arith.constant 1 : i32
    %dma_start3A_1153 = arith.constant 1 : i32
    %dma_start3A_1154 = arith.constant 0 : i32
    %dma_start3A_1155 = arith.constant 0 : i32
    %dma_start3A_1156 = tpu.memref_slice %arg12[%dma_start3A_1152, %dma_start3A_1154, %dma_start3A_1155] : memref<2x128x64xbf16, #tpu.memory_space<vmem>> -> memref<1x128x64xbf16, #tpu.memory_space<vmem>>
    %dma_start3A_1157 = tpu.memref_squeeze %dma_start3A_1156 : memref<1x128x64xbf16, #tpu.memory_space<vmem>> -> memref<128x64xbf16, #tpu.memory_space<vmem>>
    %dma_start3A_1158 = arith.constant 0 : i32
    %dma_start3A_1159 = tpu.memref_slice %arg10[%dma_start3A_1153, %dma_start3A_1158] : memref<2x128xi32, #tpu.memory_space<vmem>> -> memref<1x128xi32, #tpu.memory_space<vmem>>
    %dma_start3A_1160 = tpu.memref_squeeze %dma_start3A_1159 : memref<1x128xi32, #tpu.memory_space<vmem>> -> memref<128xi32, #tpu.memory_space<vmem>>
    %dma_start3A_1161 = arith.constant 0 : i32
    %dma_start3A_1162 = arith.constant 0 : i32
    %dma_start3A_1163 = tpu.memref_slice %arg14[%dma_start3A_1161, %dma_start3A_1162] : memref<50176x64xbf16, #tpu.memory_space<vmem_shared>> -> memref<50176x64xbf16, #tpu.memory_space<vmem_shared>>
    tpu.enqueue_indirect_dma source(%dma_start3A_1157 : memref<128x64xbf16, #tpu.memory_space<vmem>>) target(%dma_start3A_1163 : memref<50176x64xbf16, #tpu.memory_space<vmem_shared>>) offsets(%dma_start3A_1160 : memref<128xi32, #tpu.memory_space<vmem>>) semaphore(%arg20 : memref<!tpu.dma_semaphore, #tpu.memory_space<semaphore_mem>>) {add = true}
    %dma_wait3A_1164 = arith.constant 0 : i32
    %dma_wait3A_1165 = arith.constant 0 : i32
    %dma_wait3A_1166 = arith.constant 0 : i32
    %dma_wait3A_1167 = arith.constant 0 : i32
    %dma_wait3A_1168 = tpu.memref_slice %arg12[%dma_wait3A_1164, %dma_wait3A_1166, %dma_wait3A_1167] : memref<2x128x64xbf16, #tpu.memory_space<vmem>> -> memref<1x128x64xbf16, #tpu.memory_space<vmem>>
    %dma_wait3A_1169 = tpu.memref_squeeze %dma_wait3A_1168 : memref<1x128x64xbf16, #tpu.memory_space<vmem>> -> memref<128x64xbf16, #tpu.memory_space<vmem>>
    %dma_wait3A_1170 = arith.constant 0 : i32
    %dma_wait3A_1171 = tpu.memref_slice %arg10[%dma_wait3A_1165, %dma_wait3A_1170] : memref<2x128xi32, #tpu.memory_space<vmem>> -> memref<1x128xi32, #tpu.memory_space<vmem>>
    %dma_wait3A_1172 = tpu.memref_squeeze %dma_wait3A_1171 : memref<1x128xi32, #tpu.memory_space<vmem>> -> memref<128xi32, #tpu.memory_space<vmem>>
    %dma_wait3A_1173 = arith.constant 0 : i32
    %dma_wait3A_1174 = arith.constant 0 : i32
    %dma_wait3A_1175 = tpu.memref_slice %arg14[%dma_wait3A_1173, %dma_wait3A_1174] : memref<50176x64xbf16, #tpu.memory_space<vmem_shared>> -> memref<50176x64xbf16, #tpu.memory_space<vmem_shared>>
    tpu.wait_indirect_dma semaphore(%arg20 : memref<!tpu.dma_semaphore, #tpu.memory_space<semaphore_mem>>) src(%dma_wait3A_1169 : memref<128x64xbf16, #tpu.memory_space<vmem>>) dst(%dma_wait3A_1175 : memref<50176x64xbf16, #tpu.memory_space<vmem_shared>>)
    %dma_wait3A_1176 = arith.constant 1 : i32
    %dma_wait3A_1177 = arith.constant 1 : i32
    %dma_wait3A_1178 = arith.constant 0 : i32
    %dma_wait3A_1179 = arith.constant 0 : i32
    %dma_wait3A_1180 = tpu.memref_slice %arg12[%dma_wait3A_1176, %dma_wait3A_1178, %dma_wait3A_1179] : memref<2x128x64xbf16, #tpu.memory_space<vmem>> -> memref<1x128x64xbf16, #tpu.memory_space<vmem>>
    %dma_wait3A_1181 = tpu.memref_squeeze %dma_wait3A_1180 : memref<1x128x64xbf16, #tpu.memory_space<vmem>> -> memref<128x64xbf16, #tpu.memory_space<vmem>>
    %dma_wait3A_1182 = arith.constant 0 : i32
    %dma_wait3A_1183 = tpu.memref_slice %arg10[%dma_wait3A_1177, %dma_wait3A_1182] : memref<2x128xi32, #tpu.memory_space<vmem>> -> memref<1x128xi32, #tpu.memory_space<vmem>>
    %dma_wait3A_1184 = tpu.memref_squeeze %dma_wait3A_1183 : memref<1x128xi32, #tpu.memory_space<vmem>> -> memref<128xi32, #tpu.memory_space<vmem>>
    %dma_wait3A_1185 = arith.constant 0 : i32
    %dma_wait3A_1186 = arith.constant 0 : i32
    %dma_wait3A_1187 = tpu.memref_slice %arg14[%dma_wait3A_1185, %dma_wait3A_1186] : memref<50176x64xbf16, #tpu.memory_space<vmem_shared>> -> memref<50176x64xbf16, #tpu.memory_space<vmem_shared>>
    tpu.wait_indirect_dma semaphore(%arg20 : memref<!tpu.dma_semaphore, #tpu.memory_space<semaphore_mem>>) src(%dma_wait3A_1181 : memref<128x64xbf16, #tpu.memory_space<vmem>>) dst(%dma_wait3A_1187 : memref<50176x64xbf16, #tpu.memory_space<vmem_shared>>)
    %barrier3A_1188 = arith.constant 0 : index
    tpu.barrier barrier_id(%barrier3A_1188)
    %mul3A_1189 = arith.constant 64 : i32
    %mul3A_1190 = arith.muli %arg0, %mul3A_1189 : i32
    "tpu.region"() ({
      %run_scoped3A = tpu.sem_alloc : memref<!tpu.dma_semaphore, #tpu.memory_space<semaphore_mem>>
      %dma_start3A_1192 = tpu.memref_slice %arg4[%mul3A_6, %mul3A_1190] : memref<50176x128xbf16, #tpu.memory_space<hbm>> -> memref<3136x64xbf16, #tpu.memory_space<hbm>>
      %dma_start3A_1193 = arith.constant 0 : i32
      %dma_start3A_1194 = tpu.memref_slice %arg14[%mul3A_6, %dma_start3A_1193] : memref<50176x64xbf16, #tpu.memory_space<vmem_shared>> -> memref<3136x64xbf16, #tpu.memory_space<vmem_shared>>
      tpu.enqueue_dma source(%dma_start3A_1194 : memref<3136x64xbf16, #tpu.memory_space<vmem_shared>>) target(%dma_start3A_1192 : memref<3136x64xbf16, #tpu.memory_space<hbm>>) target_semaphore(%run_scoped3A : memref<!tpu.dma_semaphore, #tpu.memory_space<semaphore_mem>>)
      %dma_wait3A_1195 = tpu.memref_slice %arg4[%mul3A_6, %mul3A_1190] : memref<50176x128xbf16, #tpu.memory_space<hbm>> -> memref<3136x64xbf16, #tpu.memory_space<hbm>>
      %dma_wait3A_1196 = arith.constant 0 : i32
      %dma_wait3A_1197 = tpu.memref_slice %arg14[%mul3A_6, %dma_wait3A_1196] : memref<50176x64xbf16, #tpu.memory_space<vmem_shared>> -> memref<3136x64xbf16, #tpu.memory_space<vmem_shared>>
      tpu.wait_dma2 semaphore(%run_scoped3A : memref<!tpu.dma_semaphore, #tpu.memory_space<semaphore_mem>>) src(%dma_wait3A_1197 : memref<3136x64xbf16, #tpu.memory_space<vmem_shared>>) dst(%dma_wait3A_1195 : memref<3136x64xbf16, #tpu.memory_space<hbm>>)
      tpu.yield
    }) : () -> ()
    %barrier3A_1191 = arith.constant 0 : index
    tpu.barrier barrier_id(%barrier3A_1191)
    return
  }
}

</mosaic_0001>

<sc_bundles>
// kernel: _segsum.3.cloned.1.call-start
scs
__scs_entry_jumppad:
0x0: {  	(pc) =	sbr.rel $0x88, $3  }
0x1: {  	(tag) =	ssettag $0x0;
	lr =	simm.s32 $0x1  }
0x2: {  	[smem:$0x3F9F] =	sst lr;
	_ =	strace $0xD0000000  }
0x3: {  	_ = 	snop  }
0x4: {  	_ = 	snop  }
0x5: {  	_ = 	snop  }
0x6: {  	_ = 	snop  }
0x7: {  	_ = 	snop  }
__scs_overlays_trampoline_lowered:
0x8: {  	[smem:$0x3FAE] =	sst s0  }
0x9: {  	[smem:$0x3FAF] =	sst s1  }
0xa: {  	[smem:$0x3FB0] =	sst s2  }
0xb: {  	[smem:$0x3FB1] =	sst s3  }
0xc: {  	[smem:$0x3FB2] =	sst s4  }
0xd: {  	[smem:$0x3FB3] =	sst s5  }
0xe: {  	[smem:$0x3FB4] =	sst s6  }
0xf: {  	[smem:$0x3FB5] =	sst s7  }
0x10: {  	[smem:$0x3FB6] =	sst s8  }
0x11: {  	[smem:$0x3FB7] =	sst s9;
	s0 =	simm.s32 @!p0 $0x0  }
0x12: {  	s1 =	sld [smem:$0x3F9D];
	s0 =	simm.s32 @p0 $0x1  }
0x13: {  	[smem:$0x3FB8] =	sst s0;
	s0 =	simm.s32 @!p1 $0x0  }
0x14: {  	s2 =	sld [smem:$0x3F9C];
	s0 =	simm.s32 @p1 $0x1  }
0x15: {  	[smem:$0x3FB9] =	sst s0;
	s0 =	simm.s32 @!p2 $0x0  }
0x16: {  	s3 =	sld [smem:$0x3FDB];
	s0 =	simm.s32 @p2 $0x1  }
0x17: {  	s4 =	simm.s32 $0x1BF5;
	[smem:$0x3FBB] =	sst s0  }
0x18: {  	s0 =	sld [smem:$0x3F9E];
	_ =	swait.ge [sflag:s4], $0x0  }
0x19: {  	s7 =	sld [smem:$0x3F9F]  }
0x1a: {  	s8 =	sadd.s32 $0xFFFFE003, lr  }
0x1b: {  	s9 =	sadd.s32 $0xFFFFFEF7, lr;
	s5 =	simm.s32 $0xFFFFFFFF;
	p2 =	slt.u32 s8, $0xFFFFF086  }
0x1c: {  	p1 =	slt.u32 s9, $0xF7A;
	s5 =	simm.s32 @!p2 $0x0  }
0x1d: {  	s5 =	simm.s32 @p1 $0x1;
	p0 =	seq.s32 s7, s2  }
0x1e: {  	s7 =	smul.u32 @!p0 $0xF7A, s2;
	p2 =	seq.s32 @!p0 s5, $0x0  }
0x1f: {  	s9 =	smul.u32 $0xF7A, s1;
	s8 =	simm.s32 @!p0 $0x1BF5;
	p2 =	por !p2, p0  }
0x20: {  	[sflag:s8] =	ssyncset.s32 @!p0 $0xFFFFF086;
	s6 =	sadd.s32 @!p0 s3, s7;
	s7 =	simm.s32 @!p0 $0x108  }
0x21: {  	s3 =	sadd.s32 s3, s9;
	s6 =	sadd.s32 @!p0 $0x88, s6;
	s7 =	simm.s32 @p2 $0x1082  }
0x22: {  	[simem:s7], [sflag:s8] =	dma.local @!p0 [hbm:s6], $0xF7A  }
0x23: {  	s9 =	sor.u32 $0xD0000000, s2;
	s6 =	simm.s32 $0x108;
	_ =	swait.ge @!p0 [sflag:s8], $0x0  }
0x24: {  	s3 =	sadd.s32 $0x88, s3;
	s6 =	simm.s32 @!p1 $0x1082;
	[sflag:s4] =	ssyncset.s32 $0xFFFFF086  }
0x25: {  	[simem:s6], [sflag:s4] =	dma.local [hbm:s3], $0xF7A  }
0x26: {  	[smem:$0x3F9F] =	sst s1;
	(tag) =	ssettag s2;
	_ =	strace s9  }
0x27: {  	s1 =	sld [smem:$0x3FAF]  }
0x28: {  	s2 =	sld [smem:$0x3FB0]  }
0x29: {  	s4 =	sld [smem:$0x3FB2]  }
0x2a: {  	p0 =	seq.s32 s5, $0x0;
	s5 =	sld [smem:$0x3FB3]  }
0x2b: {  	s6 =	sld [smem:$0x3FB4]  }
0x2c: {  	s7 =	sld [smem:$0x3FB5]  }
0x2d: {  	s3 =	simm.s32 $0x108;
	s8 =	sld [smem:$0x3FB6]  }
0x2e: {  	s3 =	simm.s32 @!p0 $0x1082;
	s9 =	sld [smem:$0x3FB7]  }
0x2f: {  	lr =	sadd.s32 s0, s3;
	s0 =	sld [smem:$0x3FAE]  }
0x30: {  	s3 =	sld [smem:$0x3FB1]  }
0x31: {  	[smem:$0x3FBA] =	sst s10  }
0x32: {  	s10 =	sld [smem:$0x3FB8];
	_ =	sdelay $0x3  }
0x33: {  	p0 =	seq.s32 s10, $0x1;
	s10 =	sld [smem:$0x3FBA];
	_ =	sdelay $0x3  }
0x34: {  	[smem:$0x3FBA] =	sst s10  }
0x35: {  	s10 =	sld [smem:$0x3FB9];
	_ =	sdelay $0x3  }
0x36: {  	p1 =	seq.s32 s10, $0x1;
	s10 =	sld [smem:$0x3FBA];
	_ =	sdelay $0x3  }
0x37: {  	[smem:$0x3FBA] =	sst s10  }
0x38: {  	s10 =	sld [smem:$0x3FBB]  }
0x39: {  	_ = 	snop;
	(pc) =	sbr.ind lr, $3  }
0x3a: {  	_ = 	snop  }
0x3b: {  	_ = 	snop  }
0x3c: {  	p2 =	seq.s32 s10, $0x1;
	s10 =	sld [smem:$0x3FBA]  }
0x3d: {  	_ =	shalt  }
0x3e: {  	_ =	shalt  }
0x3f: {  	_ =	shalt  }
0x40: {  	_ =	shalt  }
0x41: {  	_ =	shalt  }
0x42: {  	_ =	shalt  }
0x43: {  	_ =	shalt  }
0x44: {  	_ =	shalt  }
0x45: {  	_ =	shalt  }
0x46: {  	_ =	shalt  }
0x47: {  	_ =	shalt  }
0x48: {  	_ =	shalt  }
0x49: {  	_ =	shalt  }
0x4a: {  	_ =	shalt  }
0x4b: {  	_ =	shalt  }
0x4c: {  	_ =	shalt  }
0x4d: {  	_ =	shalt  }
0x4e: {  	_ =	shalt  }
0x4f: {  	_ =	shalt  }
0x50: {  	_ =	shalt  }
0x51: {  	_ =	shalt  }
0x52: {  	_ =	shalt  }
0x53: {  	_ =	shalt  }
0x54: {  	_ =	shalt  }
0x55: {  	_ =	shalt  }
0x56: {  	_ =	shalt  }
0x57: {  	_ =	shalt  }
0x58: {  	_ =	shalt  }
0x59: {  	_ =	shalt  }
0x5a: {  	_ =	shalt  }
0x5b: {  	_ =	shalt  }
0x5c: {  	_ =	shalt  }
0x5d: {  	_ =	shalt  }
0x5e: {  	_ =	shalt  }
0x5f: {  	_ =	shalt  }
0x60: {  	_ =	shalt  }
0x61: {  	_ =	shalt  }
0x62: {  	_ =	shalt  }
0x63: {  	_ =	shalt  }
0x64: {  	_ =	shalt  }
0x65: {  	_ =	shalt  }
0x66: {  	_ =	shalt  }
0x67: {  	_ =	shalt  }
0x68: {  	_ =	shalt  }
0x69: {  	_ =	shalt  }
0x6a: {  	_ =	shalt  }
0x6b: {  	_ =	shalt  }
0x6c: {  	_ =	shalt  }
0x6d: {  	_ =	shalt  }
0x6e: {  	_ =	shalt  }
0x6f: {  	_ =	shalt  }
0x70: {  	_ =	shalt  }
0x71: {  	_ =	shalt  }
0x72: {  	_ =	shalt  }
0x73: {  	_ =	shalt  }
0x74: {  	_ =	shalt  }
0x75: {  	_ =	shalt  }
0x76: {  	_ =	shalt  }
0x77: {  	_ =	shalt  }
0x78: {  	_ =	shalt  }
0x79: {  	_ =	shalt  }
0x7a: {  	_ =	shalt  }
0x7b: {  	_ =	shalt  }
0x7c: {  	_ =	shalt  }
0x7d: {  	_ =	shalt  }
0x7e: {  	_ =	shalt  }
0x7f: {  	_ =	shalt  }
0x80: {  	_ =	shalt  }
0x81: {  	_ =	shalt  }
0x82: {  	_ =	shalt  }
0x83: {  	_ =	shalt  }
0x84: {  	_ =	shalt  }
0x85: {  	_ =	shalt  }
0x86: {  	_ =	shalt  }
0x87: {  	_ =	shalt  }
.Lfunc_end0:
.L_simem_size_0:
called_computation_lowered:
.L_overlay_start_0:
0x88: {  	s2 =	sld [smem:$0x3FD9]  }
0x89: {  	s3 =	sld [smem:$0x3FFE];
	_ =	sdelay $0x1  }
0x8a: {  	s1 =	srdreg.scid  }
0x8b: {  	s0 =	sand.u32 $0x1, s1  }
0x8c: {  	s17 =	sshll.u32 s0, $0xA;
	s2 =	sadd.s32 s3, s2  }
0x8d: {  	s2 =	sadd.s32 s2, s17  }
0x8e: {  	[smem:$0x3FC6] =	sst s2  }
0x8f: {  	_ = 	snop  }
0x90: {  	s2 =	sld [smem:$0x3FC8]  }
0x91: {  	s18 =	sld [smem:$0x3FD0];
	(tm) =	ssettm $0x1  }
0x92: {  	s4 =	sld [smem:$0x3FFB];
	_ =	sdelay $0x3  }
0x93: {  	_ =	strace s4  }
0x94: {  	s4 =	sld [smem:$0x3FFC];
	_ =	sdelay $0x3  }
0x95: {  	_ =	strace s4  }
0x96: {  	s4 =	sld [smem:$0x3FFD];
	_ =	sdelay $0x3  }
0x97: {  	_ =	strace s4  }
0x98: {  	_ =	strace $0x8FFFFFFF  }
0x99: {  	s19 =	sld [smem:$0x3FDB];
	_ =	sdelay $0x1  }
0x9a: {  	s5 =	simm.s32 $_scs_section_size  }
0x9b: {  	s6 =	simm.s32 $_size__tile_overlayer_lowered;
	s7 =	simm.s32 $_tile_overlayer_lowered  }
0x9c: {  	s22 =	simm.s32 $0x1BFF;
	s21 =	sshll.u32 s7, $0x1;
	s4 =	sadd.s32 s5, s19  }
0x9d: {  	s8 =	simm.s32 $0x0;
	s20 =	sshll.u32 s6, $0x1;
	s6 =	sadd.s32 s21, s4  }
0x9e: {  	[timem:s8], [sflag:s22] =	dma.local [hbm:s6], s20  }
0x9f: {  	_ =	swait.ge [sflag:s22], s20  }
0xa0: {  	s5 =	ssub.s32 $0x0, s20;
	[sflag:s22] =	ssyncset.done $0x0  }
0xa1: {  	[sflag:s22] =	ssyncadd.s32 s5;
	_ =	sdelay $0x1  }
0xa2: {  	s23 =	simm.s32 $0x1B8B  }
0xa3: {  	_ =	swait.ge [sflag:s23], $0x1  }
0xa4: {  	[sflag:s23] =	ssyncset.done $0x0  }
0xa5: {  	s25 =	simm.s32 $0x1B8E;
	s24 =	sld [smem:$0x3FFE];
	[sflag:s23] =	ssyncadd.s32 $0xFFFFFFFF  }
0xa6: {  	s26 =	simm.s32 $execute0_lowered;
	[smem:$0x3FD2] =	sst s25  }
0xa7: {  	s6 =	sshll.u32 s26, $0x1;
	_ =	strace $0x80000046;
	[dreg:$0x1] =	wrdreg $0xFFFFFFFF  }
0xa8: {  	s28 =	simm.s32 $_size_execute0_lowered;
	s4 =	sadd.s32 s4, s6;
	[dreg:$0x0] =	wrdreg $0x0  }
0xa9: {  	s6 =	sshll.u32 s28, $0x1;
	[dreg:$0x2] =	wrdreg s4  }
0xaa: {  	[dreg:$0x3] =	wrdreg s6  }
0xab: {  	[dreg:$0x4] =	wrdreg $0xC0  }
0xac: {  	_ =	task [dreg:s8], $0x5FFFF  }
0xad: {  	[dreg:$0x1] =	wrdreg $0xFFFFFFFF  }
0xae: {  	[dreg:$0x0] =	wrdreg $0x60  }
0xaf: {  	[dreg:$0x2] =	wrdreg s18  }
0xb0: {  	[dreg:$0x3] =	wrdreg s2  }
0xb1: {  	[dreg:$0x4] =	wrdreg s24  }
0xb2: {  	[dreg:$0x5] =	wrdreg $0x50000  }
0xb3: {  	[dreg:$0x6] =	wrdreg $0x9  }
0xb4: {  	_ =	task.clear_ibuf [dreg:s8], $0x7FFFF;
	_ =	strace $0x90000046  }
0xb5: {  	s29 =	simm.s32 $0x9;
	_ =	strace $0x80000048  }
0xb6: {  	_ =	swait.ge [sflag:s29], $0x1  }
0xb7: {  	[sflag:s29] =	ssyncadd.s32 $0xFFFFFFFF  }
0xb8: {  	_ =	strace $0x90000048  }
0xb9: {  	_ =	sfence  }
0xba: {  	s30 =	sld [smem:$0x0];
	_ =	sdelay $0x2  }
0xbb: {  	s31 =	sshll.u32 s1, $0xD;
	s1 =	sshrl.u32 s1, $0x2  }
0xbc: {  	s3 =	sand.u32 $0x4000, s31;
	s1 =	sadd.s32 s1, s30  }
0xbd: {  	s0 =	sor.u32 s3, s0;
	s1 =	sshll.u32 s1, $0x11  }
0xbe: {  	s0 =	sor.u32 s1, s0  }
0xbf: {  	s0 =	sadd.s32 $0x8F2B, s0  }
0xc0: {  	[sflag:s0] =	ssyncadd.remote.s32 $0x1  }
0xc1: {  	_ =	sfence.sel $0xFFFF  }
0xc2: {  	[dreg:$0x0] =	wrdreg $0xFFFFFFFF;
	(pc) =	sbr.abs _section_cstart, $3  }
0xc3: {  	[dreg:$0x1] =	wrdreg $0xFFFFFFFF  }
0xc4: {  	_ =	task.clear_ibuf [dreg:s8], $0x2FFFF;
	_ =	strace $0x9FFFFFFF  }
0xc5: {  	(tm) =	ssettm $0x7FFFFFFF  }
tec
execute0_lowered:
.L_overlay_start_1:
0x0: {  	(tag) =	ssettag $0x1  }
0x1: {  	s1 =	rddreg [dreg:$0x0]  }
0x2: {  	s0 =	rddreg [dreg:$0x1]  }
0x3: {  	s2 =	rddreg [dreg:$0x2];
	s5 =	srdreg.scid  }
0x4: {  	s3 =	rddreg [dreg:$0x3];
	s8 =	stileid.u32;
	s28 =	sand.u32 $0x1, s5  }
0x5: {  	s4 =	simm.s32 $0x0;
	s20 =	smul.u32 $0x62000, s8;
	s7 =	ssub.s32 $0x2, s28  }
0x6: {  	[smem:$0x7FF] =	sst s4;
	s6 =	sshll.u32 s28, $0x6;
	s21 =	sshrl.u32 s7, $0x1  }
0x7: {  	_ =	strace $0x80000047;
	s6 =	sor.u32 s6, s20;
	s7 =	ssub.s32 s7, s21  }
0x8: {  	s9 =	sshrl.u32 s20, $0x2;
	s6 =	sshrl.u32 s6, $0x4;
	s18 =	smax.u32 s7, $0x1  }
0x9: {  	s2 =	sadd.s32 s6, s2;
	s6 =	sadd.s32 s9, s3;
	[dreg:$0x16] =	wrdreg s18  }
0xa: {  	s22 =	sadd.s32 $0x800, s6;
	[smem:$0x7FB] =	sst s6  }
0xb: {  	s23 =	sadd.s32 $0x1000, s6;
	[dreg:$0x5] =	wrdreg s22  }
0xc: {  	s24 =	sadd.s32 $0x1800, s6;
	[dreg:$0x6] =	wrdreg s23  }
0xd: {  	s25 =	sadd.s32 $0x2000, s6;
	[dreg:$0x7] =	wrdreg s24  }
0xe: {  	s26 =	sadd.s32 $0x2800, s6;
	[dreg:$0x8] =	wrdreg s25  }
0xf: {  	s8 =	smul.u32 $0x1F00, s8;
	s30 =	sadd.s32 $0x3000, s6;
	[dreg:$0x9] =	wrdreg s26  }
0x10: {  	s31 =	sadd.s32 $0x3800, s6;
	[dreg:$0xa] =	wrdreg s30  }
0x11: {  	s5 =	sadd.s32 s0, s8;
	s8 =	sadd.s32 $0x4000, s6;
	[dreg:$0xb] =	wrdreg s31  }
0x12: {  	s9 =	sadd.s32 $0x4800, s6;
	[dreg:$0xc] =	wrdreg s8  }
0x13: {  	s10 =	sadd.s32 $0x5000, s6;
	[dreg:$0xd] =	wrdreg s9  }
0x14: {  	s11 =	sadd.s32 $0x5800, s6;
	[dreg:$0xe] =	wrdreg s10  }
0x15: {  	s12 =	sadd.s32 $0x6000, s6;
	[dreg:$0xf] =	wrdreg s11  }
0x16: {  	s13 =	sadd.s32 $0x6800, s6;
	[dreg:$0x10] =	wrdreg s12  }
0x17: {  	s14 =	sadd.s32 $0x7000, s6;
	[dreg:$0x11] =	wrdreg s13  }
0x18: {  	s15 =	sadd.s32 $0x7800, s6;
	[dreg:$0x12] =	wrdreg s14  }
0x19: {  	s16 =	sadd.s32 $0x8000, s6;
	[dreg:$0x13] =	wrdreg s15  }
0x1a: {  	s17 =	sadd.s32 $0x400, s2;
	[dreg:$0x14] =	wrdreg s16  }
0x1b: {  	s19 =	sadd.s32 $0x8800, s6;
	[dreg:$0x15] =	wrdreg s17  }
0x1c: {  	s20 =	sadd.s32 $0x9000, s6;
	[dreg:$0x17] =	wrdreg s19  }
0x1d: {  	s21 =	sadd.s32 $0x9800, s6;
	[dreg:$0x18] =	wrdreg s20  }
0x1e: {  	s2 =	sadd.s32 $0xD800, s6;
	[dreg:$0x19] =	wrdreg s21  }
0x1f: {  	s7 =	sadd.s32 $0xE000, s6;
	[smem:$0x7E6] =	sst s2  }
0x20: {  	s18 =	sadd.s32 $0x13800, s6;
	[smem:$0x7E7] =	sst s7  }
0x21: {  	s22 =	sadd.s32 $0xA000, s6;
	[smem:$0x7F2] =	sst s18  }
0x22: {  	s23 =	sadd.s32 $0xA800, s6;
	[dreg:$0x1a] =	wrdreg s22  }
0x23: {  	s24 =	sadd.s32 $0xB000, s6;
	[dreg:$0x1b] =	wrdreg s23  }
0x24: {  	s25 =	sadd.s32 $0xB800, s6;
	[dreg:$0x1c] =	wrdreg s24  }
0x25: {  	s26 =	sadd.s32 $0xC000, s6;
	[dreg:$0x1d] =	wrdreg s25  }
0x26: {  	s30 =	sadd.s32 $0xC800, s6;
	[dreg:$0x1e] =	wrdreg s26  }
0x27: {  	s31 =	sadd.s32 $0xD000, s6;
	[dreg:$0x1f] =	wrdreg s30  }
0x28: {  	s8 =	sadd.s32 $0xE800, s6;
	[smem:$0x7E5] =	sst s31  }
0x29: {  	s9 =	sadd.s32 $0xF000, s6;
	[smem:$0x7E8] =	sst s8  }
0x2a: {  	s10 =	sadd.s32 $0xF800, s6;
	[smem:$0x7E9] =	sst s9  }
0x2b: {  	s11 =	sadd.s32 $0x10000, s6;
	[smem:$0x7EA] =	sst s10  }
0x2c: {  	s12 =	sadd.s32 $0x10800, s6;
	[smem:$0x7EB] =	sst s11  }
0x2d: {  	s13 =	sadd.s32 $0x11000, s6;
	[smem:$0x7EC] =	sst s12  }
0x2e: {  	s14 =	sadd.s32 $0x11800, s6;
	[smem:$0x7ED] =	sst s13  }
0x2f: {  	s15 =	sadd.s32 $0x12000, s6;
	[smem:$0x7EE] =	sst s14  }
0x30: {  	s29 =	simm.s32 $0x0;
	s16 =	sadd.s32 $0x12800, s6;
	[smem:$0x7EF] =	sst s15  }
0x31: {  	v0 =	vmov s28;
	s28 =	simm.s32 $0x6;
	s17 =	sadd.s32 $0x13000, s6;
	[smem:$0x7F0] =	sst s16  }
0x32: {  	s19 =	sadd.s32 $0x14000, s6;
	s20 =	sadd.s32 $0x14800, s6;
	[smem:$0x7F1] =	sst s17  }
0x33: {  	s21 =	sadd.s32 $0x15000, s6;
	s2 =	simm.s32 $0x4800;
	[smem:$0x7F3] =	sst s19  }
0x34: {  	s7 =	simm.s32 $0x7;
	s18 =	simm.s32 $0x580;
	[smem:$0x7F4] =	sst s20  }
0x35: {  	[smem:$0x7F5] =	sst s21;
	s22 =	sadd.s32 $0x15800, s6;
	s23 =	sadd.s32 $0x16000, s6  }
0x36: {  	s24 =	sadd.s32 $0x16800, s6;
	s25 =	sadd.s32 $0x17000, s6;
	s26 =	sadd.s32 $0x17800, s6  }
0x37: {  	s30 =	sadd.s32 $0x18000, s6;
	s31 =	sadd.s32 $0x40, s5;
	s8 =	simm.s32 $0x1  }
0x38: {  	s9 =	simm.s32 $0x80;
	s10 =	simm.s32 $0x400;
	[smem:$0x7F6] =	sst s22  }
0x39: {  	s11 =	simm.s32 $0x800;
	s12 =	simm.s32 $0x480;
	[smem:$0x7F7] =	sst s23  }
0x3a: {  	s13 =	simm.s32 $0x1800;
	s14 =	simm.s32 $0x200;
	[smem:$0x7F8] =	sst s24  }
0x3b: {  	s15 =	simm.s32 $0x2;
	s16 =	simm.s32 $0x500;
	[smem:$0x7F9] =	sst s25  }
0x3c: {  	s17 =	simm.s32 $0x2800;
	s19 =	simm.s32 $0x3800;
	[smem:$0x7FA] =	sst s26  }
0x3d: {  	s20 =	simm.s32 $0x3;
	s21 =	simm.s32 $0x600;
	[smem:$0x7FC] =	sst s30  }
0x3e: {  	[smem:$0x7FD] =	sst s31;
	s22 =	simm.s32 $0x680;
	s23 =	simm.s32 $0x5  }
0x3f: {  	v1 =	vimm.bf16 $0.0e+00;
	s24 =	simm.s32 $0x4;
	s25 =	simm.s32 $0x700;
	s26 =	simm.s32 $0x780  }
.LBB2_1:
0x40: {  	s30 =	simm.s32 $0x80;
	s31 =	simm.s32 $0x0  }
.LBB2_2:
0x41: {  	p0 =	sne.s32 s30, $0x1F80;
	[tilespmem:s31+$0x4800] =	vst v1;
	s0 =	smov.u32 s30;
	s30 =	sadd.s32 $0x80, s30  }
.Ltmp0:
0x42: {  	[tilespmem:s31+$0x4810] =	vst v1;
	(pc) =	sbr.rel @p0 .LBB2_2-.Ltmp0, $2  }
0x43: {  	_ =	sdelay $0x2  }
0x44: {  	s31 =	sshra.s32 s0, $0x2  }
0x45: {  	[tilespmem:s31+$0x4800] =	vst v1  }
0x46: {  	[tilespmem:s31+$0x4810] =	vst v1;
	s0 =	sld [smem:$0x7FB]  }
0x47: {  	[tilespmem:s4], [sflag:$0x1] =	stream.linear.gather [hbm4b:s5+s4], $0x200, $0x38;
	[tilespmem:$0x1D800] =	vst v63  }
0x48: {  	_ = 	snop  }
0x49: {  	[spmem:s0] =	stream.linear.scatter [tilespmem:s2], [sflag:$0x7], $0x800, $0x38;
	[tilespmem:$0x1D800] =	vst v63  }
0x4a: {  	_ =	swait.ge [sflag:s7], $0x800  }
0x4b: {  	[sflag:s7] =	ssyncset.done $0x0  }
0x4c: {  	s6 =	rddreg [dreg:$0x5];
	[sflag:s7] =	ssyncadd.s32 $0xFFFFF800  }
0x4d: {  	[spmem:s6] =	stream.linear.scatter [tilespmem:s2], [sflag:$0x7], $0x800, $0x38;
	[tilespmem:$0x1D800] =	vst v63  }
0x4e: {  	_ =	swait.ge [sflag:s7], $0x800  }
0x4f: {  	[sflag:s7] =	ssyncset.done $0x0  }
0x50: {  	s31 =	rddreg [dreg:$0x6];
	[sflag:s7] =	ssyncadd.s32 $0xFFFFF800  }
0x51: {  	[spmem:s31] =	stream.linear.scatter [tilespmem:s2], [sflag:$0x7], $0x800, $0x38;
	[tilespmem:$0x1D800] =	vst v63  }
0x52: {  	_ =	swait.ge [sflag:s7], $0x800  }
0x53: {  	[sflag:s7] =	ssyncset.done $0x0  }
0x54: {  	s6 =	rddreg [dreg:$0x7];
	[sflag:s7] =	ssyncadd.s32 $0xFFFFF800  }
0x55: {  	[spmem:s6] =	stream.linear.scatter [tilespmem:s2], [sflag:$0x7], $0x800, $0x38;
	[tilespmem:$0x1D800] =	vst v63  }
0x56: {  	_ =	swait.ge [sflag:s7], $0x800  }
0x57: {  	[sflag:s7] =	ssyncset.done $0x0  }
0x58: {  	s31 =	rddreg [dreg:$0x8];
	[sflag:s7] =	ssyncadd.s32 $0xFFFFF800  }
0x59: {  	[spmem:s31] =	stream.linear.scatter [tilespmem:s2], [sflag:$0x7], $0x800, $0x38;
	[tilespmem:$0x1D800] =	vst v63  }
0x5a: {  	_ =	swait.ge [sflag:s7], $0x800  }
0x5b: {  	[sflag:s7] =	ssyncset.done $0x0  }
0x5c: {  	s6 =	rddreg [dreg:$0x9];
	[sflag:s7] =	ssyncadd.s32 $0xFFFFF800  }
0x5d: {  	[spmem:s6] =	stream.linear.scatter [tilespmem:s2], [sflag:$0x7], $0x800, $0x38;
	[tilespmem:$0x1D800] =	vst v63  }
0x5e: {  	_ =	swait.ge [sflag:s7], $0x800  }
0x5f: {  	[sflag:s7] =	ssyncset.done $0x0  }
0x60: {  	s31 =	rddreg [dreg:$0xa];
	[sflag:s7] =	ssyncadd.s32 $0xFFFFF800  }
0x61: {  	[spmem:s31] =	stream.linear.scatter [tilespmem:s2], [sflag:$0x7], $0x800, $0x38;
	[tilespmem:$0x1D800] =	vst v63  }
0x62: {  	_ =	swait.ge [sflag:s7], $0x800  }
0x63: {  	[sflag:s7] =	ssyncset.done $0x0  }
0x64: {  	s6 =	rddreg [dreg:$0xb];
	[sflag:s7] =	ssyncadd.s32 $0xFFFFF800  }
0x65: {  	[spmem:s6] =	stream.linear.scatter [tilespmem:s2], [sflag:$0x7], $0x800, $0x38;
	[tilespmem:$0x1D800] =	vst v63  }
0x66: {  	_ =	swait.ge [sflag:s7], $0x800  }
0x67: {  	[sflag:s7] =	ssyncset.done $0x0  }
0x68: {  	s31 =	rddreg [dreg:$0xc];
	[sflag:s7] =	ssyncadd.s32 $0xFFFFF800  }
0x69: {  	[spmem:s31] =	stream.linear.scatter [tilespmem:s2], [sflag:$0x7], $0x800, $0x38;
	[tilespmem:$0x1D800] =	vst v63  }
0x6a: {  	_ =	swait.ge [sflag:s7], $0x800  }
0x6b: {  	[sflag:s7] =	ssyncset.done $0x0  }
0x6c: {  	s6 =	rddreg [dreg:$0xd];
	[sflag:s7] =	ssyncadd.s32 $0xFFFFF800  }
0x6d: {  	[spmem:s6] =	stream.linear.scatter [tilespmem:s2], [sflag:$0x7], $0x800, $0x38;
	[tilespmem:$0x1D800] =	vst v63  }
0x6e: {  	_ =	swait.ge [sflag:s7], $0x800  }
0x6f: {  	[sflag:s7] =	ssyncset.done $0x0  }
0x70: {  	s31 =	rddreg [dreg:$0xe];
	[sflag:s7] =	ssyncadd.s32 $0xFFFFF800  }
0x71: {  	[spmem:s31] =	stream.linear.scatter [tilespmem:s2], [sflag:$0x7], $0x800, $0x38;
	[tilespmem:$0x1D800] =	vst v63  }
0x72: {  	_ =	swait.ge [sflag:s7], $0x800  }
0x73: {  	[sflag:s7] =	ssyncset.done $0x0  }
0x74: {  	s6 =	rddreg [dreg:$0xf];
	[sflag:s7] =	ssyncadd.s32 $0xFFFFF800  }
0x75: {  	[spmem:s6] =	stream.linear.scatter [tilespmem:s2], [sflag:$0x7], $0x800, $0x38;
	[tilespmem:$0x1D800] =	vst v63  }
0x76: {  	_ =	swait.ge [sflag:s7], $0x800  }
0x77: {  	[sflag:s7] =	ssyncset.done $0x0  }
0x78: {  	s31 =	rddreg [dreg:$0x10];
	[sflag:s7] =	ssyncadd.s32 $0xFFFFF800  }
0x79: {  	[spmem:s31] =	stream.linear.scatter [tilespmem:s2], [sflag:$0x7], $0x800, $0x38;
	[tilespmem:$0x1D800] =	vst v63  }
0x7a: {  	_ =	swait.ge [sflag:s7], $0x800  }
0x7b: {  	[sflag:s7] =	ssyncset.done $0x0  }
0x7c: {  	s6 =	rddreg [dreg:$0x11];
	[sflag:s7] =	ssyncadd.s32 $0xFFFFF800  }
0x7d: {  	[spmem:s6] =	stream.linear.scatter [tilespmem:s2], [sflag:$0x7], $0x800, $0x38;
	[tilespmem:$0x1D800] =	vst v63  }
0x7e: {  	_ =	swait.ge [sflag:s7], $0x800  }
0x7f: {  	[sflag:s7] =	ssyncset.done $0x0  }
0x80: {  	s31 =	rddreg [dreg:$0x12];
	[sflag:s7] =	ssyncadd.s32 $0xFFFFF800  }
0x81: {  	[spmem:s31] =	stream.linear.scatter [tilespmem:s2], [sflag:$0x7], $0x800, $0x38;
	[tilespmem:$0x1D800] =	vst v63  }
0x82: {  	_ =	swait.ge [sflag:s7], $0x800  }
0x83: {  	[sflag:s7] =	ssyncset.done $0x0  }
0x84: {  	s6 =	rddreg [dreg:$0x13];
	[sflag:s7] =	ssyncadd.s32 $0xFFFFF800  }
0x85: {  	[spmem:s6] =	stream.linear.scatter [tilespmem:s2], [sflag:$0x7], $0x800, $0x38;
	[tilespmem:$0x1D800] =	vst v63  }
0x86: {  	_ =	swait.ge [sflag:s7], $0x800  }
0x87: {  	[sflag:s7] =	ssyncset.done $0x0  }
0x88: {  	s31 =	rddreg [dreg:$0x14];
	[sflag:s7] =	ssyncadd.s32 $0xFFFFF800  }
0x89: {  	[spmem:s31] =	stream.linear.scatter [tilespmem:s2], [sflag:$0x7], $0x800, $0x38;
	[tilespmem:$0x1D800] =	vst v63  }
0x8a: {  	_ =	swait.ge [sflag:s7], $0x800  }
0x8b: {  	[sflag:s7] =	ssyncset.done $0x0  }
0x8c: {  	s6 =	rddreg [dreg:$0x17];
	[sflag:s7] =	ssyncadd.s32 $0xFFFFF800  }
0x8d: {  	[spmem:s6] =	stream.linear.scatter [tilespmem:s2], [sflag:$0x7], $0x800, $0x38;
	[tilespmem:$0x1D800] =	vst v63  }
0x8e: {  	_ =	swait.ge [sflag:s7], $0x800  }
0x8f: {  	[sflag:s7] =	ssyncset.done $0x0  }
0x90: {  	s31 =	rddreg [dreg:$0x18];
	[sflag:s7] =	ssyncadd.s32 $0xFFFFF800  }
0x91: {  	[spmem:s31] =	stream.linear.scatter [tilespmem:s2], [sflag:$0x7], $0x800, $0x38;
	[tilespmem:$0x1D800] =	vst v63  }
0x92: {  	_ =	swait.ge [sflag:s7], $0x800  }
0x93: {  	[sflag:s7] =	ssyncset.done $0x0  }
0x94: {  	s6 =	rddreg [dreg:$0x19];
	[sflag:s7] =	ssyncadd.s32 $0xFFFFF800  }
0x95: {  	[spmem:s6] =	stream.linear.scatter [tilespmem:s2], [sflag:$0x7], $0x800, $0x38;
	[tilespmem:$0x1D800] =	vst v63  }
0x96: {  	_ =	swait.ge [sflag:s7], $0x800  }
0x97: {  	[sflag:s7] =	ssyncset.done $0x0  }
0x98: {  	s31 =	rddreg [dreg:$0x1a];
	[sflag:s7] =	ssyncadd.s32 $0xFFFFF800  }
0x99: {  	[spmem:s31] =	stream.linear.scatter [tilespmem:s2], [sflag:$0x7], $0x800, $0x38;
	[tilespmem:$0x1D800] =	vst v63  }
0x9a: {  	_ =	swait.ge [sflag:s7], $0x800  }
0x9b: {  	[sflag:s7] =	ssyncset.done $0x0  }
0x9c: {  	s6 =	rddreg [dreg:$0x1b];
	[sflag:s7] =	ssyncadd.s32 $0xFFFFF800  }
0x9d: {  	[spmem:s6] =	stream.linear.scatter [tilespmem:s2], [sflag:$0x7], $0x800, $0x38;
	[tilespmem:$0x1D800] =	vst v63  }
0x9e: {  	_ =	swait.ge [sflag:s7], $0x800  }
0x9f: {  	[sflag:s7] =	ssyncset.done $0x0  }
0xa0: {  	s31 =	rddreg [dreg:$0x1c];
	[sflag:s7] =	ssyncadd.s32 $0xFFFFF800  }
0xa1: {  	[spmem:s31] =	stream.linear.scatter [tilespmem:s2], [sflag:$0x7], $0x800, $0x38;
	[tilespmem:$0x1D800] =	vst v63  }
0xa2: {  	_ =	swait.ge [sflag:s7], $0x800  }
0xa3: {  	[sflag:s7] =	ssyncset.done $0x0  }
0xa4: {  	s6 =	rddreg [dreg:$0x1d];
	[sflag:s7] =	ssyncadd.s32 $0xFFFFF800  }
0xa5: {  	[spmem:s6] =	stream.linear.scatter [tilespmem:s2], [sflag:$0x7], $0x800, $0x38;
	[tilespmem:$0x1D800] =	vst v63  }
0xa6: {  	_ =	swait.ge [sflag:s7], $0x800  }
0xa7: {  	[sflag:s7] =	ssyncset.done $0x0  }
0xa8: {  	s31 =	rddreg [dreg:$0x1e];
	[sflag:s7] =	ssyncadd.s32 $0xFFFFF800  }
0xa9: {  	[spmem:s31] =	stream.linear.scatter [tilespmem:s2], [sflag:$0x7], $0x800, $0x38;
	[tilespmem:$0x1D800] =	vst v63  }
0xaa: {  	_ =	swait.ge [sflag:s7], $0x800  }
0xab: {  	[sflag:s7] =	ssyncset.done $0x0  }
0xac: {  	s6 =	rddreg [dreg:$0x1f];
	[sflag:s7] =	ssyncadd.s32 $0xFFFFF800  }
0xad: {  	[spmem:s6] =	stream.linear.scatter [tilespmem:s2], [sflag:$0x7], $0x800, $0x38;
	[tilespmem:$0x1D800] =	vst v63  }
0xae: {  	_ =	swait.ge [sflag:s7], $0x800  }
0xaf: {  	s31 =	sld [smem:$0x7E5]  }
0xb0: {  	[sflag:s7] =	ssyncset.done $0x0  }
0xb1: {  	[sflag:s7] =	ssyncadd.s32 $0xFFFFF800  }
0xb2: {  	[spmem:s31] =	stream.linear.scatter [tilespmem:s2], [sflag:$0x7], $0x800, $0x38;
	[tilespmem:$0x1D800] =	vst v63  }
0xb3: {  	_ =	swait.ge [sflag:s7], $0x800  }
0xb4: {  	s6 =	sld [smem:$0x7E6]  }
0xb5: {  	[sflag:s7] =	ssyncset.done $0x0  }
0xb6: {  	[sflag:s7] =	ssyncadd.s32 $0xFFFFF800  }
0xb7: {  	[spmem:s6] =	stream.linear.scatter [tilespmem:s2], [sflag:$0x7], $0x800, $0x38;
	[tilespmem:$0x1D800] =	vst v63  }
0xb8: {  	_ =	swait.ge [sflag:s7], $0x800  }
0xb9: {  	s31 =	sld [smem:$0x7E7]  }
0xba: {  	[sflag:s7] =	ssyncset.done $0x0  }
0xbb: {  	[sflag:s7] =	ssyncadd.s32 $0xFFFFF800  }
0xbc: {  	[spmem:s31] =	stream.linear.scatter [tilespmem:s2], [sflag:$0x7], $0x800, $0x38;
	[tilespmem:$0x1D800] =	vst v63  }
0xbd: {  	_ =	swait.ge [sflag:s7], $0x800  }
0xbe: {  	s6 =	sld [smem:$0x7E8]  }
0xbf: {  	[sflag:s7] =	ssyncset.done $0x0  }
0xc0: {  	[sflag:s7] =	ssyncadd.s32 $0xFFFFF800  }
0xc1: {  	[spmem:s6] =	stream.linear.scatter [tilespmem:s2], [sflag:$0x7], $0x800, $0x38;
	[tilespmem:$0x1D800] =	vst v63  }
0xc2: {  	_ =	swait.ge [sflag:s7], $0x800  }
0xc3: {  	s31 =	sld [smem:$0x7E9]  }
0xc4: {  	[sflag:s7] =	ssyncset.done $0x0  }
0xc5: {  	[sflag:s7] =	ssyncadd.s32 $0xFFFFF800  }
0xc6: {  	[spmem:s31] =	stream.linear.scatter [tilespmem:s2], [sflag:$0x7], $0x800, $0x38;
	[tilespmem:$0x1D800] =	vst v63  }
0xc7: {  	_ =	swait.ge [sflag:s7], $0x800  }
0xc8: {  	s6 =	sld [smem:$0x7EA]  }
0xc9: {  	[sflag:s7] =	ssyncset.done $0x0  }
0xca: {  	[sflag:s7] =	ssyncadd.s32 $0xFFFFF800  }
0xcb: {  	[spmem:s6] =	stream.linear.scatter [tilespmem:s2], [sflag:$0x7], $0x800, $0x38;
	[tilespmem:$0x1D800] =	vst v63  }
0xcc: {  	_ =	swait.ge [sflag:s7], $0x800  }
0xcd: {  	s31 =	sld [smem:$0x7EB]  }
0xce: {  	[sflag:s7] =	ssyncset.done $0x0  }
0xcf: {  	[sflag:s7] =	ssyncadd.s32 $0xFFFFF800  }
0xd0: {  	[spmem:s31] =	stream.linear.scatter [tilespmem:s2], [sflag:$0x7], $0x800, $0x38;
	[tilespmem:$0x1D800] =	vst v63  }
0xd1: {  	_ =	swait.ge [sflag:s7], $0x800  }
0xd2: {  	s6 =	sld [smem:$0x7EC]  }
0xd3: {  	[sflag:s7] =	ssyncset.done $0x0  }
0xd4: {  	[sflag:s7] =	ssyncadd.s32 $0xFFFFF800  }
0xd5: {  	[spmem:s6] =	stream.linear.scatter [tilespmem:s2], [sflag:$0x7], $0x800, $0x38;
	[tilespmem:$0x1D800] =	vst v63  }
0xd6: {  	_ =	swait.ge [sflag:s7], $0x800  }
0xd7: {  	s31 =	sld [smem:$0x7ED]  }
0xd8: {  	[sflag:s7] =	ssyncset.done $0x0  }
0xd9: {  	[sflag:s7] =	ssyncadd.s32 $0xFFFFF800  }
0xda: {  	[spmem:s31] =	stream.linear.scatter [tilespmem:s2], [sflag:$0x7], $0x800, $0x38;
	[tilespmem:$0x1D800] =	vst v63  }
0xdb: {  	_ =	swait.ge [sflag:s7], $0x800  }
0xdc: {  	s6 =	sld [smem:$0x7EE]  }
0xdd: {  	[sflag:s7] =	ssyncset.done $0x0  }
0xde: {  	[sflag:s7] =	ssyncadd.s32 $0xFFFFF800  }
0xdf: {  	[spmem:s6] =	stream.linear.scatter [tilespmem:s2], [sflag:$0x7], $0x800, $0x38;
	[tilespmem:$0x1D800] =	vst v63  }
0xe0: {  	_ =	swait.ge [sflag:s7], $0x800  }
0xe1: {  	s31 =	sld [smem:$0x7EF]  }
0xe2: {  	[sflag:s7] =	ssyncset.done $0x0  }
0xe3: {  	[sflag:s7] =	ssyncadd.s32 $0xFFFFF800  }
0xe4: {  	[spmem:s31] =	stream.linear.scatter [tilespmem:s2], [sflag:$0x7], $0x800, $0x38;
	[tilespmem:$0x1D800] =	vst v63  }
0xe5: {  	_ =	swait.ge [sflag:s7], $0x800  }
0xe6: {  	s6 =	sld [smem:$0x7F0]  }
0xe7: {  	[sflag:s7] =	ssyncset.done $0x0  }
0xe8: {  	[sflag:s7] =	ssyncadd.s32 $0xFFFFF800  }
0xe9: {  	[spmem:s6] =	stream.linear.scatter [tilespmem:s2], [sflag:$0x7], $0x800, $0x38;
	[tilespmem:$0x1D800] =	vst v63  }
0xea: {  	_ =	swait.ge [sflag:s7], $0x800  }
0xeb: {  	s31 =	sld [smem:$0x7F1]  }
0xec: {  	[sflag:s7] =	ssyncset.done $0x0  }
0xed: {  	[sflag:s7] =	ssyncadd.s32 $0xFFFFF800  }
0xee: {  	[spmem:s31] =	stream.linear.scatter [tilespmem:s2], [sflag:$0x7], $0x800, $0x38;
	[tilespmem:$0x1D800] =	vst v63  }
0xef: {  	_ =	swait.ge [sflag:s7], $0x800  }
0xf0: {  	s6 =	sld [smem:$0x7F2]  }
0xf1: {  	[sflag:s7] =	ssyncset.done $0x0  }
0xf2: {  	[sflag:s7] =	ssyncadd.s32 $0xFFFFF800  }
0xf3: {  	[spmem:s6] =	stream.linear.scatter [tilespmem:s2], [sflag:$0x7], $0x800, $0x38;
	[tilespmem:$0x1D800] =	vst v63  }
0xf4: {  	_ =	swait.ge [sflag:s7], $0x800  }
0xf5: {  	s31 =	sld [smem:$0x7F3]  }
0xf6: {  	[sflag:s7] =	ssyncset.done $0x0  }
0xf7: {  	[sflag:s7] =	ssyncadd.s32 $0xFFFFF800  }
0xf8: {  	[spmem:s31] =	stream.linear.scatter [tilespmem:s2], [sflag:$0x7], $0x800, $0x38;
	[tilespmem:$0x1D800] =	vst v63  }
0xf9: {  	_ =	swait.ge [sflag:s7], $0x800  }
0xfa: {  	s6 =	sld [smem:$0x7F4]  }
0xfb: {  	[sflag:s7] =	ssyncset.done $0x0  }
0xfc: {  	[sflag:s7] =	ssyncadd.s32 $0xFFFFF800  }
0xfd: {  	[spmem:s6] =	stream.linear.scatter [tilespmem:s2], [sflag:$0x7], $0x800, $0x38;
	[tilespmem:$0x1D800] =	vst v63  }
0xfe: {  	_ =	swait.ge [sflag:s7], $0x800  }
0xff: {  	s31 =	sld [smem:$0x7F5]  }
0x100: {  	[sflag:s7] =	ssyncset.done $0x0  }
0x101: {  	[sflag:s7] =	ssyncadd.s32 $0xFFFFF800  }
0x102: {  	[spmem:s31] =	stream.linear.scatter [tilespmem:s2], [sflag:$0x7], $0x800, $0x38;
	[tilespmem:$0x1D800] =	vst v63  }
0x103: {  	_ =	swait.ge [sflag:s7], $0x800  }
0x104: {  	s6 =	sld [smem:$0x7F6]  }
0x105: {  	[sflag:s7] =	ssyncset.done $0x0  }
0x106: {  	[sflag:s7] =	ssyncadd.s32 $0xFFFFF800  }
0x107: {  	[spmem:s6] =	stream.linear.scatter [tilespmem:s2], [sflag:$0x7], $0x800, $0x38;
	[tilespmem:$0x1D800] =	vst v63  }
0x108: {  	_ =	swait.ge [sflag:s7], $0x800  }
0x109: {  	s31 =	sld [smem:$0x7F7]  }
0x10a: {  	[sflag:s7] =	ssyncset.done $0x0  }
0x10b: {  	[sflag:s7] =	ssyncadd.s32 $0xFFFFF800  }
0x10c: {  	[spmem:s31] =	stream.linear.scatter [tilespmem:s2], [sflag:$0x7], $0x800, $0x38;
	[tilespmem:$0x1D800] =	vst v63  }
0x10d: {  	_ =	swait.ge [sflag:s7], $0x800  }
0x10e: {  	s6 =	sld [smem:$0x7F8]  }
0x10f: {  	[sflag:s7] =	ssyncset.done $0x0  }
0x110: {  	[sflag:s7] =	ssyncadd.s32 $0xFFFFF800  }
0x111: {  	[spmem:s6] =	stream.linear.scatter [tilespmem:s2], [sflag:$0x7], $0x800, $0x38;
	[tilespmem:$0x1D800] =	vst v63  }
0x112: {  	_ =	swait.ge [sflag:s7], $0x800  }
0x113: {  	s31 =	sld [smem:$0x7F9]  }
0x114: {  	[sflag:s7] =	ssyncset.done $0x0  }
0x115: {  	[sflag:s7] =	ssyncadd.s32 $0xFFFFF800  }
0x116: {  	[spmem:s31] =	stream.linear.scatter [tilespmem:s2], [sflag:$0x7], $0x800, $0x38;
	[tilespmem:$0x1D800] =	vst v63  }
0x117: {  	_ =	swait.ge [sflag:s7], $0x800  }
0x118: {  	s6 =	sld [smem:$0x7FA]  }
0x119: {  	[sflag:s7] =	ssyncset.done $0x0  }
0x11a: {  	[sflag:s7] =	ssyncadd.s32 $0xFFFFF800  }
0x11b: {  	[spmem:s6] =	stream.linear.scatter [tilespmem:s2], [sflag:$0x7], $0x800, $0x38;
	[tilespmem:$0x1D800] =	vst v63  }
0x11c: {  	_ =	swait.ge [sflag:s7], $0x800  }
0x11d: {  	s31 =	sld [smem:$0x7FC]  }
0x11e: {  	[sflag:s7] =	ssyncset.done $0x0  }
0x11f: {  	[sflag:s7] =	ssyncadd.s32 $0xFFFFF800  }
0x120: {  	[spmem:s31] =	stream.linear.scatter [tilespmem:s2], [sflag:$0x7], $0x800, $0x38;
	[tilespmem:$0x1D800] =	vst v63  }
0x121: {  	_ =	swait.ge [sflag:s7], $0x800  }
0x122: {  	[sflag:s7] =	ssyncset.done $0x0  }
0x123: {  	[sflag:s7] =	ssyncadd.s32 $0xFFFFF800  }
0x124: {  	[bflag:$0x0] =	sbarrier.arrive $0xFFFF  }
0x125: {  	_ =	swait.ge [sflag:s8], $0x200  }
0x126: {  	[sflag:s8] =	ssyncset.done $0x0  }
0x127: {  	[sflag:s8] =	ssyncadd.s32 $0xFFFFFE00  }
0x128: {  	v2 =	vld [tilespmem:$0x0];
	_ =	sdelay $0x1  }
0x129: {  	v3 =	vld [tilespmem:$0x10]  }
0x12a: {  	v4 =	vld [tilespmem:$0x80]  }
0x12b: {  	v5 =	vld [tilespmem:$0x20]  }
0x12c: {  	v6 =	vld [tilespmem:$0x90];
	v2 =	vshll.u32 v2, $0x1  }
0x12d: {  	v7 =	vld [tilespmem:$0x30];
	v2 =	vor.u32 v0, v2  }
0x12e: {  	[tilespmem:$0x400] =	vst v2;
	v2 =	vshll.u32 v3, $0x1;
	v3 =	vld [tilespmem:$0xA0]  }
0x12f: {  	[tilespmem:$0x600] =	vst v4;
	v4 =	vld [tilespmem:$0x40];
	v2 =	vor.u32 v0, v2  }
0x130: {  	[tilespmem:$0x410] =	vst v2;
	v2 =	vshll.u32 v5, $0x1;
	v5 =	vld [tilespmem:$0xB0]  }
0x131: {  	[tilespmem:$0x610] =	vst v6;
	v6 =	vld [tilespmem:$0x50];
	v2 =	vor.u32 v0, v2  }
0x132: {  	[tilespmem:$0x420] =	vst v2;
	v2 =	vshll.u32 v7, $0x1;
	v7 =	vld [tilespmem:$0xC0]  }
0x133: {  	[tilespmem:$0x620] =	vst v3;
	v2 =	vor.u32 v0, v2;
	v3 =	vld [tilespmem:$0x60]  }
0x134: {  	[tilespmem:$0x430] =	vst v2;
	v2 =	vshll.u32 v4, $0x1;
	v4 =	vld [tilespmem:$0xD0]  }
0x135: {  	[tilespmem:$0x630] =	vst v5;
	v2 =	vor.u32 v0, v2;
	v5 =	vld [tilespmem:$0x70]  }
0x136: {  	[tilespmem:$0x440] =	vst v2;
	v2 =	vshll.u32 v6, $0x1;
	v6 =	vld [tilespmem:$0xE0]  }
0x137: {  	[tilespmem:$0x640] =	vst v7;
	v2 =	vor.u32 v0, v2;
	v7 =	vld [tilespmem:$0x100]  }
0x138: {  	[tilespmem:$0x450] =	vst v2;
	v2 =	vshll.u32 v3, $0x1;
	v3 =	vld [tilespmem:$0xF0]  }
0x139: {  	[tilespmem:$0x650] =	vst v4;
	v2 =	vor.u32 v0, v2;
	v4 =	vld [tilespmem:$0x110]  }
0x13a: {  	[tilespmem:$0x460] =	vst v2;
	v2 =	vshll.u32 v5, $0x1;
	v5 =	vld [tilespmem:$0x180]  }
0x13b: {  	[tilespmem:$0x660] =	vst v6;
	v2 =	vor.u32 v0, v2;
	v6 =	vld [tilespmem:$0x120]  }
0x13c: {  	[tilespmem:$0x470] =	vst v2;
	v2 =	vshll.u32 v7, $0x1;
	v7 =	vld [tilespmem:$0x190]  }
0x13d: {  	[tilespmem:$0x670] =	vst v3;
	v2 =	vor.u32 v0, v2;
	v3 =	vld [tilespmem:$0x130]  }
0x13e: {  	[tilespmem:$0x480] =	vst v2;
	v2 =	vshll.u32 v4, $0x1;
	v4 =	vld [tilespmem:$0x1A0]  }
0x13f: {  	[tilespmem:$0x680] =	vst v5;
	v2 =	vor.u32 v0, v2;
	v5 =	vld [tilespmem:$0x140]  }
0x140: {  	[tilespmem:$0x490] =	vst v2;
	v2 =	vshll.u32 v6, $0x1;
	v6 =	vld [tilespmem:$0x1B0]  }
0x141: {  	[tilespmem:$0x690] =	vst v7;
	v2 =	vor.u32 v0, v2;
	v7 =	vld [tilespmem:$0x150]  }
0x142: {  	[tilespmem:$0x4A0] =	vst v2;
	v2 =	vshll.u32 v3, $0x1;
	v3 =	vld [tilespmem:$0x1C0]  }
0x143: {  	[tilespmem:$0x6A0] =	vst v4;
	v2 =	vor.u32 v0, v2;
	v4 =	vld [tilespmem:$0x160]  }
0x144: {  	[tilespmem:$0x4B0] =	vst v2;
	v2 =	vshll.u32 v5, $0x1;
	v5 =	vld [tilespmem:$0x1D0]  }
0x145: {  	[tilespmem:$0x6B0] =	vst v6;
	v2 =	vor.u32 v0, v2;
	v6 =	vld [tilespmem:$0x170]  }
0x146: {  	[tilespmem:$0x4C0] =	vst v2;
	v2 =	vshll.u32 v7, $0x1;
	v7 =	vld [tilespmem:$0x1E0]  }
0x147: {  	[tilespmem:$0x6C0] =	vst v3;
	v2 =	vor.u32 v0, v2  }
0x148: {  	v3 =	vld [tilespmem:$0x1F0];
	[tilespmem:$0x4D0] =	vst v2;
	v2 =	vshll.u32 v4, $0x1  }
0x149: {  	[tilespmem:$0x6D0] =	vst v5;
	v2 =	vor.u32 v0, v2  }
0x14a: {  	[tilespmem:$0x4E0] =	vst v2;
	v2 =	vshll.u32 v6, $0x1  }
0x14b: {  	[tilespmem:$0x6E0] =	vst v7;
	v2 =	vor.u32 v0, v2  }
0x14c: {  	[tilespmem:$0x4F0] =	vst v2  }
0x14d: {  	[tilespmem:$0x6F0] =	vst v3  }
0x14e: {  	[tilespmem:s11], [sflag:$0x3] =	stream.indirect.gather [hbm4b:s1+s9], $0x20, s10, s9, $0xb8;
	[tilespmem:$0x1D800] =	vst v63  }
0x14f: {  	s6 =	sld [smem:$0x7FD]  }
0x150: {  	[tilespmem:s13], [sflag:$0x3] =	stream.indirect.gather [hbm4b:s1+s9], $0x20, s12, s9, $0xb8;
	[tilespmem:$0x1D800] =	vst v63  }
0x151: {  	_ = 	snop  }
0x152: {  	[tilespmem:s14], [sflag:$0x2] =	stream.linear.gather [hbm4b:s6+s4], $0x200, $0x38;
	[tilespmem:$0x1D800] =	vst v63  }
0x153: {  	_ =	swait.ge [sflag:s15], $0x200  }
0x154: {  	[sflag:s15] =	ssyncset.done $0x0  }
0x155: {  	[sflag:s15] =	ssyncadd.s32 $0xFFFFFE00  }
0x156: {  	v2 =	vld [tilespmem:$0x300]  }
0x157: {  	v3 =	vld [tilespmem:$0x270]  }
0x158: {  	v4 =	vld [tilespmem:$0x320]  }
0x159: {  	v59 =	vld [tilespmem:$0x3C0]  }
0x15a: {  	v60 =	vld [tilespmem:$0x280]  }
0x15b: {  	v61 =	vld [tilespmem:$0x390]  }
0x15c: {  	v63 =	vld [tilespmem:$0x2F0]  }
0x15d: {  	v6 =	vld [tilespmem:$0x260]  }
0x15e: {  	v5 =	vld [tilespmem:$0x350];
	[tilespmem:$0x7C0] =	vst v59  }
0x15f: {  	[tilespmem:$0x700] =	vst v60  }
0x160: {  	v8 =	vld [tilespmem:$0x240];
	v2 =	vshll.u32 v2, $0x1;
	[tilespmem:$0x790] =	vst v61  }
0x161: {  	v7 =	vld [tilespmem:$0x250];
	v3 =	vshll.u32 v3, $0x1;
	[tilespmem:$0x770] =	vst v63;
	v2 =	vor.u32 v0, v2  }
0x162: {  	v9 =	vld [tilespmem:$0x220];
	v4 =	vshll.u32 v4, $0x1;
	v6 =	vshll.u32 v6, $0x1;
	v3 =	vor.u32 v0, v3;
	[tilespmem:$0x580] =	vst v2  }
0x163: {  	v5 =	vshll.u32 v5, $0x1;
	v6 =	vor.u32 v0, v6;
	[tilespmem:$0x570] =	vst v3;
	v3 =	vor.u32 v0, v4;
	v4 =	vld [tilespmem:$0x210]  }
0x164: {  	v5 =	vor.u32 v0, v5;
	[tilespmem:$0x560] =	vst v6;
	v6 =	vld [tilespmem:$0x290]  }
0x165: {  	v8 =	vshll.u32 v8, $0x1;
	v2 =	vld [tilespmem:$0x230];
	[tilespmem:$0x5D0] =	vst v5  }
0x166: {  	v8 =	vor.u32 v0, v8;
	[tilespmem:$0x5A0] =	vst v3;
	v3 =	vshll.u32 v7, $0x1;
	v7 =	vld [tilespmem:$0x2A0]  }
0x167: {  	v5 =	vld [tilespmem:$0x360];
	[tilespmem:$0x540] =	vst v8;
	v3 =	vor.u32 v0, v3  }
0x168: {  	v62 =	vld [tilespmem:$0x330];
	v9 =	vshll.u32 v9, $0x1;
	[tilespmem:$0x550] =	vst v3  }
0x169: {  	v3 =	vor.u32 v0, v9;
	v4 =	vshll.u32 v4, $0x1;
	[tilespmem:$0x710] =	vst v6;
	v6 =	vld [tilespmem:$0x3A0]  }
0x16a: {  	[tilespmem:$0x520] =	vst v3;
	v3 =	vor.u32 v0, v4;
	v4 =	vld [tilespmem:$0x3B0]  }
0x16b: {  	v2 =	vshll.u32 v2, $0x1;
	[tilespmem:$0x720] =	vst v7;
	v7 =	vld [tilespmem:$0x370]  }
0x16c: {  	v5 =	vshll.u32 v5, $0x1;
	v2 =	vor.u32 v0, v2;
	[tilespmem:$0x510] =	vst v3;
	v3 =	vld [tilespmem:$0x3E0]  }
0x16d: {  	v5 =	vor.u32 v0, v5;
	[tilespmem:$0x530] =	vst v2;
	v2 =	vld [tilespmem:$0x3F0]  }
0x16e: {  	[tilespmem:$0x5E0] =	vst v5;
	v5 =	vld [tilespmem:$0x2D0]  }
0x16f: {  	[tilespmem:$0x7A0] =	vst v6;
	v6 =	vld [tilespmem:$0x2B0]  }
0x170: {  	[tilespmem:$0x7B0] =	vst v4;
	v4 =	vshll.u32 v7, $0x1;
	v7 =	vld [tilespmem:$0x380]  }
0x171: {  	[tilespmem:$0x7E0] =	vst v3;
	v3 =	vld [tilespmem:$0x2C0]  }
0x172: {  	v4 =	vor.u32 v0, v4;
	[tilespmem:$0x7F0] =	vst v2;
	v2 =	vld [tilespmem:$0x200]  }
0x173: {  	[tilespmem:$0x5F0] =	vst v4;
	v4 =	vld [tilespmem:$0x2E0]  }
0x174: {  	[tilespmem:$0x750] =	vst v5;
	v5 =	vld [tilespmem:$0x310]  }
0x175: {  	[tilespmem:$0x730] =	vst v6;
	v6 =	vld [tilespmem:$0x3D0]  }
0x176: {  	[tilespmem:$0x740] =	vst v3;
	v3 =	vld [tilespmem:$0x340]  }
0x177: {  	[tilespmem:$0x780] =	vst v7;
	v2 =	vshll.u32 v2, $0x1  }
0x178: {  	[tilespmem:$0x760] =	vst v4;
	v4 =	vshll.u32 v62, $0x1;
	v2 =	vor.u32 v0, v2  }
0x179: {  	v4 =	vor.u32 v0, v4;
	[tilespmem:$0x500] =	vst v2  }
0x17a: {  	[tilespmem:$0x5B0] =	vst v4;
	v4 =	vshll.u32 v5, $0x1  }
0x17b: {  	[tilespmem:$0x7D0] =	vst v6;
	v2 =	vor.u32 v0, v4;
	v3 =	vshll.u32 v3, $0x1  }
0x17c: {  	[tilespmem:$0x590] =	vst v2;
	v2 =	vor.u32 v0, v3  }
0x17d: {  	[tilespmem:$0x5C0] =	vst v2  }
0x17e: {  	[tilespmem:s17], [sflag:$0x4] =	stream.indirect.gather [hbm4b:s1+s9], $0x20, s16, s9, $0xb8;
	[tilespmem:$0x1D800] =	vst v63  }
0x17f: {  	s31 =	sadd.s32 $0xFFFFE180, s5  }
0x180: {  	[tilespmem:s19], [sflag:$0x4] =	stream.indirect.gather [hbm4b:s1+s9], $0x20, s18, s9, $0xb8;
	[tilespmem:$0x1D800] =	vst v63  }
0x181: {  	s30 =	sadd.s32 $0x1F40, s31  }
0x182: {  	[tilespmem:s14], [sflag:$0x2] =	stream.linear.gather [hbm4b:s30+s4], $0x200, $0x38;
	[tilespmem:$0x1D800] =	vst v63  }
0x183: {  	s0 =	sadd.s32 $0x1F00, s31  }
0x184: {  	[tilespmem:s4], [sflag:$0x1] =	stream.linear.gather [hbm4b:s0+s4], $0x200, $0x38;
	[tilespmem:$0x1D800] =	vst v63  }
0x185: {  	_ =	swait.ge [sflag:s20], $0x1000  }
0x186: {  	[sflag:s20] =	ssyncset.done $0x0  }
0x187: {  	[sflag:s20] =	ssyncadd.s32 $0xFFFFF000  }
0x188: {  	_ =	swait.ge [sflag:s20], $0x1000  }
0x189: {  	[sflag:s20] =	ssyncset.done $0x0  }
0x18a: {  	[sflag:s20] =	ssyncadd.s32 $0xFFFFF000  }
0x18b: {  	[spmem:s3] =	stream.indirect.scatter.add.bf16 [tilespmem:s11], [sflag:$0x5], $0x20, s21, s9, $0xb8;
	[tilespmem:$0x1D800] =	vst v63  }
0x18c: {  	_ = 	snop  }
0x18d: {  	[spmem:s3] =	stream.indirect.scatter.add.bf16 [tilespmem:s13], [sflag:$0x5], $0x20, s22, s9, $0xb8;
	[tilespmem:$0x1D800] =	vst v63  }
0x18e: {  	_ =	swait.ge [sflag:s23], $0x1000  }
0x18f: {  	[sflag:s23] =	ssyncset.done $0x0  }
0x190: {  	[sflag:s23] =	ssyncadd.s32 $0xFFFFF000  }
0x191: {  	_ =	swait.ge [sflag:s23], $0x1000  }
0x192: {  	[sflag:s23] =	ssyncset.done $0x0  }
0x193: {  	[sflag:s23] =	ssyncadd.s32 $0xFFFFF000  }
0x194: {  	_ =	swait.ge [sflag:s8], $0x200  }
0x195: {  	[sflag:s8] =	ssyncset.done $0x0  }
0x196: {  	[sflag:s8] =	ssyncadd.s32 $0xFFFFFE00  }
0x197: {  	v2 =	vld [tilespmem:$0x70]  }
0x198: {  	v5 =	vld [tilespmem:$0x10]  }
0x199: {  	v4 =	vld [tilespmem:$0x20]  }
0x19a: {  	s30 =	simm.s32 $0xFFFFE200;
	v3 =	vld [tilespmem:$0x100]  }
.LBB2_4:
0x19b: {  	p0 =	sne.s32 s30, $0xFFFFFF80;
	v6 =	vld [tilespmem:$0x40];
	s31 =	smov.u32 s30;
	s30 =	sadd.s32 $0x80, s30  }
0x19c: {  	v7 =	vld [tilespmem:$0x50]  }
0x19d: {  	v5 =	vshll.u32 v5, $0x1;
	v8 =	vld [tilespmem:$0x60]  }
0x19e: {  	v9 =	vld [tilespmem:$0x0];
	v5 =	vor.u32 v0, v5;
	v4 =	vshll.u32 v4, $0x1  }
0x19f: {  	[tilespmem:$0x410] =	vst v5;
	v4 =	vor.u32 v0, v4;
	v3 =	vshll.u32 v3, $0x1;
	v5 =	vld [tilespmem:$0x1E0]  }
0x1a0: {  	[tilespmem:$0x420] =	vst v4;
	v4 =	vshll.u32 v6, $0x1;
	v3 =	vor.u32 v0, v3;
	v6 =	vld [tilespmem:$0x1D0]  }
0x1a1: {  	v4 =	vor.u32 v0, v4;
	v7 =	vshll.u32 v7, $0x1;
	[tilespmem:$0x480] =	vst v3;
	v3 =	vld [tilespmem:$0x1C0]  }
0x1a2: {  	[tilespmem:$0x440] =	vst v4;
	v4 =	vor.u32 v0, v7;
	v7 =	vshll.u32 v8, $0x1;
	v8 =	vld [tilespmem:$0xF0]  }
0x1a3: {  	v2 =	vshll.u32 v2, $0x1;
	v9 =	vshll.u32 v9, $0x1;
	[tilespmem:$0x450] =	vst v4;
	v4 =	vor.u32 v0, v7;
	v7 =	vld [tilespmem:$0xE0]  }
0x1a4: {  	v2 =	vor.u32 v0, v2;
	v9 =	vor.u32 v0, v9;
	v10 =	vld [tilespmem:$0xD0];
	[tilespmem:$0x460] =	vst v4  }
0x1a5: {  	v4 =	vld [tilespmem:$0xC0];
	[tilespmem:$0x470] =	vst v2  }
0x1a6: {  	[tilespmem:$0x400] =	vst v9;
	v2 =	vld [tilespmem:$0xB0]  }
0x1a7: {  	v9 =	vld [tilespmem:$0xA0];
	[tilespmem:$0x670] =	vst v8  }
0x1a8: {  	[tilespmem:$0x660] =	vst v7;
	v7 =	vld [tilespmem:$0x170]  }
0x1a9: {  	[tilespmem:$0x650] =	vst v10;
	v8 =	vld [tilespmem:$0x160]  }
0x1aa: {  	[tilespmem:$0x640] =	vst v4;
	v4 =	vld [tilespmem:$0x150]  }
0x1ab: {  	[tilespmem:$0x630] =	vst v2;
	v2 =	vld [tilespmem:$0x140]  }
0x1ac: {  	[tilespmem:$0x620] =	vst v9;
	v9 =	vld [tilespmem:$0x130]  }
0x1ad: {  	v10 =	vld [tilespmem:$0x120];
	[tilespmem:$0x6C0] =	vst v3;
	v3 =	vshll.u32 v7, $0x1  }
0x1ae: {  	v7 =	vld [tilespmem:$0x110];
	[tilespmem:$0x6D0] =	vst v6;
	v6 =	vshll.u32 v8, $0x1;
	v3 =	vor.u32 v0, v3  }
0x1af: {  	v8 =	vld [tilespmem:$0x30];
	v4 =	vshll.u32 v4, $0x1;
	v6 =	vor.u32 v0, v6;
	[tilespmem:$0x4F0] =	vst v3  }
0x1b0: {  	v3 =	vld [tilespmem:$0x90];
	v2 =	vshll.u32 v2, $0x1;
	v4 =	vor.u32 v0, v4;
	[tilespmem:$0x4E0] =	vst v6  }
0x1b1: {  	v6 =	vld [tilespmem:$0x80];
	v9 =	vshll.u32 v9, $0x1;
	v2 =	vor.u32 v0, v2;
	[tilespmem:$0x4D0] =	vst v4  }
0x1b2: {  	v4 =	vshll.u32 v10, $0x1;
	v9 =	vor.u32 v0, v9;
	v10 =	vld [tilespmem:$0x1B0];
	[tilespmem:$0x4C0] =	vst v2  }
0x1b3: {  	v2 =	vshll.u32 v7, $0x1;
	v4 =	vor.u32 v0, v4;
	v7 =	vld [tilespmem:$0x1A0];
	[tilespmem:$0x4B0] =	vst v9  }
0x1b4: {  	v8 =	vshll.u32 v8, $0x1;
	v2 =	vor.u32 v0, v2;
	v9 =	vld [tilespmem:$0x190];
	[tilespmem:$0x6E0] =	vst v5  }
0x1b5: {  	v5 =	vor.u32 v0, v8;
	v8 =	vld [tilespmem:$0x180];
	[tilespmem:$0x4A0] =	vst v4  }
0x1b6: {  	[tilespmem:$0x610] =	vst v3  }
0x1b7: {  	[tilespmem:$0x430] =	vst v5  }
0x1b8: {  	[tilespmem:$0x6B0] =	vst v10;
	v3 =	vld [tilespmem:$0x1F0]  }
0x1b9: {  	[tilespmem:$0x6A0] =	vst v7  }
0x1ba: {  	[tilespmem:$0x690] =	vst v9  }
0x1bb: {  	[tilespmem:$0x490] =	vst v2  }
0x1bc: {  	[tilespmem:$0x680] =	vst v8  }
0x1bd: {  	[tilespmem:$0x6F0] =	vst v3  }
0x1be: {  	[tilespmem:$0x600] =	vst v6  }
0x1bf: {  	[tilespmem:s11], [sflag:$0x3] =	stream.indirect.gather [hbm4b:s1+s9], $0x20, s10, s9, $0xb8;
	[tilespmem:$0x1D800] =	vst v63  }
0x1c0: {  	_ = 	snop  }
0x1c1: {  	[tilespmem:s13], [sflag:$0x3] =	stream.indirect.gather [hbm4b:s1+s9], $0x20, s12, s9, $0xb8;
	[tilespmem:$0x1D800] =	vst v63  }
0x1c2: {  	_ =	swait.ge [sflag:s24], $0x1000  }
0x1c3: {  	[sflag:s24] =	ssyncset.done $0x0  }
0x1c4: {  	[sflag:s24] =	ssyncadd.s32 $0xFFFFF000  }
0x1c5: {  	_ =	swait.ge [sflag:s24], $0x1000  }
0x1c6: {  	[sflag:s24] =	ssyncset.done $0x0  }
0x1c7: {  	[sflag:s24] =	ssyncadd.s32 $0xFFFFF000  }
0x1c8: {  	[spmem:s3] =	stream.indirect.scatter.add.bf16 [tilespmem:s17], [sflag:$0x6], $0x20, s25, s9, $0xb8;
	[tilespmem:$0x1D800] =	vst v63  }
0x1c9: {  	_ = 	snop  }
0x1ca: {  	[spmem:s3] =	stream.indirect.scatter.add.bf16 [tilespmem:s19], [sflag:$0x6], $0x20, s26, s9, $0xb8;
	[tilespmem:$0x1D800] =	vst v63  }
0x1cb: {  	_ =	swait.ge [sflag:s28], $0x1000  }
0x1cc: {  	[sflag:s28] =	ssyncset.done $0x0  }
0x1cd: {  	[sflag:s28] =	ssyncadd.s32 $0xFFFFF000  }
0x1ce: {  	_ =	swait.ge [sflag:s28], $0x1000  }
0x1cf: {  	[sflag:s28] =	ssyncset.done $0x0  }
0x1d0: {  	[sflag:s28] =	ssyncadd.s32 $0xFFFFF000  }
0x1d1: {  	_ =	swait.ge [sflag:s15], $0x200  }
0x1d2: {  	[sflag:s15] =	ssyncset.done $0x0  }
0x1d3: {  	[sflag:s15] =	ssyncadd.s32 $0xFFFFFE00  }
0x1d4: {  	v2 =	vld [tilespmem:$0x350]  }
0x1d5: {  	v3 =	vld [tilespmem:$0x300]  }
0x1d6: {  	v4 =	vld [tilespmem:$0x270]  }
0x1d7: {  	v5 =	vld [tilespmem:$0x320]  }
0x1d8: {  	v6 =	vld [tilespmem:$0x260]  }
0x1d9: {  	v7 =	vld [tilespmem:$0x250]  }
0x1da: {  	v8 =	vld [tilespmem:$0x240]  }
0x1db: {  	v3 =	vshll.u32 v3, $0x1;
	v9 =	vld [tilespmem:$0x230]  }
0x1dc: {  	v4 =	vshll.u32 v4, $0x1;
	v3 =	vor.u32 v0, v3;
	v10 =	vld [tilespmem:$0x220];
	v5 =	vshll.u32 v5, $0x1  }
0x1dd: {  	v2 =	vshll.u32 v2, $0x1;
	v4 =	vor.u32 v0, v4;
	v11 =	vld [tilespmem:$0x210];
	v6 =	vshll.u32 v6, $0x1;
	[tilespmem:$0x580] =	vst v3  }
0x1de: {  	v2 =	vor.u32 v0, v2;
	v3 =	vshll.u32 v7, $0x1;
	[tilespmem:$0x570] =	vst v4;
	v4 =	vor.u32 v0, v5;
	v5 =	vld [tilespmem:$0x360]  }
0x1df: {  	v6 =	vor.u32 v0, v6;
	v7 =	vld [tilespmem:$0x2A0];
	v8 =	vshll.u32 v8, $0x1;
	[tilespmem:$0x5A0] =	vst v4  }
0x1e0: {  	v3 =	vor.u32 v0, v3;
	v4 =	vld [tilespmem:$0x290];
	v9 =	vshll.u32 v9, $0x1;
	v8 =	vor.u32 v0, v8;
	[tilespmem:$0x5D0] =	vst v2  }
0x1e1: {  	v2 =	vld [tilespmem:$0x280];
	v10 =	vshll.u32 v10, $0x1;
	v9 =	vor.u32 v0, v9;
	[tilespmem:$0x560] =	vst v6  }
0x1e2: {  	v6 =	vshll.u32 v11, $0x1;
	v10 =	vor.u32 v0, v10;
	[tilespmem:$0x550] =	vst v3;
	v3 =	vld [tilespmem:$0x3C0]  }
0x1e3: {  	v6 =	vor.u32 v0, v6;
	[tilespmem:$0x540] =	vst v8;
	v8 =	vld [tilespmem:$0x3B0];
	v5 =	vshll.u32 v5, $0x1  }
0x1e4: {  	[tilespmem:$0x520] =	vst v10;
	v10 =	vld [tilespmem:$0x3A0];
	v5 =	vor.u32 v0, v5  }
0x1e5: {  	[tilespmem:$0x720] =	vst v7;
	v7 =	vld [tilespmem:$0x370]  }
0x1e6: {  	[tilespmem:$0x510] =	vst v6;
	v6 =	vld [tilespmem:$0x3E0]  }
0x1e7: {  	[tilespmem:$0x710] =	vst v4;
	v4 =	vld [tilespmem:$0x3D0]  }
0x1e8: {  	[tilespmem:$0x7C0] =	vst v3  }
0x1e9: {  	[tilespmem:$0x530] =	vst v9;
	v3 =	vld [tilespmem:$0x3F0]  }
0x1ea: {  	v9 =	vld [tilespmem:$0x390];
	[tilespmem:$0x7B0] =	vst v8;
	v7 =	vshll.u32 v7, $0x1  }
0x1eb: {  	v8 =	vld [tilespmem:$0x380];
	[tilespmem:$0x5E0] =	vst v5;
	v5 =	vor.u32 v0, v7  }
0x1ec: {  	v7 =	vld [tilespmem:$0x2D0];
	[tilespmem:$0x7E0] =	vst v6  }
0x1ed: {  	v6 =	vld [tilespmem:$0x2C0];
	[tilespmem:$0x5F0] =	vst v5  }
0x1ee: {  	v5 =	vld [tilespmem:$0x2E0];
	[tilespmem:$0x7A0] =	vst v10  }
0x1ef: {  	[tilespmem:$0x700] =	vst v2;
	v2 =	vld [tilespmem:$0x2B0]  }
0x1f0: {  	v10 =	vld [tilespmem:$0x330];
	[tilespmem:$0x7F0] =	vst v3  }
0x1f1: {  	v3 =	vld [tilespmem:$0x200];
	[tilespmem:$0x790] =	vst v9  }
0x1f2: {  	v9 =	vld [tilespmem:$0x2F0];
	[tilespmem:$0x780] =	vst v8  }
0x1f3: {  	[tilespmem:$0x750] =	vst v7;
	v7 =	vld [tilespmem:$0x310]  }
0x1f4: {  	[tilespmem:$0x740] =	vst v6;
	v6 =	vld [tilespmem:$0x340]  }
0x1f5: {  	[tilespmem:$0x760] =	vst v5;
	v5 =	vshll.u32 v10, $0x1  }
0x1f6: {  	v3 =	vshll.u32 v3, $0x1;
	[tilespmem:$0x730] =	vst v2;
	v2 =	vor.u32 v0, v5  }
0x1f7: {  	v3 =	vor.u32 v0, v3;
	[tilespmem:$0x5B0] =	vst v2  }
0x1f8: {  	[tilespmem:$0x770] =	vst v9;
	v2 =	vshll.u32 v7, $0x1  }
0x1f9: {  	[tilespmem:$0x500] =	vst v3;
	v2 =	vor.u32 v0, v2;
	v3 =	vshll.u32 v6, $0x1  }
0x1fa: {  	[tilespmem:$0x590] =	vst v2;
	v2 =	vor.u32 v0, v3  }
0x1fb: {  	[tilespmem:$0x5C0] =	vst v2  }
0x1fc: {  	[tilespmem:$0x7D0] =	vst v4  }
0x1fd: {  	[tilespmem:s17], [sflag:$0x4] =	stream.indirect.gather [hbm4b:s1+s9], $0x20, s16, s9, $0xb8;
	[tilespmem:$0x1D800] =	vst v63  }
0x1fe: {  	s0 =	sadd.s32 s31, s5  }
0x1ff: {  	[tilespmem:s19], [sflag:$0x4] =	stream.indirect.gather [hbm4b:s1+s9], $0x20, s18, s9, $0xb8;
	[tilespmem:$0x1D800] =	vst v63  }
0x200: {  	s31 =	sadd.s32 $0x1F40, s0  }
0x201: {  	[tilespmem:s14], [sflag:$0x2] =	stream.linear.gather [hbm4b:s31+s4], $0x200, $0x38;
	[tilespmem:$0x1D800] =	vst v63  }
0x202: {  	s0 =	sadd.s32 $0x1F00, s0  }
0x203: {  	[tilespmem:s4], [sflag:$0x1] =	stream.linear.gather [hbm4b:s0+s4], $0x200, $0x38;
	[tilespmem:$0x1D800] =	vst v63  }
0x204: {  	_ =	swait.ge [sflag:s20], $0x1000  }
0x205: {  	[sflag:s20] =	ssyncset.done $0x0  }
0x206: {  	[sflag:s20] =	ssyncadd.s32 $0xFFFFF000  }
0x207: {  	_ =	swait.ge [sflag:s20], $0x1000  }
0x208: {  	[sflag:s20] =	ssyncset.done $0x0  }
0x209: {  	[sflag:s20] =	ssyncadd.s32 $0xFFFFF000  }
0x20a: {  	[spmem:s3] =	stream.indirect.scatter.add.bf16 [tilespmem:s11], [sflag:$0x5], $0x20, s21, s9, $0xb8;
	[tilespmem:$0x1D800] =	vst v63  }
0x20b: {  	_ = 	snop  }
0x20c: {  	[spmem:s3] =	stream.indirect.scatter.add.bf16 [tilespmem:s13], [sflag:$0x5], $0x20, s22, s9, $0xb8;
	[tilespmem:$0x1D800] =	vst v63  }
0x20d: {  	_ =	swait.ge [sflag:s23], $0x1000  }
0x20e: {  	[sflag:s23] =	ssyncset.done $0x0  }
0x20f: {  	[sflag:s23] =	ssyncadd.s32 $0xFFFFF000  }
0x210: {  	_ =	swait.ge [sflag:s23], $0x1000  }
0x211: {  	[sflag:s23] =	ssyncset.done $0x0  }
0x212: {  	[sflag:s23] =	ssyncadd.s32 $0xFFFFF000  }
0x213: {  	_ =	swait.ge [sflag:s8], $0x200  }
0x214: {  	[sflag:s8] =	ssyncset.done $0x0  }
.Ltmp1:
0x215: {  	[sflag:s8] =	ssyncadd.s32 $0xFFFFFE00;
	(pc) =	sbr.rel @p0 .LBB2_4-.Ltmp1, $4  }
0x216: {  	v2 =	vld [tilespmem:$0x70]  }
0x217: {  	v5 =	vld [tilespmem:$0x10]  }
0x218: {  	v4 =	vld [tilespmem:$0x20]  }
0x219: {  	v3 =	vld [tilespmem:$0x100]  }
0x21a: {  	v6 =	vld [tilespmem:$0x40]  }
0x21b: {  	v17 =	vld [tilespmem:$0xF0];
	v2 =	vshll.u32 v2, $0x1  }
0x21c: {  	v19 =	vld [tilespmem:$0xE0];
	v5 =	vshll.u32 v5, $0x1;
	v2 =	vor.u32 v0, v2  }
0x21d: {  	v21 =	vld [tilespmem:$0xD0];
	v5 =	vor.u32 v0, v5;
	v4 =	vshll.u32 v4, $0x1;
	[tilespmem:$0x470] =	vst v2  }
0x21e: {  	v23 =	vld [tilespmem:$0xC0];
	[tilespmem:$0x410] =	vst v5;
	v4 =	vor.u32 v0, v4  }
0x21f: {  	v24 =	vld [tilespmem:$0xA0];
	[tilespmem:$0x420] =	vst v4  }
0x220: {  	v13 =	vld [tilespmem:$0x1D0];
	[tilespmem:$0x670] =	vst v17  }
0x221: {  	v31 =	vld [tilespmem:$0x1E0];
	[tilespmem:$0x660] =	vst v19  }
0x222: {  	v32 =	vld [tilespmem:$0x90];
	[tilespmem:$0x650] =	vst v21  }
0x223: {  	v34 =	vld [tilespmem:$0x1B0];
	[tilespmem:$0x640] =	vst v23  }
0x224: {  	v25 =	vld [tilespmem:$0x170];
	[tilespmem:$0x620] =	vst v24  }
0x225: {  	v35 =	vld [tilespmem:$0x1A0];
	[tilespmem:$0x6D0] =	vst v13  }
0x226: {  	v36 =	vld [tilespmem:$0x190];
	[tilespmem:$0x6E0] =	vst v31  }
0x227: {  	v37 =	vld [tilespmem:$0x80];
	v3 =	vshll.u32 v3, $0x1;
	[tilespmem:$0x610] =	vst v32  }
0x228: {  	v2 =	vld [tilespmem:$0xB0];
	v3 =	vor.u32 v0, v3;
	[tilespmem:$0x6B0] =	vst v34  }
0x229: {  	[tilespmem:$0x480] =	vst v3;
	v3 =	vld [tilespmem:$0x1C0]  }
0x22a: {  	v7 =	vld [tilespmem:$0x50];
	[tilespmem:$0x6A0] =	vst v35  }
0x22b: {  	v8 =	vld [tilespmem:$0x60];
	[tilespmem:$0x690] =	vst v36  }
0x22c: {  	v9 =	vld [tilespmem:$0x0];
	[tilespmem:$0x600] =	vst v37  }
0x22d: {  	v12 =	vshll.u32 v6, $0x1;
	[tilespmem:$0x630] =	vst v2;
	v2 =	vld [tilespmem:$0x140]  }
0x22e: {  	v26 =	vld [tilespmem:$0x160];
	v4 =	vor.u32 v0, v12;
	[tilespmem:$0x6C0] =	vst v3;
	v3 =	vshll.u32 v25, $0x1  }
0x22f: {  	v29 =	vld [tilespmem:$0x120];
	v14 =	vshll.u32 v7, $0x1;
	[tilespmem:$0x440] =	vst v4;
	v3 =	vor.u32 v0, v3  }
0x230: {  	v16 =	vshll.u32 v8, $0x1;
	v15 =	vor.u32 v0, v14;
	[tilespmem:$0x4F0] =	vst v3;
	v3 =	vld [tilespmem:$0x30]  }
0x231: {  	v27 =	vld [tilespmem:$0x150];
	v20 =	vshll.u32 v9, $0x1;
	v18 =	vor.u32 v0, v16;
	[tilespmem:$0x450] =	vst v15  }
0x232: {  	v33 =	vld [tilespmem:$0x110];
	v22 =	vor.u32 v0, v20;
	[tilespmem:$0x460] =	vst v18;
	v2 =	vshll.u32 v2, $0x1  }
0x233: {  	v28 =	vld [tilespmem:$0x130];
	v30 =	vshll.u32 v26, $0x1;
	[tilespmem:$0x400] =	vst v22;
	v2 =	vor.u32 v0, v2  }
0x234: {  	v5 =	vor.u32 v0, v30;
	[tilespmem:$0x4C0] =	vst v2;
	v2 =	vshll.u32 v29, $0x1  }
0x235: {  	[tilespmem:$0x4E0] =	vst v5;
	v2 =	vor.u32 v0, v2;
	v3 =	vshll.u32 v3, $0x1  }
0x236: {  	v8 =	vshll.u32 v27, $0x1;
	[tilespmem:$0x4A0] =	vst v2;
	v2 =	vor.u32 v0, v3;
	v3 =	vld [tilespmem:$0x180]  }
0x237: {  	v38 =	vshll.u32 v33, $0x1;
	v8 =	vor.u32 v0, v8;
	[tilespmem:$0x430] =	vst v2;
	v2 =	vld [tilespmem:$0x1F0]  }
0x238: {  	v39 =	vor.u32 v0, v38;
	v4 =	vshll.u32 v28, $0x1;
	[tilespmem:$0x4D0] =	vst v8  }
0x239: {  	[tilespmem:$0x490] =	vst v39;
	v4 =	vor.u32 v0, v4  }
0x23a: {  	[tilespmem:$0x4B0] =	vst v4  }
0x23b: {  	[tilespmem:$0x680] =	vst v3  }
0x23c: {  	[tilespmem:$0x6F0] =	vst v2  }
0x23d: {  	[tilespmem:s11], [sflag:$0x3] =	stream.indirect.gather [hbm4b:s1+s9], $0x20, s10, s9, $0xb8;
	[tilespmem:$0x1D800] =	vst v63  }
0x23e: {  	_ = 	snop  }
0x23f: {  	[tilespmem:s13], [sflag:$0x3] =	stream.indirect.gather [hbm4b:s1+s9], $0x20, s12, s9, $0xb8;
	[tilespmem:$0x1D800] =	vst v63  }
0x240: {  	_ =	swait.ge [sflag:s24], $0x1000  }
0x241: {  	[sflag:s24] =	ssyncset.done $0x0  }
0x242: {  	[sflag:s24] =	ssyncadd.s32 $0xFFFFF000  }
0x243: {  	_ =	swait.ge [sflag:s24], $0x1000  }
0x244: {  	[sflag:s24] =	ssyncset.done $0x0  }
0x245: {  	[sflag:s24] =	ssyncadd.s32 $0xFFFFF000  }
0x246: {  	[spmem:s3] =	stream.indirect.scatter.add.bf16 [tilespmem:s17], [sflag:$0x6], $0x20, s25, s9, $0xb8;
	[tilespmem:$0x1D800] =	vst v63  }
0x247: {  	_ = 	snop  }
0x248: {  	[spmem:s3] =	stream.indirect.scatter.add.bf16 [tilespmem:s19], [sflag:$0x6], $0x20, s26, s9, $0xb8;
	[tilespmem:$0x1D800] =	vst v63  }
0x249: {  	_ =	swait.ge [sflag:s28], $0x1000  }
0x24a: {  	[sflag:s28] =	ssyncset.done $0x0  }
0x24b: {  	[sflag:s28] =	ssyncadd.s32 $0xFFFFF000  }
0x24c: {  	_ =	swait.ge [sflag:s28], $0x1000  }
0x24d: {  	[sflag:s28] =	ssyncset.done $0x0  }
0x24e: {  	[sflag:s28] =	ssyncadd.s32 $0xFFFFF000  }
0x24f: {  	_ =	swait.ge [sflag:s15], $0x200  }
0x250: {  	[sflag:s15] =	ssyncset.done $0x0  }
0x251: {  	[sflag:s15] =	ssyncadd.s32 $0xFFFFFE00  }
0x252: {  	v2 =	vld [tilespmem:$0x200];
	_ =	sdelay $0x1  }
0x253: {  	v3 =	vld [tilespmem:$0x210]  }
0x254: {  	v40 =	vld [tilespmem:$0x280]  }
0x255: {  	v41 =	vld [tilespmem:$0x220]  }
0x256: {  	v42 =	vld [tilespmem:$0x290];
	v2 =	vshll.u32 v2, $0x1  }
0x257: {  	v43 =	vld [tilespmem:$0x230];
	v2 =	vor.u32 v0, v2  }
0x258: {  	[tilespmem:$0x500] =	vst v2;
	v2 =	vshll.u32 v3, $0x1;
	v3 =	vld [tilespmem:$0x2A0]  }
0x259: {  	v44 =	vld [tilespmem:$0x240];
	[tilespmem:$0x700] =	vst v40;
	v2 =	vor.u32 v0, v2  }
0x25a: {  	v45 =	vld [tilespmem:$0x2B0];
	[tilespmem:$0x510] =	vst v2;
	v2 =	vshll.u32 v41, $0x1  }
0x25b: {  	v46 =	vld [tilespmem:$0x250];
	[tilespmem:$0x710] =	vst v42;
	v2 =	vor.u32 v0, v2  }
0x25c: {  	v47 =	vld [tilespmem:$0x2C0];
	[tilespmem:$0x520] =	vst v2;
	v2 =	vshll.u32 v43, $0x1  }
0x25d: {  	[tilespmem:$0x720] =	vst v3;
	v2 =	vor.u32 v0, v2;
	v3 =	vld [tilespmem:$0x260]  }
0x25e: {  	v48 =	vld [tilespmem:$0x2D0];
	[tilespmem:$0x530] =	vst v2;
	v2 =	vshll.u32 v44, $0x1  }
0x25f: {  	v49 =	vld [tilespmem:$0x270];
	[tilespmem:$0x730] =	vst v45;
	v2 =	vor.u32 v0, v2  }
0x260: {  	v50 =	vld [tilespmem:$0x2E0];
	[tilespmem:$0x540] =	vst v2;
	v2 =	vshll.u32 v46, $0x1  }
0x261: {  	v51 =	vld [tilespmem:$0x300];
	[tilespmem:$0x740] =	vst v47;
	v2 =	vor.u32 v0, v2  }
0x262: {  	[tilespmem:$0x550] =	vst v2;
	v2 =	vshll.u32 v3, $0x1;
	v3 =	vld [tilespmem:$0x2F0]  }
0x263: {  	v52 =	vld [tilespmem:$0x310];
	[tilespmem:$0x750] =	vst v48;
	v2 =	vor.u32 v0, v2  }
0x264: {  	v53 =	vld [tilespmem:$0x380];
	[tilespmem:$0x560] =	vst v2;
	v2 =	vshll.u32 v49, $0x1  }
0x265: {  	v54 =	vld [tilespmem:$0x320];
	[tilespmem:$0x760] =	vst v50;
	v2 =	vor.u32 v0, v2  }
0x266: {  	v55 =	vld [tilespmem:$0x390];
	[tilespmem:$0x570] =	vst v2;
	v2 =	vshll.u32 v51, $0x1  }
0x267: {  	[tilespmem:$0x770] =	vst v3;
	v2 =	vor.u32 v0, v2;
	v3 =	vld [tilespmem:$0x330]  }
0x268: {  	v56 =	vld [tilespmem:$0x3A0];
	[tilespmem:$0x580] =	vst v2;
	v2 =	vshll.u32 v52, $0x1  }
0x269: {  	v57 =	vld [tilespmem:$0x340];
	[tilespmem:$0x780] =	vst v53;
	v2 =	vor.u32 v0, v2  }
0x26a: {  	v58 =	vld [tilespmem:$0x3B0];
	[tilespmem:$0x590] =	vst v2;
	v2 =	vshll.u32 v54, $0x1  }
0x26b: {  	v59 =	vld [tilespmem:$0x350];
	[tilespmem:$0x790] =	vst v55;
	v2 =	vor.u32 v0, v2  }
0x26c: {  	[tilespmem:$0x5A0] =	vst v2;
	v2 =	vshll.u32 v3, $0x1;
	v3 =	vld [tilespmem:$0x3C0]  }
0x26d: {  	v60 =	vld [tilespmem:$0x360];
	[tilespmem:$0x7A0] =	vst v56;
	v2 =	vor.u32 v0, v2  }
0x26e: {  	v61 =	vld [tilespmem:$0x3D0];
	[tilespmem:$0x5B0] =	vst v2;
	v2 =	vshll.u32 v57, $0x1  }
0x26f: {  	v62 =	vld [tilespmem:$0x370];
	[tilespmem:$0x7B0] =	vst v58;
	v2 =	vor.u32 v0, v2  }
0x270: {  	v63 =	vld [tilespmem:$0x3E0];
	[tilespmem:$0x5C0] =	vst v2;
	v2 =	vshll.u32 v59, $0x1  }
0x271: {  	[tilespmem:$0x7C0] =	vst v3;
	v2 =	vor.u32 v0, v2  }
0x272: {  	v3 =	vld [tilespmem:$0x3F0];
	[tilespmem:$0x5D0] =	vst v2;
	v2 =	vshll.u32 v60, $0x1  }
0x273: {  	[tilespmem:$0x7D0] =	vst v61;
	v2 =	vor.u32 v0, v2  }
0x274: {  	[tilespmem:$0x5E0] =	vst v2;
	v2 =	vshll.u32 v62, $0x1  }
0x275: {  	[tilespmem:$0x7E0] =	vst v63;
	v2 =	vor.u32 v0, v2  }
0x276: {  	[tilespmem:$0x5F0] =	vst v2  }
0x277: {  	[tilespmem:$0x7F0] =	vst v3  }
0x278: {  	[tilespmem:s17], [sflag:$0x4] =	stream.indirect.gather [hbm4b:s1+s9], $0x20, s16, s9, $0xb8;
	[tilespmem:$0x1D800] =	vst v63  }
0x279: {  	_ = 	snop  }
0x27a: {  	[tilespmem:s19], [sflag:$0x4] =	stream.indirect.gather [hbm4b:s1+s9], $0x20, s18, s9, $0xb8;
	[tilespmem:$0x1D800] =	vst v63  }
0x27b: {  	_ =	swait.ge [sflag:s20], $0x1000  }
0x27c: {  	[sflag:s20] =	ssyncset.done $0x0  }
0x27d: {  	[sflag:s20] =	ssyncadd.s32 $0xFFFFF000  }
0x27e: {  	_ =	swait.ge [sflag:s20], $0x1000  }
0x27f: {  	[sflag:s20] =	ssyncset.done $0x0  }
0x280: {  	[sflag:s20] =	ssyncadd.s32 $0xFFFFF000  }
0x281: {  	[spmem:s3] =	stream.indirect.scatter.add.bf16 [tilespmem:s11], [sflag:$0x5], $0x20, s21, s9, $0xb8;
	[tilespmem:$0x1D800] =	vst v63  }
0x282: {  	_ = 	snop  }
0x283: {  	[spmem:s3] =	stream.indirect.scatter.add.bf16 [tilespmem:s13], [sflag:$0x5], $0x20, s22, s9, $0xb8;
	[tilespmem:$0x1D800] =	vst v63  }
0x284: {  	_ =	swait.ge [sflag:s23], $0x1000  }
0x285: {  	[sflag:s23] =	ssyncset.done $0x0  }
0x286: {  	[sflag:s23] =	ssyncadd.s32 $0xFFFFF000  }
0x287: {  	_ =	swait.ge [sflag:s23], $0x1000  }
0x288: {  	[sflag:s23] =	ssyncset.done $0x0  }
0x289: {  	[sflag:s23] =	ssyncadd.s32 $0xFFFFF000  }
0x28a: {  	_ =	swait.ge [sflag:s24], $0x1000  }
0x28b: {  	[sflag:s24] =	ssyncset.done $0x0  }
0x28c: {  	[sflag:s24] =	ssyncadd.s32 $0xFFFFF000  }
0x28d: {  	_ =	swait.ge [sflag:s24], $0x1000  }
0x28e: {  	[sflag:s24] =	ssyncset.done $0x0  }
0x28f: {  	[sflag:s24] =	ssyncadd.s32 $0xFFFFF000  }
0x290: {  	[spmem:s3] =	stream.indirect.scatter.add.bf16 [tilespmem:s17], [sflag:$0x6], $0x20, s25, s9, $0xb8;
	[tilespmem:$0x1D800] =	vst v63  }
0x291: {  	_ = 	snop  }
0x292: {  	[spmem:s3] =	stream.indirect.scatter.add.bf16 [tilespmem:s19], [sflag:$0x6], $0x20, s26, s9, $0xb8;
	[tilespmem:$0x1D800] =	vst v63  }
0x293: {  	_ =	swait.ge [sflag:s28], $0x1000  }
0x294: {  	[sflag:s28] =	ssyncset.done $0x0  }
0x295: {  	[sflag:s28] =	ssyncadd.s32 $0xFFFFF000  }
0x296: {  	_ =	swait.ge [sflag:s28], $0x1000  }
0x297: {  	[sflag:s28] =	ssyncset.done $0x0  }
0x298: {  	[sflag:s28] =	ssyncadd.s32 $0xFFFFF000  }
0x299: {  	[bflag:$0x0] =	sbarrier.arrive $0xFFFF  }
0x29a: {  	s0 =	stileid.u32;
	s6 =	sld [smem:$0x7FB]  }
0x29b: {  	s0 =	sshll.u32 s0, $0x6  }
0x29c: {  	s0 =	sor.u32 $0x1C07, s0  }
0x29d: {  	s31 =	rddreg [dreg:$0x15];
	s30 =	sshrl.u32 s6, $0x3;
	s6 =	simm.s32 $0x8  }
0x29e: {  	[hbm:s31@s6], [sflag:s0] =	dma.strided [spmem:s30@s24], $0x3100, s8, $0x4   }
0x29f: {  	_ =	swait.ge [sflag:s7], $0x3100  }
0x2a0: {  	s29 =	sadd.s32 $0x1, s29;
	s31 =	rddreg [dreg:$0x16]  }
0x2a1: {  	p0 =	sne.s32 s29, s31  }
.Ltmp2:
0x2a2: {  	_ = 	snop;
	(pc) =	sbr.rel @p0 .LBB2_1-.Ltmp2, $3  }
0x2a3: {  	[sflag:s7] =	ssyncset.done $0x0  }
0x2a4: {  	[sflag:s7] =	ssyncadd.s32 $0xFFFFCF00  }
0x2a5: {  	[bflag:$0x0] =	sbarrier.arrive $0xFFFF;
	_ =	sdelay $0x1  }
0x2a6: {  	_ =	sfence.sel $0x180000  }
0x2a7: {  	[bflag:$0x0] =	sbarrier.arrive $0xFFFF  }
0x2a8: {  	_ =	strace $0x90000047  }
0x2a9: {  	s0 =	stileid.u32;
	[bflag:$0x2] =	sbarrier.arrive $0xFFFF  }
0x2aa: {  	p0 =	sne.s32 s0, $0x0;
	s0 =	rddreg [dreg:$0x4]  }
0x2ab: {  	s0 =	sadd.s32 @!p0 $0x100000, s0  }
0x2ac: {  	[sflag:s0] =	ssyncadd.tile.s32 @!p0 $0x1;
	_ =	shalt  }
.Lfunc_end2:
_tile_overlayer_lowered:
.L_overlay_start_2:
0x2ad: {  	(tag) =	ssettag $0x2  }
0x2ae: {  	s0 =	rddreg [dreg:$0x0];
	s2 =	stileid.u32  }
0x2af: {  	s1 =	rddreg [dreg:$0x1];
	p0 =	sne.s32 s2, $0x0  }
0x2b0: {  	s3 =	rddreg [dreg:$0x2];
	[bflag:$0x3] =	sbarrier.arrive $0xFFFF;
	s2 =	simm.s32 @!p0 $0x1C07  }
0x2b1: {  	[timem:s3], [sflag:s2] =	dma.local @!p0 [hbm:s0], s1  }
0x2b2: {  	s0 =	simm.s32 @!p0 $0x7  }
0x2b3: {  	_ =	swait.ge @!p0 [sflag:s0], s1  }
0x2b4: {  	s1 =	ssub.s32 @!p0 $0x0, s1;
	[sflag:s0] =	ssyncset.done @!p0 $0x0  }
0x2b5: {  	[sflag:s0] =	ssyncadd.s32 @!p0 s1  }
0x2b6: {  	[bflag:$0x3] =	sbarrier.arrive $0xFFFF  }
0x2b7: {  	_ =	shalt  }

</sc_bundles>
